<compile_context>
chip_gen: v7x
topology: tpu7x:2x2x1
jax: 0.10.2.dev20260603
libtpu: 0.0.44.dev20260713+nightly
codegen_flags: <defaults>
</compile_context>

<pallas_src>
import functools

import jax
import jax.numpy as jnp
from jax import lax
from jax.experimental import pallas as pl
from jax.experimental.pallas import tpu as pltpu
from jax.experimental.pallas import tpu_sc as plsc

_NC = 2
_NS = 16
_NW = _NC * _NS
_L = 16

_ROW = 128
_CE = 2048
_RPC = _CE // _ROW


def _softplus_neg_abs(x):
    u = jnp.exp(-jnp.abs(x))
    t = u / (u + 2.0)
    t2 = t * t
    p = 1.0 + t2 * (1.0 / 3.0 + t2 * (0.2 + t2 * (1.0 / 7.0 + t2 * (1.0 / 9.0))))
    return 2.0 * t * p


def _bce_pair(a, b):
    pa = a > 0.0
    pb = b > 0.0
    na = a < 0.0
    nb = b < 0.0
    m = jnp.where((pa != pb) | (na != nb), 1.0, 0.0)
    t0 = jnp.where(pb, 1.0, 0.0)
    t1 = jnp.where(pa, 1.0, 0.0)
    bce = (jnp.maximum(a, 0.0) - a * t0 + _softplus_neg_abs(a)
           + jnp.maximum(b, 0.0) - b * t1 + _softplus_neg_abs(b))
    return bce, m


def _acc_pairs(val, n_edges, carry):
    def pair(i, c):
        al, ac = c
        off = i * _L
        a = val[pl.ds(off, _L)]
        b = val[pl.ds(_CE + off, _L)]
        bce, m = _bce_pair(a, b)
        return (al + bce * m, ac + m)

    return lax.fori_loop(0, n_edges // _L, pair, carry)


def _sc_body(n_edges, sdf_hbm, edges_hbm, out_hbm,
             idx0, idx1, val0, val1, out_v, sem0, sem1):
    wid = lax.axis_index("s") * _NC + lax.axis_index("c")
    total_chunks = n_edges // _CE
    tail_edges = n_edges % _CE
    total_pairs = total_chunks // 2
    odd_chunk = total_chunks % 2
    base_p = total_pairs // _NW
    rem_p = total_pairs % _NW
    my_pairs = base_p + jnp.where(wid < rem_p, 1, 0)
    chunk0 = 2 * (wid * base_p + jnp.minimum(wid, rem_p))

    def issue(cidx, idx_ref, val_ref, sem, n_rows=_RPC):
        pltpu.sync_copy(edges_hbm.at[:, pl.ds(cidx * _CE, n_rows * _ROW)],
                        idx_ref.at[:, pl.ds(0, n_rows * _ROW)])
        for half in (0, 1):
            for r in range(n_rows):
                pltpu.async_copy(
                    sdf_hbm.at[idx_ref.at[half, pl.ds(r * _ROW, _ROW)]],
                    val_ref.at[pl.ds(half * _CE + r * _ROW, _ROW)], sem)

    def drain(idx_ref, val_ref, sem, n_rows=_RPC):
        for half in (0, 1):
            for r in range(n_rows):
                pltpu.make_async_copy(
                    sdf_hbm.at[idx_ref.at[half, pl.ds(r * _ROW, _ROW)]],
                    val_ref.at[pl.ds(half * _CE + r * _ROW, _ROW)],
                    sem).wait()

    @pl.when(my_pairs > 0)
    def _():
        issue(chunk0, idx0, val0, sem0)

    def pair(p, acc):
        issue(chunk0 + 2 * p + 1, idx1, val1, sem1)
        drain(idx0, val0, sem0)
        acc = _acc_pairs(val0, _CE, acc)

        @pl.when(p + 1 < my_pairs)
        def _():
            issue(chunk0 + 2 * p + 2, idx0, val0, sem0)

        drain(idx1, val1, sem1)
        return _acc_pairs(val1, _CE, acc)

    zeros = jnp.zeros((_L,), jnp.float32)
    acc = lax.fori_loop(0, my_pairs, pair, (zeros, zeros))

    if odd_chunk:
        def odd(_, carry):
            issue(total_chunks - 1, idx0, val0, sem0)
            drain(idx0, val0, sem0)
            return _acc_pairs(val0, _CE, carry)
        acc = lax.fori_loop(0, jnp.where(wid == _NW - 1, 1, 0), odd, acc)

    if tail_edges:
        tail_rows = tail_edges // _ROW

        def tail(_, carry):
            e0 = total_chunks * _CE
            pltpu.sync_copy(edges_hbm.at[:, pl.ds(e0, tail_edges)],
                            idx0.at[:, pl.ds(0, tail_edges)])
            for half in (0, 1):
                for r in range(tail_rows):
                    pltpu.async_copy(
                        sdf_hbm.at[idx0.at[half, pl.ds(r * _ROW, _ROW)]],
                        val0.at[pl.ds(half * _CE + r * _ROW, _ROW)], sem0)
            drain(idx0, val0, sem0, n_rows=tail_rows)
            return _acc_pairs(val0, tail_edges, carry)

        acc = lax.fori_loop(0, jnp.where(wid == 0, 1, 0), tail, acc)

    acc_l, acc_c = acc
    out_v[0, :] = acc_l
    out_v[1, :] = acc_c
    pltpu.sync_copy(out_v, out_hbm.at[wid])


def kernel(sdf, all_edges):
    e = all_edges.shape[0]
    assert e % _ROW == 0 and all_edges.shape[1] == 2
    edges = all_edges.T

    mesh = plsc.VectorSubcoreMesh(core_axis_name="c", subcore_axis_name="s")
    run = pl.kernel(
        functools.partial(_sc_body, e),
        out_type=jax.ShapeDtypeStruct((_NW, 2, _L), jnp.float32),
        mesh=mesh,
        scratch_types=[
            pltpu.VMEM((2, _CE), jnp.int32),
            pltpu.VMEM((2, _CE), jnp.int32),
            pltpu.VMEM((2 * _CE,), jnp.float32),
            pltpu.VMEM((2 * _CE,), jnp.float32),
            pltpu.VMEM((2, _L), jnp.float32),
            pltpu.SemaphoreType.DMA,
            pltpu.SemaphoreType.DMA,
        ],
        compiler_params=pltpu.CompilerParams(needs_layout_passes=False),
    )
    parts = run(sdf, edges)
    loss = jnp.sum(parts[:, 0, :])
    cnt = jnp.sum(parts[:, 1, :])
    return loss / jnp.maximum(cnt, 1.0)

# --- scband reference (transcript-rebuilt; emitter-appended) ---
"""Pipeline reference for scband-flexi-cubes-geometry-44229573214720 (READ-ONLY COPY).

The authoritative reference and input builder live on the scoring server;
editing this copy changes nothing except your own understanding.
"""

import jax, jax.numpy as jnp
import numpy as np

N_VERTS = 129 ** 3  # 2,146,689
N_EDGES = 3 * 128 * 129 * 129  # 6,390,144


def _bce_with_logits(x, y):
    # numerically stable binary_cross_entropy_with_logits (mean taken by caller)
    return jnp.maximum(x, 0.0) - x * y + jnp.log1p(jnp.exp(-jnp.abs(x)))


def setup_inputs(seed: int = 0) -> dict:
    key = jax.random.key(seed)
    k1, k2 = jax.random.split(key)
    sdf = jax.random.normal(k1, (N_VERTS,), dtype=jnp.float32)
    # undirected grid edges as (src, dst) vertex index pairs
    all_edges = jax.random.randint(k2, (N_EDGES, 2), 0, N_VERTS, dtype=jnp.int32)
    return {"sdf": sdf, "all_edges": all_edges}


def reference(sdf, all_edges):
    # sdf_f1x6x2 = sdf[all_edges.reshape(-1)].reshape(-1, 2)
    pairs = jnp.take(sdf, all_edges.reshape(-1), axis=0).reshape(-1, 2)
    a = pairs[:, 0]
    b = pairs[:, 1]
    # mask = sign(a) != sign(b); selecting masked rows then taking the mean of
    # BCE is mathematically identical to a mask-weighted mean (jit/vjp friendly).
    mask = jax.lax.stop_gradient((jnp.sign(a) != jnp.sign(b)).astype(jnp.float32))
    t0 = jax.lax.stop_gradient((b > 0).astype(jnp.float32))
    t1 = jax.lax.stop_gradient((a > 0).astype(jnp.float32))
    bce = _bce_with_logits(a, t0) + _bce_with_logits(b, t1)
    denom = jnp.maximum(jnp.sum(mask), 1.0)
    sdf_diff = jnp.sum(bce * mask) / denom
    return sdf_diff


if False:  # reference __main__ guard neutralized (emitter)
    out = reference(**setup_inputs())
    print(out)

if __name__ == "__main__":
    import jax
    _d = setup_inputs()
    print(jax.jit(kernel)(*tuple(_d.values())))

</pallas_src>

<mosaic_0001>
#map = affine_map<(d0, d1) -> (0)>
#map1 = affine_map<(d0, d1) -> (0, 0)>
#map2 = affine_map<(d0, d1) -> (0, 0, 0)>
module attributes {stable_mosaic.version = 14 : i64} {
  func.func @_sc_body(%arg0: i32, %arg1: i32, %arg2: memref<2146689xf32, #tpu.memory_space<hbm>>, %arg3: memref<2x6390144xi32, #tpu.memory_space<hbm>>, %arg4: memref<32x2x16xf32, #tpu.memory_space<hbm>>, %arg5: memref<2x2048xi32, #tpu.memory_space<vmem>>, %arg6: memref<2x2048xi32, #tpu.memory_space<vmem>>, %arg7: memref<4096xf32, #tpu.memory_space<vmem>>, %arg8: memref<4096xf32, #tpu.memory_space<vmem>>, %arg9: memref<2x16xf32, #tpu.memory_space<vmem>>, %arg10: memref<!tpu.dma_semaphore, #tpu.memory_space<semaphore_mem>>, %arg11: memref<!tpu.dma_semaphore, #tpu.memory_space<semaphore_mem>>) attributes {dimension_semantics = [#tpu.dimension_semantics<core_parallel>, #tpu.dimension_semantics<subcore_parallel>], iteration_bounds = array<i64: 2, 16>, scalar_prefetch = 0 : i64, scratch_operands = 7 : i64, tpu.core_type = #tpu.core_type<sc_vector_subcore>, window_params = [{transform_indices = #map}, {transform_indices = #map1}, {transform_indices = #map2}]} {
    %mul3A = arith.constant 2 : i32
    %mul3A_0 = arith.muli %arg1, %mul3A : i32
    %add3A = arith.addi %mul3A_0, %arg0 : i32
    %lt3A = arith.constant 24 : i32
    %lt3A_1 = arith.cmpi slt, %add3A, %lt3A : i32
    %jit3A = arith.constant 1 : i32
    %jit3A_2 = arith.constant 0 : i32
    %select_n3A = arith.select %lt3A_1, %jit3A, %jit3A_2 : i32
    %add3A_3 = arith.constant 48 : i32
    %add3A_4 = arith.addi %add3A_3, %select_n3A : i32
    %mul3A_5 = arith.constant 48 : i32
    %mul3A_6 = arith.muli %add3A, %mul3A_5 : i32
    %min3A = arith.constant 24 : i32
    %min3A_7 = arith.minsi %add3A, %min3A : i32
    %add3A_8 = arith.addi %mul3A_6, %min3A_7 : i32
    %mul3A_9 = arith.constant 2 : i32
    %mul3A_10 = arith.muli %mul3A_9, %add3A_8 : i32
    %gt3A = arith.constant 0 : i32
    %gt3A_11 = arith.cmpi sgt, %add3A_4, %gt3A : i32
    %convert_element_type3A = arith.extui %gt3A_11 : i1 to i32
    %cond3A = arith.constant 0 : i32
    %cond3A_12 = arith.cmpi ne, %convert_element_type3A, %cond3A : i32
    scf.if %cond3A_12 {
      %mul3A_46 = arith.constant 2048 : i32
      %mul3A_47 = arith.muli %mul3A_10, %mul3A_46 : i32
      "tpu.region"() ({
        %run_scoped3A = tpu.sem_alloc : memref<!tpu.dma_semaphore, #tpu.memory_space<semaphore_mem>>
        %dma_start3A_303 = arith.constant 0 : i32
        %dma_start3A_304 = arith.constant 0 : i32
        %dma_start3A_305 = tpu.memref_slice %arg5[%dma_start3A_303, %dma_start3A_304] : memref<2x2048xi32, #tpu.memory_space<vmem>> -> memref<2x2048xi32, #tpu.memory_space<vmem>>
        %dma_start3A_306 = arith.constant 0 : i32
        %dma_start3A_307 = tpu.memref_slice %arg3[%dma_start3A_306, %mul3A_47] : memref<2x6390144xi32, #tpu.memory_space<hbm>> -> memref<2x2048xi32, #tpu.memory_space<hbm>>
        %dma_start3A_308 = arith.constant 0 : i32
        %dma_start3A_309 = arith.constant 0 : i32
        %dma_start3A_310 = tpu.memref_slice %arg5[%dma_start3A_308, %dma_start3A_309] : memref<2x2048xi32, #tpu.memory_space<vmem>> -> memref<2x2048xi32, #tpu.memory_space<vmem>>
        %dma_start3A_311 = arith.constant 0 : i32
        %dma_start3A_312 = tpu.memref_slice %arg3[%dma_start3A_311, %mul3A_47] : memref<2x6390144xi32, #tpu.memory_space<hbm>> -> memref<2x2048xi32, #tpu.memory_space<hbm>>
        tpu.enqueue_dma source(%dma_start3A_312 : memref<2x2048xi32, #tpu.memory_space<hbm>>) target(%dma_start3A_310 : memref<2x2048xi32, #tpu.memory_space<vmem>>) target_semaphore(%run_scoped3A : memref<!tpu.dma_semaphore, #tpu.memory_space<semaphore_mem>>)
        %dma_wait3A = arith.constant 0 : i32
        %dma_wait3A_313 = arith.constant 0 : i32
        %dma_wait3A_314 = tpu.memref_slice %arg5[%dma_wait3A, %dma_wait3A_313] : memref<2x2048xi32, #tpu.memory_space<vmem>> -> memref<2x2048xi32, #tpu.memory_space<vmem>>
        %dma_wait3A_315 = arith.constant 0 : i32
        %dma_wait3A_316 = tpu.memref_slice %arg3[%dma_wait3A_315, %mul3A_47] : memref<2x6390144xi32, #tpu.memory_space<hbm>> -> memref<2x2048xi32, #tpu.memory_space<hbm>>
        %dma_wait3A_317 = arith.constant 0 : i32
        %dma_wait3A_318 = arith.constant 0 : i32
        %dma_wait3A_319 = tpu.memref_slice %arg5[%dma_wait3A_317, %dma_wait3A_318] : memref<2x2048xi32, #tpu.memory_space<vmem>> -> memref<2x2048xi32, #tpu.memory_space<vmem>>
        %dma_wait3A_320 = arith.constant 0 : i32
        %dma_wait3A_321 = tpu.memref_slice %arg3[%dma_wait3A_320, %mul3A_47] : memref<2x6390144xi32, #tpu.memory_space<hbm>> -> memref<2x2048xi32, #tpu.memory_space<hbm>>
        tpu.wait_dma2 semaphore(%run_scoped3A : memref<!tpu.dma_semaphore, #tpu.memory_space<semaphore_mem>>) src(%dma_wait3A_321 : memref<2x2048xi32, #tpu.memory_space<hbm>>) dst(%dma_wait3A_319 : memref<2x2048xi32, #tpu.memory_space<vmem>>)
        tpu.yield
      }) : () -> ()
      %dma_start3A = arith.constant 0 : i32
      %dma_start3A_48 = arith.constant 0 : i32
      %dma_start3A_49 = tpu.memref_slice %arg7[%dma_start3A_48] : memref<4096xf32, #tpu.memory_space<vmem>> -> memref<128xf32, #tpu.memory_space<vmem>>
      %dma_start3A_50 = arith.constant 0 : i32
      %dma_start3A_51 = tpu.memref_slice %arg5[%dma_start3A, %dma_start3A_50] : memref<2x2048xi32, #tpu.memory_space<vmem>> -> memref<1x128xi32, #tpu.memory_space<vmem>>
      %dma_start3A_52 = tpu.memref_squeeze %dma_start3A_51 : memref<1x128xi32, #tpu.memory_space<vmem>> -> memref<128xi32, #tpu.memory_space<vmem>>
      %dma_start3A_53 = arith.constant 0 : i32
      %dma_start3A_54 = tpu.memref_slice %arg2[%dma_start3A_53] : memref<2146689xf32, #tpu.memory_space<hbm>> -> memref<2146689xf32, #tpu.memory_space<hbm>>
      tpu.enqueue_indirect_dma source(%dma_start3A_54 : memref<2146689xf32, #tpu.memory_space<hbm>>) target(%dma_start3A_49 : memref<128xf32, #tpu.memory_space<vmem>>) offsets(%dma_start3A_52 : memref<128xi32, #tpu.memory_space<vmem>>) semaphore(%arg10 : memref<!tpu.dma_semaphore, #tpu.memory_space<semaphore_mem>>)
      %dma_start3A_55 = arith.constant 0 : i32
      %dma_start3A_56 = arith.constant 128 : i32
      %dma_start3A_57 = tpu.memref_slice %arg7[%dma_start3A_56] : memref<4096xf32, #tpu.memory_space<vmem>> -> memref<128xf32, #tpu.memory_space<vmem>>
      %dma_start3A_58 = arith.constant 128 : i32
      %dma_start3A_59 = tpu.memref_slice %arg5[%dma_start3A_55, %dma_start3A_58] : memref<2x2048xi32, #tpu.memory_space<vmem>> -> memref<1x128xi32, #tpu.memory_space<vmem>>
      %dma_start3A_60 = tpu.memref_squeeze %dma_start3A_59 : memref<1x128xi32, #tpu.memory_space<vmem>> -> memref<128xi32, #tpu.memory_space<vmem>>
      %dma_start3A_61 = arith.constant 0 : i32
      %dma_start3A_62 = tpu.memref_slice %arg2[%dma_start3A_61] : memref<2146689xf32, #tpu.memory_space<hbm>> -> memref<2146689xf32, #tpu.memory_space<hbm>>
      tpu.enqueue_indirect_dma source(%dma_start3A_62 : memref<2146689xf32, #tpu.memory_space<hbm>>) target(%dma_start3A_57 : memref<128xf32, #tpu.memory_space<vmem>>) offsets(%dma_start3A_60 : memref<128xi32, #tpu.memory_space<vmem>>) semaphore(%arg10 : memref<!tpu.dma_semaphore, #tpu.memory_space<semaphore_mem>>)
      %dma_start3A_63 = arith.constant 0 : i32
      %dma_start3A_64 = arith.constant 256 : i32
      %dma_start3A_65 = tpu.memref_slice %arg7[%dma_start3A_64] : memref<4096xf32, #tpu.memory_space<vmem>> -> memref<128xf32, #tpu.memory_space<vmem>>
      %dma_start3A_66 = arith.constant 256 : i32
      %dma_start3A_67 = tpu.memref_slice %arg5[%dma_start3A_63, %dma_start3A_66] : memref<2x2048xi32, #tpu.memory_space<vmem>> -> memref<1x128xi32, #tpu.memory_space<vmem>>
      %dma_start3A_68 = tpu.memref_squeeze %dma_start3A_67 : memref<1x128xi32, #tpu.memory_space<vmem>> -> memref<128xi32, #tpu.memory_space<vmem>>
      %dma_start3A_69 = arith.constant 0 : i32
      %dma_start3A_70 = tpu.memref_slice %arg2[%dma_start3A_69] : memref<2146689xf32, #tpu.memory_space<hbm>> -> memref<2146689xf32, #tpu.memory_space<hbm>>
      tpu.enqueue_indirect_dma source(%dma_start3A_70 : memref<2146689xf32, #tpu.memory_space<hbm>>) target(%dma_start3A_65 : memref<128xf32, #tpu.memory_space<vmem>>) offsets(%dma_start3A_68 : memref<128xi32, #tpu.memory_space<vmem>>) semaphore(%arg10 : memref<!tpu.dma_semaphore, #tpu.memory_space<semaphore_mem>>)
      %dma_start3A_71 = arith.constant 0 : i32
      %dma_start3A_72 = arith.constant 384 : i32
      %dma_start3A_73 = tpu.memref_slice %arg7[%dma_start3A_72] : memref<4096xf32, #tpu.memory_space<vmem>> -> memref<128xf32, #tpu.memory_space<vmem>>
      %dma_start3A_74 = arith.constant 384 : i32
      %dma_start3A_75 = tpu.memref_slice %arg5[%dma_start3A_71, %dma_start3A_74] : memref<2x2048xi32, #tpu.memory_space<vmem>> -> memref<1x128xi32, #tpu.memory_space<vmem>>
      %dma_start3A_76 = tpu.memref_squeeze %dma_start3A_75 : memref<1x128xi32, #tpu.memory_space<vmem>> -> memref<128xi32, #tpu.memory_space<vmem>>
      %dma_start3A_77 = arith.constant 0 : i32
      %dma_start3A_78 = tpu.memref_slice %arg2[%dma_start3A_77] : memref<2146689xf32, #tpu.memory_space<hbm>> -> memref<2146689xf32, #tpu.memory_space<hbm>>
      tpu.enqueue_indirect_dma source(%dma_start3A_78 : memref<2146689xf32, #tpu.memory_space<hbm>>) target(%dma_start3A_73 : memref<128xf32, #tpu.memory_space<vmem>>) offsets(%dma_start3A_76 : memref<128xi32, #tpu.memory_space<vmem>>) semaphore(%arg10 : memref<!tpu.dma_semaphore, #tpu.memory_space<semaphore_mem>>)
      %dma_start3A_79 = arith.constant 0 : i32
      %dma_start3A_80 = arith.constant 512 : i32
      %dma_start3A_81 = tpu.memref_slice %arg7[%dma_start3A_80] : memref<4096xf32, #tpu.memory_space<vmem>> -> memref<128xf32, #tpu.memory_space<vmem>>
      %dma_start3A_82 = arith.constant 512 : i32
      %dma_start3A_83 = tpu.memref_slice %arg5[%dma_start3A_79, %dma_start3A_82] : memref<2x2048xi32, #tpu.memory_space<vmem>> -> memref<1x128xi32, #tpu.memory_space<vmem>>
      %dma_start3A_84 = tpu.memref_squeeze %dma_start3A_83 : memref<1x128xi32, #tpu.memory_space<vmem>> -> memref<128xi32, #tpu.memory_space<vmem>>
      %dma_start3A_85 = arith.constant 0 : i32
      %dma_start3A_86 = tpu.memref_slice %arg2[%dma_start3A_85] : memref<2146689xf32, #tpu.memory_space<hbm>> -> memref<2146689xf32, #tpu.memory_space<hbm>>
      tpu.enqueue_indirect_dma source(%dma_start3A_86 : memref<2146689xf32, #tpu.memory_space<hbm>>) target(%dma_start3A_81 : memref<128xf32, #tpu.memory_space<vmem>>) offsets(%dma_start3A_84 : memref<128xi32, #tpu.memory_space<vmem>>) semaphore(%arg10 : memref<!tpu.dma_semaphore, #tpu.memory_space<semaphore_mem>>)
      %dma_start3A_87 = arith.constant 0 : i32
      %dma_start3A_88 = arith.constant 640 : i32
      %dma_start3A_89 = tpu.memref_slice %arg7[%dma_start3A_88] : memref<4096xf32, #tpu.memory_space<vmem>> -> memref<128xf32, #tpu.memory_space<vmem>>
      %dma_start3A_90 = arith.constant 640 : i32
      %dma_start3A_91 = tpu.memref_slice %arg5[%dma_start3A_87, %dma_start3A_90] : memref<2x2048xi32, #tpu.memory_space<vmem>> -> memref<1x128xi32, #tpu.memory_space<vmem>>
      %dma_start3A_92 = tpu.memref_squeeze %dma_start3A_91 : memref<1x128xi32, #tpu.memory_space<vmem>> -> memref<128xi32, #tpu.memory_space<vmem>>
      %dma_start3A_93 = arith.constant 0 : i32
      %dma_start3A_94 = tpu.memref_slice %arg2[%dma_start3A_93] : memref<2146689xf32, #tpu.memory_space<hbm>> -> memref<2146689xf32, #tpu.memory_space<hbm>>
      tpu.enqueue_indirect_dma source(%dma_start3A_94 : memref<2146689xf32, #tpu.memory_space<hbm>>) target(%dma_start3A_89 : memref<128xf32, #tpu.memory_space<vmem>>) offsets(%dma_start3A_92 : memref<128xi32, #tpu.memory_space<vmem>>) semaphore(%arg10 : memref<!tpu.dma_semaphore, #tpu.memory_space<semaphore_mem>>)
      %dma_start3A_95 = arith.constant 0 : i32
      %dma_start3A_96 = arith.constant 768 : i32
      %dma_start3A_97 = tpu.memref_slice %arg7[%dma_start3A_96] : memref<4096xf32, #tpu.memory_space<vmem>> -> memref<128xf32, #tpu.memory_space<vmem>>
      %dma_start3A_98 = arith.constant 768 : i32
      %dma_start3A_99 = tpu.memref_slice %arg5[%dma_start3A_95, %dma_start3A_98] : memref<2x2048xi32, #tpu.memory_space<vmem>> -> memref<1x128xi32, #tpu.memory_space<vmem>>
      %dma_start3A_100 = tpu.memref_squeeze %dma_start3A_99 : memref<1x128xi32, #tpu.memory_space<vmem>> -> memref<128xi32, #tpu.memory_space<vmem>>
      %dma_start3A_101 = arith.constant 0 : i32
      %dma_start3A_102 = tpu.memref_slice %arg2[%dma_start3A_101] : memref<2146689xf32, #tpu.memory_space<hbm>> -> memref<2146689xf32, #tpu.memory_space<hbm>>
      tpu.enqueue_indirect_dma source(%dma_start3A_102 : memref<2146689xf32, #tpu.memory_space<hbm>>) target(%dma_start3A_97 : memref<128xf32, #tpu.memory_space<vmem>>) offsets(%dma_start3A_100 : memref<128xi32, #tpu.memory_space<vmem>>) semaphore(%arg10 : memref<!tpu.dma_semaphore, #tpu.memory_space<semaphore_mem>>)
      %dma_start3A_103 = arith.constant 0 : i32
      %dma_start3A_104 = arith.constant 896 : i32
      %dma_start3A_105 = tpu.memref_slice %arg7[%dma_start3A_104] : memref<4096xf32, #tpu.memory_space<vmem>> -> memref<128xf32, #tpu.memory_space<vmem>>
      %dma_start3A_106 = arith.constant 896 : i32
      %dma_start3A_107 = tpu.memref_slice %arg5[%dma_start3A_103, %dma_start3A_106] : memref<2x2048xi32, #tpu.memory_space<vmem>> -> memref<1x128xi32, #tpu.memory_space<vmem>>
      %dma_start3A_108 = tpu.memref_squeeze %dma_start3A_107 : memref<1x128xi32, #tpu.memory_space<vmem>> -> memref<128xi32, #tpu.memory_space<vmem>>
      %dma_start3A_109 = arith.constant 0 : i32
      %dma_start3A_110 = tpu.memref_slice %arg2[%dma_start3A_109] : memref<2146689xf32, #tpu.memory_space<hbm>> -> memref<2146689xf32, #tpu.memory_space<hbm>>
      tpu.enqueue_indirect_dma source(%dma_start3A_110 : memref<2146689xf32, #tpu.memory_space<hbm>>) target(%dma_start3A_105 : memref<128xf32, #tpu.memory_space<vmem>>) offsets(%dma_start3A_108 : memref<128xi32, #tpu.memory_space<vmem>>) semaphore(%arg10 : memref<!tpu.dma_semaphore, #tpu.memory_space<semaphore_mem>>)
      %dma_start3A_111 = arith.constant 0 : i32
      %dma_start3A_112 = arith.constant 1024 : i32
      %dma_start3A_113 = tpu.memref_slice %arg7[%dma_start3A_112] : memref<4096xf32, #tpu.memory_space<vmem>> -> memref<128xf32, #tpu.memory_space<vmem>>
      %dma_start3A_114 = arith.constant 1024 : i32
      %dma_start3A_115 = tpu.memref_slice %arg5[%dma_start3A_111, %dma_start3A_114] : memref<2x2048xi32, #tpu.memory_space<vmem>> -> memref<1x128xi32, #tpu.memory_space<vmem>>
      %dma_start3A_116 = tpu.memref_squeeze %dma_start3A_115 : memref<1x128xi32, #tpu.memory_space<vmem>> -> memref<128xi32, #tpu.memory_space<vmem>>
      %dma_start3A_117 = arith.constant 0 : i32
      %dma_start3A_118 = tpu.memref_slice %arg2[%dma_start3A_117] : memref<2146689xf32, #tpu.memory_space<hbm>> -> memref<2146689xf32, #tpu.memory_space<hbm>>
      tpu.enqueue_indirect_dma source(%dma_start3A_118 : memref<2146689xf32, #tpu.memory_space<hbm>>) target(%dma_start3A_113 : memref<128xf32, #tpu.memory_space<vmem>>) offsets(%dma_start3A_116 : memref<128xi32, #tpu.memory_space<vmem>>) semaphore(%arg10 : memref<!tpu.dma_semaphore, #tpu.memory_space<semaphore_mem>>)
      %dma_start3A_119 = arith.constant 0 : i32
      %dma_start3A_120 = arith.constant 1152 : i32
      %dma_start3A_121 = tpu.memref_slice %arg7[%dma_start3A_120] : memref<4096xf32, #tpu.memory_space<vmem>> -> memref<128xf32, #tpu.memory_space<vmem>>
      %dma_start3A_122 = arith.constant 1152 : i32
      %dma_start3A_123 = tpu.memref_slice %arg5[%dma_start3A_119, %dma_start3A_122] : memref<2x2048xi32, #tpu.memory_space<vmem>> -> memref<1x128xi32, #tpu.memory_space<vmem>>
      %dma_start3A_124 = tpu.memref_squeeze %dma_start3A_123 : memref<1x128xi32, #tpu.memory_space<vmem>> -> memref<128xi32, #tpu.memory_space<vmem>>
      %dma_start3A_125 = arith.constant 0 : i32
      %dma_start3A_126 = tpu.memref_slice %arg2[%dma_start3A_125] : memref<2146689xf32, #tpu.memory_space<hbm>> -> memref<2146689xf32, #tpu.memory_space<hbm>>
      tpu.enqueue_indirect_dma source(%dma_start3A_126 : memref<2146689xf32, #tpu.memory_space<hbm>>) target(%dma_start3A_121 : memref<128xf32, #tpu.memory_space<vmem>>) offsets(%dma_start3A_124 : memref<128xi32, #tpu.memory_space<vmem>>) semaphore(%arg10 : memref<!tpu.dma_semaphore, #tpu.memory_space<semaphore_mem>>)
      %dma_start3A_127 = arith.constant 0 : i32
      %dma_start3A_128 = arith.constant 1280 : i32
      %dma_start3A_129 = tpu.memref_slice %arg7[%dma_start3A_128] : memref<4096xf32, #tpu.memory_space<vmem>> -> memref<128xf32, #tpu.memory_space<vmem>>
      %dma_start3A_130 = arith.constant 1280 : i32
      %dma_start3A_131 = tpu.memref_slice %arg5[%dma_start3A_127, %dma_start3A_130] : memref<2x2048xi32, #tpu.memory_space<vmem>> -> memref<1x128xi32, #tpu.memory_space<vmem>>
      %dma_start3A_132 = tpu.memref_squeeze %dma_start3A_131 : memref<1x128xi32, #tpu.memory_space<vmem>> -> memref<128xi32, #tpu.memory_space<vmem>>
      %dma_start3A_133 = arith.constant 0 : i32
      %dma_start3A_134 = tpu.memref_slice %arg2[%dma_start3A_133] : memref<2146689xf32, #tpu.memory_space<hbm>> -> memref<2146689xf32, #tpu.memory_space<hbm>>
      tpu.enqueue_indirect_dma source(%dma_start3A_134 : memref<2146689xf32, #tpu.memory_space<hbm>>) target(%dma_start3A_129 : memref<128xf32, #tpu.memory_space<vmem>>) offsets(%dma_start3A_132 : memref<128xi32, #tpu.memory_space<vmem>>) semaphore(%arg10 : memref<!tpu.dma_semaphore, #tpu.memory_space<semaphore_mem>>)
      %dma_start3A_135 = arith.constant 0 : i32
      %dma_start3A_136 = arith.constant 1408 : i32
      %dma_start3A_137 = tpu.memref_slice %arg7[%dma_start3A_136] : memref<4096xf32, #tpu.memory_space<vmem>> -> memref<128xf32, #tpu.memory_space<vmem>>
      %dma_start3A_138 = arith.constant 1408 : i32
      %dma_start3A_139 = tpu.memref_slice %arg5[%dma_start3A_135, %dma_start3A_138] : memref<2x2048xi32, #tpu.memory_space<vmem>> -> memref<1x128xi32, #tpu.memory_space<vmem>>
      %dma_start3A_140 = tpu.memref_squeeze %dma_start3A_139 : memref<1x128xi32, #tpu.memory_space<vmem>> -> memref<128xi32, #tpu.memory_space<vmem>>
      %dma_start3A_141 = arith.constant 0 : i32
      %dma_start3A_142 = tpu.memref_slice %arg2[%dma_start3A_141] : memref<2146689xf32, #tpu.memory_space<hbm>> -> memref<2146689xf32, #tpu.memory_space<hbm>>
      tpu.enqueue_indirect_dma source(%dma_start3A_142 : memref<2146689xf32, #tpu.memory_space<hbm>>) target(%dma_start3A_137 : memref<128xf32, #tpu.memory_space<vmem>>) offsets(%dma_start3A_140 : memref<128xi32, #tpu.memory_space<vmem>>) semaphore(%arg10 : memref<!tpu.dma_semaphore, #tpu.memory_space<semaphore_mem>>)
      %dma_start3A_143 = arith.constant 0 : i32
      %dma_start3A_144 = arith.constant 1536 : i32
      %dma_start3A_145 = tpu.memref_slice %arg7[%dma_start3A_144] : memref<4096xf32, #tpu.memory_space<vmem>> -> memref<128xf32, #tpu.memory_space<vmem>>
      %dma_start3A_146 = arith.constant 1536 : i32
      %dma_start3A_147 = tpu.memref_slice %arg5[%dma_start3A_143, %dma_start3A_146] : memref<2x2048xi32, #tpu.memory_space<vmem>> -> memref<1x128xi32, #tpu.memory_space<vmem>>
      %dma_start3A_148 = tpu.memref_squeeze %dma_start3A_147 : memref<1x128xi32, #tpu.memory_space<vmem>> -> memref<128xi32, #tpu.memory_space<vmem>>
      %dma_start3A_149 = arith.constant 0 : i32
      %dma_start3A_150 = tpu.memref_slice %arg2[%dma_start3A_149] : memref<2146689xf32, #tpu.memory_space<hbm>> -> memref<2146689xf32, #tpu.memory_space<hbm>>
      tpu.enqueue_indirect_dma source(%dma_start3A_150 : memref<2146689xf32, #tpu.memory_space<hbm>>) target(%dma_start3A_145 : memref<128xf32, #tpu.memory_space<vmem>>) offsets(%dma_start3A_148 : memref<128xi32, #tpu.memory_space<vmem>>) semaphore(%arg10 : memref<!tpu.dma_semaphore, #tpu.memory_space<semaphore_mem>>)
      %dma_start3A_151 = arith.constant 0 : i32
      %dma_start3A_152 = arith.constant 1664 : i32
      %dma_start3A_153 = tpu.memref_slice %arg7[%dma_start3A_152] : memref<4096xf32, #tpu.memory_space<vmem>> -> memref<128xf32, #tpu.memory_space<vmem>>
      %dma_start3A_154 = arith.constant 1664 : i32
      %dma_start3A_155 = tpu.memref_slice %arg5[%dma_start3A_151, %dma_start3A_154] : memref<2x2048xi32, #tpu.memory_space<vmem>> -> memref<1x128xi32, #tpu.memory_space<vmem>>
      %dma_start3A_156 = tpu.memref_squeeze %dma_start3A_155 : memref<1x128xi32, #tpu.memory_space<vmem>> -> memref<128xi32, #tpu.memory_space<vmem>>
      %dma_start3A_157 = arith.constant 0 : i32
      %dma_start3A_158 = tpu.memref_slice %arg2[%dma_start3A_157] : memref<2146689xf32, #tpu.memory_space<hbm>> -> memref<2146689xf32, #tpu.memory_space<hbm>>
      tpu.enqueue_indirect_dma source(%dma_start3A_158 : memref<2146689xf32, #tpu.memory_space<hbm>>) target(%dma_start3A_153 : memref<128xf32, #tpu.memory_space<vmem>>) offsets(%dma_start3A_156 : memref<128xi32, #tpu.memory_space<vmem>>) semaphore(%arg10 : memref<!tpu.dma_semaphore, #tpu.memory_space<semaphore_mem>>)
      %dma_start3A_159 = arith.constant 0 : i32
      %dma_start3A_160 = arith.constant 1792 : i32
      %dma_start3A_161 = tpu.memref_slice %arg7[%dma_start3A_160] : memref<4096xf32, #tpu.memory_space<vmem>> -> memref<128xf32, #tpu.memory_space<vmem>>
      %dma_start3A_162 = arith.constant 1792 : i32
      %dma_start3A_163 = tpu.memref_slice %arg5[%dma_start3A_159, %dma_start3A_162] : memref<2x2048xi32, #tpu.memory_space<vmem>> -> memref<1x128xi32, #tpu.memory_space<vmem>>
      %dma_start3A_164 = tpu.memref_squeeze %dma_start3A_163 : memref<1x128xi32, #tpu.memory_space<vmem>> -> memref<128xi32, #tpu.memory_space<vmem>>
      %dma_start3A_165 = arith.constant 0 : i32
      %dma_start3A_166 = tpu.memref_slice %arg2[%dma_start3A_165] : memref<2146689xf32, #tpu.memory_space<hbm>> -> memref<2146689xf32, #tpu.memory_space<hbm>>
      tpu.enqueue_indirect_dma source(%dma_start3A_166 : memref<2146689xf32, #tpu.memory_space<hbm>>) target(%dma_start3A_161 : memref<128xf32, #tpu.memory_space<vmem>>) offsets(%dma_start3A_164 : memref<128xi32, #tpu.memory_space<vmem>>) semaphore(%arg10 : memref<!tpu.dma_semaphore, #tpu.memory_space<semaphore_mem>>)
      %dma_start3A_167 = arith.constant 0 : i32
      %dma_start3A_168 = arith.constant 1920 : i32
      %dma_start3A_169 = tpu.memref_slice %arg7[%dma_start3A_168] : memref<4096xf32, #tpu.memory_space<vmem>> -> memref<128xf32, #tpu.memory_space<vmem>>
      %dma_start3A_170 = arith.constant 1920 : i32
      %dma_start3A_171 = tpu.memref_slice %arg5[%dma_start3A_167, %dma_start3A_170] : memref<2x2048xi32, #tpu.memory_space<vmem>> -> memref<1x128xi32, #tpu.memory_space<vmem>>
      %dma_start3A_172 = tpu.memref_squeeze %dma_start3A_171 : memref<1x128xi32, #tpu.memory_space<vmem>> -> memref<128xi32, #tpu.memory_space<vmem>>
      %dma_start3A_173 = arith.constant 0 : i32
      %dma_start3A_174 = tpu.memref_slice %arg2[%dma_start3A_173] : memref<2146689xf32, #tpu.memory_space<hbm>> -> memref<2146689xf32, #tpu.memory_space<hbm>>
      tpu.enqueue_indirect_dma source(%dma_start3A_174 : memref<2146689xf32, #tpu.memory_space<hbm>>) target(%dma_start3A_169 : memref<128xf32, #tpu.memory_space<vmem>>) offsets(%dma_start3A_172 : memref<128xi32, #tpu.memory_space<vmem>>) semaphore(%arg10 : memref<!tpu.dma_semaphore, #tpu.memory_space<semaphore_mem>>)
      %dma_start3A_175 = arith.constant 1 : i32
      %dma_start3A_176 = arith.constant 2048 : i32
      %dma_start3A_177 = tpu.memref_slice %arg7[%dma_start3A_176] : memref<4096xf32, #tpu.memory_space<vmem>> -> memref<128xf32, #tpu.memory_space<vmem>>
      %dma_start3A_178 = arith.constant 0 : i32
      %dma_start3A_179 = tpu.memref_slice %arg5[%dma_start3A_175, %dma_start3A_178] : memref<2x2048xi32, #tpu.memory_space<vmem>> -> memref<1x128xi32, #tpu.memory_space<vmem>>
      %dma_start3A_180 = tpu.memref_squeeze %dma_start3A_179 : memref<1x128xi32, #tpu.memory_space<vmem>> -> memref<128xi32, #tpu.memory_space<vmem>>
      %dma_start3A_181 = arith.constant 0 : i32
      %dma_start3A_182 = tpu.memref_slice %arg2[%dma_start3A_181] : memref<2146689xf32, #tpu.memory_space<hbm>> -> memref<2146689xf32, #tpu.memory_space<hbm>>
      tpu.enqueue_indirect_dma source(%dma_start3A_182 : memref<2146689xf32, #tpu.memory_space<hbm>>) target(%dma_start3A_177 : memref<128xf32, #tpu.memory_space<vmem>>) offsets(%dma_start3A_180 : memref<128xi32, #tpu.memory_space<vmem>>) semaphore(%arg10 : memref<!tpu.dma_semaphore, #tpu.memory_space<semaphore_mem>>)
      %dma_start3A_183 = arith.constant 1 : i32
      %dma_start3A_184 = arith.constant 2176 : i32
      %dma_start3A_185 = tpu.memref_slice %arg7[%dma_start3A_184] : memref<4096xf32, #tpu.memory_space<vmem>> -> memref<128xf32, #tpu.memory_space<vmem>>
      %dma_start3A_186 = arith.constant 128 : i32
      %dma_start3A_187 = tpu.memref_slice %arg5[%dma_start3A_183, %dma_start3A_186] : memref<2x2048xi32, #tpu.memory_space<vmem>> -> memref<1x128xi32, #tpu.memory_space<vmem>>
      %dma_start3A_188 = tpu.memref_squeeze %dma_start3A_187 : memref<1x128xi32, #tpu.memory_space<vmem>> -> memref<128xi32, #tpu.memory_space<vmem>>
      %dma_start3A_189 = arith.constant 0 : i32
      %dma_start3A_190 = tpu.memref_slice %arg2[%dma_start3A_189] : memref<2146689xf32, #tpu.memory_space<hbm>> -> memref<2146689xf32, #tpu.memory_space<hbm>>
      tpu.enqueue_indirect_dma source(%dma_start3A_190 : memref<2146689xf32, #tpu.memory_space<hbm>>) target(%dma_start3A_185 : memref<128xf32, #tpu.memory_space<vmem>>) offsets(%dma_start3A_188 : memref<128xi32, #tpu.memory_space<vmem>>) semaphore(%arg10 : memref<!tpu.dma_semaphore, #tpu.memory_space<semaphore_mem>>)
      %dma_start3A_191 = arith.constant 1 : i32
      %dma_start3A_192 = arith.constant 2304 : i32
      %dma_start3A_193 = tpu.memref_slice %arg7[%dma_start3A_192] : memref<4096xf32, #tpu.memory_space<vmem>> -> memref<128xf32, #tpu.memory_space<vmem>>
      %dma_start3A_194 = arith.constant 256 : i32
      %dma_start3A_195 = tpu.memref_slice %arg5[%dma_start3A_191, %dma_start3A_194] : memref<2x2048xi32, #tpu.memory_space<vmem>> -> memref<1x128xi32, #tpu.memory_space<vmem>>
      %dma_start3A_196 = tpu.memref_squeeze %dma_start3A_195 : memref<1x128xi32, #tpu.memory_space<vmem>> -> memref<128xi32, #tpu.memory_space<vmem>>
      %dma_start3A_197 = arith.constant 0 : i32
      %dma_start3A_198 = tpu.memref_slice %arg2[%dma_start3A_197] : memref<2146689xf32, #tpu.memory_space<hbm>> -> memref<2146689xf32, #tpu.memory_space<hbm>>
      tpu.enqueue_indirect_dma source(%dma_start3A_198 : memref<2146689xf32, #tpu.memory_space<hbm>>) target(%dma_start3A_193 : memref<128xf32, #tpu.memory_space<vmem>>) offsets(%dma_start3A_196 : memref<128xi32, #tpu.memory_space<vmem>>) semaphore(%arg10 : memref<!tpu.dma_semaphore, #tpu.memory_space<semaphore_mem>>)
      %dma_start3A_199 = arith.constant 1 : i32
      %dma_start3A_200 = arith.constant 2432 : i32
      %dma_start3A_201 = tpu.memref_slice %arg7[%dma_start3A_200] : memref<4096xf32, #tpu.memory_space<vmem>> -> memref<128xf32, #tpu.memory_space<vmem>>
      %dma_start3A_202 = arith.constant 384 : i32
      %dma_start3A_203 = tpu.memref_slice %arg5[%dma_start3A_199, %dma_start3A_202] : memref<2x2048xi32, #tpu.memory_space<vmem>> -> memref<1x128xi32, #tpu.memory_space<vmem>>
      %dma_start3A_204 = tpu.memref_squeeze %dma_start3A_203 : memref<1x128xi32, #tpu.memory_space<vmem>> -> memref<128xi32, #tpu.memory_space<vmem>>
      %dma_start3A_205 = arith.constant 0 : i32
      %dma_start3A_206 = tpu.memref_slice %arg2[%dma_start3A_205] : memref<2146689xf32, #tpu.memory_space<hbm>> -> memref<2146689xf32, #tpu.memory_space<hbm>>
      tpu.enqueue_indirect_dma source(%dma_start3A_206 : memref<2146689xf32, #tpu.memory_space<hbm>>) target(%dma_start3A_201 : memref<128xf32, #tpu.memory_space<vmem>>) offsets(%dma_start3A_204 : memref<128xi32, #tpu.memory_space<vmem>>) semaphore(%arg10 : memref<!tpu.dma_semaphore, #tpu.memory_space<semaphore_mem>>)
      %dma_start3A_207 = arith.constant 1 : i32
      %dma_start3A_208 = arith.constant 2560 : i32
      %dma_start3A_209 = tpu.memref_slice %arg7[%dma_start3A_208] : memref<4096xf32, #tpu.memory_space<vmem>> -> memref<128xf32, #tpu.memory_space<vmem>>
      %dma_start3A_210 = arith.constant 512 : i32
      %dma_start3A_211 = tpu.memref_slice %arg5[%dma_start3A_207, %dma_start3A_210] : memref<2x2048xi32, #tpu.memory_space<vmem>> -> memref<1x128xi32, #tpu.memory_space<vmem>>
      %dma_start3A_212 = tpu.memref_squeeze %dma_start3A_211 : memref<1x128xi32, #tpu.memory_space<vmem>> -> memref<128xi32, #tpu.memory_space<vmem>>
      %dma_start3A_213 = arith.constant 0 : i32
      %dma_start3A_214 = tpu.memref_slice %arg2[%dma_start3A_213] : memref<2146689xf32, #tpu.memory_space<hbm>> -> memref<2146689xf32, #tpu.memory_space<hbm>>
      tpu.enqueue_indirect_dma source(%dma_start3A_214 : memref<2146689xf32, #tpu.memory_space<hbm>>) target(%dma_start3A_209 : memref<128xf32, #tpu.memory_space<vmem>>) offsets(%dma_start3A_212 : memref<128xi32, #tpu.memory_space<vmem>>) semaphore(%arg10 : memref<!tpu.dma_semaphore, #tpu.memory_space<semaphore_mem>>)
      %dma_start3A_215 = arith.constant 1 : i32
      %dma_start3A_216 = arith.constant 2688 : i32
      %dma_start3A_217 = tpu.memref_slice %arg7[%dma_start3A_216] : memref<4096xf32, #tpu.memory_space<vmem>> -> memref<128xf32, #tpu.memory_space<vmem>>
      %dma_start3A_218 = arith.constant 640 : i32
      %dma_start3A_219 = tpu.memref_slice %arg5[%dma_start3A_215, %dma_start3A_218] : memref<2x2048xi32, #tpu.memory_space<vmem>> -> memref<1x128xi32, #tpu.memory_space<vmem>>
      %dma_start3A_220 = tpu.memref_squeeze %dma_start3A_219 : memref<1x128xi32, #tpu.memory_space<vmem>> -> memref<128xi32, #tpu.memory_space<vmem>>
      %dma_start3A_221 = arith.constant 0 : i32
      %dma_start3A_222 = tpu.memref_slice %arg2[%dma_start3A_221] : memref<2146689xf32, #tpu.memory_space<hbm>> -> memref<2146689xf32, #tpu.memory_space<hbm>>
      tpu.enqueue_indirect_dma source(%dma_start3A_222 : memref<2146689xf32, #tpu.memory_space<hbm>>) target(%dma_start3A_217 : memref<128xf32, #tpu.memory_space<vmem>>) offsets(%dma_start3A_220 : memref<128xi32, #tpu.memory_space<vmem>>) semaphore(%arg10 : memref<!tpu.dma_semaphore, #tpu.memory_space<semaphore_mem>>)
      %dma_start3A_223 = arith.constant 1 : i32
      %dma_start3A_224 = arith.constant 2816 : i32
      %dma_start3A_225 = tpu.memref_slice %arg7[%dma_start3A_224] : memref<4096xf32, #tpu.memory_space<vmem>> -> memref<128xf32, #tpu.memory_space<vmem>>
      %dma_start3A_226 = arith.constant 768 : i32
      %dma_start3A_227 = tpu.memref_slice %arg5[%dma_start3A_223, %dma_start3A_226] : memref<2x2048xi32, #tpu.memory_space<vmem>> -> memref<1x128xi32, #tpu.memory_space<vmem>>
      %dma_start3A_228 = tpu.memref_squeeze %dma_start3A_227 : memref<1x128xi32, #tpu.memory_space<vmem>> -> memref<128xi32, #tpu.memory_space<vmem>>
      %dma_start3A_229 = arith.constant 0 : i32
      %dma_start3A_230 = tpu.memref_slice %arg2[%dma_start3A_229] : memref<2146689xf32, #tpu.memory_space<hbm>> -> memref<2146689xf32, #tpu.memory_space<hbm>>
      tpu.enqueue_indirect_dma source(%dma_start3A_230 : memref<2146689xf32, #tpu.memory_space<hbm>>) target(%dma_start3A_225 : memref<128xf32, #tpu.memory_space<vmem>>) offsets(%dma_start3A_228 : memref<128xi32, #tpu.memory_space<vmem>>) semaphore(%arg10 : memref<!tpu.dma_semaphore, #tpu.memory_space<semaphore_mem>>)
      %dma_start3A_231 = arith.constant 1 : i32
      %dma_start3A_232 = arith.constant 2944 : i32
      %dma_start3A_233 = tpu.memref_slice %arg7[%dma_start3A_232] : memref<4096xf32, #tpu.memory_space<vmem>> -> memref<128xf32, #tpu.memory_space<vmem>>
      %dma_start3A_234 = arith.constant 896 : i32
      %dma_start3A_235 = tpu.memref_slice %arg5[%dma_start3A_231, %dma_start3A_234] : memref<2x2048xi32, #tpu.memory_space<vmem>> -> memref<1x128xi32, #tpu.memory_space<vmem>>
      %dma_start3A_236 = tpu.memref_squeeze %dma_start3A_235 : memref<1x128xi32, #tpu.memory_space<vmem>> -> memref<128xi32, #tpu.memory_space<vmem>>
      %dma_start3A_237 = arith.constant 0 : i32
      %dma_start3A_238 = tpu.memref_slice %arg2[%dma_start3A_237] : memref<2146689xf32, #tpu.memory_space<hbm>> -> memref<2146689xf32, #tpu.memory_space<hbm>>
      tpu.enqueue_indirect_dma source(%dma_start3A_238 : memref<2146689xf32, #tpu.memory_space<hbm>>) target(%dma_start3A_233 : memref<128xf32, #tpu.memory_space<vmem>>) offsets(%dma_start3A_236 : memref<128xi32, #tpu.memory_space<vmem>>) semaphore(%arg10 : memref<!tpu.dma_semaphore, #tpu.memory_space<semaphore_mem>>)
      %dma_start3A_239 = arith.constant 1 : i32
      %dma_start3A_240 = arith.constant 3072 : i32
      %dma_start3A_241 = tpu.memref_slice %arg7[%dma_start3A_240] : memref<4096xf32, #tpu.memory_space<vmem>> -> memref<128xf32, #tpu.memory_space<vmem>>
      %dma_start3A_242 = arith.constant 1024 : i32
      %dma_start3A_243 = tpu.memref_slice %arg5[%dma_start3A_239, %dma_start3A_242] : memref<2x2048xi32, #tpu.memory_space<vmem>> -> memref<1x128xi32, #tpu.memory_space<vmem>>
      %dma_start3A_244 = tpu.memref_squeeze %dma_start3A_243 : memref<1x128xi32, #tpu.memory_space<vmem>> -> memref<128xi32, #tpu.memory_space<vmem>>
      %dma_start3A_245 = arith.constant 0 : i32
      %dma_start3A_246 = tpu.memref_slice %arg2[%dma_start3A_245] : memref<2146689xf32, #tpu.memory_space<hbm>> -> memref<2146689xf32, #tpu.memory_space<hbm>>
      tpu.enqueue_indirect_dma source(%dma_start3A_246 : memref<2146689xf32, #tpu.memory_space<hbm>>) target(%dma_start3A_241 : memref<128xf32, #tpu.memory_space<vmem>>) offsets(%dma_start3A_244 : memref<128xi32, #tpu.memory_space<vmem>>) semaphore(%arg10 : memref<!tpu.dma_semaphore, #tpu.memory_space<semaphore_mem>>)
      %dma_start3A_247 = arith.constant 1 : i32
      %dma_start3A_248 = arith.constant 3200 : i32
      %dma_start3A_249 = tpu.memref_slice %arg7[%dma_start3A_248] : memref<4096xf32, #tpu.memory_space<vmem>> -> memref<128xf32, #tpu.memory_space<vmem>>
      %dma_start3A_250 = arith.constant 1152 : i32
      %dma_start3A_251 = tpu.memref_slice %arg5[%dma_start3A_247, %dma_start3A_250] : memref<2x2048xi32, #tpu.memory_space<vmem>> -> memref<1x128xi32, #tpu.memory_space<vmem>>
      %dma_start3A_252 = tpu.memref_squeeze %dma_start3A_251 : memref<1x128xi32, #tpu.memory_space<vmem>> -> memref<128xi32, #tpu.memory_space<vmem>>
      %dma_start3A_253 = arith.constant 0 : i32
      %dma_start3A_254 = tpu.memref_slice %arg2[%dma_start3A_253] : memref<2146689xf32, #tpu.memory_space<hbm>> -> memref<2146689xf32, #tpu.memory_space<hbm>>
      tpu.enqueue_indirect_dma source(%dma_start3A_254 : memref<2146689xf32, #tpu.memory_space<hbm>>) target(%dma_start3A_249 : memref<128xf32, #tpu.memory_space<vmem>>) offsets(%dma_start3A_252 : memref<128xi32, #tpu.memory_space<vmem>>) semaphore(%arg10 : memref<!tpu.dma_semaphore, #tpu.memory_space<semaphore_mem>>)
      %dma_start3A_255 = arith.constant 1 : i32
      %dma_start3A_256 = arith.constant 3328 : i32
      %dma_start3A_257 = tpu.memref_slice %arg7[%dma_start3A_256] : memref<4096xf32, #tpu.memory_space<vmem>> -> memref<128xf32, #tpu.memory_space<vmem>>
      %dma_start3A_258 = arith.constant 1280 : i32
      %dma_start3A_259 = tpu.memref_slice %arg5[%dma_start3A_255, %dma_start3A_258] : memref<2x2048xi32, #tpu.memory_space<vmem>> -> memref<1x128xi32, #tpu.memory_space<vmem>>
      %dma_start3A_260 = tpu.memref_squeeze %dma_start3A_259 : memref<1x128xi32, #tpu.memory_space<vmem>> -> memref<128xi32, #tpu.memory_space<vmem>>
      %dma_start3A_261 = arith.constant 0 : i32
      %dma_start3A_262 = tpu.memref_slice %arg2[%dma_start3A_261] : memref<2146689xf32, #tpu.memory_space<hbm>> -> memref<2146689xf32, #tpu.memory_space<hbm>>
      tpu.enqueue_indirect_dma source(%dma_start3A_262 : memref<2146689xf32, #tpu.memory_space<hbm>>) target(%dma_start3A_257 : memref<128xf32, #tpu.memory_space<vmem>>) offsets(%dma_start3A_260 : memref<128xi32, #tpu.memory_space<vmem>>) semaphore(%arg10 : memref<!tpu.dma_semaphore, #tpu.memory_space<semaphore_mem>>)
      %dma_start3A_263 = arith.constant 1 : i32
      %dma_start3A_264 = arith.constant 3456 : i32
      %dma_start3A_265 = tpu.memref_slice %arg7[%dma_start3A_264] : memref<4096xf32, #tpu.memory_space<vmem>> -> memref<128xf32, #tpu.memory_space<vmem>>
      %dma_start3A_266 = arith.constant 1408 : i32
      %dma_start3A_267 = tpu.memref_slice %arg5[%dma_start3A_263, %dma_start3A_266] : memref<2x2048xi32, #tpu.memory_space<vmem>> -> memref<1x128xi32, #tpu.memory_space<vmem>>
      %dma_start3A_268 = tpu.memref_squeeze %dma_start3A_267 : memref<1x128xi32, #tpu.memory_space<vmem>> -> memref<128xi32, #tpu.memory_space<vmem>>
      %dma_start3A_269 = arith.constant 0 : i32
      %dma_start3A_270 = tpu.memref_slice %arg2[%dma_start3A_269] : memref<2146689xf32, #tpu.memory_space<hbm>> -> memref<2146689xf32, #tpu.memory_space<hbm>>
      tpu.enqueue_indirect_dma source(%dma_start3A_270 : memref<2146689xf32, #tpu.memory_space<hbm>>) target(%dma_start3A_265 : memref<128xf32, #tpu.memory_space<vmem>>) offsets(%dma_start3A_268 : memref<128xi32, #tpu.memory_space<vmem>>) semaphore(%arg10 : memref<!tpu.dma_semaphore, #tpu.memory_space<semaphore_mem>>)
      %dma_start3A_271 = arith.constant 1 : i32
      %dma_start3A_272 = arith.constant 3584 : i32
      %dma_start3A_273 = tpu.memref_slice %arg7[%dma_start3A_272] : memref<4096xf32, #tpu.memory_space<vmem>> -> memref<128xf32, #tpu.memory_space<vmem>>
      %dma_start3A_274 = arith.constant 1536 : i32
      %dma_start3A_275 = tpu.memref_slice %arg5[%dma_start3A_271, %dma_start3A_274] : memref<2x2048xi32, #tpu.memory_space<vmem>> -> memref<1x128xi32, #tpu.memory_space<vmem>>
      %dma_start3A_276 = tpu.memref_squeeze %dma_start3A_275 : memref<1x128xi32, #tpu.memory_space<vmem>> -> memref<128xi32, #tpu.memory_space<vmem>>
      %dma_start3A_277 = arith.constant 0 : i32
      %dma_start3A_278 = tpu.memref_slice %arg2[%dma_start3A_277] : memref<2146689xf32, #tpu.memory_space<hbm>> -> memref<2146689xf32, #tpu.memory_space<hbm>>
      tpu.enqueue_indirect_dma source(%dma_start3A_278 : memref<2146689xf32, #tpu.memory_space<hbm>>) target(%dma_start3A_273 : memref<128xf32, #tpu.memory_space<vmem>>) offsets(%dma_start3A_276 : memref<128xi32, #tpu.memory_space<vmem>>) semaphore(%arg10 : memref<!tpu.dma_semaphore, #tpu.memory_space<semaphore_mem>>)
      %dma_start3A_279 = arith.constant 1 : i32
      %dma_start3A_280 = arith.constant 3712 : i32
      %dma_start3A_281 = tpu.memref_slice %arg7[%dma_start3A_280] : memref<4096xf32, #tpu.memory_space<vmem>> -> memref<128xf32, #tpu.memory_space<vmem>>
      %dma_start3A_282 = arith.constant 1664 : i32
      %dma_start3A_283 = tpu.memref_slice %arg5[%dma_start3A_279, %dma_start3A_282] : memref<2x2048xi32, #tpu.memory_space<vmem>> -> memref<1x128xi32, #tpu.memory_space<vmem>>
      %dma_start3A_284 = tpu.memref_squeeze %dma_start3A_283 : memref<1x128xi32, #tpu.memory_space<vmem>> -> memref<128xi32, #tpu.memory_space<vmem>>
      %dma_start3A_285 = arith.constant 0 : i32
      %dma_start3A_286 = tpu.memref_slice %arg2[%dma_start3A_285] : memref<2146689xf32, #tpu.memory_space<hbm>> -> memref<2146689xf32, #tpu.memory_space<hbm>>
      tpu.enqueue_indirect_dma source(%dma_start3A_286 : memref<2146689xf32, #tpu.memory_space<hbm>>) target(%dma_start3A_281 : memref<128xf32, #tpu.memory_space<vmem>>) offsets(%dma_start3A_284 : memref<128xi32, #tpu.memory_space<vmem>>) semaphore(%arg10 : memref<!tpu.dma_semaphore, #tpu.memory_space<semaphore_mem>>)
      %dma_start3A_287 = arith.constant 1 : i32
      %dma_start3A_288 = arith.constant 3840 : i32
      %dma_start3A_289 = tpu.memref_slice %arg7[%dma_start3A_288] : memref<4096xf32, #tpu.memory_space<vmem>> -> memref<128xf32, #tpu.memory_space<vmem>>
      %dma_start3A_290 = arith.constant 1792 : i32
      %dma_start3A_291 = tpu.memref_slice %arg5[%dma_start3A_287, %dma_start3A_290] : memref<2x2048xi32, #tpu.memory_space<vmem>> -> memref<1x128xi32, #tpu.memory_space<vmem>>
      %dma_start3A_292 = tpu.memref_squeeze %dma_start3A_291 : memref<1x128xi32, #tpu.memory_space<vmem>> -> memref<128xi32, #tpu.memory_space<vmem>>
      %dma_start3A_293 = arith.constant 0 : i32
      %dma_start3A_294 = tpu.memref_slice %arg2[%dma_start3A_293] : memref<2146689xf32, #tpu.memory_space<hbm>> -> memref<2146689xf32, #tpu.memory_space<hbm>>
      tpu.enqueue_indirect_dma source(%dma_start3A_294 : memref<2146689xf32, #tpu.memory_space<hbm>>) target(%dma_start3A_289 : memref<128xf32, #tpu.memory_space<vmem>>) offsets(%dma_start3A_292 : memref<128xi32, #tpu.memory_space<vmem>>) semaphore(%arg10 : memref<!tpu.dma_semaphore, #tpu.memory_space<semaphore_mem>>)
      %dma_start3A_295 = arith.constant 1 : i32
      %dma_start3A_296 = arith.constant 3968 : i32
      %dma_start3A_297 = tpu.memref_slice %arg7[%dma_start3A_296] : memref<4096xf32, #tpu.memory_space<vmem>> -> memref<128xf32, #tpu.memory_space<vmem>>
      %dma_start3A_298 = arith.constant 1920 : i32
      %dma_start3A_299 = tpu.memref_slice %arg5[%dma_start3A_295, %dma_start3A_298] : memref<2x2048xi32, #tpu.memory_space<vmem>> -> memref<1x128xi32, #tpu.memory_space<vmem>>
      %dma_start3A_300 = tpu.memref_squeeze %dma_start3A_299 : memref<1x128xi32, #tpu.memory_space<vmem>> -> memref<128xi32, #tpu.memory_space<vmem>>
      %dma_start3A_301 = arith.constant 0 : i32
      %dma_start3A_302 = tpu.memref_slice %arg2[%dma_start3A_301] : memref<2146689xf32, #tpu.memory_space<hbm>> -> memref<2146689xf32, #tpu.memory_space<hbm>>
      tpu.enqueue_indirect_dma source(%dma_start3A_302 : memref<2146689xf32, #tpu.memory_space<hbm>>) target(%dma_start3A_297 : memref<128xf32, #tpu.memory_space<vmem>>) offsets(%dma_start3A_300 : memref<128xi32, #tpu.memory_space<vmem>>) semaphore(%arg10 : memref<!tpu.dma_semaphore, #tpu.memory_space<semaphore_mem>>)
    } else {
    }
    %broadcast_in_dim3A = arith.constant 0.000000e+00 : f32
    %broadcast_in_dim3A_13 = vector.broadcast %broadcast_in_dim3A : f32 to vector<16xf32>
    %while3A = arith.constant 0 : i32
    %while3A_14 = arith.subi %add3A_4, %while3A : i32
    %while3A_15 = arith.addi %while3A, %while3A_14 : i32
    %while3A_16 = arith.constant 1 : i32
    %while3A_17 = arith.divsi %while3A_14, %while3A_16 : i32
    %while3A_18 = arith.muli %while3A_17, %while3A_16 : i32
    %while3A_19 = arith.addi %while3A, %while3A_18 : i32
    %while3A_20 = arith.constant 1 : i32
    %while3A_21:2 = scf.for %while3A_46 = %while3A to %while3A_19 step %while3A_20 iter_args(%while3A_47 = %broadcast_in_dim3A_13, %while3A_48 = %broadcast_in_dim3A_13) -> (vector<16xf32>, vector<16xf32>)  : i32 {
      %mul3A_49 = arith.constant 2 : i32
      %mul3A_50 = arith.muli %mul3A_49, %while3A_46 : i32
      %add3A_51 = arith.addi %mul3A_10, %mul3A_50 : i32
      %add3A_52 = arith.constant 1 : i32
      %add3A_53 = arith.addi %add3A_51, %add3A_52 : i32
      %mul3A_54 = arith.constant 2048 : i32
      %mul3A_55 = arith.muli %add3A_53, %mul3A_54 : i32
      "tpu.region"() ({
        %run_scoped3A = tpu.sem_alloc : memref<!tpu.dma_semaphore, #tpu.memory_space<semaphore_mem>>
        %dma_start3A_839 = arith.constant 0 : i32
        %dma_start3A_840 = arith.constant 0 : i32
        %dma_start3A_841 = tpu.memref_slice %arg6[%dma_start3A_839, %dma_start3A_840] : memref<2x2048xi32, #tpu.memory_space<vmem>> -> memref<2x2048xi32, #tpu.memory_space<vmem>>
        %dma_start3A_842 = arith.constant 0 : i32
        %dma_start3A_843 = tpu.memref_slice %arg3[%dma_start3A_842, %mul3A_55] : memref<2x6390144xi32, #tpu.memory_space<hbm>> -> memref<2x2048xi32, #tpu.memory_space<hbm>>
        %dma_start3A_844 = arith.constant 0 : i32
        %dma_start3A_845 = arith.constant 0 : i32
        %dma_start3A_846 = tpu.memref_slice %arg6[%dma_start3A_844, %dma_start3A_845] : memref<2x2048xi32, #tpu.memory_space<vmem>> -> memref<2x2048xi32, #tpu.memory_space<vmem>>
        %dma_start3A_847 = arith.constant 0 : i32
        %dma_start3A_848 = tpu.memref_slice %arg3[%dma_start3A_847, %mul3A_55] : memref<2x6390144xi32, #tpu.memory_space<hbm>> -> memref<2x2048xi32, #tpu.memory_space<hbm>>
        tpu.enqueue_dma source(%dma_start3A_848 : memref<2x2048xi32, #tpu.memory_space<hbm>>) target(%dma_start3A_846 : memref<2x2048xi32, #tpu.memory_space<vmem>>) target_semaphore(%run_scoped3A : memref<!tpu.dma_semaphore, #tpu.memory_space<semaphore_mem>>)
        %dma_wait3A_849 = arith.constant 0 : i32
        %dma_wait3A_850 = arith.constant 0 : i32
        %dma_wait3A_851 = tpu.memref_slice %arg6[%dma_wait3A_849, %dma_wait3A_850] : memref<2x2048xi32, #tpu.memory_space<vmem>> -> memref<2x2048xi32, #tpu.memory_space<vmem>>
        %dma_wait3A_852 = arith.constant 0 : i32
        %dma_wait3A_853 = tpu.memref_slice %arg3[%dma_wait3A_852, %mul3A_55] : memref<2x6390144xi32, #tpu.memory_space<hbm>> -> memref<2x2048xi32, #tpu.memory_space<hbm>>
        %dma_wait3A_854 = arith.constant 0 : i32
        %dma_wait3A_855 = arith.constant 0 : i32
        %dma_wait3A_856 = tpu.memref_slice %arg6[%dma_wait3A_854, %dma_wait3A_855] : memref<2x2048xi32, #tpu.memory_space<vmem>> -> memref<2x2048xi32, #tpu.memory_space<vmem>>
        %dma_wait3A_857 = arith.constant 0 : i32
        %dma_wait3A_858 = tpu.memref_slice %arg3[%dma_wait3A_857, %mul3A_55] : memref<2x6390144xi32, #tpu.memory_space<hbm>> -> memref<2x2048xi32, #tpu.memory_space<hbm>>
        tpu.wait_dma2 semaphore(%run_scoped3A : memref<!tpu.dma_semaphore, #tpu.memory_space<semaphore_mem>>) src(%dma_wait3A_858 : memref<2x2048xi32, #tpu.memory_space<hbm>>) dst(%dma_wait3A_856 : memref<2x2048xi32, #tpu.memory_space<vmem>>)
        tpu.yield
      }) : () -> ()
      %dma_start3A = arith.constant 0 : i32
      %dma_start3A_56 = arith.constant 0 : i32
      %dma_start3A_57 = tpu.memref_slice %arg8[%dma_start3A_56] : memref<4096xf32, #tpu.memory_space<vmem>> -> memref<128xf32, #tpu.memory_space<vmem>>
      %dma_start3A_58 = arith.constant 0 : i32
      %dma_start3A_59 = tpu.memref_slice %arg6[%dma_start3A, %dma_start3A_58] : memref<2x2048xi32, #tpu.memory_space<vmem>> -> memref<1x128xi32, #tpu.memory_space<vmem>>
      %dma_start3A_60 = tpu.memref_squeeze %dma_start3A_59 : memref<1x128xi32, #tpu.memory_space<vmem>> -> memref<128xi32, #tpu.memory_space<vmem>>
      %dma_start3A_61 = arith.constant 0 : i32
      %dma_start3A_62 = tpu.memref_slice %arg2[%dma_start3A_61] : memref<2146689xf32, #tpu.memory_space<hbm>> -> memref<2146689xf32, #tpu.memory_space<hbm>>
      tpu.enqueue_indirect_dma source(%dma_start3A_62 : memref<2146689xf32, #tpu.memory_space<hbm>>) target(%dma_start3A_57 : memref<128xf32, #tpu.memory_space<vmem>>) offsets(%dma_start3A_60 : memref<128xi32, #tpu.memory_space<vmem>>) semaphore(%arg11 : memref<!tpu.dma_semaphore, #tpu.memory_space<semaphore_mem>>)
      %dma_start3A_63 = arith.constant 0 : i32
      %dma_start3A_64 = arith.constant 128 : i32
      %dma_start3A_65 = tpu.memref_slice %arg8[%dma_start3A_64] : memref<4096xf32, #tpu.memory_space<vmem>> -> memref<128xf32, #tpu.memory_space<vmem>>
      %dma_start3A_66 = arith.constant 128 : i32
      %dma_start3A_67 = tpu.memref_slice %arg6[%dma_start3A_63, %dma_start3A_66] : memref<2x2048xi32, #tpu.memory_space<vmem>> -> memref<1x128xi32, #tpu.memory_space<vmem>>
      %dma_start3A_68 = tpu.memref_squeeze %dma_start3A_67 : memref<1x128xi32, #tpu.memory_space<vmem>> -> memref<128xi32, #tpu.memory_space<vmem>>
      %dma_start3A_69 = arith.constant 0 : i32
      %dma_start3A_70 = tpu.memref_slice %arg2[%dma_start3A_69] : memref<2146689xf32, #tpu.memory_space<hbm>> -> memref<2146689xf32, #tpu.memory_space<hbm>>
      tpu.enqueue_indirect_dma source(%dma_start3A_70 : memref<2146689xf32, #tpu.memory_space<hbm>>) target(%dma_start3A_65 : memref<128xf32, #tpu.memory_space<vmem>>) offsets(%dma_start3A_68 : memref<128xi32, #tpu.memory_space<vmem>>) semaphore(%arg11 : memref<!tpu.dma_semaphore, #tpu.memory_space<semaphore_mem>>)
      %dma_start3A_71 = arith.constant 0 : i32
      %dma_start3A_72 = arith.constant 256 : i32
      %dma_start3A_73 = tpu.memref_slice %arg8[%dma_start3A_72] : memref<4096xf32, #tpu.memory_space<vmem>> -> memref<128xf32, #tpu.memory_space<vmem>>
      %dma_start3A_74 = arith.constant 256 : i32
      %dma_start3A_75 = tpu.memref_slice %arg6[%dma_start3A_71, %dma_start3A_74] : memref<2x2048xi32, #tpu.memory_space<vmem>> -> memref<1x128xi32, #tpu.memory_space<vmem>>
      %dma_start3A_76 = tpu.memref_squeeze %dma_start3A_75 : memref<1x128xi32, #tpu.memory_space<vmem>> -> memref<128xi32, #tpu.memory_space<vmem>>
      %dma_start3A_77 = arith.constant 0 : i32
      %dma_start3A_78 = tpu.memref_slice %arg2[%dma_start3A_77] : memref<2146689xf32, #tpu.memory_space<hbm>> -> memref<2146689xf32, #tpu.memory_space<hbm>>
      tpu.enqueue_indirect_dma source(%dma_start3A_78 : memref<2146689xf32, #tpu.memory_space<hbm>>) target(%dma_start3A_73 : memref<128xf32, #tpu.memory_space<vmem>>) offsets(%dma_start3A_76 : memref<128xi32, #tpu.memory_space<vmem>>) semaphore(%arg11 : memref<!tpu.dma_semaphore, #tpu.memory_space<semaphore_mem>>)
      %dma_start3A_79 = arith.constant 0 : i32
      %dma_start3A_80 = arith.constant 384 : i32
      %dma_start3A_81 = tpu.memref_slice %arg8[%dma_start3A_80] : memref<4096xf32, #tpu.memory_space<vmem>> -> memref<128xf32, #tpu.memory_space<vmem>>
      %dma_start3A_82 = arith.constant 384 : i32
      %dma_start3A_83 = tpu.memref_slice %arg6[%dma_start3A_79, %dma_start3A_82] : memref<2x2048xi32, #tpu.memory_space<vmem>> -> memref<1x128xi32, #tpu.memory_space<vmem>>
      %dma_start3A_84 = tpu.memref_squeeze %dma_start3A_83 : memref<1x128xi32, #tpu.memory_space<vmem>> -> memref<128xi32, #tpu.memory_space<vmem>>
      %dma_start3A_85 = arith.constant 0 : i32
      %dma_start3A_86 = tpu.memref_slice %arg2[%dma_start3A_85] : memref<2146689xf32, #tpu.memory_space<hbm>> -> memref<2146689xf32, #tpu.memory_space<hbm>>
      tpu.enqueue_indirect_dma source(%dma_start3A_86 : memref<2146689xf32, #tpu.memory_space<hbm>>) target(%dma_start3A_81 : memref<128xf32, #tpu.memory_space<vmem>>) offsets(%dma_start3A_84 : memref<128xi32, #tpu.memory_space<vmem>>) semaphore(%arg11 : memref<!tpu.dma_semaphore, #tpu.memory_space<semaphore_mem>>)
      %dma_start3A_87 = arith.constant 0 : i32
      %dma_start3A_88 = arith.constant 512 : i32
      %dma_start3A_89 = tpu.memref_slice %arg8[%dma_start3A_88] : memref<4096xf32, #tpu.memory_space<vmem>> -> memref<128xf32, #tpu.memory_space<vmem>>
      %dma_start3A_90 = arith.constant 512 : i32
      %dma_start3A_91 = tpu.memref_slice %arg6[%dma_start3A_87, %dma_start3A_90] : memref<2x2048xi32, #tpu.memory_space<vmem>> -> memref<1x128xi32, #tpu.memory_space<vmem>>
      %dma_start3A_92 = tpu.memref_squeeze %dma_start3A_91 : memref<1x128xi32, #tpu.memory_space<vmem>> -> memref<128xi32, #tpu.memory_space<vmem>>
      %dma_start3A_93 = arith.constant 0 : i32
      %dma_start3A_94 = tpu.memref_slice %arg2[%dma_start3A_93] : memref<2146689xf32, #tpu.memory_space<hbm>> -> memref<2146689xf32, #tpu.memory_space<hbm>>
      tpu.enqueue_indirect_dma source(%dma_start3A_94 : memref<2146689xf32, #tpu.memory_space<hbm>>) target(%dma_start3A_89 : memref<128xf32, #tpu.memory_space<vmem>>) offsets(%dma_start3A_92 : memref<128xi32, #tpu.memory_space<vmem>>) semaphore(%arg11 : memref<!tpu.dma_semaphore, #tpu.memory_space<semaphore_mem>>)
      %dma_start3A_95 = arith.constant 0 : i32
      %dma_start3A_96 = arith.constant 640 : i32
      %dma_start3A_97 = tpu.memref_slice %arg8[%dma_start3A_96] : memref<4096xf32, #tpu.memory_space<vmem>> -> memref<128xf32, #tpu.memory_space<vmem>>
      %dma_start3A_98 = arith.constant 640 : i32
      %dma_start3A_99 = tpu.memref_slice %arg6[%dma_start3A_95, %dma_start3A_98] : memref<2x2048xi32, #tpu.memory_space<vmem>> -> memref<1x128xi32, #tpu.memory_space<vmem>>
      %dma_start3A_100 = tpu.memref_squeeze %dma_start3A_99 : memref<1x128xi32, #tpu.memory_space<vmem>> -> memref<128xi32, #tpu.memory_space<vmem>>
      %dma_start3A_101 = arith.constant 0 : i32
      %dma_start3A_102 = tpu.memref_slice %arg2[%dma_start3A_101] : memref<2146689xf32, #tpu.memory_space<hbm>> -> memref<2146689xf32, #tpu.memory_space<hbm>>
      tpu.enqueue_indirect_dma source(%dma_start3A_102 : memref<2146689xf32, #tpu.memory_space<hbm>>) target(%dma_start3A_97 : memref<128xf32, #tpu.memory_space<vmem>>) offsets(%dma_start3A_100 : memref<128xi32, #tpu.memory_space<vmem>>) semaphore(%arg11 : memref<!tpu.dma_semaphore, #tpu.memory_space<semaphore_mem>>)
      %dma_start3A_103 = arith.constant 0 : i32
      %dma_start3A_104 = arith.constant 768 : i32
      %dma_start3A_105 = tpu.memref_slice %arg8[%dma_start3A_104] : memref<4096xf32, #tpu.memory_space<vmem>> -> memref<128xf32, #tpu.memory_space<vmem>>
      %dma_start3A_106 = arith.constant 768 : i32
      %dma_start3A_107 = tpu.memref_slice %arg6[%dma_start3A_103, %dma_start3A_106] : memref<2x2048xi32, #tpu.memory_space<vmem>> -> memref<1x128xi32, #tpu.memory_space<vmem>>
      %dma_start3A_108 = tpu.memref_squeeze %dma_start3A_107 : memref<1x128xi32, #tpu.memory_space<vmem>> -> memref<128xi32, #tpu.memory_space<vmem>>
      %dma_start3A_109 = arith.constant 0 : i32
      %dma_start3A_110 = tpu.memref_slice %arg2[%dma_start3A_109] : memref<2146689xf32, #tpu.memory_space<hbm>> -> memref<2146689xf32, #tpu.memory_space<hbm>>
      tpu.enqueue_indirect_dma source(%dma_start3A_110 : memref<2146689xf32, #tpu.memory_space<hbm>>) target(%dma_start3A_105 : memref<128xf32, #tpu.memory_space<vmem>>) offsets(%dma_start3A_108 : memref<128xi32, #tpu.memory_space<vmem>>) semaphore(%arg11 : memref<!tpu.dma_semaphore, #tpu.memory_space<semaphore_mem>>)
      %dma_start3A_111 = arith.constant 0 : i32
      %dma_start3A_112 = arith.constant 896 : i32
      %dma_start3A_113 = tpu.memref_slice %arg8[%dma_start3A_112] : memref<4096xf32, #tpu.memory_space<vmem>> -> memref<128xf32, #tpu.memory_space<vmem>>
      %dma_start3A_114 = arith.constant 896 : i32
      %dma_start3A_115 = tpu.memref_slice %arg6[%dma_start3A_111, %dma_start3A_114] : memref<2x2048xi32, #tpu.memory_space<vmem>> -> memref<1x128xi32, #tpu.memory_space<vmem>>
      %dma_start3A_116 = tpu.memref_squeeze %dma_start3A_115 : memref<1x128xi32, #tpu.memory_space<vmem>> -> memref<128xi32, #tpu.memory_space<vmem>>
      %dma_start3A_117 = arith.constant 0 : i32
      %dma_start3A_118 = tpu.memref_slice %arg2[%dma_start3A_117] : memref<2146689xf32, #tpu.memory_space<hbm>> -> memref<2146689xf32, #tpu.memory_space<hbm>>
      tpu.enqueue_indirect_dma source(%dma_start3A_118 : memref<2146689xf32, #tpu.memory_space<hbm>>) target(%dma_start3A_113 : memref<128xf32, #tpu.memory_space<vmem>>) offsets(%dma_start3A_116 : memref<128xi32, #tpu.memory_space<vmem>>) semaphore(%arg11 : memref<!tpu.dma_semaphore, #tpu.memory_space<semaphore_mem>>)
      %dma_start3A_119 = arith.constant 0 : i32
      %dma_start3A_120 = arith.constant 1024 : i32
      %dma_start3A_121 = tpu.memref_slice %arg8[%dma_start3A_120] : memref<4096xf32, #tpu.memory_space<vmem>> -> memref<128xf32, #tpu.memory_space<vmem>>
      %dma_start3A_122 = arith.constant 1024 : i32
      %dma_start3A_123 = tpu.memref_slice %arg6[%dma_start3A_119, %dma_start3A_122] : memref<2x2048xi32, #tpu.memory_space<vmem>> -> memref<1x128xi32, #tpu.memory_space<vmem>>
      %dma_start3A_124 = tpu.memref_squeeze %dma_start3A_123 : memref<1x128xi32, #tpu.memory_space<vmem>> -> memref<128xi32, #tpu.memory_space<vmem>>
      %dma_start3A_125 = arith.constant 0 : i32
      %dma_start3A_126 = tpu.memref_slice %arg2[%dma_start3A_125] : memref<2146689xf32, #tpu.memory_space<hbm>> -> memref<2146689xf32, #tpu.memory_space<hbm>>
      tpu.enqueue_indirect_dma source(%dma_start3A_126 : memref<2146689xf32, #tpu.memory_space<hbm>>) target(%dma_start3A_121 : memref<128xf32, #tpu.memory_space<vmem>>) offsets(%dma_start3A_124 : memref<128xi32, #tpu.memory_space<vmem>>) semaphore(%arg11 : memref<!tpu.dma_semaphore, #tpu.memory_space<semaphore_mem>>)
      %dma_start3A_127 = arith.constant 0 : i32
      %dma_start3A_128 = arith.constant 1152 : i32
      %dma_start3A_129 = tpu.memref_slice %arg8[%dma_start3A_128] : memref<4096xf32, #tpu.memory_space<vmem>> -> memref<128xf32, #tpu.memory_space<vmem>>
      %dma_start3A_130 = arith.constant 1152 : i32
      %dma_start3A_131 = tpu.memref_slice %arg6[%dma_start3A_127, %dma_start3A_130] : memref<2x2048xi32, #tpu.memory_space<vmem>> -> memref<1x128xi32, #tpu.memory_space<vmem>>
      %dma_start3A_132 = tpu.memref_squeeze %dma_start3A_131 : memref<1x128xi32, #tpu.memory_space<vmem>> -> memref<128xi32, #tpu.memory_space<vmem>>
      %dma_start3A_133 = arith.constant 0 : i32
      %dma_start3A_134 = tpu.memref_slice %arg2[%dma_start3A_133] : memref<2146689xf32, #tpu.memory_space<hbm>> -> memref<2146689xf32, #tpu.memory_space<hbm>>
      tpu.enqueue_indirect_dma source(%dma_start3A_134 : memref<2146689xf32, #tpu.memory_space<hbm>>) target(%dma_start3A_129 : memref<128xf32, #tpu.memory_space<vmem>>) offsets(%dma_start3A_132 : memref<128xi32, #tpu.memory_space<vmem>>) semaphore(%arg11 : memref<!tpu.dma_semaphore, #tpu.memory_space<semaphore_mem>>)
      %dma_start3A_135 = arith.constant 0 : i32
      %dma_start3A_136 = arith.constant 1280 : i32
      %dma_start3A_137 = tpu.memref_slice %arg8[%dma_start3A_136] : memref<4096xf32, #tpu.memory_space<vmem>> -> memref<128xf32, #tpu.memory_space<vmem>>
      %dma_start3A_138 = arith.constant 1280 : i32
      %dma_start3A_139 = tpu.memref_slice %arg6[%dma_start3A_135, %dma_start3A_138] : memref<2x2048xi32, #tpu.memory_space<vmem>> -> memref<1x128xi32, #tpu.memory_space<vmem>>
      %dma_start3A_140 = tpu.memref_squeeze %dma_start3A_139 : memref<1x128xi32, #tpu.memory_space<vmem>> -> memref<128xi32, #tpu.memory_space<vmem>>
      %dma_start3A_141 = arith.constant 0 : i32
      %dma_start3A_142 = tpu.memref_slice %arg2[%dma_start3A_141] : memref<2146689xf32, #tpu.memory_space<hbm>> -> memref<2146689xf32, #tpu.memory_space<hbm>>
      tpu.enqueue_indirect_dma source(%dma_start3A_142 : memref<2146689xf32, #tpu.memory_space<hbm>>) target(%dma_start3A_137 : memref<128xf32, #tpu.memory_space<vmem>>) offsets(%dma_start3A_140 : memref<128xi32, #tpu.memory_space<vmem>>) semaphore(%arg11 : memref<!tpu.dma_semaphore, #tpu.memory_space<semaphore_mem>>)
      %dma_start3A_143 = arith.constant 0 : i32
      %dma_start3A_144 = arith.constant 1408 : i32
      %dma_start3A_145 = tpu.memref_slice %arg8[%dma_start3A_144] : memref<4096xf32, #tpu.memory_space<vmem>> -> memref<128xf32, #tpu.memory_space<vmem>>
      %dma_start3A_146 = arith.constant 1408 : i32
      %dma_start3A_147 = tpu.memref_slice %arg6[%dma_start3A_143, %dma_start3A_146] : memref<2x2048xi32, #tpu.memory_space<vmem>> -> memref<1x128xi32, #tpu.memory_space<vmem>>
      %dma_start3A_148 = tpu.memref_squeeze %dma_start3A_147 : memref<1x128xi32, #tpu.memory_space<vmem>> -> memref<128xi32, #tpu.memory_space<vmem>>
      %dma_start3A_149 = arith.constant 0 : i32
      %dma_start3A_150 = tpu.memref_slice %arg2[%dma_start3A_149] : memref<2146689xf32, #tpu.memory_space<hbm>> -> memref<2146689xf32, #tpu.memory_space<hbm>>
      tpu.enqueue_indirect_dma source(%dma_start3A_150 : memref<2146689xf32, #tpu.memory_space<hbm>>) target(%dma_start3A_145 : memref<128xf32, #tpu.memory_space<vmem>>) offsets(%dma_start3A_148 : memref<128xi32, #tpu.memory_space<vmem>>) semaphore(%arg11 : memref<!tpu.dma_semaphore, #tpu.memory_space<semaphore_mem>>)
      %dma_start3A_151 = arith.constant 0 : i32
      %dma_start3A_152 = arith.constant 1536 : i32
      %dma_start3A_153 = tpu.memref_slice %arg8[%dma_start3A_152] : memref<4096xf32, #tpu.memory_space<vmem>> -> memref<128xf32, #tpu.memory_space<vmem>>
      %dma_start3A_154 = arith.constant 1536 : i32
      %dma_start3A_155 = tpu.memref_slice %arg6[%dma_start3A_151, %dma_start3A_154] : memref<2x2048xi32, #tpu.memory_space<vmem>> -> memref<1x128xi32, #tpu.memory_space<vmem>>
      %dma_start3A_156 = tpu.memref_squeeze %dma_start3A_155 : memref<1x128xi32, #tpu.memory_space<vmem>> -> memref<128xi32, #tpu.memory_space<vmem>>
      %dma_start3A_157 = arith.constant 0 : i32
      %dma_start3A_158 = tpu.memref_slice %arg2[%dma_start3A_157] : memref<2146689xf32, #tpu.memory_space<hbm>> -> memref<2146689xf32, #tpu.memory_space<hbm>>
      tpu.enqueue_indirect_dma source(%dma_start3A_158 : memref<2146689xf32, #tpu.memory_space<hbm>>) target(%dma_start3A_153 : memref<128xf32, #tpu.memory_space<vmem>>) offsets(%dma_start3A_156 : memref<128xi32, #tpu.memory_space<vmem>>) semaphore(%arg11 : memref<!tpu.dma_semaphore, #tpu.memory_space<semaphore_mem>>)
      %dma_start3A_159 = arith.constant 0 : i32
      %dma_start3A_160 = arith.constant 1664 : i32
      %dma_start3A_161 = tpu.memref_slice %arg8[%dma_start3A_160] : memref<4096xf32, #tpu.memory_space<vmem>> -> memref<128xf32, #tpu.memory_space<vmem>>
      %dma_start3A_162 = arith.constant 1664 : i32
      %dma_start3A_163 = tpu.memref_slice %arg6[%dma_start3A_159, %dma_start3A_162] : memref<2x2048xi32, #tpu.memory_space<vmem>> -> memref<1x128xi32, #tpu.memory_space<vmem>>
      %dma_start3A_164 = tpu.memref_squeeze %dma_start3A_163 : memref<1x128xi32, #tpu.memory_space<vmem>> -> memref<128xi32, #tpu.memory_space<vmem>>
      %dma_start3A_165 = arith.constant 0 : i32
      %dma_start3A_166 = tpu.memref_slice %arg2[%dma_start3A_165] : memref<2146689xf32, #tpu.memory_space<hbm>> -> memref<2146689xf32, #tpu.memory_space<hbm>>
      tpu.enqueue_indirect_dma source(%dma_start3A_166 : memref<2146689xf32, #tpu.memory_space<hbm>>) target(%dma_start3A_161 : memref<128xf32, #tpu.memory_space<vmem>>) offsets(%dma_start3A_164 : memref<128xi32, #tpu.memory_space<vmem>>) semaphore(%arg11 : memref<!tpu.dma_semaphore, #tpu.memory_space<semaphore_mem>>)
      %dma_start3A_167 = arith.constant 0 : i32
      %dma_start3A_168 = arith.constant 1792 : i32
      %dma_start3A_169 = tpu.memref_slice %arg8[%dma_start3A_168] : memref<4096xf32, #tpu.memory_space<vmem>> -> memref<128xf32, #tpu.memory_space<vmem>>
      %dma_start3A_170 = arith.constant 1792 : i32
      %dma_start3A_171 = tpu.memref_slice %arg6[%dma_start3A_167, %dma_start3A_170] : memref<2x2048xi32, #tpu.memory_space<vmem>> -> memref<1x128xi32, #tpu.memory_space<vmem>>
      %dma_start3A_172 = tpu.memref_squeeze %dma_start3A_171 : memref<1x128xi32, #tpu.memory_space<vmem>> -> memref<128xi32, #tpu.memory_space<vmem>>
      %dma_start3A_173 = arith.constant 0 : i32
      %dma_start3A_174 = tpu.memref_slice %arg2[%dma_start3A_173] : memref<2146689xf32, #tpu.memory_space<hbm>> -> memref<2146689xf32, #tpu.memory_space<hbm>>
      tpu.enqueue_indirect_dma source(%dma_start3A_174 : memref<2146689xf32, #tpu.memory_space<hbm>>) target(%dma_start3A_169 : memref<128xf32, #tpu.memory_space<vmem>>) offsets(%dma_start3A_172 : memref<128xi32, #tpu.memory_space<vmem>>) semaphore(%arg11 : memref<!tpu.dma_semaphore, #tpu.memory_space<semaphore_mem>>)
      %dma_start3A_175 = arith.constant 0 : i32
      %dma_start3A_176 = arith.constant 1920 : i32
      %dma_start3A_177 = tpu.memref_slice %arg8[%dma_start3A_176] : memref<4096xf32, #tpu.memory_space<vmem>> -> memref<128xf32, #tpu.memory_space<vmem>>
      %dma_start3A_178 = arith.constant 1920 : i32
      %dma_start3A_179 = tpu.memref_slice %arg6[%dma_start3A_175, %dma_start3A_178] : memref<2x2048xi32, #tpu.memory_space<vmem>> -> memref<1x128xi32, #tpu.memory_space<vmem>>
      %dma_start3A_180 = tpu.memref_squeeze %dma_start3A_179 : memref<1x128xi32, #tpu.memory_space<vmem>> -> memref<128xi32, #tpu.memory_space<vmem>>
      %dma_start3A_181 = arith.constant 0 : i32
      %dma_start3A_182 = tpu.memref_slice %arg2[%dma_start3A_181] : memref<2146689xf32, #tpu.memory_space<hbm>> -> memref<2146689xf32, #tpu.memory_space<hbm>>
      tpu.enqueue_indirect_dma source(%dma_start3A_182 : memref<2146689xf32, #tpu.memory_space<hbm>>) target(%dma_start3A_177 : memref<128xf32, #tpu.memory_space<vmem>>) offsets(%dma_start3A_180 : memref<128xi32, #tpu.memory_space<vmem>>) semaphore(%arg11 : memref<!tpu.dma_semaphore, #tpu.memory_space<semaphore_mem>>)
      %dma_start3A_183 = arith.constant 1 : i32
      %dma_start3A_184 = arith.constant 2048 : i32
      %dma_start3A_185 = tpu.memref_slice %arg8[%dma_start3A_184] : memref<4096xf32, #tpu.memory_space<vmem>> -> memref<128xf32, #tpu.memory_space<vmem>>
      %dma_start3A_186 = arith.constant 0 : i32
      %dma_start3A_187 = tpu.memref_slice %arg6[%dma_start3A_183, %dma_start3A_186] : memref<2x2048xi32, #tpu.memory_space<vmem>> -> memref<1x128xi32, #tpu.memory_space<vmem>>
      %dma_start3A_188 = tpu.memref_squeeze %dma_start3A_187 : memref<1x128xi32, #tpu.memory_space<vmem>> -> memref<128xi32, #tpu.memory_space<vmem>>
      %dma_start3A_189 = arith.constant 0 : i32
      %dma_start3A_190 = tpu.memref_slice %arg2[%dma_start3A_189] : memref<2146689xf32, #tpu.memory_space<hbm>> -> memref<2146689xf32, #tpu.memory_space<hbm>>
      tpu.enqueue_indirect_dma source(%dma_start3A_190 : memref<2146689xf32, #tpu.memory_space<hbm>>) target(%dma_start3A_185 : memref<128xf32, #tpu.memory_space<vmem>>) offsets(%dma_start3A_188 : memref<128xi32, #tpu.memory_space<vmem>>) semaphore(%arg11 : memref<!tpu.dma_semaphore, #tpu.memory_space<semaphore_mem>>)
      %dma_start3A_191 = arith.constant 1 : i32
      %dma_start3A_192 = arith.constant 2176 : i32
      %dma_start3A_193 = tpu.memref_slice %arg8[%dma_start3A_192] : memref<4096xf32, #tpu.memory_space<vmem>> -> memref<128xf32, #tpu.memory_space<vmem>>
      %dma_start3A_194 = arith.constant 128 : i32
      %dma_start3A_195 = tpu.memref_slice %arg6[%dma_start3A_191, %dma_start3A_194] : memref<2x2048xi32, #tpu.memory_space<vmem>> -> memref<1x128xi32, #tpu.memory_space<vmem>>
      %dma_start3A_196 = tpu.memref_squeeze %dma_start3A_195 : memref<1x128xi32, #tpu.memory_space<vmem>> -> memref<128xi32, #tpu.memory_space<vmem>>
      %dma_start3A_197 = arith.constant 0 : i32
      %dma_start3A_198 = tpu.memref_slice %arg2[%dma_start3A_197] : memref<2146689xf32, #tpu.memory_space<hbm>> -> memref<2146689xf32, #tpu.memory_space<hbm>>
      tpu.enqueue_indirect_dma source(%dma_start3A_198 : memref<2146689xf32, #tpu.memory_space<hbm>>) target(%dma_start3A_193 : memref<128xf32, #tpu.memory_space<vmem>>) offsets(%dma_start3A_196 : memref<128xi32, #tpu.memory_space<vmem>>) semaphore(%arg11 : memref<!tpu.dma_semaphore, #tpu.memory_space<semaphore_mem>>)
      %dma_start3A_199 = arith.constant 1 : i32
      %dma_start3A_200 = arith.constant 2304 : i32
      %dma_start3A_201 = tpu.memref_slice %arg8[%dma_start3A_200] : memref<4096xf32, #tpu.memory_space<vmem>> -> memref<128xf32, #tpu.memory_space<vmem>>
      %dma_start3A_202 = arith.constant 256 : i32
      %dma_start3A_203 = tpu.memref_slice %arg6[%dma_start3A_199, %dma_start3A_202] : memref<2x2048xi32, #tpu.memory_space<vmem>> -> memref<1x128xi32, #tpu.memory_space<vmem>>
      %dma_start3A_204 = tpu.memref_squeeze %dma_start3A_203 : memref<1x128xi32, #tpu.memory_space<vmem>> -> memref<128xi32, #tpu.memory_space<vmem>>
      %dma_start3A_205 = arith.constant 0 : i32
      %dma_start3A_206 = tpu.memref_slice %arg2[%dma_start3A_205] : memref<2146689xf32, #tpu.memory_space<hbm>> -> memref<2146689xf32, #tpu.memory_space<hbm>>
      tpu.enqueue_indirect_dma source(%dma_start3A_206 : memref<2146689xf32, #tpu.memory_space<hbm>>) target(%dma_start3A_201 : memref<128xf32, #tpu.memory_space<vmem>>) offsets(%dma_start3A_204 : memref<128xi32, #tpu.memory_space<vmem>>) semaphore(%arg11 : memref<!tpu.dma_semaphore, #tpu.memory_space<semaphore_mem>>)
      %dma_start3A_207 = arith.constant 1 : i32
      %dma_start3A_208 = arith.constant 2432 : i32
      %dma_start3A_209 = tpu.memref_slice %arg8[%dma_start3A_208] : memref<4096xf32, #tpu.memory_space<vmem>> -> memref<128xf32, #tpu.memory_space<vmem>>
      %dma_start3A_210 = arith.constant 384 : i32
      %dma_start3A_211 = tpu.memref_slice %arg6[%dma_start3A_207, %dma_start3A_210] : memref<2x2048xi32, #tpu.memory_space<vmem>> -> memref<1x128xi32, #tpu.memory_space<vmem>>
      %dma_start3A_212 = tpu.memref_squeeze %dma_start3A_211 : memref<1x128xi32, #tpu.memory_space<vmem>> -> memref<128xi32, #tpu.memory_space<vmem>>
      %dma_start3A_213 = arith.constant 0 : i32
      %dma_start3A_214 = tpu.memref_slice %arg2[%dma_start3A_213] : memref<2146689xf32, #tpu.memory_space<hbm>> -> memref<2146689xf32, #tpu.memory_space<hbm>>
      tpu.enqueue_indirect_dma source(%dma_start3A_214 : memref<2146689xf32, #tpu.memory_space<hbm>>) target(%dma_start3A_209 : memref<128xf32, #tpu.memory_space<vmem>>) offsets(%dma_start3A_212 : memref<128xi32, #tpu.memory_space<vmem>>) semaphore(%arg11 : memref<!tpu.dma_semaphore, #tpu.memory_space<semaphore_mem>>)
      %dma_start3A_215 = arith.constant 1 : i32
      %dma_start3A_216 = arith.constant 2560 : i32
      %dma_start3A_217 = tpu.memref_slice %arg8[%dma_start3A_216] : memref<4096xf32, #tpu.memory_space<vmem>> -> memref<128xf32, #tpu.memory_space<vmem>>
      %dma_start3A_218 = arith.constant 512 : i32
      %dma_start3A_219 = tpu.memref_slice %arg6[%dma_start3A_215, %dma_start3A_218] : memref<2x2048xi32, #tpu.memory_space<vmem>> -> memref<1x128xi32, #tpu.memory_space<vmem>>
      %dma_start3A_220 = tpu.memref_squeeze %dma_start3A_219 : memref<1x128xi32, #tpu.memory_space<vmem>> -> memref<128xi32, #tpu.memory_space<vmem>>
      %dma_start3A_221 = arith.constant 0 : i32
      %dma_start3A_222 = tpu.memref_slice %arg2[%dma_start3A_221] : memref<2146689xf32, #tpu.memory_space<hbm>> -> memref<2146689xf32, #tpu.memory_space<hbm>>
      tpu.enqueue_indirect_dma source(%dma_start3A_222 : memref<2146689xf32, #tpu.memory_space<hbm>>) target(%dma_start3A_217 : memref<128xf32, #tpu.memory_space<vmem>>) offsets(%dma_start3A_220 : memref<128xi32, #tpu.memory_space<vmem>>) semaphore(%arg11 : memref<!tpu.dma_semaphore, #tpu.memory_space<semaphore_mem>>)
      %dma_start3A_223 = arith.constant 1 : i32
      %dma_start3A_224 = arith.constant 2688 : i32
      %dma_start3A_225 = tpu.memref_slice %arg8[%dma_start3A_224] : memref<4096xf32, #tpu.memory_space<vmem>> -> memref<128xf32, #tpu.memory_space<vmem>>
      %dma_start3A_226 = arith.constant 640 : i32
      %dma_start3A_227 = tpu.memref_slice %arg6[%dma_start3A_223, %dma_start3A_226] : memref<2x2048xi32, #tpu.memory_space<vmem>> -> memref<1x128xi32, #tpu.memory_space<vmem>>
      %dma_start3A_228 = tpu.memref_squeeze %dma_start3A_227 : memref<1x128xi32, #tpu.memory_space<vmem>> -> memref<128xi32, #tpu.memory_space<vmem>>
      %dma_start3A_229 = arith.constant 0 : i32
      %dma_start3A_230 = tpu.memref_slice %arg2[%dma_start3A_229] : memref<2146689xf32, #tpu.memory_space<hbm>> -> memref<2146689xf32, #tpu.memory_space<hbm>>
      tpu.enqueue_indirect_dma source(%dma_start3A_230 : memref<2146689xf32, #tpu.memory_space<hbm>>) target(%dma_start3A_225 : memref<128xf32, #tpu.memory_space<vmem>>) offsets(%dma_start3A_228 : memref<128xi32, #tpu.memory_space<vmem>>) semaphore(%arg11 : memref<!tpu.dma_semaphore, #tpu.memory_space<semaphore_mem>>)
      %dma_start3A_231 = arith.constant 1 : i32
      %dma_start3A_232 = arith.constant 2816 : i32
      %dma_start3A_233 = tpu.memref_slice %arg8[%dma_start3A_232] : memref<4096xf32, #tpu.memory_space<vmem>> -> memref<128xf32, #tpu.memory_space<vmem>>
      %dma_start3A_234 = arith.constant 768 : i32
      %dma_start3A_235 = tpu.memref_slice %arg6[%dma_start3A_231, %dma_start3A_234] : memref<2x2048xi32, #tpu.memory_space<vmem>> -> memref<1x128xi32, #tpu.memory_space<vmem>>
      %dma_start3A_236 = tpu.memref_squeeze %dma_start3A_235 : memref<1x128xi32, #tpu.memory_space<vmem>> -> memref<128xi32, #tpu.memory_space<vmem>>
      %dma_start3A_237 = arith.constant 0 : i32
      %dma_start3A_238 = tpu.memref_slice %arg2[%dma_start3A_237] : memref<2146689xf32, #tpu.memory_space<hbm>> -> memref<2146689xf32, #tpu.memory_space<hbm>>
      tpu.enqueue_indirect_dma source(%dma_start3A_238 : memref<2146689xf32, #tpu.memory_space<hbm>>) target(%dma_start3A_233 : memref<128xf32, #tpu.memory_space<vmem>>) offsets(%dma_start3A_236 : memref<128xi32, #tpu.memory_space<vmem>>) semaphore(%arg11 : memref<!tpu.dma_semaphore, #tpu.memory_space<semaphore_mem>>)
      %dma_start3A_239 = arith.constant 1 : i32
      %dma_start3A_240 = arith.constant 2944 : i32
      %dma_start3A_241 = tpu.memref_slice %arg8[%dma_start3A_240] : memref<4096xf32, #tpu.memory_space<vmem>> -> memref<128xf32, #tpu.memory_space<vmem>>
      %dma_start3A_242 = arith.constant 896 : i32
      %dma_start3A_243 = tpu.memref_slice %arg6[%dma_start3A_239, %dma_start3A_242] : memref<2x2048xi32, #tpu.memory_space<vmem>> -> memref<1x128xi32, #tpu.memory_space<vmem>>
      %dma_start3A_244 = tpu.memref_squeeze %dma_start3A_243 : memref<1x128xi32, #tpu.memory_space<vmem>> -> memref<128xi32, #tpu.memory_space<vmem>>
      %dma_start3A_245 = arith.constant 0 : i32
      %dma_start3A_246 = tpu.memref_slice %arg2[%dma_start3A_245] : memref<2146689xf32, #tpu.memory_space<hbm>> -> memref<2146689xf32, #tpu.memory_space<hbm>>
      tpu.enqueue_indirect_dma source(%dma_start3A_246 : memref<2146689xf32, #tpu.memory_space<hbm>>) target(%dma_start3A_241 : memref<128xf32, #tpu.memory_space<vmem>>) offsets(%dma_start3A_244 : memref<128xi32, #tpu.memory_space<vmem>>) semaphore(%arg11 : memref<!tpu.dma_semaphore, #tpu.memory_space<semaphore_mem>>)
      %dma_start3A_247 = arith.constant 1 : i32
      %dma_start3A_248 = arith.constant 3072 : i32
      %dma_start3A_249 = tpu.memref_slice %arg8[%dma_start3A_248] : memref<4096xf32, #tpu.memory_space<vmem>> -> memref<128xf32, #tpu.memory_space<vmem>>
      %dma_start3A_250 = arith.constant 1024 : i32
      %dma_start3A_251 = tpu.memref_slice %arg6[%dma_start3A_247, %dma_start3A_250] : memref<2x2048xi32, #tpu.memory_space<vmem>> -> memref<1x128xi32, #tpu.memory_space<vmem>>
      %dma_start3A_252 = tpu.memref_squeeze %dma_start3A_251 : memref<1x128xi32, #tpu.memory_space<vmem>> -> memref<128xi32, #tpu.memory_space<vmem>>
      %dma_start3A_253 = arith.constant 0 : i32
      %dma_start3A_254 = tpu.memref_slice %arg2[%dma_start3A_253] : memref<2146689xf32, #tpu.memory_space<hbm>> -> memref<2146689xf32, #tpu.memory_space<hbm>>
      tpu.enqueue_indirect_dma source(%dma_start3A_254 : memref<2146689xf32, #tpu.memory_space<hbm>>) target(%dma_start3A_249 : memref<128xf32, #tpu.memory_space<vmem>>) offsets(%dma_start3A_252 : memref<128xi32, #tpu.memory_space<vmem>>) semaphore(%arg11 : memref<!tpu.dma_semaphore, #tpu.memory_space<semaphore_mem>>)
      %dma_start3A_255 = arith.constant 1 : i32
      %dma_start3A_256 = arith.constant 3200 : i32
      %dma_start3A_257 = tpu.memref_slice %arg8[%dma_start3A_256] : memref<4096xf32, #tpu.memory_space<vmem>> -> memref<128xf32, #tpu.memory_space<vmem>>
      %dma_start3A_258 = arith.constant 1152 : i32
      %dma_start3A_259 = tpu.memref_slice %arg6[%dma_start3A_255, %dma_start3A_258] : memref<2x2048xi32, #tpu.memory_space<vmem>> -> memref<1x128xi32, #tpu.memory_space<vmem>>
      %dma_start3A_260 = tpu.memref_squeeze %dma_start3A_259 : memref<1x128xi32, #tpu.memory_space<vmem>> -> memref<128xi32, #tpu.memory_space<vmem>>
      %dma_start3A_261 = arith.constant 0 : i32
      %dma_start3A_262 = tpu.memref_slice %arg2[%dma_start3A_261] : memref<2146689xf32, #tpu.memory_space<hbm>> -> memref<2146689xf32, #tpu.memory_space<hbm>>
      tpu.enqueue_indirect_dma source(%dma_start3A_262 : memref<2146689xf32, #tpu.memory_space<hbm>>) target(%dma_start3A_257 : memref<128xf32, #tpu.memory_space<vmem>>) offsets(%dma_start3A_260 : memref<128xi32, #tpu.memory_space<vmem>>) semaphore(%arg11 : memref<!tpu.dma_semaphore, #tpu.memory_space<semaphore_mem>>)
      %dma_start3A_263 = arith.constant 1 : i32
      %dma_start3A_264 = arith.constant 3328 : i32
      %dma_start3A_265 = tpu.memref_slice %arg8[%dma_start3A_264] : memref<4096xf32, #tpu.memory_space<vmem>> -> memref<128xf32, #tpu.memory_space<vmem>>
      %dma_start3A_266 = arith.constant 1280 : i32
      %dma_start3A_267 = tpu.memref_slice %arg6[%dma_start3A_263, %dma_start3A_266] : memref<2x2048xi32, #tpu.memory_space<vmem>> -> memref<1x128xi32, #tpu.memory_space<vmem>>
      %dma_start3A_268 = tpu.memref_squeeze %dma_start3A_267 : memref<1x128xi32, #tpu.memory_space<vmem>> -> memref<128xi32, #tpu.memory_space<vmem>>
      %dma_start3A_269 = arith.constant 0 : i32
      %dma_start3A_270 = tpu.memref_slice %arg2[%dma_start3A_269] : memref<2146689xf32, #tpu.memory_space<hbm>> -> memref<2146689xf32, #tpu.memory_space<hbm>>
      tpu.enqueue_indirect_dma source(%dma_start3A_270 : memref<2146689xf32, #tpu.memory_space<hbm>>) target(%dma_start3A_265 : memref<128xf32, #tpu.memory_space<vmem>>) offsets(%dma_start3A_268 : memref<128xi32, #tpu.memory_space<vmem>>) semaphore(%arg11 : memref<!tpu.dma_semaphore, #tpu.memory_space<semaphore_mem>>)
      %dma_start3A_271 = arith.constant 1 : i32
      %dma_start3A_272 = arith.constant 3456 : i32
      %dma_start3A_273 = tpu.memref_slice %arg8[%dma_start3A_272] : memref<4096xf32, #tpu.memory_space<vmem>> -> memref<128xf32, #tpu.memory_space<vmem>>
      %dma_start3A_274 = arith.constant 1408 : i32
      %dma_start3A_275 = tpu.memref_slice %arg6[%dma_start3A_271, %dma_start3A_274] : memref<2x2048xi32, #tpu.memory_space<vmem>> -> memref<1x128xi32, #tpu.memory_space<vmem>>
      %dma_start3A_276 = tpu.memref_squeeze %dma_start3A_275 : memref<1x128xi32, #tpu.memory_space<vmem>> -> memref<128xi32, #tpu.memory_space<vmem>>
      %dma_start3A_277 = arith.constant 0 : i32
      %dma_start3A_278 = tpu.memref_slice %arg2[%dma_start3A_277] : memref<2146689xf32, #tpu.memory_space<hbm>> -> memref<2146689xf32, #tpu.memory_space<hbm>>
      tpu.enqueue_indirect_dma source(%dma_start3A_278 : memref<2146689xf32, #tpu.memory_space<hbm>>) target(%dma_start3A_273 : memref<128xf32, #tpu.memory_space<vmem>>) offsets(%dma_start3A_276 : memref<128xi32, #tpu.memory_space<vmem>>) semaphore(%arg11 : memref<!tpu.dma_semaphore, #tpu.memory_space<semaphore_mem>>)
      %dma_start3A_279 = arith.constant 1 : i32
      %dma_start3A_280 = arith.constant 3584 : i32
      %dma_start3A_281 = tpu.memref_slice %arg8[%dma_start3A_280] : memref<4096xf32, #tpu.memory_space<vmem>> -> memref<128xf32, #tpu.memory_space<vmem>>
      %dma_start3A_282 = arith.constant 1536 : i32
      %dma_start3A_283 = tpu.memref_slice %arg6[%dma_start3A_279, %dma_start3A_282] : memref<2x2048xi32, #tpu.memory_space<vmem>> -> memref<1x128xi32, #tpu.memory_space<vmem>>
      %dma_start3A_284 = tpu.memref_squeeze %dma_start3A_283 : memref<1x128xi32, #tpu.memory_space<vmem>> -> memref<128xi32, #tpu.memory_space<vmem>>
      %dma_start3A_285 = arith.constant 0 : i32
      %dma_start3A_286 = tpu.memref_slice %arg2[%dma_start3A_285] : memref<2146689xf32, #tpu.memory_space<hbm>> -> memref<2146689xf32, #tpu.memory_space<hbm>>
      tpu.enqueue_indirect_dma source(%dma_start3A_286 : memref<2146689xf32, #tpu.memory_space<hbm>>) target(%dma_start3A_281 : memref<128xf32, #tpu.memory_space<vmem>>) offsets(%dma_start3A_284 : memref<128xi32, #tpu.memory_space<vmem>>) semaphore(%arg11 : memref<!tpu.dma_semaphore, #tpu.memory_space<semaphore_mem>>)
      %dma_start3A_287 = arith.constant 1 : i32
      %dma_start3A_288 = arith.constant 3712 : i32
      %dma_start3A_289 = tpu.memref_slice %arg8[%dma_start3A_288] : memref<4096xf32, #tpu.memory_space<vmem>> -> memref<128xf32, #tpu.memory_space<vmem>>
      %dma_start3A_290 = arith.constant 1664 : i32
      %dma_start3A_291 = tpu.memref_slice %arg6[%dma_start3A_287, %dma_start3A_290] : memref<2x2048xi32, #tpu.memory_space<vmem>> -> memref<1x128xi32, #tpu.memory_space<vmem>>
      %dma_start3A_292 = tpu.memref_squeeze %dma_start3A_291 : memref<1x128xi32, #tpu.memory_space<vmem>> -> memref<128xi32, #tpu.memory_space<vmem>>
      %dma_start3A_293 = arith.constant 0 : i32
      %dma_start3A_294 = tpu.memref_slice %arg2[%dma_start3A_293] : memref<2146689xf32, #tpu.memory_space<hbm>> -> memref<2146689xf32, #tpu.memory_space<hbm>>
      tpu.enqueue_indirect_dma source(%dma_start3A_294 : memref<2146689xf32, #tpu.memory_space<hbm>>) target(%dma_start3A_289 : memref<128xf32, #tpu.memory_space<vmem>>) offsets(%dma_start3A_292 : memref<128xi32, #tpu.memory_space<vmem>>) semaphore(%arg11 : memref<!tpu.dma_semaphore, #tpu.memory_space<semaphore_mem>>)
      %dma_start3A_295 = arith.constant 1 : i32
      %dma_start3A_296 = arith.constant 3840 : i32
      %dma_start3A_297 = tpu.memref_slice %arg8[%dma_start3A_296] : memref<4096xf32, #tpu.memory_space<vmem>> -> memref<128xf32, #tpu.memory_space<vmem>>
      %dma_start3A_298 = arith.constant 1792 : i32
      %dma_start3A_299 = tpu.memref_slice %arg6[%dma_start3A_295, %dma_start3A_298] : memref<2x2048xi32, #tpu.memory_space<vmem>> -> memref<1x128xi32, #tpu.memory_space<vmem>>
      %dma_start3A_300 = tpu.memref_squeeze %dma_start3A_299 : memref<1x128xi32, #tpu.memory_space<vmem>> -> memref<128xi32, #tpu.memory_space<vmem>>
      %dma_start3A_301 = arith.constant 0 : i32
      %dma_start3A_302 = tpu.memref_slice %arg2[%dma_start3A_301] : memref<2146689xf32, #tpu.memory_space<hbm>> -> memref<2146689xf32, #tpu.memory_space<hbm>>
      tpu.enqueue_indirect_dma source(%dma_start3A_302 : memref<2146689xf32, #tpu.memory_space<hbm>>) target(%dma_start3A_297 : memref<128xf32, #tpu.memory_space<vmem>>) offsets(%dma_start3A_300 : memref<128xi32, #tpu.memory_space<vmem>>) semaphore(%arg11 : memref<!tpu.dma_semaphore, #tpu.memory_space<semaphore_mem>>)
      %dma_start3A_303 = arith.constant 1 : i32
      %dma_start3A_304 = arith.constant 3968 : i32
      %dma_start3A_305 = tpu.memref_slice %arg8[%dma_start3A_304] : memref<4096xf32, #tpu.memory_space<vmem>> -> memref<128xf32, #tpu.memory_space<vmem>>
      %dma_start3A_306 = arith.constant 1920 : i32
      %dma_start3A_307 = tpu.memref_slice %arg6[%dma_start3A_303, %dma_start3A_306] : memref<2x2048xi32, #tpu.memory_space<vmem>> -> memref<1x128xi32, #tpu.memory_space<vmem>>
      %dma_start3A_308 = tpu.memref_squeeze %dma_start3A_307 : memref<1x128xi32, #tpu.memory_space<vmem>> -> memref<128xi32, #tpu.memory_space<vmem>>
      %dma_start3A_309 = arith.constant 0 : i32
      %dma_start3A_310 = tpu.memref_slice %arg2[%dma_start3A_309] : memref<2146689xf32, #tpu.memory_space<hbm>> -> memref<2146689xf32, #tpu.memory_space<hbm>>
      tpu.enqueue_indirect_dma source(%dma_start3A_310 : memref<2146689xf32, #tpu.memory_space<hbm>>) target(%dma_start3A_305 : memref<128xf32, #tpu.memory_space<vmem>>) offsets(%dma_start3A_308 : memref<128xi32, #tpu.memory_space<vmem>>) semaphore(%arg11 : memref<!tpu.dma_semaphore, #tpu.memory_space<semaphore_mem>>)
      %dma_wait3A = arith.constant 0 : i32
      %dma_wait3A_311 = arith.constant 0 : i32
      %dma_wait3A_312 = tpu.memref_slice %arg7[%dma_wait3A_311] : memref<4096xf32, #tpu.memory_space<vmem>> -> memref<128xf32, #tpu.memory_space<vmem>>
      %dma_wait3A_313 = arith.constant 0 : i32
      %dma_wait3A_314 = tpu.memref_slice %arg5[%dma_wait3A, %dma_wait3A_313] : memref<2x2048xi32, #tpu.memory_space<vmem>> -> memref<1x128xi32, #tpu.memory_space<vmem>>
      %dma_wait3A_315 = tpu.memref_squeeze %dma_wait3A_314 : memref<1x128xi32, #tpu.memory_space<vmem>> -> memref<128xi32, #tpu.memory_space<vmem>>
      %dma_wait3A_316 = arith.constant 0 : i32
      %dma_wait3A_317 = tpu.memref_slice %arg2[%dma_wait3A_316] : memref<2146689xf32, #tpu.memory_space<hbm>> -> memref<2146689xf32, #tpu.memory_space<hbm>>
      tpu.wait_indirect_dma semaphore(%arg10 : memref<!tpu.dma_semaphore, #tpu.memory_space<semaphore_mem>>) src(%dma_wait3A_317 : memref<2146689xf32, #tpu.memory_space<hbm>>) dst(%dma_wait3A_312 : memref<128xf32, #tpu.memory_space<vmem>>)
      %dma_wait3A_318 = arith.constant 0 : i32
      %dma_wait3A_319 = arith.constant 128 : i32
      %dma_wait3A_320 = tpu.memref_slice %arg7[%dma_wait3A_319] : memref<4096xf32, #tpu.memory_space<vmem>> -> memref<128xf32, #tpu.memory_space<vmem>>
      %dma_wait3A_321 = arith.constant 128 : i32
      %dma_wait3A_322 = tpu.memref_slice %arg5[%dma_wait3A_318, %dma_wait3A_321] : memref<2x2048xi32, #tpu.memory_space<vmem>> -> memref<1x128xi32, #tpu.memory_space<vmem>>
      %dma_wait3A_323 = tpu.memref_squeeze %dma_wait3A_322 : memref<1x128xi32, #tpu.memory_space<vmem>> -> memref<128xi32, #tpu.memory_space<vmem>>
      %dma_wait3A_324 = arith.constant 0 : i32
      %dma_wait3A_325 = tpu.memref_slice %arg2[%dma_wait3A_324] : memref<2146689xf32, #tpu.memory_space<hbm>> -> memref<2146689xf32, #tpu.memory_space<hbm>>
      tpu.wait_indirect_dma semaphore(%arg10 : memref<!tpu.dma_semaphore, #tpu.memory_space<semaphore_mem>>) src(%dma_wait3A_325 : memref<2146689xf32, #tpu.memory_space<hbm>>) dst(%dma_wait3A_320 : memref<128xf32, #tpu.memory_space<vmem>>)
      %dma_wait3A_326 = arith.constant 0 : i32
      %dma_wait3A_327 = arith.constant 256 : i32
      %dma_wait3A_328 = tpu.memref_slice %arg7[%dma_wait3A_327] : memref<4096xf32, #tpu.memory_space<vmem>> -> memref<128xf32, #tpu.memory_space<vmem>>
      %dma_wait3A_329 = arith.constant 256 : i32
      %dma_wait3A_330 = tpu.memref_slice %arg5[%dma_wait3A_326, %dma_wait3A_329] : memref<2x2048xi32, #tpu.memory_space<vmem>> -> memref<1x128xi32, #tpu.memory_space<vmem>>
      %dma_wait3A_331 = tpu.memref_squeeze %dma_wait3A_330 : memref<1x128xi32, #tpu.memory_space<vmem>> -> memref<128xi32, #tpu.memory_space<vmem>>
      %dma_wait3A_332 = arith.constant 0 : i32
      %dma_wait3A_333 = tpu.memref_slice %arg2[%dma_wait3A_332] : memref<2146689xf32, #tpu.memory_space<hbm>> -> memref<2146689xf32, #tpu.memory_space<hbm>>
      tpu.wait_indirect_dma semaphore(%arg10 : memref<!tpu.dma_semaphore, #tpu.memory_space<semaphore_mem>>) src(%dma_wait3A_333 : memref<2146689xf32, #tpu.memory_space<hbm>>) dst(%dma_wait3A_328 : memref<128xf32, #tpu.memory_space<vmem>>)
      %dma_wait3A_334 = arith.constant 0 : i32
      %dma_wait3A_335 = arith.constant 384 : i32
      %dma_wait3A_336 = tpu.memref_slice %arg7[%dma_wait3A_335] : memref<4096xf32, #tpu.memory_space<vmem>> -> memref<128xf32, #tpu.memory_space<vmem>>
      %dma_wait3A_337 = arith.constant 384 : i32
      %dma_wait3A_338 = tpu.memref_slice %arg5[%dma_wait3A_334, %dma_wait3A_337] : memref<2x2048xi32, #tpu.memory_space<vmem>> -> memref<1x128xi32, #tpu.memory_space<vmem>>
      %dma_wait3A_339 = tpu.memref_squeeze %dma_wait3A_338 : memref<1x128xi32, #tpu.memory_space<vmem>> -> memref<128xi32, #tpu.memory_space<vmem>>
      %dma_wait3A_340 = arith.constant 0 : i32
      %dma_wait3A_341 = tpu.memref_slice %arg2[%dma_wait3A_340] : memref<2146689xf32, #tpu.memory_space<hbm>> -> memref<2146689xf32, #tpu.memory_space<hbm>>
      tpu.wait_indirect_dma semaphore(%arg10 : memref<!tpu.dma_semaphore, #tpu.memory_space<semaphore_mem>>) src(%dma_wait3A_341 : memref<2146689xf32, #tpu.memory_space<hbm>>) dst(%dma_wait3A_336 : memref<128xf32, #tpu.memory_space<vmem>>)
      %dma_wait3A_342 = arith.constant 0 : i32
      %dma_wait3A_343 = arith.constant 512 : i32
      %dma_wait3A_344 = tpu.memref_slice %arg7[%dma_wait3A_343] : memref<4096xf32, #tpu.memory_space<vmem>> -> memref<128xf32, #tpu.memory_space<vmem>>
      %dma_wait3A_345 = arith.constant 512 : i32
      %dma_wait3A_346 = tpu.memref_slice %arg5[%dma_wait3A_342, %dma_wait3A_345] : memref<2x2048xi32, #tpu.memory_space<vmem>> -> memref<1x128xi32, #tpu.memory_space<vmem>>
      %dma_wait3A_347 = tpu.memref_squeeze %dma_wait3A_346 : memref<1x128xi32, #tpu.memory_space<vmem>> -> memref<128xi32, #tpu.memory_space<vmem>>
      %dma_wait3A_348 = arith.constant 0 : i32
      %dma_wait3A_349 = tpu.memref_slice %arg2[%dma_wait3A_348] : memref<2146689xf32, #tpu.memory_space<hbm>> -> memref<2146689xf32, #tpu.memory_space<hbm>>
      tpu.wait_indirect_dma semaphore(%arg10 : memref<!tpu.dma_semaphore, #tpu.memory_space<semaphore_mem>>) src(%dma_wait3A_349 : memref<2146689xf32, #tpu.memory_space<hbm>>) dst(%dma_wait3A_344 : memref<128xf32, #tpu.memory_space<vmem>>)
      %dma_wait3A_350 = arith.constant 0 : i32
      %dma_wait3A_351 = arith.constant 640 : i32
      %dma_wait3A_352 = tpu.memref_slice %arg7[%dma_wait3A_351] : memref<4096xf32, #tpu.memory_space<vmem>> -> memref<128xf32, #tpu.memory_space<vmem>>
      %dma_wait3A_353 = arith.constant 640 : i32
      %dma_wait3A_354 = tpu.memref_slice %arg5[%dma_wait3A_350, %dma_wait3A_353] : memref<2x2048xi32, #tpu.memory_space<vmem>> -> memref<1x128xi32, #tpu.memory_space<vmem>>
      %dma_wait3A_355 = tpu.memref_squeeze %dma_wait3A_354 : memref<1x128xi32, #tpu.memory_space<vmem>> -> memref<128xi32, #tpu.memory_space<vmem>>
      %dma_wait3A_356 = arith.constant 0 : i32
      %dma_wait3A_357 = tpu.memref_slice %arg2[%dma_wait3A_356] : memref<2146689xf32, #tpu.memory_space<hbm>> -> memref<2146689xf32, #tpu.memory_space<hbm>>
      tpu.wait_indirect_dma semaphore(%arg10 : memref<!tpu.dma_semaphore, #tpu.memory_space<semaphore_mem>>) src(%dma_wait3A_357 : memref<2146689xf32, #tpu.memory_space<hbm>>) dst(%dma_wait3A_352 : memref<128xf32, #tpu.memory_space<vmem>>)
      %dma_wait3A_358 = arith.constant 0 : i32
      %dma_wait3A_359 = arith.constant 768 : i32
      %dma_wait3A_360 = tpu.memref_slice %arg7[%dma_wait3A_359] : memref<4096xf32, #tpu.memory_space<vmem>> -> memref<128xf32, #tpu.memory_space<vmem>>
      %dma_wait3A_361 = arith.constant 768 : i32
      %dma_wait3A_362 = tpu.memref_slice %arg5[%dma_wait3A_358, %dma_wait3A_361] : memref<2x2048xi32, #tpu.memory_space<vmem>> -> memref<1x128xi32, #tpu.memory_space<vmem>>
      %dma_wait3A_363 = tpu.memref_squeeze %dma_wait3A_362 : memref<1x128xi32, #tpu.memory_space<vmem>> -> memref<128xi32, #tpu.memory_space<vmem>>
      %dma_wait3A_364 = arith.constant 0 : i32
      %dma_wait3A_365 = tpu.memref_slice %arg2[%dma_wait3A_364] : memref<2146689xf32, #tpu.memory_space<hbm>> -> memref<2146689xf32, #tpu.memory_space<hbm>>
      tpu.wait_indirect_dma semaphore(%arg10 : memref<!tpu.dma_semaphore, #tpu.memory_space<semaphore_mem>>) src(%dma_wait3A_365 : memref<2146689xf32, #tpu.memory_space<hbm>>) dst(%dma_wait3A_360 : memref<128xf32, #tpu.memory_space<vmem>>)
      %dma_wait3A_366 = arith.constant 0 : i32
      %dma_wait3A_367 = arith.constant 896 : i32
      %dma_wait3A_368 = tpu.memref_slice %arg7[%dma_wait3A_367] : memref<4096xf32, #tpu.memory_space<vmem>> -> memref<128xf32, #tpu.memory_space<vmem>>
      %dma_wait3A_369 = arith.constant 896 : i32
      %dma_wait3A_370 = tpu.memref_slice %arg5[%dma_wait3A_366, %dma_wait3A_369] : memref<2x2048xi32, #tpu.memory_space<vmem>> -> memref<1x128xi32, #tpu.memory_space<vmem>>
      %dma_wait3A_371 = tpu.memref_squeeze %dma_wait3A_370 : memref<1x128xi32, #tpu.memory_space<vmem>> -> memref<128xi32, #tpu.memory_space<vmem>>
      %dma_wait3A_372 = arith.constant 0 : i32
      %dma_wait3A_373 = tpu.memref_slice %arg2[%dma_wait3A_372] : memref<2146689xf32, #tpu.memory_space<hbm>> -> memref<2146689xf32, #tpu.memory_space<hbm>>
      tpu.wait_indirect_dma semaphore(%arg10 : memref<!tpu.dma_semaphore, #tpu.memory_space<semaphore_mem>>) src(%dma_wait3A_373 : memref<2146689xf32, #tpu.memory_space<hbm>>) dst(%dma_wait3A_368 : memref<128xf32, #tpu.memory_space<vmem>>)
      %dma_wait3A_374 = arith.constant 0 : i32
      %dma_wait3A_375 = arith.constant 1024 : i32
      %dma_wait3A_376 = tpu.memref_slice %arg7[%dma_wait3A_375] : memref<4096xf32, #tpu.memory_space<vmem>> -> memref<128xf32, #tpu.memory_space<vmem>>
      %dma_wait3A_377 = arith.constant 1024 : i32
      %dma_wait3A_378 = tpu.memref_slice %arg5[%dma_wait3A_374, %dma_wait3A_377] : memref<2x2048xi32, #tpu.memory_space<vmem>> -> memref<1x128xi32, #tpu.memory_space<vmem>>
      %dma_wait3A_379 = tpu.memref_squeeze %dma_wait3A_378 : memref<1x128xi32, #tpu.memory_space<vmem>> -> memref<128xi32, #tpu.memory_space<vmem>>
      %dma_wait3A_380 = arith.constant 0 : i32
      %dma_wait3A_381 = tpu.memref_slice %arg2[%dma_wait3A_380] : memref<2146689xf32, #tpu.memory_space<hbm>> -> memref<2146689xf32, #tpu.memory_space<hbm>>
      tpu.wait_indirect_dma semaphore(%arg10 : memref<!tpu.dma_semaphore, #tpu.memory_space<semaphore_mem>>) src(%dma_wait3A_381 : memref<2146689xf32, #tpu.memory_space<hbm>>) dst(%dma_wait3A_376 : memref<128xf32, #tpu.memory_space<vmem>>)
      %dma_wait3A_382 = arith.constant 0 : i32
      %dma_wait3A_383 = arith.constant 1152 : i32
      %dma_wait3A_384 = tpu.memref_slice %arg7[%dma_wait3A_383] : memref<4096xf32, #tpu.memory_space<vmem>> -> memref<128xf32, #tpu.memory_space<vmem>>
      %dma_wait3A_385 = arith.constant 1152 : i32
      %dma_wait3A_386 = tpu.memref_slice %arg5[%dma_wait3A_382, %dma_wait3A_385] : memref<2x2048xi32, #tpu.memory_space<vmem>> -> memref<1x128xi32, #tpu.memory_space<vmem>>
      %dma_wait3A_387 = tpu.memref_squeeze %dma_wait3A_386 : memref<1x128xi32, #tpu.memory_space<vmem>> -> memref<128xi32, #tpu.memory_space<vmem>>
      %dma_wait3A_388 = arith.constant 0 : i32
      %dma_wait3A_389 = tpu.memref_slice %arg2[%dma_wait3A_388] : memref<2146689xf32, #tpu.memory_space<hbm>> -> memref<2146689xf32, #tpu.memory_space<hbm>>
      tpu.wait_indirect_dma semaphore(%arg10 : memref<!tpu.dma_semaphore, #tpu.memory_space<semaphore_mem>>) src(%dma_wait3A_389 : memref<2146689xf32, #tpu.memory_space<hbm>>) dst(%dma_wait3A_384 : memref<128xf32, #tpu.memory_space<vmem>>)
      %dma_wait3A_390 = arith.constant 0 : i32
      %dma_wait3A_391 = arith.constant 1280 : i32
      %dma_wait3A_392 = tpu.memref_slice %arg7[%dma_wait3A_391] : memref<4096xf32, #tpu.memory_space<vmem>> -> memref<128xf32, #tpu.memory_space<vmem>>
      %dma_wait3A_393 = arith.constant 1280 : i32
      %dma_wait3A_394 = tpu.memref_slice %arg5[%dma_wait3A_390, %dma_wait3A_393] : memref<2x2048xi32, #tpu.memory_space<vmem>> -> memref<1x128xi32, #tpu.memory_space<vmem>>
      %dma_wait3A_395 = tpu.memref_squeeze %dma_wait3A_394 : memref<1x128xi32, #tpu.memory_space<vmem>> -> memref<128xi32, #tpu.memory_space<vmem>>
      %dma_wait3A_396 = arith.constant 0 : i32
      %dma_wait3A_397 = tpu.memref_slice %arg2[%dma_wait3A_396] : memref<2146689xf32, #tpu.memory_space<hbm>> -> memref<2146689xf32, #tpu.memory_space<hbm>>
      tpu.wait_indirect_dma semaphore(%arg10 : memref<!tpu.dma_semaphore, #tpu.memory_space<semaphore_mem>>) src(%dma_wait3A_397 : memref<2146689xf32, #tpu.memory_space<hbm>>) dst(%dma_wait3A_392 : memref<128xf32, #tpu.memory_space<vmem>>)
      %dma_wait3A_398 = arith.constant 0 : i32
      %dma_wait3A_399 = arith.constant 1408 : i32
      %dma_wait3A_400 = tpu.memref_slice %arg7[%dma_wait3A_399] : memref<4096xf32, #tpu.memory_space<vmem>> -> memref<128xf32, #tpu.memory_space<vmem>>
      %dma_wait3A_401 = arith.constant 1408 : i32
      %dma_wait3A_402 = tpu.memref_slice %arg5[%dma_wait3A_398, %dma_wait3A_401] : memref<2x2048xi32, #tpu.memory_space<vmem>> -> memref<1x128xi32, #tpu.memory_space<vmem>>
      %dma_wait3A_403 = tpu.memref_squeeze %dma_wait3A_402 : memref<1x128xi32, #tpu.memory_space<vmem>> -> memref<128xi32, #tpu.memory_space<vmem>>
      %dma_wait3A_404 = arith.constant 0 : i32
      %dma_wait3A_405 = tpu.memref_slice %arg2[%dma_wait3A_404] : memref<2146689xf32, #tpu.memory_space<hbm>> -> memref<2146689xf32, #tpu.memory_space<hbm>>
      tpu.wait_indirect_dma semaphore(%arg10 : memref<!tpu.dma_semaphore, #tpu.memory_space<semaphore_mem>>) src(%dma_wait3A_405 : memref<2146689xf32, #tpu.memory_space<hbm>>) dst(%dma_wait3A_400 : memref<128xf32, #tpu.memory_space<vmem>>)
      %dma_wait3A_406 = arith.constant 0 : i32
      %dma_wait3A_407 = arith.constant 1536 : i32
      %dma_wait3A_408 = tpu.memref_slice %arg7[%dma_wait3A_407] : memref<4096xf32, #tpu.memory_space<vmem>> -> memref<128xf32, #tpu.memory_space<vmem>>
      %dma_wait3A_409 = arith.constant 1536 : i32
      %dma_wait3A_410 = tpu.memref_slice %arg5[%dma_wait3A_406, %dma_wait3A_409] : memref<2x2048xi32, #tpu.memory_space<vmem>> -> memref<1x128xi32, #tpu.memory_space<vmem>>
      %dma_wait3A_411 = tpu.memref_squeeze %dma_wait3A_410 : memref<1x128xi32, #tpu.memory_space<vmem>> -> memref<128xi32, #tpu.memory_space<vmem>>
      %dma_wait3A_412 = arith.constant 0 : i32
      %dma_wait3A_413 = tpu.memref_slice %arg2[%dma_wait3A_412] : memref<2146689xf32, #tpu.memory_space<hbm>> -> memref<2146689xf32, #tpu.memory_space<hbm>>
      tpu.wait_indirect_dma semaphore(%arg10 : memref<!tpu.dma_semaphore, #tpu.memory_space<semaphore_mem>>) src(%dma_wait3A_413 : memref<2146689xf32, #tpu.memory_space<hbm>>) dst(%dma_wait3A_408 : memref<128xf32, #tpu.memory_space<vmem>>)
      %dma_wait3A_414 = arith.constant 0 : i32
      %dma_wait3A_415 = arith.constant 1664 : i32
      %dma_wait3A_416 = tpu.memref_slice %arg7[%dma_wait3A_415] : memref<4096xf32, #tpu.memory_space<vmem>> -> memref<128xf32, #tpu.memory_space<vmem>>
      %dma_wait3A_417 = arith.constant 1664 : i32
      %dma_wait3A_418 = tpu.memref_slice %arg5[%dma_wait3A_414, %dma_wait3A_417] : memref<2x2048xi32, #tpu.memory_space<vmem>> -> memref<1x128xi32, #tpu.memory_space<vmem>>
      %dma_wait3A_419 = tpu.memref_squeeze %dma_wait3A_418 : memref<1x128xi32, #tpu.memory_space<vmem>> -> memref<128xi32, #tpu.memory_space<vmem>>
      %dma_wait3A_420 = arith.constant 0 : i32
      %dma_wait3A_421 = tpu.memref_slice %arg2[%dma_wait3A_420] : memref<2146689xf32, #tpu.memory_space<hbm>> -> memref<2146689xf32, #tpu.memory_space<hbm>>
      tpu.wait_indirect_dma semaphore(%arg10 : memref<!tpu.dma_semaphore, #tpu.memory_space<semaphore_mem>>) src(%dma_wait3A_421 : memref<2146689xf32, #tpu.memory_space<hbm>>) dst(%dma_wait3A_416 : memref<128xf32, #tpu.memory_space<vmem>>)
      %dma_wait3A_422 = arith.constant 0 : i32
      %dma_wait3A_423 = arith.constant 1792 : i32
      %dma_wait3A_424 = tpu.memref_slice %arg7[%dma_wait3A_423] : memref<4096xf32, #tpu.memory_space<vmem>> -> memref<128xf32, #tpu.memory_space<vmem>>
      %dma_wait3A_425 = arith.constant 1792 : i32
      %dma_wait3A_426 = tpu.memref_slice %arg5[%dma_wait3A_422, %dma_wait3A_425] : memref<2x2048xi32, #tpu.memory_space<vmem>> -> memref<1x128xi32, #tpu.memory_space<vmem>>
      %dma_wait3A_427 = tpu.memref_squeeze %dma_wait3A_426 : memref<1x128xi32, #tpu.memory_space<vmem>> -> memref<128xi32, #tpu.memory_space<vmem>>
      %dma_wait3A_428 = arith.constant 0 : i32
      %dma_wait3A_429 = tpu.memref_slice %arg2[%dma_wait3A_428] : memref<2146689xf32, #tpu.memory_space<hbm>> -> memref<2146689xf32, #tpu.memory_space<hbm>>
      tpu.wait_indirect_dma semaphore(%arg10 : memref<!tpu.dma_semaphore, #tpu.memory_space<semaphore_mem>>) src(%dma_wait3A_429 : memref<2146689xf32, #tpu.memory_space<hbm>>) dst(%dma_wait3A_424 : memref<128xf32, #tpu.memory_space<vmem>>)
      %dma_wait3A_430 = arith.constant 0 : i32
      %dma_wait3A_431 = arith.constant 1920 : i32
      %dma_wait3A_432 = tpu.memref_slice %arg7[%dma_wait3A_431] : memref<4096xf32, #tpu.memory_space<vmem>> -> memref<128xf32, #tpu.memory_space<vmem>>
      %dma_wait3A_433 = arith.constant 1920 : i32
      %dma_wait3A_434 = tpu.memref_slice %arg5[%dma_wait3A_430, %dma_wait3A_433] : memref<2x2048xi32, #tpu.memory_space<vmem>> -> memref<1x128xi32, #tpu.memory_space<vmem>>
      %dma_wait3A_435 = tpu.memref_squeeze %dma_wait3A_434 : memref<1x128xi32, #tpu.memory_space<vmem>> -> memref<128xi32, #tpu.memory_space<vmem>>
      %dma_wait3A_436 = arith.constant 0 : i32
      %dma_wait3A_437 = tpu.memref_slice %arg2[%dma_wait3A_436] : memref<2146689xf32, #tpu.memory_space<hbm>> -> memref<2146689xf32, #tpu.memory_space<hbm>>
      tpu.wait_indirect_dma semaphore(%arg10 : memref<!tpu.dma_semaphore, #tpu.memory_space<semaphore_mem>>) src(%dma_wait3A_437 : memref<2146689xf32, #tpu.memory_space<hbm>>) dst(%dma_wait3A_432 : memref<128xf32, #tpu.memory_space<vmem>>)
      %dma_wait3A_438 = arith.constant 1 : i32
      %dma_wait3A_439 = arith.constant 2048 : i32
      %dma_wait3A_440 = tpu.memref_slice %arg7[%dma_wait3A_439] : memref<4096xf32, #tpu.memory_space<vmem>> -> memref<128xf32, #tpu.memory_space<vmem>>
      %dma_wait3A_441 = arith.constant 0 : i32
      %dma_wait3A_442 = tpu.memref_slice %arg5[%dma_wait3A_438, %dma_wait3A_441] : memref<2x2048xi32, #tpu.memory_space<vmem>> -> memref<1x128xi32, #tpu.memory_space<vmem>>
      %dma_wait3A_443 = tpu.memref_squeeze %dma_wait3A_442 : memref<1x128xi32, #tpu.memory_space<vmem>> -> memref<128xi32, #tpu.memory_space<vmem>>
      %dma_wait3A_444 = arith.constant 0 : i32
      %dma_wait3A_445 = tpu.memref_slice %arg2[%dma_wait3A_444] : memref<2146689xf32, #tpu.memory_space<hbm>> -> memref<2146689xf32, #tpu.memory_space<hbm>>
      tpu.wait_indirect_dma semaphore(%arg10 : memref<!tpu.dma_semaphore, #tpu.memory_space<semaphore_mem>>) src(%dma_wait3A_445 : memref<2146689xf32, #tpu.memory_space<hbm>>) dst(%dma_wait3A_440 : memref<128xf32, #tpu.memory_space<vmem>>)
      %dma_wait3A_446 = arith.constant 1 : i32
      %dma_wait3A_447 = arith.constant 2176 : i32
      %dma_wait3A_448 = tpu.memref_slice %arg7[%dma_wait3A_447] : memref<4096xf32, #tpu.memory_space<vmem>> -> memref<128xf32, #tpu.memory_space<vmem>>
      %dma_wait3A_449 = arith.constant 128 : i32
      %dma_wait3A_450 = tpu.memref_slice %arg5[%dma_wait3A_446, %dma_wait3A_449] : memref<2x2048xi32, #tpu.memory_space<vmem>> -> memref<1x128xi32, #tpu.memory_space<vmem>>
      %dma_wait3A_451 = tpu.memref_squeeze %dma_wait3A_450 : memref<1x128xi32, #tpu.memory_space<vmem>> -> memref<128xi32, #tpu.memory_space<vmem>>
      %dma_wait3A_452 = arith.constant 0 : i32
      %dma_wait3A_453 = tpu.memref_slice %arg2[%dma_wait3A_452] : memref<2146689xf32, #tpu.memory_space<hbm>> -> memref<2146689xf32, #tpu.memory_space<hbm>>
      tpu.wait_indirect_dma semaphore(%arg10 : memref<!tpu.dma_semaphore, #tpu.memory_space<semaphore_mem>>) src(%dma_wait3A_453 : memref<2146689xf32, #tpu.memory_space<hbm>>) dst(%dma_wait3A_448 : memref<128xf32, #tpu.memory_space<vmem>>)
      %dma_wait3A_454 = arith.constant 1 : i32
      %dma_wait3A_455 = arith.constant 2304 : i32
      %dma_wait3A_456 = tpu.memref_slice %arg7[%dma_wait3A_455] : memref<4096xf32, #tpu.memory_space<vmem>> -> memref<128xf32, #tpu.memory_space<vmem>>
      %dma_wait3A_457 = arith.constant 256 : i32
      %dma_wait3A_458 = tpu.memref_slice %arg5[%dma_wait3A_454, %dma_wait3A_457] : memref<2x2048xi32, #tpu.memory_space<vmem>> -> memref<1x128xi32, #tpu.memory_space<vmem>>
      %dma_wait3A_459 = tpu.memref_squeeze %dma_wait3A_458 : memref<1x128xi32, #tpu.memory_space<vmem>> -> memref<128xi32, #tpu.memory_space<vmem>>
      %dma_wait3A_460 = arith.constant 0 : i32
      %dma_wait3A_461 = tpu.memref_slice %arg2[%dma_wait3A_460] : memref<2146689xf32, #tpu.memory_space<hbm>> -> memref<2146689xf32, #tpu.memory_space<hbm>>
      tpu.wait_indirect_dma semaphore(%arg10 : memref<!tpu.dma_semaphore, #tpu.memory_space<semaphore_mem>>) src(%dma_wait3A_461 : memref<2146689xf32, #tpu.memory_space<hbm>>) dst(%dma_wait3A_456 : memref<128xf32, #tpu.memory_space<vmem>>)
      %dma_wait3A_462 = arith.constant 1 : i32
      %dma_wait3A_463 = arith.constant 2432 : i32
      %dma_wait3A_464 = tpu.memref_slice %arg7[%dma_wait3A_463] : memref<4096xf32, #tpu.memory_space<vmem>> -> memref<128xf32, #tpu.memory_space<vmem>>
      %dma_wait3A_465 = arith.constant 384 : i32
      %dma_wait3A_466 = tpu.memref_slice %arg5[%dma_wait3A_462, %dma_wait3A_465] : memref<2x2048xi32, #tpu.memory_space<vmem>> -> memref<1x128xi32, #tpu.memory_space<vmem>>
      %dma_wait3A_467 = tpu.memref_squeeze %dma_wait3A_466 : memref<1x128xi32, #tpu.memory_space<vmem>> -> memref<128xi32, #tpu.memory_space<vmem>>
      %dma_wait3A_468 = arith.constant 0 : i32
      %dma_wait3A_469 = tpu.memref_slice %arg2[%dma_wait3A_468] : memref<2146689xf32, #tpu.memory_space<hbm>> -> memref<2146689xf32, #tpu.memory_space<hbm>>
      tpu.wait_indirect_dma semaphore(%arg10 : memref<!tpu.dma_semaphore, #tpu.memory_space<semaphore_mem>>) src(%dma_wait3A_469 : memref<2146689xf32, #tpu.memory_space<hbm>>) dst(%dma_wait3A_464 : memref<128xf32, #tpu.memory_space<vmem>>)
      %dma_wait3A_470 = arith.constant 1 : i32
      %dma_wait3A_471 = arith.constant 2560 : i32
      %dma_wait3A_472 = tpu.memref_slice %arg7[%dma_wait3A_471] : memref<4096xf32, #tpu.memory_space<vmem>> -> memref<128xf32, #tpu.memory_space<vmem>>
      %dma_wait3A_473 = arith.constant 512 : i32
      %dma_wait3A_474 = tpu.memref_slice %arg5[%dma_wait3A_470, %dma_wait3A_473] : memref<2x2048xi32, #tpu.memory_space<vmem>> -> memref<1x128xi32, #tpu.memory_space<vmem>>
      %dma_wait3A_475 = tpu.memref_squeeze %dma_wait3A_474 : memref<1x128xi32, #tpu.memory_space<vmem>> -> memref<128xi32, #tpu.memory_space<vmem>>
      %dma_wait3A_476 = arith.constant 0 : i32
      %dma_wait3A_477 = tpu.memref_slice %arg2[%dma_wait3A_476] : memref<2146689xf32, #tpu.memory_space<hbm>> -> memref<2146689xf32, #tpu.memory_space<hbm>>
      tpu.wait_indirect_dma semaphore(%arg10 : memref<!tpu.dma_semaphore, #tpu.memory_space<semaphore_mem>>) src(%dma_wait3A_477 : memref<2146689xf32, #tpu.memory_space<hbm>>) dst(%dma_wait3A_472 : memref<128xf32, #tpu.memory_space<vmem>>)
      %dma_wait3A_478 = arith.constant 1 : i32
      %dma_wait3A_479 = arith.constant 2688 : i32
      %dma_wait3A_480 = tpu.memref_slice %arg7[%dma_wait3A_479] : memref<4096xf32, #tpu.memory_space<vmem>> -> memref<128xf32, #tpu.memory_space<vmem>>
      %dma_wait3A_481 = arith.constant 640 : i32
      %dma_wait3A_482 = tpu.memref_slice %arg5[%dma_wait3A_478, %dma_wait3A_481] : memref<2x2048xi32, #tpu.memory_space<vmem>> -> memref<1x128xi32, #tpu.memory_space<vmem>>
      %dma_wait3A_483 = tpu.memref_squeeze %dma_wait3A_482 : memref<1x128xi32, #tpu.memory_space<vmem>> -> memref<128xi32, #tpu.memory_space<vmem>>
      %dma_wait3A_484 = arith.constant 0 : i32
      %dma_wait3A_485 = tpu.memref_slice %arg2[%dma_wait3A_484] : memref<2146689xf32, #tpu.memory_space<hbm>> -> memref<2146689xf32, #tpu.memory_space<hbm>>
      tpu.wait_indirect_dma semaphore(%arg10 : memref<!tpu.dma_semaphore, #tpu.memory_space<semaphore_mem>>) src(%dma_wait3A_485 : memref<2146689xf32, #tpu.memory_space<hbm>>) dst(%dma_wait3A_480 : memref<128xf32, #tpu.memory_space<vmem>>)
      %dma_wait3A_486 = arith.constant 1 : i32
      %dma_wait3A_487 = arith.constant 2816 : i32
      %dma_wait3A_488 = tpu.memref_slice %arg7[%dma_wait3A_487] : memref<4096xf32, #tpu.memory_space<vmem>> -> memref<128xf32, #tpu.memory_space<vmem>>
      %dma_wait3A_489 = arith.constant 768 : i32
      %dma_wait3A_490 = tpu.memref_slice %arg5[%dma_wait3A_486, %dma_wait3A_489] : memref<2x2048xi32, #tpu.memory_space<vmem>> -> memref<1x128xi32, #tpu.memory_space<vmem>>
      %dma_wait3A_491 = tpu.memref_squeeze %dma_wait3A_490 : memref<1x128xi32, #tpu.memory_space<vmem>> -> memref<128xi32, #tpu.memory_space<vmem>>
      %dma_wait3A_492 = arith.constant 0 : i32
      %dma_wait3A_493 = tpu.memref_slice %arg2[%dma_wait3A_492] : memref<2146689xf32, #tpu.memory_space<hbm>> -> memref<2146689xf32, #tpu.memory_space<hbm>>
      tpu.wait_indirect_dma semaphore(%arg10 : memref<!tpu.dma_semaphore, #tpu.memory_space<semaphore_mem>>) src(%dma_wait3A_493 : memref<2146689xf32, #tpu.memory_space<hbm>>) dst(%dma_wait3A_488 : memref<128xf32, #tpu.memory_space<vmem>>)
      %dma_wait3A_494 = arith.constant 1 : i32
      %dma_wait3A_495 = arith.constant 2944 : i32
      %dma_wait3A_496 = tpu.memref_slice %arg7[%dma_wait3A_495] : memref<4096xf32, #tpu.memory_space<vmem>> -> memref<128xf32, #tpu.memory_space<vmem>>
      %dma_wait3A_497 = arith.constant 896 : i32
      %dma_wait3A_498 = tpu.memref_slice %arg5[%dma_wait3A_494, %dma_wait3A_497] : memref<2x2048xi32, #tpu.memory_space<vmem>> -> memref<1x128xi32, #tpu.memory_space<vmem>>
      %dma_wait3A_499 = tpu.memref_squeeze %dma_wait3A_498 : memref<1x128xi32, #tpu.memory_space<vmem>> -> memref<128xi32, #tpu.memory_space<vmem>>
      %dma_wait3A_500 = arith.constant 0 : i32
      %dma_wait3A_501 = tpu.memref_slice %arg2[%dma_wait3A_500] : memref<2146689xf32, #tpu.memory_space<hbm>> -> memref<2146689xf32, #tpu.memory_space<hbm>>
      tpu.wait_indirect_dma semaphore(%arg10 : memref<!tpu.dma_semaphore, #tpu.memory_space<semaphore_mem>>) src(%dma_wait3A_501 : memref<2146689xf32, #tpu.memory_space<hbm>>) dst(%dma_wait3A_496 : memref<128xf32, #tpu.memory_space<vmem>>)
      %dma_wait3A_502 = arith.constant 1 : i32
      %dma_wait3A_503 = arith.constant 3072 : i32
      %dma_wait3A_504 = tpu.memref_slice %arg7[%dma_wait3A_503] : memref<4096xf32, #tpu.memory_space<vmem>> -> memref<128xf32, #tpu.memory_space<vmem>>
      %dma_wait3A_505 = arith.constant 1024 : i32
      %dma_wait3A_506 = tpu.memref_slice %arg5[%dma_wait3A_502, %dma_wait3A_505] : memref<2x2048xi32, #tpu.memory_space<vmem>> -> memref<1x128xi32, #tpu.memory_space<vmem>>
      %dma_wait3A_507 = tpu.memref_squeeze %dma_wait3A_506 : memref<1x128xi32, #tpu.memory_space<vmem>> -> memref<128xi32, #tpu.memory_space<vmem>>
      %dma_wait3A_508 = arith.constant 0 : i32
      %dma_wait3A_509 = tpu.memref_slice %arg2[%dma_wait3A_508] : memref<2146689xf32, #tpu.memory_space<hbm>> -> memref<2146689xf32, #tpu.memory_space<hbm>>
      tpu.wait_indirect_dma semaphore(%arg10 : memref<!tpu.dma_semaphore, #tpu.memory_space<semaphore_mem>>) src(%dma_wait3A_509 : memref<2146689xf32, #tpu.memory_space<hbm>>) dst(%dma_wait3A_504 : memref<128xf32, #tpu.memory_space<vmem>>)
      %dma_wait3A_510 = arith.constant 1 : i32
      %dma_wait3A_511 = arith.constant 3200 : i32
      %dma_wait3A_512 = tpu.memref_slice %arg7[%dma_wait3A_511] : memref<4096xf32, #tpu.memory_space<vmem>> -> memref<128xf32, #tpu.memory_space<vmem>>
      %dma_wait3A_513 = arith.constant 1152 : i32
      %dma_wait3A_514 = tpu.memref_slice %arg5[%dma_wait3A_510, %dma_wait3A_513] : memref<2x2048xi32, #tpu.memory_space<vmem>> -> memref<1x128xi32, #tpu.memory_space<vmem>>
      %dma_wait3A_515 = tpu.memref_squeeze %dma_wait3A_514 : memref<1x128xi32, #tpu.memory_space<vmem>> -> memref<128xi32, #tpu.memory_space<vmem>>
      %dma_wait3A_516 = arith.constant 0 : i32
      %dma_wait3A_517 = tpu.memref_slice %arg2[%dma_wait3A_516] : memref<2146689xf32, #tpu.memory_space<hbm>> -> memref<2146689xf32, #tpu.memory_space<hbm>>
      tpu.wait_indirect_dma semaphore(%arg10 : memref<!tpu.dma_semaphore, #tpu.memory_space<semaphore_mem>>) src(%dma_wait3A_517 : memref<2146689xf32, #tpu.memory_space<hbm>>) dst(%dma_wait3A_512 : memref<128xf32, #tpu.memory_space<vmem>>)
      %dma_wait3A_518 = arith.constant 1 : i32
      %dma_wait3A_519 = arith.constant 3328 : i32
      %dma_wait3A_520 = tpu.memref_slice %arg7[%dma_wait3A_519] : memref<4096xf32, #tpu.memory_space<vmem>> -> memref<128xf32, #tpu.memory_space<vmem>>
      %dma_wait3A_521 = arith.constant 1280 : i32
      %dma_wait3A_522 = tpu.memref_slice %arg5[%dma_wait3A_518, %dma_wait3A_521] : memref<2x2048xi32, #tpu.memory_space<vmem>> -> memref<1x128xi32, #tpu.memory_space<vmem>>
      %dma_wait3A_523 = tpu.memref_squeeze %dma_wait3A_522 : memref<1x128xi32, #tpu.memory_space<vmem>> -> memref<128xi32, #tpu.memory_space<vmem>>
      %dma_wait3A_524 = arith.constant 0 : i32
      %dma_wait3A_525 = tpu.memref_slice %arg2[%dma_wait3A_524] : memref<2146689xf32, #tpu.memory_space<hbm>> -> memref<2146689xf32, #tpu.memory_space<hbm>>
      tpu.wait_indirect_dma semaphore(%arg10 : memref<!tpu.dma_semaphore, #tpu.memory_space<semaphore_mem>>) src(%dma_wait3A_525 : memref<2146689xf32, #tpu.memory_space<hbm>>) dst(%dma_wait3A_520 : memref<128xf32, #tpu.memory_space<vmem>>)
      %dma_wait3A_526 = arith.constant 1 : i32
      %dma_wait3A_527 = arith.constant 3456 : i32
      %dma_wait3A_528 = tpu.memref_slice %arg7[%dma_wait3A_527] : memref<4096xf32, #tpu.memory_space<vmem>> -> memref<128xf32, #tpu.memory_space<vmem>>
      %dma_wait3A_529 = arith.constant 1408 : i32
      %dma_wait3A_530 = tpu.memref_slice %arg5[%dma_wait3A_526, %dma_wait3A_529] : memref<2x2048xi32, #tpu.memory_space<vmem>> -> memref<1x128xi32, #tpu.memory_space<vmem>>
      %dma_wait3A_531 = tpu.memref_squeeze %dma_wait3A_530 : memref<1x128xi32, #tpu.memory_space<vmem>> -> memref<128xi32, #tpu.memory_space<vmem>>
      %dma_wait3A_532 = arith.constant 0 : i32
      %dma_wait3A_533 = tpu.memref_slice %arg2[%dma_wait3A_532] : memref<2146689xf32, #tpu.memory_space<hbm>> -> memref<2146689xf32, #tpu.memory_space<hbm>>
      tpu.wait_indirect_dma semaphore(%arg10 : memref<!tpu.dma_semaphore, #tpu.memory_space<semaphore_mem>>) src(%dma_wait3A_533 : memref<2146689xf32, #tpu.memory_space<hbm>>) dst(%dma_wait3A_528 : memref<128xf32, #tpu.memory_space<vmem>>)
      %dma_wait3A_534 = arith.constant 1 : i32
      %dma_wait3A_535 = arith.constant 3584 : i32
      %dma_wait3A_536 = tpu.memref_slice %arg7[%dma_wait3A_535] : memref<4096xf32, #tpu.memory_space<vmem>> -> memref<128xf32, #tpu.memory_space<vmem>>
      %dma_wait3A_537 = arith.constant 1536 : i32
      %dma_wait3A_538 = tpu.memref_slice %arg5[%dma_wait3A_534, %dma_wait3A_537] : memref<2x2048xi32, #tpu.memory_space<vmem>> -> memref<1x128xi32, #tpu.memory_space<vmem>>
      %dma_wait3A_539 = tpu.memref_squeeze %dma_wait3A_538 : memref<1x128xi32, #tpu.memory_space<vmem>> -> memref<128xi32, #tpu.memory_space<vmem>>
      %dma_wait3A_540 = arith.constant 0 : i32
      %dma_wait3A_541 = tpu.memref_slice %arg2[%dma_wait3A_540] : memref<2146689xf32, #tpu.memory_space<hbm>> -> memref<2146689xf32, #tpu.memory_space<hbm>>
      tpu.wait_indirect_dma semaphore(%arg10 : memref<!tpu.dma_semaphore, #tpu.memory_space<semaphore_mem>>) src(%dma_wait3A_541 : memref<2146689xf32, #tpu.memory_space<hbm>>) dst(%dma_wait3A_536 : memref<128xf32, #tpu.memory_space<vmem>>)
      %dma_wait3A_542 = arith.constant 1 : i32
      %dma_wait3A_543 = arith.constant 3712 : i32
      %dma_wait3A_544 = tpu.memref_slice %arg7[%dma_wait3A_543] : memref<4096xf32, #tpu.memory_space<vmem>> -> memref<128xf32, #tpu.memory_space<vmem>>
      %dma_wait3A_545 = arith.constant 1664 : i32
      %dma_wait3A_546 = tpu.memref_slice %arg5[%dma_wait3A_542, %dma_wait3A_545] : memref<2x2048xi32, #tpu.memory_space<vmem>> -> memref<1x128xi32, #tpu.memory_space<vmem>>
      %dma_wait3A_547 = tpu.memref_squeeze %dma_wait3A_546 : memref<1x128xi32, #tpu.memory_space<vmem>> -> memref<128xi32, #tpu.memory_space<vmem>>
      %dma_wait3A_548 = arith.constant 0 : i32
      %dma_wait3A_549 = tpu.memref_slice %arg2[%dma_wait3A_548] : memref<2146689xf32, #tpu.memory_space<hbm>> -> memref<2146689xf32, #tpu.memory_space<hbm>>
      tpu.wait_indirect_dma semaphore(%arg10 : memref<!tpu.dma_semaphore, #tpu.memory_space<semaphore_mem>>) src(%dma_wait3A_549 : memref<2146689xf32, #tpu.memory_space<hbm>>) dst(%dma_wait3A_544 : memref<128xf32, #tpu.memory_space<vmem>>)
      %dma_wait3A_550 = arith.constant 1 : i32
      %dma_wait3A_551 = arith.constant 3840 : i32
      %dma_wait3A_552 = tpu.memref_slice %arg7[%dma_wait3A_551] : memref<4096xf32, #tpu.memory_space<vmem>> -> memref<128xf32, #tpu.memory_space<vmem>>
      %dma_wait3A_553 = arith.constant 1792 : i32
      %dma_wait3A_554 = tpu.memref_slice %arg5[%dma_wait3A_550, %dma_wait3A_553] : memref<2x2048xi32, #tpu.memory_space<vmem>> -> memref<1x128xi32, #tpu.memory_space<vmem>>
      %dma_wait3A_555 = tpu.memref_squeeze %dma_wait3A_554 : memref<1x128xi32, #tpu.memory_space<vmem>> -> memref<128xi32, #tpu.memory_space<vmem>>
      %dma_wait3A_556 = arith.constant 0 : i32
      %dma_wait3A_557 = tpu.memref_slice %arg2[%dma_wait3A_556] : memref<2146689xf32, #tpu.memory_space<hbm>> -> memref<2146689xf32, #tpu.memory_space<hbm>>
      tpu.wait_indirect_dma semaphore(%arg10 : memref<!tpu.dma_semaphore, #tpu.memory_space<semaphore_mem>>) src(%dma_wait3A_557 : memref<2146689xf32, #tpu.memory_space<hbm>>) dst(%dma_wait3A_552 : memref<128xf32, #tpu.memory_space<vmem>>)
      %dma_wait3A_558 = arith.constant 1 : i32
      %dma_wait3A_559 = arith.constant 3968 : i32
      %dma_wait3A_560 = tpu.memref_slice %arg7[%dma_wait3A_559] : memref<4096xf32, #tpu.memory_space<vmem>> -> memref<128xf32, #tpu.memory_space<vmem>>
      %dma_wait3A_561 = arith.constant 1920 : i32
      %dma_wait3A_562 = tpu.memref_slice %arg5[%dma_wait3A_558, %dma_wait3A_561] : memref<2x2048xi32, #tpu.memory_space<vmem>> -> memref<1x128xi32, #tpu.memory_space<vmem>>
      %dma_wait3A_563 = tpu.memref_squeeze %dma_wait3A_562 : memref<1x128xi32, #tpu.memory_space<vmem>> -> memref<128xi32, #tpu.memory_space<vmem>>
      %dma_wait3A_564 = arith.constant 0 : i32
      %dma_wait3A_565 = tpu.memref_slice %arg2[%dma_wait3A_564] : memref<2146689xf32, #tpu.memory_space<hbm>> -> memref<2146689xf32, #tpu.memory_space<hbm>>
      tpu.wait_indirect_dma semaphore(%arg10 : memref<!tpu.dma_semaphore, #tpu.memory_space<semaphore_mem>>) src(%dma_wait3A_565 : memref<2146689xf32, #tpu.memory_space<hbm>>) dst(%dma_wait3A_560 : memref<128xf32, #tpu.memory_space<vmem>>)
      %scan3A = arith.constant 0 : i32
      %scan3A_566 = arith.constant 128 : i32
      %scan3A_567 = arith.addi %scan3A, %scan3A_566 : i32
      %scan3A_568 = arith.constant 1 : i32
      %scan3A_569:2 = scf.for %scan3A_839 = %scan3A to %scan3A_567 step %scan3A_568 iter_args(%scan3A_840 = %while3A_47, %scan3A_841 = %while3A_48) -> (vector<16xf32>, vector<16xf32>)  : i32 {
        %mul3A_842 = arith.constant 16 : i32
        %mul3A_843 = arith.muli %scan3A_839, %mul3A_842 : i32
        %get3A = arith.index_cast %mul3A_843 : i32 to index
        %get3A_844 = tpu.vector_load %arg7[%get3A] {strides = array<i32>} : memref<4096xf32, #tpu.memory_space<vmem>>, vector<16xf32>,
        %add3A_845 = arith.constant 2048 : i32
        %add3A_846 = arith.addi %add3A_845, %mul3A_843 : i32
        %get3A_847 = arith.index_cast %add3A_846 : i32 to index
        %get3A_848 = tpu.vector_load %arg7[%get3A_847] {strides = array<i32>} : memref<4096xf32, #tpu.memory_space<vmem>>, vector<16xf32>,
        %gt3A_849 = arith.constant 0.000000e+00 : f32
        %gt3A_850 = vector.broadcast %gt3A_849 : f32 to vector<16xf32>
        %gt3A_851 = arith.cmpf ogt, %get3A_844, %gt3A_850 : vector<16xf32>
        %gt3A_852 = arith.constant 0.000000e+00 : f32
        %gt3A_853 = vector.broadcast %gt3A_852 : f32 to vector<16xf32>
        %gt3A_854 = arith.cmpf ogt, %get3A_848, %gt3A_853 : vector<16xf32>
        %lt3A_855 = arith.constant 0.000000e+00 : f32
        %lt3A_856 = vector.broadcast %lt3A_855 : f32 to vector<16xf32>
        %lt3A_857 = arith.cmpf olt, %get3A_844, %lt3A_856 : vector<16xf32>
        %lt3A_858 = arith.constant 0.000000e+00 : f32
        %lt3A_859 = vector.broadcast %lt3A_858 : f32 to vector<16xf32>
        %lt3A_860 = arith.cmpf olt, %get3A_848, %lt3A_859 : vector<16xf32>
        %ne3A = arith.xori %gt3A_851, %gt3A_854 : vector<16xi1>
        %ne3A_861 = arith.xori %lt3A_857, %lt3A_860 : vector<16xi1>
        %or3A = arith.ori %ne3A, %ne3A_861 : vector<16xi1>
        %jit3A_862 = arith.constant 1.000000e+00 : f32
        %jit3A_863 = arith.constant 0.000000e+00 : f32
        %broadcast_in_dim3A_864 = vector.broadcast %jit3A_862 : f32 to vector<16xf32>
        %broadcast_in_dim3A_865 = vector.broadcast %jit3A_863 : f32 to vector<16xf32>
        %select_n3A_866 = arith.select %or3A, %broadcast_in_dim3A_864, %broadcast_in_dim3A_865 : vector<16xi1>, vector<16xf32>
        %jit3A_867 = arith.constant 1.000000e+00 : f32
        %jit3A_868 = arith.constant 0.000000e+00 : f32
        %broadcast_in_dim3A_869 = vector.broadcast %jit3A_867 : f32 to vector<16xf32>
        %broadcast_in_dim3A_870 = vector.broadcast %jit3A_868 : f32 to vector<16xf32>
        %select_n3A_871 = arith.select %gt3A_854, %broadcast_in_dim3A_869, %broadcast_in_dim3A_870 : vector<16xi1>, vector<16xf32>
        %jit3A_872 = arith.constant 1.000000e+00 : f32
        %jit3A_873 = arith.constant 0.000000e+00 : f32
        %broadcast_in_dim3A_874 = vector.broadcast %jit3A_872 : f32 to vector<16xf32>
        %broadcast_in_dim3A_875 = vector.broadcast %jit3A_873 : f32 to vector<16xf32>
        %select_n3A_876 = arith.select %gt3A_851, %broadcast_in_dim3A_874, %broadcast_in_dim3A_875 : vector<16xi1>, vector<16xf32>
        %max3A = arith.constant 0.000000e+00 : f32
        %max3A_877 = vector.broadcast %max3A : f32 to vector<16xf32>
        %max3A_878 = arith.maximumf %get3A_844, %max3A_877 : vector<16xf32>
        %mul3A_879 = arith.mulf %get3A_844, %select_n3A_871 : vector<16xf32>
        %sub3A = arith.subf %max3A_878, %mul3A_879 : vector<16xf32>
        %abs3A = math.absf %get3A_844 : vector<16xf32>
        %neg3A = arith.constant 0.000000e+00 : f32
        %neg3A_880 = vector.broadcast %neg3A : f32 to vector<16xf32>
        %neg3A_881 = arith.subf %neg3A_880, %abs3A : vector<16xf32>
        %exp3A = math.exp %neg3A_881 : vector<16xf32>
        %add3A_882 = arith.constant 2.000000e+00 : f32
        %add3A_883 = vector.broadcast %add3A_882 : f32 to vector<16xf32>
        %add3A_884 = arith.addf %exp3A, %add3A_883 : vector<16xf32>
        %div3A = arith.divf %exp3A, %add3A_884 : vector<16xf32>
        %mul3A_885 = arith.mulf %div3A, %div3A : vector<16xf32>
        %mul3A_886 = arith.constant 0.111111112 : f32
        %mul3A_887 = vector.broadcast %mul3A_886 : f32 to vector<16xf32>
        %mul3A_888 = arith.mulf %mul3A_885, %mul3A_887 : vector<16xf32>
        %add3A_889 = arith.constant 0.142857149 : f32
        %add3A_890 = vector.broadcast %add3A_889 : f32 to vector<16xf32>
        %add3A_891 = arith.addf %add3A_890, %mul3A_888 : vector<16xf32>
        %mul3A_892 = arith.mulf %mul3A_885, %add3A_891 : vector<16xf32>
        %add3A_893 = arith.constant 2.000000e-01 : f32
        %add3A_894 = vector.broadcast %add3A_893 : f32 to vector<16xf32>
        %add3A_895 = arith.addf %add3A_894, %mul3A_892 : vector<16xf32>
        %mul3A_896 = arith.mulf %mul3A_885, %add3A_895 : vector<16xf32>
        %add3A_897 = arith.constant 0.333333343 : f32
        %add3A_898 = vector.broadcast %add3A_897 : f32 to vector<16xf32>
        %add3A_899 = arith.addf %add3A_898, %mul3A_896 : vector<16xf32>
        %mul3A_900 = arith.mulf %mul3A_885, %add3A_899 : vector<16xf32>
        %add3A_901 = arith.constant 1.000000e+00 : f32
        %add3A_902 = vector.broadcast %add3A_901 : f32 to vector<16xf32>
        %add3A_903 = arith.addf %add3A_902, %mul3A_900 : vector<16xf32>
        %mul3A_904 = arith.constant 2.000000e+00 : f32
        %mul3A_905 = vector.broadcast %mul3A_904 : f32 to vector<16xf32>
        %mul3A_906 = arith.mulf %mul3A_905, %div3A : vector<16xf32>
        %mul3A_907 = arith.mulf %mul3A_906, %add3A_903 : vector<16xf32>
        %add3A_908 = arith.addf %sub3A, %mul3A_907 : vector<16xf32>
        %max3A_909 = arith.constant 0.000000e+00 : f32
        %max3A_910 = vector.broadcast %max3A_909 : f32 to vector<16xf32>
        %max3A_911 = arith.maximumf %get3A_848, %max3A_910 : vector<16xf32>
        %add3A_912 = arith.addf %add3A_908, %max3A_911 : vector<16xf32>
        %mul3A_913 = arith.mulf %get3A_848, %select_n3A_876 : vector<16xf32>
        %sub3A_914 = arith.subf %add3A_912, %mul3A_913 : vector<16xf32>
        %abs3A_915 = math.absf %get3A_848 : vector<16xf32>
        %neg3A_916 = arith.constant 0.000000e+00 : f32
        %neg3A_917 = vector.broadcast %neg3A_916 : f32 to vector<16xf32>
        %neg3A_918 = arith.subf %neg3A_917, %abs3A_915 : vector<16xf32>
        %exp3A_919 = math.exp %neg3A_918 : vector<16xf32>
        %add3A_920 = arith.constant 2.000000e+00 : f32
        %add3A_921 = vector.broadcast %add3A_920 : f32 to vector<16xf32>
        %add3A_922 = arith.addf %exp3A_919, %add3A_921 : vector<16xf32>
        %div3A_923 = arith.divf %exp3A_919, %add3A_922 : vector<16xf32>
        %mul3A_924 = arith.mulf %div3A_923, %div3A_923 : vector<16xf32>
        %mul3A_925 = arith.constant 0.111111112 : f32
        %mul3A_926 = vector.broadcast %mul3A_925 : f32 to vector<16xf32>
        %mul3A_927 = arith.mulf %mul3A_924, %mul3A_926 : vector<16xf32>
        %add3A_928 = arith.constant 0.142857149 : f32
        %add3A_929 = vector.broadcast %add3A_928 : f32 to vector<16xf32>
        %add3A_930 = arith.addf %add3A_929, %mul3A_927 : vector<16xf32>
        %mul3A_931 = arith.mulf %mul3A_924, %add3A_930 : vector<16xf32>
        %add3A_932 = arith.constant 2.000000e-01 : f32
        %add3A_933 = vector.broadcast %add3A_932 : f32 to vector<16xf32>
        %add3A_934 = arith.addf %add3A_933, %mul3A_931 : vector<16xf32>
        %mul3A_935 = arith.mulf %mul3A_924, %add3A_934 : vector<16xf32>
        %add3A_936 = arith.constant 0.333333343 : f32
        %add3A_937 = vector.broadcast %add3A_936 : f32 to vector<16xf32>
        %add3A_938 = arith.addf %add3A_937, %mul3A_935 : vector<16xf32>
        %mul3A_939 = arith.mulf %mul3A_924, %add3A_938 : vector<16xf32>
        %add3A_940 = arith.constant 1.000000e+00 : f32
        %add3A_941 = vector.broadcast %add3A_940 : f32 to vector<16xf32>
        %add3A_942 = arith.addf %add3A_941, %mul3A_939 : vector<16xf32>
        %mul3A_943 = arith.constant 2.000000e+00 : f32
        %mul3A_944 = vector.broadcast %mul3A_943 : f32 to vector<16xf32>
        %mul3A_945 = arith.mulf %mul3A_944, %div3A_923 : vector<16xf32>
        %mul3A_946 = arith.mulf %mul3A_945, %add3A_942 : vector<16xf32>
        %add3A_947 = arith.addf %sub3A_914, %mul3A_946 : vector<16xf32>
        %mul3A_948 = arith.mulf %add3A_947, %select_n3A_866 : vector<16xf32>
        %add3A_949 = arith.addf %scan3A_840, %mul3A_948 : vector<16xf32>
        %add3A_950 = arith.addf %scan3A_841, %select_n3A_866 : vector<16xf32>
        scf.yield %add3A_949, %add3A_950 : vector<16xf32>, vector<16xf32>
      }
      %scan3A_570 = arith.constant 128 : i32
      %add3A_571 = arith.constant 1 : i32
      %add3A_572 = arith.addi %while3A_46, %add3A_571 : i32
      %lt3A_573 = arith.cmpi slt, %add3A_572, %add3A_4 : i32
      %convert_element_type3A_574 = arith.extui %lt3A_573 : i1 to i32
      %cond3A_575 = arith.constant 0 : i32
      %cond3A_576 = arith.cmpi ne, %convert_element_type3A_574, %cond3A_575 : i32
      scf.if %cond3A_576 {
        %mul3A_839 = arith.constant 2 : i32
        %mul3A_840 = arith.muli %mul3A_839, %while3A_46 : i32
        %add3A_841 = arith.addi %mul3A_10, %mul3A_840 : i32
        %add3A_842 = arith.constant 2 : i32
        %add3A_843 = arith.addi %add3A_841, %add3A_842 : i32
        %mul3A_844 = arith.constant 2048 : i32
        %mul3A_845 = arith.muli %add3A_843, %mul3A_844 : i32
        "tpu.region"() ({
          %run_scoped3A = tpu.sem_alloc : memref<!tpu.dma_semaphore, #tpu.memory_space<semaphore_mem>>
          %dma_start3A_1102 = arith.constant 0 : i32
          %dma_start3A_1103 = arith.constant 0 : i32
          %dma_start3A_1104 = tpu.memref_slice %arg5[%dma_start3A_1102, %dma_start3A_1103] : memref<2x2048xi32, #tpu.memory_space<vmem>> -> memref<2x2048xi32, #tpu.memory_space<vmem>>
          %dma_start3A_1105 = arith.constant 0 : i32
          %dma_start3A_1106 = tpu.memref_slice %arg3[%dma_start3A_1105, %mul3A_845] : memref<2x6390144xi32, #tpu.memory_space<hbm>> -> memref<2x2048xi32, #tpu.memory_space<hbm>>
          %dma_start3A_1107 = arith.constant 0 : i32
          %dma_start3A_1108 = arith.constant 0 : i32
          %dma_start3A_1109 = tpu.memref_slice %arg5[%dma_start3A_1107, %dma_start3A_1108] : memref<2x2048xi32, #tpu.memory_space<vmem>> -> memref<2x2048xi32, #tpu.memory_space<vmem>>
          %dma_start3A_1110 = arith.constant 0 : i32
          %dma_start3A_1111 = tpu.memref_slice %arg3[%dma_start3A_1110, %mul3A_845] : memref<2x6390144xi32, #tpu.memory_space<hbm>> -> memref<2x2048xi32, #tpu.memory_space<hbm>>
          tpu.enqueue_dma source(%dma_start3A_1111 : memref<2x2048xi32, #tpu.memory_space<hbm>>) target(%dma_start3A_1109 : memref<2x2048xi32, #tpu.memory_space<vmem>>) target_semaphore(%run_scoped3A : memref<!tpu.dma_semaphore, #tpu.memory_space<semaphore_mem>>)
          %dma_wait3A_1112 = arith.constant 0 : i32
          %dma_wait3A_1113 = arith.constant 0 : i32
          %dma_wait3A_1114 = tpu.memref_slice %arg5[%dma_wait3A_1112, %dma_wait3A_1113] : memref<2x2048xi32, #tpu.memory_space<vmem>> -> memref<2x2048xi32, #tpu.memory_space<vmem>>
          %dma_wait3A_1115 = arith.constant 0 : i32
          %dma_wait3A_1116 = tpu.memref_slice %arg3[%dma_wait3A_1115, %mul3A_845] : memref<2x6390144xi32, #tpu.memory_space<hbm>> -> memref<2x2048xi32, #tpu.memory_space<hbm>>
          %dma_wait3A_1117 = arith.constant 0 : i32
          %dma_wait3A_1118 = arith.constant 0 : i32
          %dma_wait3A_1119 = tpu.memref_slice %arg5[%dma_wait3A_1117, %dma_wait3A_1118] : memref<2x2048xi32, #tpu.memory_space<vmem>> -> memref<2x2048xi32, #tpu.memory_space<vmem>>
          %dma_wait3A_1120 = arith.constant 0 : i32
          %dma_wait3A_1121 = tpu.memref_slice %arg3[%dma_wait3A_1120, %mul3A_845] : memref<2x6390144xi32, #tpu.memory_space<hbm>> -> memref<2x2048xi32, #tpu.memory_space<hbm>>
          tpu.wait_dma2 semaphore(%run_scoped3A : memref<!tpu.dma_semaphore, #tpu.memory_space<semaphore_mem>>) src(%dma_wait3A_1121 : memref<2x2048xi32, #tpu.memory_space<hbm>>) dst(%dma_wait3A_1119 : memref<2x2048xi32, #tpu.memory_space<vmem>>)
          tpu.yield
        }) : () -> ()
        %dma_start3A_846 = arith.constant 0 : i32
        %dma_start3A_847 = arith.constant 0 : i32
        %dma_start3A_848 = tpu.memref_slice %arg7[%dma_start3A_847] : memref<4096xf32, #tpu.memory_space<vmem>> -> memref<128xf32, #tpu.memory_space<vmem>>
        %dma_start3A_849 = arith.constant 0 : i32
        %dma_start3A_850 = tpu.memref_slice %arg5[%dma_start3A_846, %dma_start3A_849] : memref<2x2048xi32, #tpu.memory_space<vmem>> -> memref<1x128xi32, #tpu.memory_space<vmem>>
        %dma_start3A_851 = tpu.memref_squeeze %dma_start3A_850 : memref<1x128xi32, #tpu.memory_space<vmem>> -> memref<128xi32, #tpu.memory_space<vmem>>
        %dma_start3A_852 = arith.constant 0 : i32
        %dma_start3A_853 = tpu.memref_slice %arg2[%dma_start3A_852] : memref<2146689xf32, #tpu.memory_space<hbm>> -> memref<2146689xf32, #tpu.memory_space<hbm>>
        tpu.enqueue_indirect_dma source(%dma_start3A_853 : memref<2146689xf32, #tpu.memory_space<hbm>>) target(%dma_start3A_848 : memref<128xf32, #tpu.memory_space<vmem>>) offsets(%dma_start3A_851 : memref<128xi32, #tpu.memory_space<vmem>>) semaphore(%arg10 : memref<!tpu.dma_semaphore, #tpu.memory_space<semaphore_mem>>)
        %dma_start3A_854 = arith.constant 0 : i32
        %dma_start3A_855 = arith.constant 128 : i32
        %dma_start3A_856 = tpu.memref_slice %arg7[%dma_start3A_855] : memref<4096xf32, #tpu.memory_space<vmem>> -> memref<128xf32, #tpu.memory_space<vmem>>
        %dma_start3A_857 = arith.constant 128 : i32
        %dma_start3A_858 = tpu.memref_slice %arg5[%dma_start3A_854, %dma_start3A_857] : memref<2x2048xi32, #tpu.memory_space<vmem>> -> memref<1x128xi32, #tpu.memory_space<vmem>>
        %dma_start3A_859 = tpu.memref_squeeze %dma_start3A_858 : memref<1x128xi32, #tpu.memory_space<vmem>> -> memref<128xi32, #tpu.memory_space<vmem>>
        %dma_start3A_860 = arith.constant 0 : i32
        %dma_start3A_861 = tpu.memref_slice %arg2[%dma_start3A_860] : memref<2146689xf32, #tpu.memory_space<hbm>> -> memref<2146689xf32, #tpu.memory_space<hbm>>
        tpu.enqueue_indirect_dma source(%dma_start3A_861 : memref<2146689xf32, #tpu.memory_space<hbm>>) target(%dma_start3A_856 : memref<128xf32, #tpu.memory_space<vmem>>) offsets(%dma_start3A_859 : memref<128xi32, #tpu.memory_space<vmem>>) semaphore(%arg10 : memref<!tpu.dma_semaphore, #tpu.memory_space<semaphore_mem>>)
        %dma_start3A_862 = arith.constant 0 : i32
        %dma_start3A_863 = arith.constant 256 : i32
        %dma_start3A_864 = tpu.memref_slice %arg7[%dma_start3A_863] : memref<4096xf32, #tpu.memory_space<vmem>> -> memref<128xf32, #tpu.memory_space<vmem>>
        %dma_start3A_865 = arith.constant 256 : i32
        %dma_start3A_866 = tpu.memref_slice %arg5[%dma_start3A_862, %dma_start3A_865] : memref<2x2048xi32, #tpu.memory_space<vmem>> -> memref<1x128xi32, #tpu.memory_space<vmem>>
        %dma_start3A_867 = tpu.memref_squeeze %dma_start3A_866 : memref<1x128xi32, #tpu.memory_space<vmem>> -> memref<128xi32, #tpu.memory_space<vmem>>
        %dma_start3A_868 = arith.constant 0 : i32
        %dma_start3A_869 = tpu.memref_slice %arg2[%dma_start3A_868] : memref<2146689xf32, #tpu.memory_space<hbm>> -> memref<2146689xf32, #tpu.memory_space<hbm>>
        tpu.enqueue_indirect_dma source(%dma_start3A_869 : memref<2146689xf32, #tpu.memory_space<hbm>>) target(%dma_start3A_864 : memref<128xf32, #tpu.memory_space<vmem>>) offsets(%dma_start3A_867 : memref<128xi32, #tpu.memory_space<vmem>>) semaphore(%arg10 : memref<!tpu.dma_semaphore, #tpu.memory_space<semaphore_mem>>)
        %dma_start3A_870 = arith.constant 0 : i32
        %dma_start3A_871 = arith.constant 384 : i32
        %dma_start3A_872 = tpu.memref_slice %arg7[%dma_start3A_871] : memref<4096xf32, #tpu.memory_space<vmem>> -> memref<128xf32, #tpu.memory_space<vmem>>
        %dma_start3A_873 = arith.constant 384 : i32
        %dma_start3A_874 = tpu.memref_slice %arg5[%dma_start3A_870, %dma_start3A_873] : memref<2x2048xi32, #tpu.memory_space<vmem>> -> memref<1x128xi32, #tpu.memory_space<vmem>>
        %dma_start3A_875 = tpu.memref_squeeze %dma_start3A_874 : memref<1x128xi32, #tpu.memory_space<vmem>> -> memref<128xi32, #tpu.memory_space<vmem>>
        %dma_start3A_876 = arith.constant 0 : i32
        %dma_start3A_877 = tpu.memref_slice %arg2[%dma_start3A_876] : memref<2146689xf32, #tpu.memory_space<hbm>> -> memref<2146689xf32, #tpu.memory_space<hbm>>
        tpu.enqueue_indirect_dma source(%dma_start3A_877 : memref<2146689xf32, #tpu.memory_space<hbm>>) target(%dma_start3A_872 : memref<128xf32, #tpu.memory_space<vmem>>) offsets(%dma_start3A_875 : memref<128xi32, #tpu.memory_space<vmem>>) semaphore(%arg10 : memref<!tpu.dma_semaphore, #tpu.memory_space<semaphore_mem>>)
        %dma_start3A_878 = arith.constant 0 : i32
        %dma_start3A_879 = arith.constant 512 : i32
        %dma_start3A_880 = tpu.memref_slice %arg7[%dma_start3A_879] : memref<4096xf32, #tpu.memory_space<vmem>> -> memref<128xf32, #tpu.memory_space<vmem>>
        %dma_start3A_881 = arith.constant 512 : i32
        %dma_start3A_882 = tpu.memref_slice %arg5[%dma_start3A_878, %dma_start3A_881] : memref<2x2048xi32, #tpu.memory_space<vmem>> -> memref<1x128xi32, #tpu.memory_space<vmem>>
        %dma_start3A_883 = tpu.memref_squeeze %dma_start3A_882 : memref<1x128xi32, #tpu.memory_space<vmem>> -> memref<128xi32, #tpu.memory_space<vmem>>
        %dma_start3A_884 = arith.constant 0 : i32
        %dma_start3A_885 = tpu.memref_slice %arg2[%dma_start3A_884] : memref<2146689xf32, #tpu.memory_space<hbm>> -> memref<2146689xf32, #tpu.memory_space<hbm>>
        tpu.enqueue_indirect_dma source(%dma_start3A_885 : memref<2146689xf32, #tpu.memory_space<hbm>>) target(%dma_start3A_880 : memref<128xf32, #tpu.memory_space<vmem>>) offsets(%dma_start3A_883 : memref<128xi32, #tpu.memory_space<vmem>>) semaphore(%arg10 : memref<!tpu.dma_semaphore, #tpu.memory_space<semaphore_mem>>)
        %dma_start3A_886 = arith.constant 0 : i32
        %dma_start3A_887 = arith.constant 640 : i32
        %dma_start3A_888 = tpu.memref_slice %arg7[%dma_start3A_887] : memref<4096xf32, #tpu.memory_space<vmem>> -> memref<128xf32, #tpu.memory_space<vmem>>
        %dma_start3A_889 = arith.constant 640 : i32
        %dma_start3A_890 = tpu.memref_slice %arg5[%dma_start3A_886, %dma_start3A_889] : memref<2x2048xi32, #tpu.memory_space<vmem>> -> memref<1x128xi32, #tpu.memory_space<vmem>>
        %dma_start3A_891 = tpu.memref_squeeze %dma_start3A_890 : memref<1x128xi32, #tpu.memory_space<vmem>> -> memref<128xi32, #tpu.memory_space<vmem>>
        %dma_start3A_892 = arith.constant 0 : i32
        %dma_start3A_893 = tpu.memref_slice %arg2[%dma_start3A_892] : memref<2146689xf32, #tpu.memory_space<hbm>> -> memref<2146689xf32, #tpu.memory_space<hbm>>
        tpu.enqueue_indirect_dma source(%dma_start3A_893 : memref<2146689xf32, #tpu.memory_space<hbm>>) target(%dma_start3A_888 : memref<128xf32, #tpu.memory_space<vmem>>) offsets(%dma_start3A_891 : memref<128xi32, #tpu.memory_space<vmem>>) semaphore(%arg10 : memref<!tpu.dma_semaphore, #tpu.memory_space<semaphore_mem>>)
        %dma_start3A_894 = arith.constant 0 : i32
        %dma_start3A_895 = arith.constant 768 : i32
        %dma_start3A_896 = tpu.memref_slice %arg7[%dma_start3A_895] : memref<4096xf32, #tpu.memory_space<vmem>> -> memref<128xf32, #tpu.memory_space<vmem>>
        %dma_start3A_897 = arith.constant 768 : i32
        %dma_start3A_898 = tpu.memref_slice %arg5[%dma_start3A_894, %dma_start3A_897] : memref<2x2048xi32, #tpu.memory_space<vmem>> -> memref<1x128xi32, #tpu.memory_space<vmem>>
        %dma_start3A_899 = tpu.memref_squeeze %dma_start3A_898 : memref<1x128xi32, #tpu.memory_space<vmem>> -> memref<128xi32, #tpu.memory_space<vmem>>
        %dma_start3A_900 = arith.constant 0 : i32
        %dma_start3A_901 = tpu.memref_slice %arg2[%dma_start3A_900] : memref<2146689xf32, #tpu.memory_space<hbm>> -> memref<2146689xf32, #tpu.memory_space<hbm>>
        tpu.enqueue_indirect_dma source(%dma_start3A_901 : memref<2146689xf32, #tpu.memory_space<hbm>>) target(%dma_start3A_896 : memref<128xf32, #tpu.memory_space<vmem>>) offsets(%dma_start3A_899 : memref<128xi32, #tpu.memory_space<vmem>>) semaphore(%arg10 : memref<!tpu.dma_semaphore, #tpu.memory_space<semaphore_mem>>)
        %dma_start3A_902 = arith.constant 0 : i32
        %dma_start3A_903 = arith.constant 896 : i32
        %dma_start3A_904 = tpu.memref_slice %arg7[%dma_start3A_903] : memref<4096xf32, #tpu.memory_space<vmem>> -> memref<128xf32, #tpu.memory_space<vmem>>
        %dma_start3A_905 = arith.constant 896 : i32
        %dma_start3A_906 = tpu.memref_slice %arg5[%dma_start3A_902, %dma_start3A_905] : memref<2x2048xi32, #tpu.memory_space<vmem>> -> memref<1x128xi32, #tpu.memory_space<vmem>>
        %dma_start3A_907 = tpu.memref_squeeze %dma_start3A_906 : memref<1x128xi32, #tpu.memory_space<vmem>> -> memref<128xi32, #tpu.memory_space<vmem>>
        %dma_start3A_908 = arith.constant 0 : i32
        %dma_start3A_909 = tpu.memref_slice %arg2[%dma_start3A_908] : memref<2146689xf32, #tpu.memory_space<hbm>> -> memref<2146689xf32, #tpu.memory_space<hbm>>
        tpu.enqueue_indirect_dma source(%dma_start3A_909 : memref<2146689xf32, #tpu.memory_space<hbm>>) target(%dma_start3A_904 : memref<128xf32, #tpu.memory_space<vmem>>) offsets(%dma_start3A_907 : memref<128xi32, #tpu.memory_space<vmem>>) semaphore(%arg10 : memref<!tpu.dma_semaphore, #tpu.memory_space<semaphore_mem>>)
        %dma_start3A_910 = arith.constant 0 : i32
        %dma_start3A_911 = arith.constant 1024 : i32
        %dma_start3A_912 = tpu.memref_slice %arg7[%dma_start3A_911] : memref<4096xf32, #tpu.memory_space<vmem>> -> memref<128xf32, #tpu.memory_space<vmem>>
        %dma_start3A_913 = arith.constant 1024 : i32
        %dma_start3A_914 = tpu.memref_slice %arg5[%dma_start3A_910, %dma_start3A_913] : memref<2x2048xi32, #tpu.memory_space<vmem>> -> memref<1x128xi32, #tpu.memory_space<vmem>>
        %dma_start3A_915 = tpu.memref_squeeze %dma_start3A_914 : memref<1x128xi32, #tpu.memory_space<vmem>> -> memref<128xi32, #tpu.memory_space<vmem>>
        %dma_start3A_916 = arith.constant 0 : i32
        %dma_start3A_917 = tpu.memref_slice %arg2[%dma_start3A_916] : memref<2146689xf32, #tpu.memory_space<hbm>> -> memref<2146689xf32, #tpu.memory_space<hbm>>
        tpu.enqueue_indirect_dma source(%dma_start3A_917 : memref<2146689xf32, #tpu.memory_space<hbm>>) target(%dma_start3A_912 : memref<128xf32, #tpu.memory_space<vmem>>) offsets(%dma_start3A_915 : memref<128xi32, #tpu.memory_space<vmem>>) semaphore(%arg10 : memref<!tpu.dma_semaphore, #tpu.memory_space<semaphore_mem>>)
        %dma_start3A_918 = arith.constant 0 : i32
        %dma_start3A_919 = arith.constant 1152 : i32
        %dma_start3A_920 = tpu.memref_slice %arg7[%dma_start3A_919] : memref<4096xf32, #tpu.memory_space<vmem>> -> memref<128xf32, #tpu.memory_space<vmem>>
        %dma_start3A_921 = arith.constant 1152 : i32
        %dma_start3A_922 = tpu.memref_slice %arg5[%dma_start3A_918, %dma_start3A_921] : memref<2x2048xi32, #tpu.memory_space<vmem>> -> memref<1x128xi32, #tpu.memory_space<vmem>>
        %dma_start3A_923 = tpu.memref_squeeze %dma_start3A_922 : memref<1x128xi32, #tpu.memory_space<vmem>> -> memref<128xi32, #tpu.memory_space<vmem>>
        %dma_start3A_924 = arith.constant 0 : i32
        %dma_start3A_925 = tpu.memref_slice %arg2[%dma_start3A_924] : memref<2146689xf32, #tpu.memory_space<hbm>> -> memref<2146689xf32, #tpu.memory_space<hbm>>
        tpu.enqueue_indirect_dma source(%dma_start3A_925 : memref<2146689xf32, #tpu.memory_space<hbm>>) target(%dma_start3A_920 : memref<128xf32, #tpu.memory_space<vmem>>) offsets(%dma_start3A_923 : memref<128xi32, #tpu.memory_space<vmem>>) semaphore(%arg10 : memref<!tpu.dma_semaphore, #tpu.memory_space<semaphore_mem>>)
        %dma_start3A_926 = arith.constant 0 : i32
        %dma_start3A_927 = arith.constant 1280 : i32
        %dma_start3A_928 = tpu.memref_slice %arg7[%dma_start3A_927] : memref<4096xf32, #tpu.memory_space<vmem>> -> memref<128xf32, #tpu.memory_space<vmem>>
        %dma_start3A_929 = arith.constant 1280 : i32
        %dma_start3A_930 = tpu.memref_slice %arg5[%dma_start3A_926, %dma_start3A_929] : memref<2x2048xi32, #tpu.memory_space<vmem>> -> memref<1x128xi32, #tpu.memory_space<vmem>>
        %dma_start3A_931 = tpu.memref_squeeze %dma_start3A_930 : memref<1x128xi32, #tpu.memory_space<vmem>> -> memref<128xi32, #tpu.memory_space<vmem>>
        %dma_start3A_932 = arith.constant 0 : i32
        %dma_start3A_933 = tpu.memref_slice %arg2[%dma_start3A_932] : memref<2146689xf32, #tpu.memory_space<hbm>> -> memref<2146689xf32, #tpu.memory_space<hbm>>
        tpu.enqueue_indirect_dma source(%dma_start3A_933 : memref<2146689xf32, #tpu.memory_space<hbm>>) target(%dma_start3A_928 : memref<128xf32, #tpu.memory_space<vmem>>) offsets(%dma_start3A_931 : memref<128xi32, #tpu.memory_space<vmem>>) semaphore(%arg10 : memref<!tpu.dma_semaphore, #tpu.memory_space<semaphore_mem>>)
        %dma_start3A_934 = arith.constant 0 : i32
        %dma_start3A_935 = arith.constant 1408 : i32
        %dma_start3A_936 = tpu.memref_slice %arg7[%dma_start3A_935] : memref<4096xf32, #tpu.memory_space<vmem>> -> memref<128xf32, #tpu.memory_space<vmem>>
        %dma_start3A_937 = arith.constant 1408 : i32
        %dma_start3A_938 = tpu.memref_slice %arg5[%dma_start3A_934, %dma_start3A_937] : memref<2x2048xi32, #tpu.memory_space<vmem>> -> memref<1x128xi32, #tpu.memory_space<vmem>>
        %dma_start3A_939 = tpu.memref_squeeze %dma_start3A_938 : memref<1x128xi32, #tpu.memory_space<vmem>> -> memref<128xi32, #tpu.memory_space<vmem>>
        %dma_start3A_940 = arith.constant 0 : i32
        %dma_start3A_941 = tpu.memref_slice %arg2[%dma_start3A_940] : memref<2146689xf32, #tpu.memory_space<hbm>> -> memref<2146689xf32, #tpu.memory_space<hbm>>
        tpu.enqueue_indirect_dma source(%dma_start3A_941 : memref<2146689xf32, #tpu.memory_space<hbm>>) target(%dma_start3A_936 : memref<128xf32, #tpu.memory_space<vmem>>) offsets(%dma_start3A_939 : memref<128xi32, #tpu.memory_space<vmem>>) semaphore(%arg10 : memref<!tpu.dma_semaphore, #tpu.memory_space<semaphore_mem>>)
        %dma_start3A_942 = arith.constant 0 : i32
        %dma_start3A_943 = arith.constant 1536 : i32
        %dma_start3A_944 = tpu.memref_slice %arg7[%dma_start3A_943] : memref<4096xf32, #tpu.memory_space<vmem>> -> memref<128xf32, #tpu.memory_space<vmem>>
        %dma_start3A_945 = arith.constant 1536 : i32
        %dma_start3A_946 = tpu.memref_slice %arg5[%dma_start3A_942, %dma_start3A_945] : memref<2x2048xi32, #tpu.memory_space<vmem>> -> memref<1x128xi32, #tpu.memory_space<vmem>>
        %dma_start3A_947 = tpu.memref_squeeze %dma_start3A_946 : memref<1x128xi32, #tpu.memory_space<vmem>> -> memref<128xi32, #tpu.memory_space<vmem>>
        %dma_start3A_948 = arith.constant 0 : i32
        %dma_start3A_949 = tpu.memref_slice %arg2[%dma_start3A_948] : memref<2146689xf32, #tpu.memory_space<hbm>> -> memref<2146689xf32, #tpu.memory_space<hbm>>
        tpu.enqueue_indirect_dma source(%dma_start3A_949 : memref<2146689xf32, #tpu.memory_space<hbm>>) target(%dma_start3A_944 : memref<128xf32, #tpu.memory_space<vmem>>) offsets(%dma_start3A_947 : memref<128xi32, #tpu.memory_space<vmem>>) semaphore(%arg10 : memref<!tpu.dma_semaphore, #tpu.memory_space<semaphore_mem>>)
        %dma_start3A_950 = arith.constant 0 : i32
        %dma_start3A_951 = arith.constant 1664 : i32
        %dma_start3A_952 = tpu.memref_slice %arg7[%dma_start3A_951] : memref<4096xf32, #tpu.memory_space<vmem>> -> memref<128xf32, #tpu.memory_space<vmem>>
        %dma_start3A_953 = arith.constant 1664 : i32
        %dma_start3A_954 = tpu.memref_slice %arg5[%dma_start3A_950, %dma_start3A_953] : memref<2x2048xi32, #tpu.memory_space<vmem>> -> memref<1x128xi32, #tpu.memory_space<vmem>>
        %dma_start3A_955 = tpu.memref_squeeze %dma_start3A_954 : memref<1x128xi32, #tpu.memory_space<vmem>> -> memref<128xi32, #tpu.memory_space<vmem>>
        %dma_start3A_956 = arith.constant 0 : i32
        %dma_start3A_957 = tpu.memref_slice %arg2[%dma_start3A_956] : memref<2146689xf32, #tpu.memory_space<hbm>> -> memref<2146689xf32, #tpu.memory_space<hbm>>
        tpu.enqueue_indirect_dma source(%dma_start3A_957 : memref<2146689xf32, #tpu.memory_space<hbm>>) target(%dma_start3A_952 : memref<128xf32, #tpu.memory_space<vmem>>) offsets(%dma_start3A_955 : memref<128xi32, #tpu.memory_space<vmem>>) semaphore(%arg10 : memref<!tpu.dma_semaphore, #tpu.memory_space<semaphore_mem>>)
        %dma_start3A_958 = arith.constant 0 : i32
        %dma_start3A_959 = arith.constant 1792 : i32
        %dma_start3A_960 = tpu.memref_slice %arg7[%dma_start3A_959] : memref<4096xf32, #tpu.memory_space<vmem>> -> memref<128xf32, #tpu.memory_space<vmem>>
        %dma_start3A_961 = arith.constant 1792 : i32
        %dma_start3A_962 = tpu.memref_slice %arg5[%dma_start3A_958, %dma_start3A_961] : memref<2x2048xi32, #tpu.memory_space<vmem>> -> memref<1x128xi32, #tpu.memory_space<vmem>>
        %dma_start3A_963 = tpu.memref_squeeze %dma_start3A_962 : memref<1x128xi32, #tpu.memory_space<vmem>> -> memref<128xi32, #tpu.memory_space<vmem>>
        %dma_start3A_964 = arith.constant 0 : i32
        %dma_start3A_965 = tpu.memref_slice %arg2[%dma_start3A_964] : memref<2146689xf32, #tpu.memory_space<hbm>> -> memref<2146689xf32, #tpu.memory_space<hbm>>
        tpu.enqueue_indirect_dma source(%dma_start3A_965 : memref<2146689xf32, #tpu.memory_space<hbm>>) target(%dma_start3A_960 : memref<128xf32, #tpu.memory_space<vmem>>) offsets(%dma_start3A_963 : memref<128xi32, #tpu.memory_space<vmem>>) semaphore(%arg10 : memref<!tpu.dma_semaphore, #tpu.memory_space<semaphore_mem>>)
        %dma_start3A_966 = arith.constant 0 : i32
        %dma_start3A_967 = arith.constant 1920 : i32
        %dma_start3A_968 = tpu.memref_slice %arg7[%dma_start3A_967] : memref<4096xf32, #tpu.memory_space<vmem>> -> memref<128xf32, #tpu.memory_space<vmem>>
        %dma_start3A_969 = arith.constant 1920 : i32
        %dma_start3A_970 = tpu.memref_slice %arg5[%dma_start3A_966, %dma_start3A_969] : memref<2x2048xi32, #tpu.memory_space<vmem>> -> memref<1x128xi32, #tpu.memory_space<vmem>>
        %dma_start3A_971 = tpu.memref_squeeze %dma_start3A_970 : memref<1x128xi32, #tpu.memory_space<vmem>> -> memref<128xi32, #tpu.memory_space<vmem>>
        %dma_start3A_972 = arith.constant 0 : i32
        %dma_start3A_973 = tpu.memref_slice %arg2[%dma_start3A_972] : memref<2146689xf32, #tpu.memory_space<hbm>> -> memref<2146689xf32, #tpu.memory_space<hbm>>
        tpu.enqueue_indirect_dma source(%dma_start3A_973 : memref<2146689xf32, #tpu.memory_space<hbm>>) target(%dma_start3A_968 : memref<128xf32, #tpu.memory_space<vmem>>) offsets(%dma_start3A_971 : memref<128xi32, #tpu.memory_space<vmem>>) semaphore(%arg10 : memref<!tpu.dma_semaphore, #tpu.memory_space<semaphore_mem>>)
        %dma_start3A_974 = arith.constant 1 : i32
        %dma_start3A_975 = arith.constant 2048 : i32
        %dma_start3A_976 = tpu.memref_slice %arg7[%dma_start3A_975] : memref<4096xf32, #tpu.memory_space<vmem>> -> memref<128xf32, #tpu.memory_space<vmem>>
        %dma_start3A_977 = arith.constant 0 : i32
        %dma_start3A_978 = tpu.memref_slice %arg5[%dma_start3A_974, %dma_start3A_977] : memref<2x2048xi32, #tpu.memory_space<vmem>> -> memref<1x128xi32, #tpu.memory_space<vmem>>
        %dma_start3A_979 = tpu.memref_squeeze %dma_start3A_978 : memref<1x128xi32, #tpu.memory_space<vmem>> -> memref<128xi32, #tpu.memory_space<vmem>>
        %dma_start3A_980 = arith.constant 0 : i32
        %dma_start3A_981 = tpu.memref_slice %arg2[%dma_start3A_980] : memref<2146689xf32, #tpu.memory_space<hbm>> -> memref<2146689xf32, #tpu.memory_space<hbm>>
        tpu.enqueue_indirect_dma source(%dma_start3A_981 : memref<2146689xf32, #tpu.memory_space<hbm>>) target(%dma_start3A_976 : memref<128xf32, #tpu.memory_space<vmem>>) offsets(%dma_start3A_979 : memref<128xi32, #tpu.memory_space<vmem>>) semaphore(%arg10 : memref<!tpu.dma_semaphore, #tpu.memory_space<semaphore_mem>>)
        %dma_start3A_982 = arith.constant 1 : i32
        %dma_start3A_983 = arith.constant 2176 : i32
        %dma_start3A_984 = tpu.memref_slice %arg7[%dma_start3A_983] : memref<4096xf32, #tpu.memory_space<vmem>> -> memref<128xf32, #tpu.memory_space<vmem>>
        %dma_start3A_985 = arith.constant 128 : i32
        %dma_start3A_986 = tpu.memref_slice %arg5[%dma_start3A_982, %dma_start3A_985] : memref<2x2048xi32, #tpu.memory_space<vmem>> -> memref<1x128xi32, #tpu.memory_space<vmem>>
        %dma_start3A_987 = tpu.memref_squeeze %dma_start3A_986 : memref<1x128xi32, #tpu.memory_space<vmem>> -> memref<128xi32, #tpu.memory_space<vmem>>
        %dma_start3A_988 = arith.constant 0 : i32
        %dma_start3A_989 = tpu.memref_slice %arg2[%dma_start3A_988] : memref<2146689xf32, #tpu.memory_space<hbm>> -> memref<2146689xf32, #tpu.memory_space<hbm>>
        tpu.enqueue_indirect_dma source(%dma_start3A_989 : memref<2146689xf32, #tpu.memory_space<hbm>>) target(%dma_start3A_984 : memref<128xf32, #tpu.memory_space<vmem>>) offsets(%dma_start3A_987 : memref<128xi32, #tpu.memory_space<vmem>>) semaphore(%arg10 : memref<!tpu.dma_semaphore, #tpu.memory_space<semaphore_mem>>)
        %dma_start3A_990 = arith.constant 1 : i32
        %dma_start3A_991 = arith.constant 2304 : i32
        %dma_start3A_992 = tpu.memref_slice %arg7[%dma_start3A_991] : memref<4096xf32, #tpu.memory_space<vmem>> -> memref<128xf32, #tpu.memory_space<vmem>>
        %dma_start3A_993 = arith.constant 256 : i32
        %dma_start3A_994 = tpu.memref_slice %arg5[%dma_start3A_990, %dma_start3A_993] : memref<2x2048xi32, #tpu.memory_space<vmem>> -> memref<1x128xi32, #tpu.memory_space<vmem>>
        %dma_start3A_995 = tpu.memref_squeeze %dma_start3A_994 : memref<1x128xi32, #tpu.memory_space<vmem>> -> memref<128xi32, #tpu.memory_space<vmem>>
        %dma_start3A_996 = arith.constant 0 : i32
        %dma_start3A_997 = tpu.memref_slice %arg2[%dma_start3A_996] : memref<2146689xf32, #tpu.memory_space<hbm>> -> memref<2146689xf32, #tpu.memory_space<hbm>>
        tpu.enqueue_indirect_dma source(%dma_start3A_997 : memref<2146689xf32, #tpu.memory_space<hbm>>) target(%dma_start3A_992 : memref<128xf32, #tpu.memory_space<vmem>>) offsets(%dma_start3A_995 : memref<128xi32, #tpu.memory_space<vmem>>) semaphore(%arg10 : memref<!tpu.dma_semaphore, #tpu.memory_space<semaphore_mem>>)
        %dma_start3A_998 = arith.constant 1 : i32
        %dma_start3A_999 = arith.constant 2432 : i32
        %dma_start3A_1000 = tpu.memref_slice %arg7[%dma_start3A_999] : memref<4096xf32, #tpu.memory_space<vmem>> -> memref<128xf32, #tpu.memory_space<vmem>>
        %dma_start3A_1001 = arith.constant 384 : i32
        %dma_start3A_1002 = tpu.memref_slice %arg5[%dma_start3A_998, %dma_start3A_1001] : memref<2x2048xi32, #tpu.memory_space<vmem>> -> memref<1x128xi32, #tpu.memory_space<vmem>>
        %dma_start3A_1003 = tpu.memref_squeeze %dma_start3A_1002 : memref<1x128xi32, #tpu.memory_space<vmem>> -> memref<128xi32, #tpu.memory_space<vmem>>
        %dma_start3A_1004 = arith.constant 0 : i32
        %dma_start3A_1005 = tpu.memref_slice %arg2[%dma_start3A_1004] : memref<2146689xf32, #tpu.memory_space<hbm>> -> memref<2146689xf32, #tpu.memory_space<hbm>>
        tpu.enqueue_indirect_dma source(%dma_start3A_1005 : memref<2146689xf32, #tpu.memory_space<hbm>>) target(%dma_start3A_1000 : memref<128xf32, #tpu.memory_space<vmem>>) offsets(%dma_start3A_1003 : memref<128xi32, #tpu.memory_space<vmem>>) semaphore(%arg10 : memref<!tpu.dma_semaphore, #tpu.memory_space<semaphore_mem>>)
        %dma_start3A_1006 = arith.constant 1 : i32
        %dma_start3A_1007 = arith.constant 2560 : i32
        %dma_start3A_1008 = tpu.memref_slice %arg7[%dma_start3A_1007] : memref<4096xf32, #tpu.memory_space<vmem>> -> memref<128xf32, #tpu.memory_space<vmem>>
        %dma_start3A_1009 = arith.constant 512 : i32
        %dma_start3A_1010 = tpu.memref_slice %arg5[%dma_start3A_1006, %dma_start3A_1009] : memref<2x2048xi32, #tpu.memory_space<vmem>> -> memref<1x128xi32, #tpu.memory_space<vmem>>
        %dma_start3A_1011 = tpu.memref_squeeze %dma_start3A_1010 : memref<1x128xi32, #tpu.memory_space<vmem>> -> memref<128xi32, #tpu.memory_space<vmem>>
        %dma_start3A_1012 = arith.constant 0 : i32
        %dma_start3A_1013 = tpu.memref_slice %arg2[%dma_start3A_1012] : memref<2146689xf32, #tpu.memory_space<hbm>> -> memref<2146689xf32, #tpu.memory_space<hbm>>
        tpu.enqueue_indirect_dma source(%dma_start3A_1013 : memref<2146689xf32, #tpu.memory_space<hbm>>) target(%dma_start3A_1008 : memref<128xf32, #tpu.memory_space<vmem>>) offsets(%dma_start3A_1011 : memref<128xi32, #tpu.memory_space<vmem>>) semaphore(%arg10 : memref<!tpu.dma_semaphore, #tpu.memory_space<semaphore_mem>>)
        %dma_start3A_1014 = arith.constant 1 : i32
        %dma_start3A_1015 = arith.constant 2688 : i32
        %dma_start3A_1016 = tpu.memref_slice %arg7[%dma_start3A_1015] : memref<4096xf32, #tpu.memory_space<vmem>> -> memref<128xf32, #tpu.memory_space<vmem>>
        %dma_start3A_1017 = arith.constant 640 : i32
        %dma_start3A_1018 = tpu.memref_slice %arg5[%dma_start3A_1014, %dma_start3A_1017] : memref<2x2048xi32, #tpu.memory_space<vmem>> -> memref<1x128xi32, #tpu.memory_space<vmem>>
        %dma_start3A_1019 = tpu.memref_squeeze %dma_start3A_1018 : memref<1x128xi32, #tpu.memory_space<vmem>> -> memref<128xi32, #tpu.memory_space<vmem>>
        %dma_start3A_1020 = arith.constant 0 : i32
        %dma_start3A_1021 = tpu.memref_slice %arg2[%dma_start3A_1020] : memref<2146689xf32, #tpu.memory_space<hbm>> -> memref<2146689xf32, #tpu.memory_space<hbm>>
        tpu.enqueue_indirect_dma source(%dma_start3A_1021 : memref<2146689xf32, #tpu.memory_space<hbm>>) target(%dma_start3A_1016 : memref<128xf32, #tpu.memory_space<vmem>>) offsets(%dma_start3A_1019 : memref<128xi32, #tpu.memory_space<vmem>>) semaphore(%arg10 : memref<!tpu.dma_semaphore, #tpu.memory_space<semaphore_mem>>)
        %dma_start3A_1022 = arith.constant 1 : i32
        %dma_start3A_1023 = arith.constant 2816 : i32
        %dma_start3A_1024 = tpu.memref_slice %arg7[%dma_start3A_1023] : memref<4096xf32, #tpu.memory_space<vmem>> -> memref<128xf32, #tpu.memory_space<vmem>>
        %dma_start3A_1025 = arith.constant 768 : i32
        %dma_start3A_1026 = tpu.memref_slice %arg5[%dma_start3A_1022, %dma_start3A_1025] : memref<2x2048xi32, #tpu.memory_space<vmem>> -> memref<1x128xi32, #tpu.memory_space<vmem>>
        %dma_start3A_1027 = tpu.memref_squeeze %dma_start3A_1026 : memref<1x128xi32, #tpu.memory_space<vmem>> -> memref<128xi32, #tpu.memory_space<vmem>>
        %dma_start3A_1028 = arith.constant 0 : i32
        %dma_start3A_1029 = tpu.memref_slice %arg2[%dma_start3A_1028] : memref<2146689xf32, #tpu.memory_space<hbm>> -> memref<2146689xf32, #tpu.memory_space<hbm>>
        tpu.enqueue_indirect_dma source(%dma_start3A_1029 : memref<2146689xf32, #tpu.memory_space<hbm>>) target(%dma_start3A_1024 : memref<128xf32, #tpu.memory_space<vmem>>) offsets(%dma_start3A_1027 : memref<128xi32, #tpu.memory_space<vmem>>) semaphore(%arg10 : memref<!tpu.dma_semaphore, #tpu.memory_space<semaphore_mem>>)
        %dma_start3A_1030 = arith.constant 1 : i32
        %dma_start3A_1031 = arith.constant 2944 : i32
        %dma_start3A_1032 = tpu.memref_slice %arg7[%dma_start3A_1031] : memref<4096xf32, #tpu.memory_space<vmem>> -> memref<128xf32, #tpu.memory_space<vmem>>
        %dma_start3A_1033 = arith.constant 896 : i32
        %dma_start3A_1034 = tpu.memref_slice %arg5[%dma_start3A_1030, %dma_start3A_1033] : memref<2x2048xi32, #tpu.memory_space<vmem>> -> memref<1x128xi32, #tpu.memory_space<vmem>>
        %dma_start3A_1035 = tpu.memref_squeeze %dma_start3A_1034 : memref<1x128xi32, #tpu.memory_space<vmem>> -> memref<128xi32, #tpu.memory_space<vmem>>
        %dma_start3A_1036 = arith.constant 0 : i32
        %dma_start3A_1037 = tpu.memref_slice %arg2[%dma_start3A_1036] : memref<2146689xf32, #tpu.memory_space<hbm>> -> memref<2146689xf32, #tpu.memory_space<hbm>>
        tpu.enqueue_indirect_dma source(%dma_start3A_1037 : memref<2146689xf32, #tpu.memory_space<hbm>>) target(%dma_start3A_1032 : memref<128xf32, #tpu.memory_space<vmem>>) offsets(%dma_start3A_1035 : memref<128xi32, #tpu.memory_space<vmem>>) semaphore(%arg10 : memref<!tpu.dma_semaphore, #tpu.memory_space<semaphore_mem>>)
        %dma_start3A_1038 = arith.constant 1 : i32
        %dma_start3A_1039 = arith.constant 3072 : i32
        %dma_start3A_1040 = tpu.memref_slice %arg7[%dma_start3A_1039] : memref<4096xf32, #tpu.memory_space<vmem>> -> memref<128xf32, #tpu.memory_space<vmem>>
        %dma_start3A_1041 = arith.constant 1024 : i32
        %dma_start3A_1042 = tpu.memref_slice %arg5[%dma_start3A_1038, %dma_start3A_1041] : memref<2x2048xi32, #tpu.memory_space<vmem>> -> memref<1x128xi32, #tpu.memory_space<vmem>>
        %dma_start3A_1043 = tpu.memref_squeeze %dma_start3A_1042 : memref<1x128xi32, #tpu.memory_space<vmem>> -> memref<128xi32, #tpu.memory_space<vmem>>
        %dma_start3A_1044 = arith.constant 0 : i32
        %dma_start3A_1045 = tpu.memref_slice %arg2[%dma_start3A_1044] : memref<2146689xf32, #tpu.memory_space<hbm>> -> memref<2146689xf32, #tpu.memory_space<hbm>>
        tpu.enqueue_indirect_dma source(%dma_start3A_1045 : memref<2146689xf32, #tpu.memory_space<hbm>>) target(%dma_start3A_1040 : memref<128xf32, #tpu.memory_space<vmem>>) offsets(%dma_start3A_1043 : memref<128xi32, #tpu.memory_space<vmem>>) semaphore(%arg10 : memref<!tpu.dma_semaphore, #tpu.memory_space<semaphore_mem>>)
        %dma_start3A_1046 = arith.constant 1 : i32
        %dma_start3A_1047 = arith.constant 3200 : i32
        %dma_start3A_1048 = tpu.memref_slice %arg7[%dma_start3A_1047] : memref<4096xf32, #tpu.memory_space<vmem>> -> memref<128xf32, #tpu.memory_space<vmem>>
        %dma_start3A_1049 = arith.constant 1152 : i32
        %dma_start3A_1050 = tpu.memref_slice %arg5[%dma_start3A_1046, %dma_start3A_1049] : memref<2x2048xi32, #tpu.memory_space<vmem>> -> memref<1x128xi32, #tpu.memory_space<vmem>>
        %dma_start3A_1051 = tpu.memref_squeeze %dma_start3A_1050 : memref<1x128xi32, #tpu.memory_space<vmem>> -> memref<128xi32, #tpu.memory_space<vmem>>
        %dma_start3A_1052 = arith.constant 0 : i32
        %dma_start3A_1053 = tpu.memref_slice %arg2[%dma_start3A_1052] : memref<2146689xf32, #tpu.memory_space<hbm>> -> memref<2146689xf32, #tpu.memory_space<hbm>>
        tpu.enqueue_indirect_dma source(%dma_start3A_1053 : memref<2146689xf32, #tpu.memory_space<hbm>>) target(%dma_start3A_1048 : memref<128xf32, #tpu.memory_space<vmem>>) offsets(%dma_start3A_1051 : memref<128xi32, #tpu.memory_space<vmem>>) semaphore(%arg10 : memref<!tpu.dma_semaphore, #tpu.memory_space<semaphore_mem>>)
        %dma_start3A_1054 = arith.constant 1 : i32
        %dma_start3A_1055 = arith.constant 3328 : i32
        %dma_start3A_1056 = tpu.memref_slice %arg7[%dma_start3A_1055] : memref<4096xf32, #tpu.memory_space<vmem>> -> memref<128xf32, #tpu.memory_space<vmem>>
        %dma_start3A_1057 = arith.constant 1280 : i32
        %dma_start3A_1058 = tpu.memref_slice %arg5[%dma_start3A_1054, %dma_start3A_1057] : memref<2x2048xi32, #tpu.memory_space<vmem>> -> memref<1x128xi32, #tpu.memory_space<vmem>>
        %dma_start3A_1059 = tpu.memref_squeeze %dma_start3A_1058 : memref<1x128xi32, #tpu.memory_space<vmem>> -> memref<128xi32, #tpu.memory_space<vmem>>
        %dma_start3A_1060 = arith.constant 0 : i32
        %dma_start3A_1061 = tpu.memref_slice %arg2[%dma_start3A_1060] : memref<2146689xf32, #tpu.memory_space<hbm>> -> memref<2146689xf32, #tpu.memory_space<hbm>>
        tpu.enqueue_indirect_dma source(%dma_start3A_1061 : memref<2146689xf32, #tpu.memory_space<hbm>>) target(%dma_start3A_1056 : memref<128xf32, #tpu.memory_space<vmem>>) offsets(%dma_start3A_1059 : memref<128xi32, #tpu.memory_space<vmem>>) semaphore(%arg10 : memref<!tpu.dma_semaphore, #tpu.memory_space<semaphore_mem>>)
        %dma_start3A_1062 = arith.constant 1 : i32
        %dma_start3A_1063 = arith.constant 3456 : i32
        %dma_start3A_1064 = tpu.memref_slice %arg7[%dma_start3A_1063] : memref<4096xf32, #tpu.memory_space<vmem>> -> memref<128xf32, #tpu.memory_space<vmem>>
        %dma_start3A_1065 = arith.constant 1408 : i32
        %dma_start3A_1066 = tpu.memref_slice %arg5[%dma_start3A_1062, %dma_start3A_1065] : memref<2x2048xi32, #tpu.memory_space<vmem>> -> memref<1x128xi32, #tpu.memory_space<vmem>>
        %dma_start3A_1067 = tpu.memref_squeeze %dma_start3A_1066 : memref<1x128xi32, #tpu.memory_space<vmem>> -> memref<128xi32, #tpu.memory_space<vmem>>
        %dma_start3A_1068 = arith.constant 0 : i32
        %dma_start3A_1069 = tpu.memref_slice %arg2[%dma_start3A_1068] : memref<2146689xf32, #tpu.memory_space<hbm>> -> memref<2146689xf32, #tpu.memory_space<hbm>>
        tpu.enqueue_indirect_dma source(%dma_start3A_1069 : memref<2146689xf32, #tpu.memory_space<hbm>>) target(%dma_start3A_1064 : memref<128xf32, #tpu.memory_space<vmem>>) offsets(%dma_start3A_1067 : memref<128xi32, #tpu.memory_space<vmem>>) semaphore(%arg10 : memref<!tpu.dma_semaphore, #tpu.memory_space<semaphore_mem>>)
        %dma_start3A_1070 = arith.constant 1 : i32
        %dma_start3A_1071 = arith.constant 3584 : i32
        %dma_start3A_1072 = tpu.memref_slice %arg7[%dma_start3A_1071] : memref<4096xf32, #tpu.memory_space<vmem>> -> memref<128xf32, #tpu.memory_space<vmem>>
        %dma_start3A_1073 = arith.constant 1536 : i32
        %dma_start3A_1074 = tpu.memref_slice %arg5[%dma_start3A_1070, %dma_start3A_1073] : memref<2x2048xi32, #tpu.memory_space<vmem>> -> memref<1x128xi32, #tpu.memory_space<vmem>>
        %dma_start3A_1075 = tpu.memref_squeeze %dma_start3A_1074 : memref<1x128xi32, #tpu.memory_space<vmem>> -> memref<128xi32, #tpu.memory_space<vmem>>
        %dma_start3A_1076 = arith.constant 0 : i32
        %dma_start3A_1077 = tpu.memref_slice %arg2[%dma_start3A_1076] : memref<2146689xf32, #tpu.memory_space<hbm>> -> memref<2146689xf32, #tpu.memory_space<hbm>>
        tpu.enqueue_indirect_dma source(%dma_start3A_1077 : memref<2146689xf32, #tpu.memory_space<hbm>>) target(%dma_start3A_1072 : memref<128xf32, #tpu.memory_space<vmem>>) offsets(%dma_start3A_1075 : memref<128xi32, #tpu.memory_space<vmem>>) semaphore(%arg10 : memref<!tpu.dma_semaphore, #tpu.memory_space<semaphore_mem>>)
        %dma_start3A_1078 = arith.constant 1 : i32
        %dma_start3A_1079 = arith.constant 3712 : i32
        %dma_start3A_1080 = tpu.memref_slice %arg7[%dma_start3A_1079] : memref<4096xf32, #tpu.memory_space<vmem>> -> memref<128xf32, #tpu.memory_space<vmem>>
        %dma_start3A_1081 = arith.constant 1664 : i32
        %dma_start3A_1082 = tpu.memref_slice %arg5[%dma_start3A_1078, %dma_start3A_1081] : memref<2x2048xi32, #tpu.memory_space<vmem>> -> memref<1x128xi32, #tpu.memory_space<vmem>>
        %dma_start3A_1083 = tpu.memref_squeeze %dma_start3A_1082 : memref<1x128xi32, #tpu.memory_space<vmem>> -> memref<128xi32, #tpu.memory_space<vmem>>
        %dma_start3A_1084 = arith.constant 0 : i32
        %dma_start3A_1085 = tpu.memref_slice %arg2[%dma_start3A_1084] : memref<2146689xf32, #tpu.memory_space<hbm>> -> memref<2146689xf32, #tpu.memory_space<hbm>>
        tpu.enqueue_indirect_dma source(%dma_start3A_1085 : memref<2146689xf32, #tpu.memory_space<hbm>>) target(%dma_start3A_1080 : memref<128xf32, #tpu.memory_space<vmem>>) offsets(%dma_start3A_1083 : memref<128xi32, #tpu.memory_space<vmem>>) semaphore(%arg10 : memref<!tpu.dma_semaphore, #tpu.memory_space<semaphore_mem>>)
        %dma_start3A_1086 = arith.constant 1 : i32
        %dma_start3A_1087 = arith.constant 3840 : i32
        %dma_start3A_1088 = tpu.memref_slice %arg7[%dma_start3A_1087] : memref<4096xf32, #tpu.memory_space<vmem>> -> memref<128xf32, #tpu.memory_space<vmem>>
        %dma_start3A_1089 = arith.constant 1792 : i32
        %dma_start3A_1090 = tpu.memref_slice %arg5[%dma_start3A_1086, %dma_start3A_1089] : memref<2x2048xi32, #tpu.memory_space<vmem>> -> memref<1x128xi32, #tpu.memory_space<vmem>>
        %dma_start3A_1091 = tpu.memref_squeeze %dma_start3A_1090 : memref<1x128xi32, #tpu.memory_space<vmem>> -> memref<128xi32, #tpu.memory_space<vmem>>
        %dma_start3A_1092 = arith.constant 0 : i32
        %dma_start3A_1093 = tpu.memref_slice %arg2[%dma_start3A_1092] : memref<2146689xf32, #tpu.memory_space<hbm>> -> memref<2146689xf32, #tpu.memory_space<hbm>>
        tpu.enqueue_indirect_dma source(%dma_start3A_1093 : memref<2146689xf32, #tpu.memory_space<hbm>>) target(%dma_start3A_1088 : memref<128xf32, #tpu.memory_space<vmem>>) offsets(%dma_start3A_1091 : memref<128xi32, #tpu.memory_space<vmem>>) semaphore(%arg10 : memref<!tpu.dma_semaphore, #tpu.memory_space<semaphore_mem>>)
        %dma_start3A_1094 = arith.constant 1 : i32
        %dma_start3A_1095 = arith.constant 3968 : i32
        %dma_start3A_1096 = tpu.memref_slice %arg7[%dma_start3A_1095] : memref<4096xf32, #tpu.memory_space<vmem>> -> memref<128xf32, #tpu.memory_space<vmem>>
        %dma_start3A_1097 = arith.constant 1920 : i32
        %dma_start3A_1098 = tpu.memref_slice %arg5[%dma_start3A_1094, %dma_start3A_1097] : memref<2x2048xi32, #tpu.memory_space<vmem>> -> memref<1x128xi32, #tpu.memory_space<vmem>>
        %dma_start3A_1099 = tpu.memref_squeeze %dma_start3A_1098 : memref<1x128xi32, #tpu.memory_space<vmem>> -> memref<128xi32, #tpu.memory_space<vmem>>
        %dma_start3A_1100 = arith.constant 0 : i32
        %dma_start3A_1101 = tpu.memref_slice %arg2[%dma_start3A_1100] : memref<2146689xf32, #tpu.memory_space<hbm>> -> memref<2146689xf32, #tpu.memory_space<hbm>>
        tpu.enqueue_indirect_dma source(%dma_start3A_1101 : memref<2146689xf32, #tpu.memory_space<hbm>>) target(%dma_start3A_1096 : memref<128xf32, #tpu.memory_space<vmem>>) offsets(%dma_start3A_1099 : memref<128xi32, #tpu.memory_space<vmem>>) semaphore(%arg10 : memref<!tpu.dma_semaphore, #tpu.memory_space<semaphore_mem>>)
      } else {
      }
      %dma_wait3A_577 = arith.constant 0 : i32
      %dma_wait3A_578 = arith.constant 0 : i32
      %dma_wait3A_579 = tpu.memref_slice %arg8[%dma_wait3A_578] : memref<4096xf32, #tpu.memory_space<vmem>> -> memref<128xf32, #tpu.memory_space<vmem>>
      %dma_wait3A_580 = arith.constant 0 : i32
      %dma_wait3A_581 = tpu.memref_slice %arg6[%dma_wait3A_577, %dma_wait3A_580] : memref<2x2048xi32, #tpu.memory_space<vmem>> -> memref<1x128xi32, #tpu.memory_space<vmem>>
      %dma_wait3A_582 = tpu.memref_squeeze %dma_wait3A_581 : memref<1x128xi32, #tpu.memory_space<vmem>> -> memref<128xi32, #tpu.memory_space<vmem>>
      %dma_wait3A_583 = arith.constant 0 : i32
      %dma_wait3A_584 = tpu.memref_slice %arg2[%dma_wait3A_583] : memref<2146689xf32, #tpu.memory_space<hbm>> -> memref<2146689xf32, #tpu.memory_space<hbm>>
      tpu.wait_indirect_dma semaphore(%arg11 : memref<!tpu.dma_semaphore, #tpu.memory_space<semaphore_mem>>) src(%dma_wait3A_584 : memref<2146689xf32, #tpu.memory_space<hbm>>) dst(%dma_wait3A_579 : memref<128xf32, #tpu.memory_space<vmem>>)
      %dma_wait3A_585 = arith.constant 0 : i32
      %dma_wait3A_586 = arith.constant 128 : i32
      %dma_wait3A_587 = tpu.memref_slice %arg8[%dma_wait3A_586] : memref<4096xf32, #tpu.memory_space<vmem>> -> memref<128xf32, #tpu.memory_space<vmem>>
      %dma_wait3A_588 = arith.constant 128 : i32
      %dma_wait3A_589 = tpu.memref_slice %arg6[%dma_wait3A_585, %dma_wait3A_588] : memref<2x2048xi32, #tpu.memory_space<vmem>> -> memref<1x128xi32, #tpu.memory_space<vmem>>
      %dma_wait3A_590 = tpu.memref_squeeze %dma_wait3A_589 : memref<1x128xi32, #tpu.memory_space<vmem>> -> memref<128xi32, #tpu.memory_space<vmem>>
      %dma_wait3A_591 = arith.constant 0 : i32
      %dma_wait3A_592 = tpu.memref_slice %arg2[%dma_wait3A_591] : memref<2146689xf32, #tpu.memory_space<hbm>> -> memref<2146689xf32, #tpu.memory_space<hbm>>
      tpu.wait_indirect_dma semaphore(%arg11 : memref<!tpu.dma_semaphore, #tpu.memory_space<semaphore_mem>>) src(%dma_wait3A_592 : memref<2146689xf32, #tpu.memory_space<hbm>>) dst(%dma_wait3A_587 : memref<128xf32, #tpu.memory_space<vmem>>)
      %dma_wait3A_593 = arith.constant 0 : i32
      %dma_wait3A_594 = arith.constant 256 : i32
      %dma_wait3A_595 = tpu.memref_slice %arg8[%dma_wait3A_594] : memref<4096xf32, #tpu.memory_space<vmem>> -> memref<128xf32, #tpu.memory_space<vmem>>
      %dma_wait3A_596 = arith.constant 256 : i32
      %dma_wait3A_597 = tpu.memref_slice %arg6[%dma_wait3A_593, %dma_wait3A_596] : memref<2x2048xi32, #tpu.memory_space<vmem>> -> memref<1x128xi32, #tpu.memory_space<vmem>>
      %dma_wait3A_598 = tpu.memref_squeeze %dma_wait3A_597 : memref<1x128xi32, #tpu.memory_space<vmem>> -> memref<128xi32, #tpu.memory_space<vmem>>
      %dma_wait3A_599 = arith.constant 0 : i32
      %dma_wait3A_600 = tpu.memref_slice %arg2[%dma_wait3A_599] : memref<2146689xf32, #tpu.memory_space<hbm>> -> memref<2146689xf32, #tpu.memory_space<hbm>>
      tpu.wait_indirect_dma semaphore(%arg11 : memref<!tpu.dma_semaphore, #tpu.memory_space<semaphore_mem>>) src(%dma_wait3A_600 : memref<2146689xf32, #tpu.memory_space<hbm>>) dst(%dma_wait3A_595 : memref<128xf32, #tpu.memory_space<vmem>>)
      %dma_wait3A_601 = arith.constant 0 : i32
      %dma_wait3A_602 = arith.constant 384 : i32
      %dma_wait3A_603 = tpu.memref_slice %arg8[%dma_wait3A_602] : memref<4096xf32, #tpu.memory_space<vmem>> -> memref<128xf32, #tpu.memory_space<vmem>>
      %dma_wait3A_604 = arith.constant 384 : i32
      %dma_wait3A_605 = tpu.memref_slice %arg6[%dma_wait3A_601, %dma_wait3A_604] : memref<2x2048xi32, #tpu.memory_space<vmem>> -> memref<1x128xi32, #tpu.memory_space<vmem>>
      %dma_wait3A_606 = tpu.memref_squeeze %dma_wait3A_605 : memref<1x128xi32, #tpu.memory_space<vmem>> -> memref<128xi32, #tpu.memory_space<vmem>>
      %dma_wait3A_607 = arith.constant 0 : i32
      %dma_wait3A_608 = tpu.memref_slice %arg2[%dma_wait3A_607] : memref<2146689xf32, #tpu.memory_space<hbm>> -> memref<2146689xf32, #tpu.memory_space<hbm>>
      tpu.wait_indirect_dma semaphore(%arg11 : memref<!tpu.dma_semaphore, #tpu.memory_space<semaphore_mem>>) src(%dma_wait3A_608 : memref<2146689xf32, #tpu.memory_space<hbm>>) dst(%dma_wait3A_603 : memref<128xf32, #tpu.memory_space<vmem>>)
      %dma_wait3A_609 = arith.constant 0 : i32
      %dma_wait3A_610 = arith.constant 512 : i32
      %dma_wait3A_611 = tpu.memref_slice %arg8[%dma_wait3A_610] : memref<4096xf32, #tpu.memory_space<vmem>> -> memref<128xf32, #tpu.memory_space<vmem>>
      %dma_wait3A_612 = arith.constant 512 : i32
      %dma_wait3A_613 = tpu.memref_slice %arg6[%dma_wait3A_609, %dma_wait3A_612] : memref<2x2048xi32, #tpu.memory_space<vmem>> -> memref<1x128xi32, #tpu.memory_space<vmem>>
      %dma_wait3A_614 = tpu.memref_squeeze %dma_wait3A_613 : memref<1x128xi32, #tpu.memory_space<vmem>> -> memref<128xi32, #tpu.memory_space<vmem>>
      %dma_wait3A_615 = arith.constant 0 : i32
      %dma_wait3A_616 = tpu.memref_slice %arg2[%dma_wait3A_615] : memref<2146689xf32, #tpu.memory_space<hbm>> -> memref<2146689xf32, #tpu.memory_space<hbm>>
      tpu.wait_indirect_dma semaphore(%arg11 : memref<!tpu.dma_semaphore, #tpu.memory_space<semaphore_mem>>) src(%dma_wait3A_616 : memref<2146689xf32, #tpu.memory_space<hbm>>) dst(%dma_wait3A_611 : memref<128xf32, #tpu.memory_space<vmem>>)
      %dma_wait3A_617 = arith.constant 0 : i32
      %dma_wait3A_618 = arith.constant 640 : i32
      %dma_wait3A_619 = tpu.memref_slice %arg8[%dma_wait3A_618] : memref<4096xf32, #tpu.memory_space<vmem>> -> memref<128xf32, #tpu.memory_space<vmem>>
      %dma_wait3A_620 = arith.constant 640 : i32
      %dma_wait3A_621 = tpu.memref_slice %arg6[%dma_wait3A_617, %dma_wait3A_620] : memref<2x2048xi32, #tpu.memory_space<vmem>> -> memref<1x128xi32, #tpu.memory_space<vmem>>
      %dma_wait3A_622 = tpu.memref_squeeze %dma_wait3A_621 : memref<1x128xi32, #tpu.memory_space<vmem>> -> memref<128xi32, #tpu.memory_space<vmem>>
      %dma_wait3A_623 = arith.constant 0 : i32
      %dma_wait3A_624 = tpu.memref_slice %arg2[%dma_wait3A_623] : memref<2146689xf32, #tpu.memory_space<hbm>> -> memref<2146689xf32, #tpu.memory_space<hbm>>
      tpu.wait_indirect_dma semaphore(%arg11 : memref<!tpu.dma_semaphore, #tpu.memory_space<semaphore_mem>>) src(%dma_wait3A_624 : memref<2146689xf32, #tpu.memory_space<hbm>>) dst(%dma_wait3A_619 : memref<128xf32, #tpu.memory_space<vmem>>)
      %dma_wait3A_625 = arith.constant 0 : i32
      %dma_wait3A_626 = arith.constant 768 : i32
      %dma_wait3A_627 = tpu.memref_slice %arg8[%dma_wait3A_626] : memref<4096xf32, #tpu.memory_space<vmem>> -> memref<128xf32, #tpu.memory_space<vmem>>
      %dma_wait3A_628 = arith.constant 768 : i32
      %dma_wait3A_629 = tpu.memref_slice %arg6[%dma_wait3A_625, %dma_wait3A_628] : memref<2x2048xi32, #tpu.memory_space<vmem>> -> memref<1x128xi32, #tpu.memory_space<vmem>>
      %dma_wait3A_630 = tpu.memref_squeeze %dma_wait3A_629 : memref<1x128xi32, #tpu.memory_space<vmem>> -> memref<128xi32, #tpu.memory_space<vmem>>
      %dma_wait3A_631 = arith.constant 0 : i32
      %dma_wait3A_632 = tpu.memref_slice %arg2[%dma_wait3A_631] : memref<2146689xf32, #tpu.memory_space<hbm>> -> memref<2146689xf32, #tpu.memory_space<hbm>>
      tpu.wait_indirect_dma semaphore(%arg11 : memref<!tpu.dma_semaphore, #tpu.memory_space<semaphore_mem>>) src(%dma_wait3A_632 : memref<2146689xf32, #tpu.memory_space<hbm>>) dst(%dma_wait3A_627 : memref<128xf32, #tpu.memory_space<vmem>>)
      %dma_wait3A_633 = arith.constant 0 : i32
      %dma_wait3A_634 = arith.constant 896 : i32
      %dma_wait3A_635 = tpu.memref_slice %arg8[%dma_wait3A_634] : memref<4096xf32, #tpu.memory_space<vmem>> -> memref<128xf32, #tpu.memory_space<vmem>>
      %dma_wait3A_636 = arith.constant 896 : i32
      %dma_wait3A_637 = tpu.memref_slice %arg6[%dma_wait3A_633, %dma_wait3A_636] : memref<2x2048xi32, #tpu.memory_space<vmem>> -> memref<1x128xi32, #tpu.memory_space<vmem>>
      %dma_wait3A_638 = tpu.memref_squeeze %dma_wait3A_637 : memref<1x128xi32, #tpu.memory_space<vmem>> -> memref<128xi32, #tpu.memory_space<vmem>>
      %dma_wait3A_639 = arith.constant 0 : i32
      %dma_wait3A_640 = tpu.memref_slice %arg2[%dma_wait3A_639] : memref<2146689xf32, #tpu.memory_space<hbm>> -> memref<2146689xf32, #tpu.memory_space<hbm>>
      tpu.wait_indirect_dma semaphore(%arg11 : memref<!tpu.dma_semaphore, #tpu.memory_space<semaphore_mem>>) src(%dma_wait3A_640 : memref<2146689xf32, #tpu.memory_space<hbm>>) dst(%dma_wait3A_635 : memref<128xf32, #tpu.memory_space<vmem>>)
      %dma_wait3A_641 = arith.constant 0 : i32
      %dma_wait3A_642 = arith.constant 1024 : i32
      %dma_wait3A_643 = tpu.memref_slice %arg8[%dma_wait3A_642] : memref<4096xf32, #tpu.memory_space<vmem>> -> memref<128xf32, #tpu.memory_space<vmem>>
      %dma_wait3A_644 = arith.constant 1024 : i32
      %dma_wait3A_645 = tpu.memref_slice %arg6[%dma_wait3A_641, %dma_wait3A_644] : memref<2x2048xi32, #tpu.memory_space<vmem>> -> memref<1x128xi32, #tpu.memory_space<vmem>>
      %dma_wait3A_646 = tpu.memref_squeeze %dma_wait3A_645 : memref<1x128xi32, #tpu.memory_space<vmem>> -> memref<128xi32, #tpu.memory_space<vmem>>
      %dma_wait3A_647 = arith.constant 0 : i32
      %dma_wait3A_648 = tpu.memref_slice %arg2[%dma_wait3A_647] : memref<2146689xf32, #tpu.memory_space<hbm>> -> memref<2146689xf32, #tpu.memory_space<hbm>>
      tpu.wait_indirect_dma semaphore(%arg11 : memref<!tpu.dma_semaphore, #tpu.memory_space<semaphore_mem>>) src(%dma_wait3A_648 : memref<2146689xf32, #tpu.memory_space<hbm>>) dst(%dma_wait3A_643 : memref<128xf32, #tpu.memory_space<vmem>>)
      %dma_wait3A_649 = arith.constant 0 : i32
      %dma_wait3A_650 = arith.constant 1152 : i32
      %dma_wait3A_651 = tpu.memref_slice %arg8[%dma_wait3A_650] : memref<4096xf32, #tpu.memory_space<vmem>> -> memref<128xf32, #tpu.memory_space<vmem>>
      %dma_wait3A_652 = arith.constant 1152 : i32
      %dma_wait3A_653 = tpu.memref_slice %arg6[%dma_wait3A_649, %dma_wait3A_652] : memref<2x2048xi32, #tpu.memory_space<vmem>> -> memref<1x128xi32, #tpu.memory_space<vmem>>
      %dma_wait3A_654 = tpu.memref_squeeze %dma_wait3A_653 : memref<1x128xi32, #tpu.memory_space<vmem>> -> memref<128xi32, #tpu.memory_space<vmem>>
      %dma_wait3A_655 = arith.constant 0 : i32
      %dma_wait3A_656 = tpu.memref_slice %arg2[%dma_wait3A_655] : memref<2146689xf32, #tpu.memory_space<hbm>> -> memref<2146689xf32, #tpu.memory_space<hbm>>
      tpu.wait_indirect_dma semaphore(%arg11 : memref<!tpu.dma_semaphore, #tpu.memory_space<semaphore_mem>>) src(%dma_wait3A_656 : memref<2146689xf32, #tpu.memory_space<hbm>>) dst(%dma_wait3A_651 : memref<128xf32, #tpu.memory_space<vmem>>)
      %dma_wait3A_657 = arith.constant 0 : i32
      %dma_wait3A_658 = arith.constant 1280 : i32
      %dma_wait3A_659 = tpu.memref_slice %arg8[%dma_wait3A_658] : memref<4096xf32, #tpu.memory_space<vmem>> -> memref<128xf32, #tpu.memory_space<vmem>>
      %dma_wait3A_660 = arith.constant 1280 : i32
      %dma_wait3A_661 = tpu.memref_slice %arg6[%dma_wait3A_657, %dma_wait3A_660] : memref<2x2048xi32, #tpu.memory_space<vmem>> -> memref<1x128xi32, #tpu.memory_space<vmem>>
      %dma_wait3A_662 = tpu.memref_squeeze %dma_wait3A_661 : memref<1x128xi32, #tpu.memory_space<vmem>> -> memref<128xi32, #tpu.memory_space<vmem>>
      %dma_wait3A_663 = arith.constant 0 : i32
      %dma_wait3A_664 = tpu.memref_slice %arg2[%dma_wait3A_663] : memref<2146689xf32, #tpu.memory_space<hbm>> -> memref<2146689xf32, #tpu.memory_space<hbm>>
      tpu.wait_indirect_dma semaphore(%arg11 : memref<!tpu.dma_semaphore, #tpu.memory_space<semaphore_mem>>) src(%dma_wait3A_664 : memref<2146689xf32, #tpu.memory_space<hbm>>) dst(%dma_wait3A_659 : memref<128xf32, #tpu.memory_space<vmem>>)
      %dma_wait3A_665 = arith.constant 0 : i32
      %dma_wait3A_666 = arith.constant 1408 : i32
      %dma_wait3A_667 = tpu.memref_slice %arg8[%dma_wait3A_666] : memref<4096xf32, #tpu.memory_space<vmem>> -> memref<128xf32, #tpu.memory_space<vmem>>
      %dma_wait3A_668 = arith.constant 1408 : i32
      %dma_wait3A_669 = tpu.memref_slice %arg6[%dma_wait3A_665, %dma_wait3A_668] : memref<2x2048xi32, #tpu.memory_space<vmem>> -> memref<1x128xi32, #tpu.memory_space<vmem>>
      %dma_wait3A_670 = tpu.memref_squeeze %dma_wait3A_669 : memref<1x128xi32, #tpu.memory_space<vmem>> -> memref<128xi32, #tpu.memory_space<vmem>>
      %dma_wait3A_671 = arith.constant 0 : i32
      %dma_wait3A_672 = tpu.memref_slice %arg2[%dma_wait3A_671] : memref<2146689xf32, #tpu.memory_space<hbm>> -> memref<2146689xf32, #tpu.memory_space<hbm>>
      tpu.wait_indirect_dma semaphore(%arg11 : memref<!tpu.dma_semaphore, #tpu.memory_space<semaphore_mem>>) src(%dma_wait3A_672 : memref<2146689xf32, #tpu.memory_space<hbm>>) dst(%dma_wait3A_667 : memref<128xf32, #tpu.memory_space<vmem>>)
      %dma_wait3A_673 = arith.constant 0 : i32
      %dma_wait3A_674 = arith.constant 1536 : i32
      %dma_wait3A_675 = tpu.memref_slice %arg8[%dma_wait3A_674] : memref<4096xf32, #tpu.memory_space<vmem>> -> memref<128xf32, #tpu.memory_space<vmem>>
      %dma_wait3A_676 = arith.constant 1536 : i32
      %dma_wait3A_677 = tpu.memref_slice %arg6[%dma_wait3A_673, %dma_wait3A_676] : memref<2x2048xi32, #tpu.memory_space<vmem>> -> memref<1x128xi32, #tpu.memory_space<vmem>>
      %dma_wait3A_678 = tpu.memref_squeeze %dma_wait3A_677 : memref<1x128xi32, #tpu.memory_space<vmem>> -> memref<128xi32, #tpu.memory_space<vmem>>
      %dma_wait3A_679 = arith.constant 0 : i32
      %dma_wait3A_680 = tpu.memref_slice %arg2[%dma_wait3A_679] : memref<2146689xf32, #tpu.memory_space<hbm>> -> memref<2146689xf32, #tpu.memory_space<hbm>>
      tpu.wait_indirect_dma semaphore(%arg11 : memref<!tpu.dma_semaphore, #tpu.memory_space<semaphore_mem>>) src(%dma_wait3A_680 : memref<2146689xf32, #tpu.memory_space<hbm>>) dst(%dma_wait3A_675 : memref<128xf32, #tpu.memory_space<vmem>>)
      %dma_wait3A_681 = arith.constant 0 : i32
      %dma_wait3A_682 = arith.constant 1664 : i32
      %dma_wait3A_683 = tpu.memref_slice %arg8[%dma_wait3A_682] : memref<4096xf32, #tpu.memory_space<vmem>> -> memref<128xf32, #tpu.memory_space<vmem>>
      %dma_wait3A_684 = arith.constant 1664 : i32
      %dma_wait3A_685 = tpu.memref_slice %arg6[%dma_wait3A_681, %dma_wait3A_684] : memref<2x2048xi32, #tpu.memory_space<vmem>> -> memref<1x128xi32, #tpu.memory_space<vmem>>
      %dma_wait3A_686 = tpu.memref_squeeze %dma_wait3A_685 : memref<1x128xi32, #tpu.memory_space<vmem>> -> memref<128xi32, #tpu.memory_space<vmem>>
      %dma_wait3A_687 = arith.constant 0 : i32
      %dma_wait3A_688 = tpu.memref_slice %arg2[%dma_wait3A_687] : memref<2146689xf32, #tpu.memory_space<hbm>> -> memref<2146689xf32, #tpu.memory_space<hbm>>
      tpu.wait_indirect_dma semaphore(%arg11 : memref<!tpu.dma_semaphore, #tpu.memory_space<semaphore_mem>>) src(%dma_wait3A_688 : memref<2146689xf32, #tpu.memory_space<hbm>>) dst(%dma_wait3A_683 : memref<128xf32, #tpu.memory_space<vmem>>)
      %dma_wait3A_689 = arith.constant 0 : i32
      %dma_wait3A_690 = arith.constant 1792 : i32
      %dma_wait3A_691 = tpu.memref_slice %arg8[%dma_wait3A_690] : memref<4096xf32, #tpu.memory_space<vmem>> -> memref<128xf32, #tpu.memory_space<vmem>>
      %dma_wait3A_692 = arith.constant 1792 : i32
      %dma_wait3A_693 = tpu.memref_slice %arg6[%dma_wait3A_689, %dma_wait3A_692] : memref<2x2048xi32, #tpu.memory_space<vmem>> -> memref<1x128xi32, #tpu.memory_space<vmem>>
      %dma_wait3A_694 = tpu.memref_squeeze %dma_wait3A_693 : memref<1x128xi32, #tpu.memory_space<vmem>> -> memref<128xi32, #tpu.memory_space<vmem>>
      %dma_wait3A_695 = arith.constant 0 : i32
      %dma_wait3A_696 = tpu.memref_slice %arg2[%dma_wait3A_695] : memref<2146689xf32, #tpu.memory_space<hbm>> -> memref<2146689xf32, #tpu.memory_space<hbm>>
      tpu.wait_indirect_dma semaphore(%arg11 : memref<!tpu.dma_semaphore, #tpu.memory_space<semaphore_mem>>) src(%dma_wait3A_696 : memref<2146689xf32, #tpu.memory_space<hbm>>) dst(%dma_wait3A_691 : memref<128xf32, #tpu.memory_space<vmem>>)
      %dma_wait3A_697 = arith.constant 0 : i32
      %dma_wait3A_698 = arith.constant 1920 : i32
      %dma_wait3A_699 = tpu.memref_slice %arg8[%dma_wait3A_698] : memref<4096xf32, #tpu.memory_space<vmem>> -> memref<128xf32, #tpu.memory_space<vmem>>
      %dma_wait3A_700 = arith.constant 1920 : i32
      %dma_wait3A_701 = tpu.memref_slice %arg6[%dma_wait3A_697, %dma_wait3A_700] : memref<2x2048xi32, #tpu.memory_space<vmem>> -> memref<1x128xi32, #tpu.memory_space<vmem>>
      %dma_wait3A_702 = tpu.memref_squeeze %dma_wait3A_701 : memref<1x128xi32, #tpu.memory_space<vmem>> -> memref<128xi32, #tpu.memory_space<vmem>>
      %dma_wait3A_703 = arith.constant 0 : i32
      %dma_wait3A_704 = tpu.memref_slice %arg2[%dma_wait3A_703] : memref<2146689xf32, #tpu.memory_space<hbm>> -> memref<2146689xf32, #tpu.memory_space<hbm>>
      tpu.wait_indirect_dma semaphore(%arg11 : memref<!tpu.dma_semaphore, #tpu.memory_space<semaphore_mem>>) src(%dma_wait3A_704 : memref<2146689xf32, #tpu.memory_space<hbm>>) dst(%dma_wait3A_699 : memref<128xf32, #tpu.memory_space<vmem>>)
      %dma_wait3A_705 = arith.constant 1 : i32
      %dma_wait3A_706 = arith.constant 2048 : i32
      %dma_wait3A_707 = tpu.memref_slice %arg8[%dma_wait3A_706] : memref<4096xf32, #tpu.memory_space<vmem>> -> memref<128xf32, #tpu.memory_space<vmem>>
      %dma_wait3A_708 = arith.constant 0 : i32
      %dma_wait3A_709 = tpu.memref_slice %arg6[%dma_wait3A_705, %dma_wait3A_708] : memref<2x2048xi32, #tpu.memory_space<vmem>> -> memref<1x128xi32, #tpu.memory_space<vmem>>
      %dma_wait3A_710 = tpu.memref_squeeze %dma_wait3A_709 : memref<1x128xi32, #tpu.memory_space<vmem>> -> memref<128xi32, #tpu.memory_space<vmem>>
      %dma_wait3A_711 = arith.constant 0 : i32
      %dma_wait3A_712 = tpu.memref_slice %arg2[%dma_wait3A_711] : memref<2146689xf32, #tpu.memory_space<hbm>> -> memref<2146689xf32, #tpu.memory_space<hbm>>
      tpu.wait_indirect_dma semaphore(%arg11 : memref<!tpu.dma_semaphore, #tpu.memory_space<semaphore_mem>>) src(%dma_wait3A_712 : memref<2146689xf32, #tpu.memory_space<hbm>>) dst(%dma_wait3A_707 : memref<128xf32, #tpu.memory_space<vmem>>)
      %dma_wait3A_713 = arith.constant 1 : i32
      %dma_wait3A_714 = arith.constant 2176 : i32
      %dma_wait3A_715 = tpu.memref_slice %arg8[%dma_wait3A_714] : memref<4096xf32, #tpu.memory_space<vmem>> -> memref<128xf32, #tpu.memory_space<vmem>>
      %dma_wait3A_716 = arith.constant 128 : i32
      %dma_wait3A_717 = tpu.memref_slice %arg6[%dma_wait3A_713, %dma_wait3A_716] : memref<2x2048xi32, #tpu.memory_space<vmem>> -> memref<1x128xi32, #tpu.memory_space<vmem>>
      %dma_wait3A_718 = tpu.memref_squeeze %dma_wait3A_717 : memref<1x128xi32, #tpu.memory_space<vmem>> -> memref<128xi32, #tpu.memory_space<vmem>>
      %dma_wait3A_719 = arith.constant 0 : i32
      %dma_wait3A_720 = tpu.memref_slice %arg2[%dma_wait3A_719] : memref<2146689xf32, #tpu.memory_space<hbm>> -> memref<2146689xf32, #tpu.memory_space<hbm>>
      tpu.wait_indirect_dma semaphore(%arg11 : memref<!tpu.dma_semaphore, #tpu.memory_space<semaphore_mem>>) src(%dma_wait3A_720 : memref<2146689xf32, #tpu.memory_space<hbm>>) dst(%dma_wait3A_715 : memref<128xf32, #tpu.memory_space<vmem>>)
      %dma_wait3A_721 = arith.constant 1 : i32
      %dma_wait3A_722 = arith.constant 2304 : i32
      %dma_wait3A_723 = tpu.memref_slice %arg8[%dma_wait3A_722] : memref<4096xf32, #tpu.memory_space<vmem>> -> memref<128xf32, #tpu.memory_space<vmem>>
      %dma_wait3A_724 = arith.constant 256 : i32
      %dma_wait3A_725 = tpu.memref_slice %arg6[%dma_wait3A_721, %dma_wait3A_724] : memref<2x2048xi32, #tpu.memory_space<vmem>> -> memref<1x128xi32, #tpu.memory_space<vmem>>
      %dma_wait3A_726 = tpu.memref_squeeze %dma_wait3A_725 : memref<1x128xi32, #tpu.memory_space<vmem>> -> memref<128xi32, #tpu.memory_space<vmem>>
      %dma_wait3A_727 = arith.constant 0 : i32
      %dma_wait3A_728 = tpu.memref_slice %arg2[%dma_wait3A_727] : memref<2146689xf32, #tpu.memory_space<hbm>> -> memref<2146689xf32, #tpu.memory_space<hbm>>
      tpu.wait_indirect_dma semaphore(%arg11 : memref<!tpu.dma_semaphore, #tpu.memory_space<semaphore_mem>>) src(%dma_wait3A_728 : memref<2146689xf32, #tpu.memory_space<hbm>>) dst(%dma_wait3A_723 : memref<128xf32, #tpu.memory_space<vmem>>)
      %dma_wait3A_729 = arith.constant 1 : i32
      %dma_wait3A_730 = arith.constant 2432 : i32
      %dma_wait3A_731 = tpu.memref_slice %arg8[%dma_wait3A_730] : memref<4096xf32, #tpu.memory_space<vmem>> -> memref<128xf32, #tpu.memory_space<vmem>>
      %dma_wait3A_732 = arith.constant 384 : i32
      %dma_wait3A_733 = tpu.memref_slice %arg6[%dma_wait3A_729, %dma_wait3A_732] : memref<2x2048xi32, #tpu.memory_space<vmem>> -> memref<1x128xi32, #tpu.memory_space<vmem>>
      %dma_wait3A_734 = tpu.memref_squeeze %dma_wait3A_733 : memref<1x128xi32, #tpu.memory_space<vmem>> -> memref<128xi32, #tpu.memory_space<vmem>>
      %dma_wait3A_735 = arith.constant 0 : i32
      %dma_wait3A_736 = tpu.memref_slice %arg2[%dma_wait3A_735] : memref<2146689xf32, #tpu.memory_space<hbm>> -> memref<2146689xf32, #tpu.memory_space<hbm>>
      tpu.wait_indirect_dma semaphore(%arg11 : memref<!tpu.dma_semaphore, #tpu.memory_space<semaphore_mem>>) src(%dma_wait3A_736 : memref<2146689xf32, #tpu.memory_space<hbm>>) dst(%dma_wait3A_731 : memref<128xf32, #tpu.memory_space<vmem>>)
      %dma_wait3A_737 = arith.constant 1 : i32
      %dma_wait3A_738 = arith.constant 2560 : i32
      %dma_wait3A_739 = tpu.memref_slice %arg8[%dma_wait3A_738] : memref<4096xf32, #tpu.memory_space<vmem>> -> memref<128xf32, #tpu.memory_space<vmem>>
      %dma_wait3A_740 = arith.constant 512 : i32
      %dma_wait3A_741 = tpu.memref_slice %arg6[%dma_wait3A_737, %dma_wait3A_740] : memref<2x2048xi32, #tpu.memory_space<vmem>> -> memref<1x128xi32, #tpu.memory_space<vmem>>
      %dma_wait3A_742 = tpu.memref_squeeze %dma_wait3A_741 : memref<1x128xi32, #tpu.memory_space<vmem>> -> memref<128xi32, #tpu.memory_space<vmem>>
      %dma_wait3A_743 = arith.constant 0 : i32
      %dma_wait3A_744 = tpu.memref_slice %arg2[%dma_wait3A_743] : memref<2146689xf32, #tpu.memory_space<hbm>> -> memref<2146689xf32, #tpu.memory_space<hbm>>
      tpu.wait_indirect_dma semaphore(%arg11 : memref<!tpu.dma_semaphore, #tpu.memory_space<semaphore_mem>>) src(%dma_wait3A_744 : memref<2146689xf32, #tpu.memory_space<hbm>>) dst(%dma_wait3A_739 : memref<128xf32, #tpu.memory_space<vmem>>)
      %dma_wait3A_745 = arith.constant 1 : i32
      %dma_wait3A_746 = arith.constant 2688 : i32
      %dma_wait3A_747 = tpu.memref_slice %arg8[%dma_wait3A_746] : memref<4096xf32, #tpu.memory_space<vmem>> -> memref<128xf32, #tpu.memory_space<vmem>>
      %dma_wait3A_748 = arith.constant 640 : i32
      %dma_wait3A_749 = tpu.memref_slice %arg6[%dma_wait3A_745, %dma_wait3A_748] : memref<2x2048xi32, #tpu.memory_space<vmem>> -> memref<1x128xi32, #tpu.memory_space<vmem>>
      %dma_wait3A_750 = tpu.memref_squeeze %dma_wait3A_749 : memref<1x128xi32, #tpu.memory_space<vmem>> -> memref<128xi32, #tpu.memory_space<vmem>>
      %dma_wait3A_751 = arith.constant 0 : i32
      %dma_wait3A_752 = tpu.memref_slice %arg2[%dma_wait3A_751] : memref<2146689xf32, #tpu.memory_space<hbm>> -> memref<2146689xf32, #tpu.memory_space<hbm>>
      tpu.wait_indirect_dma semaphore(%arg11 : memref<!tpu.dma_semaphore, #tpu.memory_space<semaphore_mem>>) src(%dma_wait3A_752 : memref<2146689xf32, #tpu.memory_space<hbm>>) dst(%dma_wait3A_747 : memref<128xf32, #tpu.memory_space<vmem>>)
      %dma_wait3A_753 = arith.constant 1 : i32
      %dma_wait3A_754 = arith.constant 2816 : i32
      %dma_wait3A_755 = tpu.memref_slice %arg8[%dma_wait3A_754] : memref<4096xf32, #tpu.memory_space<vmem>> -> memref<128xf32, #tpu.memory_space<vmem>>
      %dma_wait3A_756 = arith.constant 768 : i32
      %dma_wait3A_757 = tpu.memref_slice %arg6[%dma_wait3A_753, %dma_wait3A_756] : memref<2x2048xi32, #tpu.memory_space<vmem>> -> memref<1x128xi32, #tpu.memory_space<vmem>>
      %dma_wait3A_758 = tpu.memref_squeeze %dma_wait3A_757 : memref<1x128xi32, #tpu.memory_space<vmem>> -> memref<128xi32, #tpu.memory_space<vmem>>
      %dma_wait3A_759 = arith.constant 0 : i32
      %dma_wait3A_760 = tpu.memref_slice %arg2[%dma_wait3A_759] : memref<2146689xf32, #tpu.memory_space<hbm>> -> memref<2146689xf32, #tpu.memory_space<hbm>>
      tpu.wait_indirect_dma semaphore(%arg11 : memref<!tpu.dma_semaphore, #tpu.memory_space<semaphore_mem>>) src(%dma_wait3A_760 : memref<2146689xf32, #tpu.memory_space<hbm>>) dst(%dma_wait3A_755 : memref<128xf32, #tpu.memory_space<vmem>>)
      %dma_wait3A_761 = arith.constant 1 : i32
      %dma_wait3A_762 = arith.constant 2944 : i32
      %dma_wait3A_763 = tpu.memref_slice %arg8[%dma_wait3A_762] : memref<4096xf32, #tpu.memory_space<vmem>> -> memref<128xf32, #tpu.memory_space<vmem>>
      %dma_wait3A_764 = arith.constant 896 : i32
      %dma_wait3A_765 = tpu.memref_slice %arg6[%dma_wait3A_761, %dma_wait3A_764] : memref<2x2048xi32, #tpu.memory_space<vmem>> -> memref<1x128xi32, #tpu.memory_space<vmem>>
      %dma_wait3A_766 = tpu.memref_squeeze %dma_wait3A_765 : memref<1x128xi32, #tpu.memory_space<vmem>> -> memref<128xi32, #tpu.memory_space<vmem>>
      %dma_wait3A_767 = arith.constant 0 : i32
      %dma_wait3A_768 = tpu.memref_slice %arg2[%dma_wait3A_767] : memref<2146689xf32, #tpu.memory_space<hbm>> -> memref<2146689xf32, #tpu.memory_space<hbm>>
      tpu.wait_indirect_dma semaphore(%arg11 : memref<!tpu.dma_semaphore, #tpu.memory_space<semaphore_mem>>) src(%dma_wait3A_768 : memref<2146689xf32, #tpu.memory_space<hbm>>) dst(%dma_wait3A_763 : memref<128xf32, #tpu.memory_space<vmem>>)
      %dma_wait3A_769 = arith.constant 1 : i32
      %dma_wait3A_770 = arith.constant 3072 : i32
      %dma_wait3A_771 = tpu.memref_slice %arg8[%dma_wait3A_770] : memref<4096xf32, #tpu.memory_space<vmem>> -> memref<128xf32, #tpu.memory_space<vmem>>
      %dma_wait3A_772 = arith.constant 1024 : i32
      %dma_wait3A_773 = tpu.memref_slice %arg6[%dma_wait3A_769, %dma_wait3A_772] : memref<2x2048xi32, #tpu.memory_space<vmem>> -> memref<1x128xi32, #tpu.memory_space<vmem>>
      %dma_wait3A_774 = tpu.memref_squeeze %dma_wait3A_773 : memref<1x128xi32, #tpu.memory_space<vmem>> -> memref<128xi32, #tpu.memory_space<vmem>>
      %dma_wait3A_775 = arith.constant 0 : i32
      %dma_wait3A_776 = tpu.memref_slice %arg2[%dma_wait3A_775] : memref<2146689xf32, #tpu.memory_space<hbm>> -> memref<2146689xf32, #tpu.memory_space<hbm>>
      tpu.wait_indirect_dma semaphore(%arg11 : memref<!tpu.dma_semaphore, #tpu.memory_space<semaphore_mem>>) src(%dma_wait3A_776 : memref<2146689xf32, #tpu.memory_space<hbm>>) dst(%dma_wait3A_771 : memref<128xf32, #tpu.memory_space<vmem>>)
      %dma_wait3A_777 = arith.constant 1 : i32
      %dma_wait3A_778 = arith.constant 3200 : i32
      %dma_wait3A_779 = tpu.memref_slice %arg8[%dma_wait3A_778] : memref<4096xf32, #tpu.memory_space<vmem>> -> memref<128xf32, #tpu.memory_space<vmem>>
      %dma_wait3A_780 = arith.constant 1152 : i32
      %dma_wait3A_781 = tpu.memref_slice %arg6[%dma_wait3A_777, %dma_wait3A_780] : memref<2x2048xi32, #tpu.memory_space<vmem>> -> memref<1x128xi32, #tpu.memory_space<vmem>>
      %dma_wait3A_782 = tpu.memref_squeeze %dma_wait3A_781 : memref<1x128xi32, #tpu.memory_space<vmem>> -> memref<128xi32, #tpu.memory_space<vmem>>
      %dma_wait3A_783 = arith.constant 0 : i32
      %dma_wait3A_784 = tpu.memref_slice %arg2[%dma_wait3A_783] : memref<2146689xf32, #tpu.memory_space<hbm>> -> memref<2146689xf32, #tpu.memory_space<hbm>>
      tpu.wait_indirect_dma semaphore(%arg11 : memref<!tpu.dma_semaphore, #tpu.memory_space<semaphore_mem>>) src(%dma_wait3A_784 : memref<2146689xf32, #tpu.memory_space<hbm>>) dst(%dma_wait3A_779 : memref<128xf32, #tpu.memory_space<vmem>>)
      %dma_wait3A_785 = arith.constant 1 : i32
      %dma_wait3A_786 = arith.constant 3328 : i32
      %dma_wait3A_787 = tpu.memref_slice %arg8[%dma_wait3A_786] : memref<4096xf32, #tpu.memory_space<vmem>> -> memref<128xf32, #tpu.memory_space<vmem>>
      %dma_wait3A_788 = arith.constant 1280 : i32
      %dma_wait3A_789 = tpu.memref_slice %arg6[%dma_wait3A_785, %dma_wait3A_788] : memref<2x2048xi32, #tpu.memory_space<vmem>> -> memref<1x128xi32, #tpu.memory_space<vmem>>
      %dma_wait3A_790 = tpu.memref_squeeze %dma_wait3A_789 : memref<1x128xi32, #tpu.memory_space<vmem>> -> memref<128xi32, #tpu.memory_space<vmem>>
      %dma_wait3A_791 = arith.constant 0 : i32
      %dma_wait3A_792 = tpu.memref_slice %arg2[%dma_wait3A_791] : memref<2146689xf32, #tpu.memory_space<hbm>> -> memref<2146689xf32, #tpu.memory_space<hbm>>
      tpu.wait_indirect_dma semaphore(%arg11 : memref<!tpu.dma_semaphore, #tpu.memory_space<semaphore_mem>>) src(%dma_wait3A_792 : memref<2146689xf32, #tpu.memory_space<hbm>>) dst(%dma_wait3A_787 : memref<128xf32, #tpu.memory_space<vmem>>)
      %dma_wait3A_793 = arith.constant 1 : i32
      %dma_wait3A_794 = arith.constant 3456 : i32
      %dma_wait3A_795 = tpu.memref_slice %arg8[%dma_wait3A_794] : memref<4096xf32, #tpu.memory_space<vmem>> -> memref<128xf32, #tpu.memory_space<vmem>>
      %dma_wait3A_796 = arith.constant 1408 : i32
      %dma_wait3A_797 = tpu.memref_slice %arg6[%dma_wait3A_793, %dma_wait3A_796] : memref<2x2048xi32, #tpu.memory_space<vmem>> -> memref<1x128xi32, #tpu.memory_space<vmem>>
      %dma_wait3A_798 = tpu.memref_squeeze %dma_wait3A_797 : memref<1x128xi32, #tpu.memory_space<vmem>> -> memref<128xi32, #tpu.memory_space<vmem>>
      %dma_wait3A_799 = arith.constant 0 : i32
      %dma_wait3A_800 = tpu.memref_slice %arg2[%dma_wait3A_799] : memref<2146689xf32, #tpu.memory_space<hbm>> -> memref<2146689xf32, #tpu.memory_space<hbm>>
      tpu.wait_indirect_dma semaphore(%arg11 : memref<!tpu.dma_semaphore, #tpu.memory_space<semaphore_mem>>) src(%dma_wait3A_800 : memref<2146689xf32, #tpu.memory_space<hbm>>) dst(%dma_wait3A_795 : memref<128xf32, #tpu.memory_space<vmem>>)
      %dma_wait3A_801 = arith.constant 1 : i32
      %dma_wait3A_802 = arith.constant 3584 : i32
      %dma_wait3A_803 = tpu.memref_slice %arg8[%dma_wait3A_802] : memref<4096xf32, #tpu.memory_space<vmem>> -> memref<128xf32, #tpu.memory_space<vmem>>
      %dma_wait3A_804 = arith.constant 1536 : i32
      %dma_wait3A_805 = tpu.memref_slice %arg6[%dma_wait3A_801, %dma_wait3A_804] : memref<2x2048xi32, #tpu.memory_space<vmem>> -> memref<1x128xi32, #tpu.memory_space<vmem>>
      %dma_wait3A_806 = tpu.memref_squeeze %dma_wait3A_805 : memref<1x128xi32, #tpu.memory_space<vmem>> -> memref<128xi32, #tpu.memory_space<vmem>>
      %dma_wait3A_807 = arith.constant 0 : i32
      %dma_wait3A_808 = tpu.memref_slice %arg2[%dma_wait3A_807] : memref<2146689xf32, #tpu.memory_space<hbm>> -> memref<2146689xf32, #tpu.memory_space<hbm>>
      tpu.wait_indirect_dma semaphore(%arg11 : memref<!tpu.dma_semaphore, #tpu.memory_space<semaphore_mem>>) src(%dma_wait3A_808 : memref<2146689xf32, #tpu.memory_space<hbm>>) dst(%dma_wait3A_803 : memref<128xf32, #tpu.memory_space<vmem>>)
      %dma_wait3A_809 = arith.constant 1 : i32
      %dma_wait3A_810 = arith.constant 3712 : i32
      %dma_wait3A_811 = tpu.memref_slice %arg8[%dma_wait3A_810] : memref<4096xf32, #tpu.memory_space<vmem>> -> memref<128xf32, #tpu.memory_space<vmem>>
      %dma_wait3A_812 = arith.constant 1664 : i32
      %dma_wait3A_813 = tpu.memref_slice %arg6[%dma_wait3A_809, %dma_wait3A_812] : memref<2x2048xi32, #tpu.memory_space<vmem>> -> memref<1x128xi32, #tpu.memory_space<vmem>>
      %dma_wait3A_814 = tpu.memref_squeeze %dma_wait3A_813 : memref<1x128xi32, #tpu.memory_space<vmem>> -> memref<128xi32, #tpu.memory_space<vmem>>
      %dma_wait3A_815 = arith.constant 0 : i32
      %dma_wait3A_816 = tpu.memref_slice %arg2[%dma_wait3A_815] : memref<2146689xf32, #tpu.memory_space<hbm>> -> memref<2146689xf32, #tpu.memory_space<hbm>>
      tpu.wait_indirect_dma semaphore(%arg11 : memref<!tpu.dma_semaphore, #tpu.memory_space<semaphore_mem>>) src(%dma_wait3A_816 : memref<2146689xf32, #tpu.memory_space<hbm>>) dst(%dma_wait3A_811 : memref<128xf32, #tpu.memory_space<vmem>>)
      %dma_wait3A_817 = arith.constant 1 : i32
      %dma_wait3A_818 = arith.constant 3840 : i32
      %dma_wait3A_819 = tpu.memref_slice %arg8[%dma_wait3A_818] : memref<4096xf32, #tpu.memory_space<vmem>> -> memref<128xf32, #tpu.memory_space<vmem>>
      %dma_wait3A_820 = arith.constant 1792 : i32
      %dma_wait3A_821 = tpu.memref_slice %arg6[%dma_wait3A_817, %dma_wait3A_820] : memref<2x2048xi32, #tpu.memory_space<vmem>> -> memref<1x128xi32, #tpu.memory_space<vmem>>
      %dma_wait3A_822 = tpu.memref_squeeze %dma_wait3A_821 : memref<1x128xi32, #tpu.memory_space<vmem>> -> memref<128xi32, #tpu.memory_space<vmem>>
      %dma_wait3A_823 = arith.constant 0 : i32
      %dma_wait3A_824 = tpu.memref_slice %arg2[%dma_wait3A_823] : memref<2146689xf32, #tpu.memory_space<hbm>> -> memref<2146689xf32, #tpu.memory_space<hbm>>
      tpu.wait_indirect_dma semaphore(%arg11 : memref<!tpu.dma_semaphore, #tpu.memory_space<semaphore_mem>>) src(%dma_wait3A_824 : memref<2146689xf32, #tpu.memory_space<hbm>>) dst(%dma_wait3A_819 : memref<128xf32, #tpu.memory_space<vmem>>)
      %dma_wait3A_825 = arith.constant 1 : i32
      %dma_wait3A_826 = arith.constant 3968 : i32
      %dma_wait3A_827 = tpu.memref_slice %arg8[%dma_wait3A_826] : memref<4096xf32, #tpu.memory_space<vmem>> -> memref<128xf32, #tpu.memory_space<vmem>>
      %dma_wait3A_828 = arith.constant 1920 : i32
      %dma_wait3A_829 = tpu.memref_slice %arg6[%dma_wait3A_825, %dma_wait3A_828] : memref<2x2048xi32, #tpu.memory_space<vmem>> -> memref<1x128xi32, #tpu.memory_space<vmem>>
      %dma_wait3A_830 = tpu.memref_squeeze %dma_wait3A_829 : memref<1x128xi32, #tpu.memory_space<vmem>> -> memref<128xi32, #tpu.memory_space<vmem>>
      %dma_wait3A_831 = arith.constant 0 : i32
      %dma_wait3A_832 = tpu.memref_slice %arg2[%dma_wait3A_831] : memref<2146689xf32, #tpu.memory_space<hbm>> -> memref<2146689xf32, #tpu.memory_space<hbm>>
      tpu.wait_indirect_dma semaphore(%arg11 : memref<!tpu.dma_semaphore, #tpu.memory_space<semaphore_mem>>) src(%dma_wait3A_832 : memref<2146689xf32, #tpu.memory_space<hbm>>) dst(%dma_wait3A_827 : memref<128xf32, #tpu.memory_space<vmem>>)
      %scan3A_833 = arith.constant 0 : i32
      %scan3A_834 = arith.constant 128 : i32
      %scan3A_835 = arith.addi %scan3A_833, %scan3A_834 : i32
      %scan3A_836 = arith.constant 1 : i32
      %scan3A_837:2 = scf.for %scan3A_839 = %scan3A_833 to %scan3A_835 step %scan3A_836 iter_args(%scan3A_840 = %scan3A_569#0, %scan3A_841 = %scan3A_569#1) -> (vector<16xf32>, vector<16xf32>)  : i32 {
        %mul3A_842 = arith.constant 16 : i32
        %mul3A_843 = arith.muli %scan3A_839, %mul3A_842 : i32
        %get3A = arith.index_cast %mul3A_843 : i32 to index
        %get3A_844 = tpu.vector_load %arg8[%get3A] {strides = array<i32>} : memref<4096xf32, #tpu.memory_space<vmem>>, vector<16xf32>,
        %add3A_845 = arith.constant 2048 : i32
        %add3A_846 = arith.addi %add3A_845, %mul3A_843 : i32
        %get3A_847 = arith.index_cast %add3A_846 : i32 to index
        %get3A_848 = tpu.vector_load %arg8[%get3A_847] {strides = array<i32>} : memref<4096xf32, #tpu.memory_space<vmem>>, vector<16xf32>,
        %gt3A_849 = arith.constant 0.000000e+00 : f32
        %gt3A_850 = vector.broadcast %gt3A_849 : f32 to vector<16xf32>
        %gt3A_851 = arith.cmpf ogt, %get3A_844, %gt3A_850 : vector<16xf32>
        %gt3A_852 = arith.constant 0.000000e+00 : f32
        %gt3A_853 = vector.broadcast %gt3A_852 : f32 to vector<16xf32>
        %gt3A_854 = arith.cmpf ogt, %get3A_848, %gt3A_853 : vector<16xf32>
        %lt3A_855 = arith.constant 0.000000e+00 : f32
        %lt3A_856 = vector.broadcast %lt3A_855 : f32 to vector<16xf32>
        %lt3A_857 = arith.cmpf olt, %get3A_844, %lt3A_856 : vector<16xf32>
        %lt3A_858 = arith.constant 0.000000e+00 : f32
        %lt3A_859 = vector.broadcast %lt3A_858 : f32 to vector<16xf32>
        %lt3A_860 = arith.cmpf olt, %get3A_848, %lt3A_859 : vector<16xf32>
        %ne3A = arith.xori %gt3A_851, %gt3A_854 : vector<16xi1>
        %ne3A_861 = arith.xori %lt3A_857, %lt3A_860 : vector<16xi1>
        %or3A = arith.ori %ne3A, %ne3A_861 : vector<16xi1>
        %jit3A_862 = arith.constant 1.000000e+00 : f32
        %jit3A_863 = arith.constant 0.000000e+00 : f32
        %broadcast_in_dim3A_864 = vector.broadcast %jit3A_862 : f32 to vector<16xf32>
        %broadcast_in_dim3A_865 = vector.broadcast %jit3A_863 : f32 to vector<16xf32>
        %select_n3A_866 = arith.select %or3A, %broadcast_in_dim3A_864, %broadcast_in_dim3A_865 : vector<16xi1>, vector<16xf32>
        %jit3A_867 = arith.constant 1.000000e+00 : f32
        %jit3A_868 = arith.constant 0.000000e+00 : f32
        %broadcast_in_dim3A_869 = vector.broadcast %jit3A_867 : f32 to vector<16xf32>
        %broadcast_in_dim3A_870 = vector.broadcast %jit3A_868 : f32 to vector<16xf32>
        %select_n3A_871 = arith.select %gt3A_854, %broadcast_in_dim3A_869, %broadcast_in_dim3A_870 : vector<16xi1>, vector<16xf32>
        %jit3A_872 = arith.constant 1.000000e+00 : f32
        %jit3A_873 = arith.constant 0.000000e+00 : f32
        %broadcast_in_dim3A_874 = vector.broadcast %jit3A_872 : f32 to vector<16xf32>
        %broadcast_in_dim3A_875 = vector.broadcast %jit3A_873 : f32 to vector<16xf32>
        %select_n3A_876 = arith.select %gt3A_851, %broadcast_in_dim3A_874, %broadcast_in_dim3A_875 : vector<16xi1>, vector<16xf32>
        %max3A = arith.constant 0.000000e+00 : f32
        %max3A_877 = vector.broadcast %max3A : f32 to vector<16xf32>
        %max3A_878 = arith.maximumf %get3A_844, %max3A_877 : vector<16xf32>
        %mul3A_879 = arith.mulf %get3A_844, %select_n3A_871 : vector<16xf32>
        %sub3A = arith.subf %max3A_878, %mul3A_879 : vector<16xf32>
        %abs3A = math.absf %get3A_844 : vector<16xf32>
        %neg3A = arith.constant 0.000000e+00 : f32
        %neg3A_880 = vector.broadcast %neg3A : f32 to vector<16xf32>
        %neg3A_881 = arith.subf %neg3A_880, %abs3A : vector<16xf32>
        %exp3A = math.exp %neg3A_881 : vector<16xf32>
        %add3A_882 = arith.constant 2.000000e+00 : f32
        %add3A_883 = vector.broadcast %add3A_882 : f32 to vector<16xf32>
        %add3A_884 = arith.addf %exp3A, %add3A_883 : vector<16xf32>
        %div3A = arith.divf %exp3A, %add3A_884 : vector<16xf32>
        %mul3A_885 = arith.mulf %div3A, %div3A : vector<16xf32>
        %mul3A_886 = arith.constant 0.111111112 : f32
        %mul3A_887 = vector.broadcast %mul3A_886 : f32 to vector<16xf32>
        %mul3A_888 = arith.mulf %mul3A_885, %mul3A_887 : vector<16xf32>
        %add3A_889 = arith.constant 0.142857149 : f32
        %add3A_890 = vector.broadcast %add3A_889 : f32 to vector<16xf32>
        %add3A_891 = arith.addf %add3A_890, %mul3A_888 : vector<16xf32>
        %mul3A_892 = arith.mulf %mul3A_885, %add3A_891 : vector<16xf32>
        %add3A_893 = arith.constant 2.000000e-01 : f32
        %add3A_894 = vector.broadcast %add3A_893 : f32 to vector<16xf32>
        %add3A_895 = arith.addf %add3A_894, %mul3A_892 : vector<16xf32>
        %mul3A_896 = arith.mulf %mul3A_885, %add3A_895 : vector<16xf32>
        %add3A_897 = arith.constant 0.333333343 : f32
        %add3A_898 = vector.broadcast %add3A_897 : f32 to vector<16xf32>
        %add3A_899 = arith.addf %add3A_898, %mul3A_896 : vector<16xf32>
        %mul3A_900 = arith.mulf %mul3A_885, %add3A_899 : vector<16xf32>
        %add3A_901 = arith.constant 1.000000e+00 : f32
        %add3A_902 = vector.broadcast %add3A_901 : f32 to vector<16xf32>
        %add3A_903 = arith.addf %add3A_902, %mul3A_900 : vector<16xf32>
        %mul3A_904 = arith.constant 2.000000e+00 : f32
        %mul3A_905 = vector.broadcast %mul3A_904 : f32 to vector<16xf32>
        %mul3A_906 = arith.mulf %mul3A_905, %div3A : vector<16xf32>
        %mul3A_907 = arith.mulf %mul3A_906, %add3A_903 : vector<16xf32>
        %add3A_908 = arith.addf %sub3A, %mul3A_907 : vector<16xf32>
        %max3A_909 = arith.constant 0.000000e+00 : f32
        %max3A_910 = vector.broadcast %max3A_909 : f32 to vector<16xf32>
        %max3A_911 = arith.maximumf %get3A_848, %max3A_910 : vector<16xf32>
        %add3A_912 = arith.addf %add3A_908, %max3A_911 : vector<16xf32>
        %mul3A_913 = arith.mulf %get3A_848, %select_n3A_876 : vector<16xf32>
        %sub3A_914 = arith.subf %add3A_912, %mul3A_913 : vector<16xf32>
        %abs3A_915 = math.absf %get3A_848 : vector<16xf32>
        %neg3A_916 = arith.constant 0.000000e+00 : f32
        %neg3A_917 = vector.broadcast %neg3A_916 : f32 to vector<16xf32>
        %neg3A_918 = arith.subf %neg3A_917, %abs3A_915 : vector<16xf32>
        %exp3A_919 = math.exp %neg3A_918 : vector<16xf32>
        %add3A_920 = arith.constant 2.000000e+00 : f32
        %add3A_921 = vector.broadcast %add3A_920 : f32 to vector<16xf32>
        %add3A_922 = arith.addf %exp3A_919, %add3A_921 : vector<16xf32>
        %div3A_923 = arith.divf %exp3A_919, %add3A_922 : vector<16xf32>
        %mul3A_924 = arith.mulf %div3A_923, %div3A_923 : vector<16xf32>
        %mul3A_925 = arith.constant 0.111111112 : f32
        %mul3A_926 = vector.broadcast %mul3A_925 : f32 to vector<16xf32>
        %mul3A_927 = arith.mulf %mul3A_924, %mul3A_926 : vector<16xf32>
        %add3A_928 = arith.constant 0.142857149 : f32
        %add3A_929 = vector.broadcast %add3A_928 : f32 to vector<16xf32>
        %add3A_930 = arith.addf %add3A_929, %mul3A_927 : vector<16xf32>
        %mul3A_931 = arith.mulf %mul3A_924, %add3A_930 : vector<16xf32>
        %add3A_932 = arith.constant 2.000000e-01 : f32
        %add3A_933 = vector.broadcast %add3A_932 : f32 to vector<16xf32>
        %add3A_934 = arith.addf %add3A_933, %mul3A_931 : vector<16xf32>
        %mul3A_935 = arith.mulf %mul3A_924, %add3A_934 : vector<16xf32>
        %add3A_936 = arith.constant 0.333333343 : f32
        %add3A_937 = vector.broadcast %add3A_936 : f32 to vector<16xf32>
        %add3A_938 = arith.addf %add3A_937, %mul3A_935 : vector<16xf32>
        %mul3A_939 = arith.mulf %mul3A_924, %add3A_938 : vector<16xf32>
        %add3A_940 = arith.constant 1.000000e+00 : f32
        %add3A_941 = vector.broadcast %add3A_940 : f32 to vector<16xf32>
        %add3A_942 = arith.addf %add3A_941, %mul3A_939 : vector<16xf32>
        %mul3A_943 = arith.constant 2.000000e+00 : f32
        %mul3A_944 = vector.broadcast %mul3A_943 : f32 to vector<16xf32>
        %mul3A_945 = arith.mulf %mul3A_944, %div3A_923 : vector<16xf32>
        %mul3A_946 = arith.mulf %mul3A_945, %add3A_942 : vector<16xf32>
        %add3A_947 = arith.addf %sub3A_914, %mul3A_946 : vector<16xf32>
        %mul3A_948 = arith.mulf %add3A_947, %select_n3A_866 : vector<16xf32>
        %add3A_949 = arith.addf %scan3A_840, %mul3A_948 : vector<16xf32>
        %add3A_950 = arith.addf %scan3A_841, %select_n3A_866 : vector<16xf32>
        scf.yield %add3A_949, %add3A_950 : vector<16xf32>, vector<16xf32>
      }
      %scan3A_838 = arith.constant 128 : i32
      scf.yield %scan3A_837#0, %scan3A_837#1 : vector<16xf32>, vector<16xf32>
    }
    %while3A_22 = arith.constant 1 : i32
    %while3A_23:2 = scf.for %while3A_46 = %while3A_19 to %while3A_15 step %while3A_22 iter_args(%while3A_47 = %while3A_21#0, %while3A_48 = %while3A_21#1) -> (vector<16xf32>, vector<16xf32>)  : i32 {
      %mul3A_49 = arith.constant 2 : i32
      %mul3A_50 = arith.muli %mul3A_49, %while3A_46 : i32
      %add3A_51 = arith.addi %mul3A_10, %mul3A_50 : i32
      %add3A_52 = arith.constant 1 : i32
      %add3A_53 = arith.addi %add3A_51, %add3A_52 : i32
      %mul3A_54 = arith.constant 2048 : i32
      %mul3A_55 = arith.muli %add3A_53, %mul3A_54 : i32
      "tpu.region"() ({
        %run_scoped3A = tpu.sem_alloc : memref<!tpu.dma_semaphore, #tpu.memory_space<semaphore_mem>>
        %dma_start3A_839 = arith.constant 0 : i32
        %dma_start3A_840 = arith.constant 0 : i32
        %dma_start3A_841 = tpu.memref_slice %arg6[%dma_start3A_839, %dma_start3A_840] : memref<2x2048xi32, #tpu.memory_space<vmem>> -> memref<2x2048xi32, #tpu.memory_space<vmem>>
        %dma_start3A_842 = arith.constant 0 : i32
        %dma_start3A_843 = tpu.memref_slice %arg3[%dma_start3A_842, %mul3A_55] : memref<2x6390144xi32, #tpu.memory_space<hbm>> -> memref<2x2048xi32, #tpu.memory_space<hbm>>
        %dma_start3A_844 = arith.constant 0 : i32
        %dma_start3A_845 = arith.constant 0 : i32
        %dma_start3A_846 = tpu.memref_slice %arg6[%dma_start3A_844, %dma_start3A_845] : memref<2x2048xi32, #tpu.memory_space<vmem>> -> memref<2x2048xi32, #tpu.memory_space<vmem>>
        %dma_start3A_847 = arith.constant 0 : i32
        %dma_start3A_848 = tpu.memref_slice %arg3[%dma_start3A_847, %mul3A_55] : memref<2x6390144xi32, #tpu.memory_space<hbm>> -> memref<2x2048xi32, #tpu.memory_space<hbm>>
        tpu.enqueue_dma source(%dma_start3A_848 : memref<2x2048xi32, #tpu.memory_space<hbm>>) target(%dma_start3A_846 : memref<2x2048xi32, #tpu.memory_space<vmem>>) target_semaphore(%run_scoped3A : memref<!tpu.dma_semaphore, #tpu.memory_space<semaphore_mem>>)
        %dma_wait3A_849 = arith.constant 0 : i32
        %dma_wait3A_850 = arith.constant 0 : i32
        %dma_wait3A_851 = tpu.memref_slice %arg6[%dma_wait3A_849, %dma_wait3A_850] : memref<2x2048xi32, #tpu.memory_space<vmem>> -> memref<2x2048xi32, #tpu.memory_space<vmem>>
        %dma_wait3A_852 = arith.constant 0 : i32
        %dma_wait3A_853 = tpu.memref_slice %arg3[%dma_wait3A_852, %mul3A_55] : memref<2x6390144xi32, #tpu.memory_space<hbm>> -> memref<2x2048xi32, #tpu.memory_space<hbm>>
        %dma_wait3A_854 = arith.constant 0 : i32
        %dma_wait3A_855 = arith.constant 0 : i32
        %dma_wait3A_856 = tpu.memref_slice %arg6[%dma_wait3A_854, %dma_wait3A_855] : memref<2x2048xi32, #tpu.memory_space<vmem>> -> memref<2x2048xi32, #tpu.memory_space<vmem>>
        %dma_wait3A_857 = arith.constant 0 : i32
        %dma_wait3A_858 = tpu.memref_slice %arg3[%dma_wait3A_857, %mul3A_55] : memref<2x6390144xi32, #tpu.memory_space<hbm>> -> memref<2x2048xi32, #tpu.memory_space<hbm>>
        tpu.wait_dma2 semaphore(%run_scoped3A : memref<!tpu.dma_semaphore, #tpu.memory_space<semaphore_mem>>) src(%dma_wait3A_858 : memref<2x2048xi32, #tpu.memory_space<hbm>>) dst(%dma_wait3A_856 : memref<2x2048xi32, #tpu.memory_space<vmem>>)
        tpu.yield
      }) : () -> ()
      %dma_start3A = arith.constant 0 : i32
      %dma_start3A_56 = arith.constant 0 : i32
      %dma_start3A_57 = tpu.memref_slice %arg8[%dma_start3A_56] : memref<4096xf32, #tpu.memory_space<vmem>> -> memref<128xf32, #tpu.memory_space<vmem>>
      %dma_start3A_58 = arith.constant 0 : i32
      %dma_start3A_59 = tpu.memref_slice %arg6[%dma_start3A, %dma_start3A_58] : memref<2x2048xi32, #tpu.memory_space<vmem>> -> memref<1x128xi32, #tpu.memory_space<vmem>>
      %dma_start3A_60 = tpu.memref_squeeze %dma_start3A_59 : memref<1x128xi32, #tpu.memory_space<vmem>> -> memref<128xi32, #tpu.memory_space<vmem>>
      %dma_start3A_61 = arith.constant 0 : i32
      %dma_start3A_62 = tpu.memref_slice %arg2[%dma_start3A_61] : memref<2146689xf32, #tpu.memory_space<hbm>> -> memref<2146689xf32, #tpu.memory_space<hbm>>
      tpu.enqueue_indirect_dma source(%dma_start3A_62 : memref<2146689xf32, #tpu.memory_space<hbm>>) target(%dma_start3A_57 : memref<128xf32, #tpu.memory_space<vmem>>) offsets(%dma_start3A_60 : memref<128xi32, #tpu.memory_space<vmem>>) semaphore(%arg11 : memref<!tpu.dma_semaphore, #tpu.memory_space<semaphore_mem>>)
      %dma_start3A_63 = arith.constant 0 : i32
      %dma_start3A_64 = arith.constant 128 : i32
      %dma_start3A_65 = tpu.memref_slice %arg8[%dma_start3A_64] : memref<4096xf32, #tpu.memory_space<vmem>> -> memref<128xf32, #tpu.memory_space<vmem>>
      %dma_start3A_66 = arith.constant 128 : i32
      %dma_start3A_67 = tpu.memref_slice %arg6[%dma_start3A_63, %dma_start3A_66] : memref<2x2048xi32, #tpu.memory_space<vmem>> -> memref<1x128xi32, #tpu.memory_space<vmem>>
      %dma_start3A_68 = tpu.memref_squeeze %dma_start3A_67 : memref<1x128xi32, #tpu.memory_space<vmem>> -> memref<128xi32, #tpu.memory_space<vmem>>
      %dma_start3A_69 = arith.constant 0 : i32
      %dma_start3A_70 = tpu.memref_slice %arg2[%dma_start3A_69] : memref<2146689xf32, #tpu.memory_space<hbm>> -> memref<2146689xf32, #tpu.memory_space<hbm>>
      tpu.enqueue_indirect_dma source(%dma_start3A_70 : memref<2146689xf32, #tpu.memory_space<hbm>>) target(%dma_start3A_65 : memref<128xf32, #tpu.memory_space<vmem>>) offsets(%dma_start3A_68 : memref<128xi32, #tpu.memory_space<vmem>>) semaphore(%arg11 : memref<!tpu.dma_semaphore, #tpu.memory_space<semaphore_mem>>)
      %dma_start3A_71 = arith.constant 0 : i32
      %dma_start3A_72 = arith.constant 256 : i32
      %dma_start3A_73 = tpu.memref_slice %arg8[%dma_start3A_72] : memref<4096xf32, #tpu.memory_space<vmem>> -> memref<128xf32, #tpu.memory_space<vmem>>
      %dma_start3A_74 = arith.constant 256 : i32
      %dma_start3A_75 = tpu.memref_slice %arg6[%dma_start3A_71, %dma_start3A_74] : memref<2x2048xi32, #tpu.memory_space<vmem>> -> memref<1x128xi32, #tpu.memory_space<vmem>>
      %dma_start3A_76 = tpu.memref_squeeze %dma_start3A_75 : memref<1x128xi32, #tpu.memory_space<vmem>> -> memref<128xi32, #tpu.memory_space<vmem>>
      %dma_start3A_77 = arith.constant 0 : i32
      %dma_start3A_78 = tpu.memref_slice %arg2[%dma_start3A_77] : memref<2146689xf32, #tpu.memory_space<hbm>> -> memref<2146689xf32, #tpu.memory_space<hbm>>
      tpu.enqueue_indirect_dma source(%dma_start3A_78 : memref<2146689xf32, #tpu.memory_space<hbm>>) target(%dma_start3A_73 : memref<128xf32, #tpu.memory_space<vmem>>) offsets(%dma_start3A_76 : memref<128xi32, #tpu.memory_space<vmem>>) semaphore(%arg11 : memref<!tpu.dma_semaphore, #tpu.memory_space<semaphore_mem>>)
      %dma_start3A_79 = arith.constant 0 : i32
      %dma_start3A_80 = arith.constant 384 : i32
      %dma_start3A_81 = tpu.memref_slice %arg8[%dma_start3A_80] : memref<4096xf32, #tpu.memory_space<vmem>> -> memref<128xf32, #tpu.memory_space<vmem>>
      %dma_start3A_82 = arith.constant 384 : i32
      %dma_start3A_83 = tpu.memref_slice %arg6[%dma_start3A_79, %dma_start3A_82] : memref<2x2048xi32, #tpu.memory_space<vmem>> -> memref<1x128xi32, #tpu.memory_space<vmem>>
      %dma_start3A_84 = tpu.memref_squeeze %dma_start3A_83 : memref<1x128xi32, #tpu.memory_space<vmem>> -> memref<128xi32, #tpu.memory_space<vmem>>
      %dma_start3A_85 = arith.constant 0 : i32
      %dma_start3A_86 = tpu.memref_slice %arg2[%dma_start3A_85] : memref<2146689xf32, #tpu.memory_space<hbm>> -> memref<2146689xf32, #tpu.memory_space<hbm>>
      tpu.enqueue_indirect_dma source(%dma_start3A_86 : memref<2146689xf32, #tpu.memory_space<hbm>>) target(%dma_start3A_81 : memref<128xf32, #tpu.memory_space<vmem>>) offsets(%dma_start3A_84 : memref<128xi32, #tpu.memory_space<vmem>>) semaphore(%arg11 : memref<!tpu.dma_semaphore, #tpu.memory_space<semaphore_mem>>)
      %dma_start3A_87 = arith.constant 0 : i32
      %dma_start3A_88 = arith.constant 512 : i32
      %dma_start3A_89 = tpu.memref_slice %arg8[%dma_start3A_88] : memref<4096xf32, #tpu.memory_space<vmem>> -> memref<128xf32, #tpu.memory_space<vmem>>
      %dma_start3A_90 = arith.constant 512 : i32
      %dma_start3A_91 = tpu.memref_slice %arg6[%dma_start3A_87, %dma_start3A_90] : memref<2x2048xi32, #tpu.memory_space<vmem>> -> memref<1x128xi32, #tpu.memory_space<vmem>>
      %dma_start3A_92 = tpu.memref_squeeze %dma_start3A_91 : memref<1x128xi32, #tpu.memory_space<vmem>> -> memref<128xi32, #tpu.memory_space<vmem>>
      %dma_start3A_93 = arith.constant 0 : i32
      %dma_start3A_94 = tpu.memref_slice %arg2[%dma_start3A_93] : memref<2146689xf32, #tpu.memory_space<hbm>> -> memref<2146689xf32, #tpu.memory_space<hbm>>
      tpu.enqueue_indirect_dma source(%dma_start3A_94 : memref<2146689xf32, #tpu.memory_space<hbm>>) target(%dma_start3A_89 : memref<128xf32, #tpu.memory_space<vmem>>) offsets(%dma_start3A_92 : memref<128xi32, #tpu.memory_space<vmem>>) semaphore(%arg11 : memref<!tpu.dma_semaphore, #tpu.memory_space<semaphore_mem>>)
      %dma_start3A_95 = arith.constant 0 : i32
      %dma_start3A_96 = arith.constant 640 : i32
      %dma_start3A_97 = tpu.memref_slice %arg8[%dma_start3A_96] : memref<4096xf32, #tpu.memory_space<vmem>> -> memref<128xf32, #tpu.memory_space<vmem>>
      %dma_start3A_98 = arith.constant 640 : i32
      %dma_start3A_99 = tpu.memref_slice %arg6[%dma_start3A_95, %dma_start3A_98] : memref<2x2048xi32, #tpu.memory_space<vmem>> -> memref<1x128xi32, #tpu.memory_space<vmem>>
      %dma_start3A_100 = tpu.memref_squeeze %dma_start3A_99 : memref<1x128xi32, #tpu.memory_space<vmem>> -> memref<128xi32, #tpu.memory_space<vmem>>
      %dma_start3A_101 = arith.constant 0 : i32
      %dma_start3A_102 = tpu.memref_slice %arg2[%dma_start3A_101] : memref<2146689xf32, #tpu.memory_space<hbm>> -> memref<2146689xf32, #tpu.memory_space<hbm>>
      tpu.enqueue_indirect_dma source(%dma_start3A_102 : memref<2146689xf32, #tpu.memory_space<hbm>>) target(%dma_start3A_97 : memref<128xf32, #tpu.memory_space<vmem>>) offsets(%dma_start3A_100 : memref<128xi32, #tpu.memory_space<vmem>>) semaphore(%arg11 : memref<!tpu.dma_semaphore, #tpu.memory_space<semaphore_mem>>)
      %dma_start3A_103 = arith.constant 0 : i32
      %dma_start3A_104 = arith.constant 768 : i32
      %dma_start3A_105 = tpu.memref_slice %arg8[%dma_start3A_104] : memref<4096xf32, #tpu.memory_space<vmem>> -> memref<128xf32, #tpu.memory_space<vmem>>
      %dma_start3A_106 = arith.constant 768 : i32
      %dma_start3A_107 = tpu.memref_slice %arg6[%dma_start3A_103, %dma_start3A_106] : memref<2x2048xi32, #tpu.memory_space<vmem>> -> memref<1x128xi32, #tpu.memory_space<vmem>>
      %dma_start3A_108 = tpu.memref_squeeze %dma_start3A_107 : memref<1x128xi32, #tpu.memory_space<vmem>> -> memref<128xi32, #tpu.memory_space<vmem>>
      %dma_start3A_109 = arith.constant 0 : i32
      %dma_start3A_110 = tpu.memref_slice %arg2[%dma_start3A_109] : memref<2146689xf32, #tpu.memory_space<hbm>> -> memref<2146689xf32, #tpu.memory_space<hbm>>
      tpu.enqueue_indirect_dma source(%dma_start3A_110 : memref<2146689xf32, #tpu.memory_space<hbm>>) target(%dma_start3A_105 : memref<128xf32, #tpu.memory_space<vmem>>) offsets(%dma_start3A_108 : memref<128xi32, #tpu.memory_space<vmem>>) semaphore(%arg11 : memref<!tpu.dma_semaphore, #tpu.memory_space<semaphore_mem>>)
      %dma_start3A_111 = arith.constant 0 : i32
      %dma_start3A_112 = arith.constant 896 : i32
      %dma_start3A_113 = tpu.memref_slice %arg8[%dma_start3A_112] : memref<4096xf32, #tpu.memory_space<vmem>> -> memref<128xf32, #tpu.memory_space<vmem>>
      %dma_start3A_114 = arith.constant 896 : i32
      %dma_start3A_115 = tpu.memref_slice %arg6[%dma_start3A_111, %dma_start3A_114] : memref<2x2048xi32, #tpu.memory_space<vmem>> -> memref<1x128xi32, #tpu.memory_space<vmem>>
      %dma_start3A_116 = tpu.memref_squeeze %dma_start3A_115 : memref<1x128xi32, #tpu.memory_space<vmem>> -> memref<128xi32, #tpu.memory_space<vmem>>
      %dma_start3A_117 = arith.constant 0 : i32
      %dma_start3A_118 = tpu.memref_slice %arg2[%dma_start3A_117] : memref<2146689xf32, #tpu.memory_space<hbm>> -> memref<2146689xf32, #tpu.memory_space<hbm>>
      tpu.enqueue_indirect_dma source(%dma_start3A_118 : memref<2146689xf32, #tpu.memory_space<hbm>>) target(%dma_start3A_113 : memref<128xf32, #tpu.memory_space<vmem>>) offsets(%dma_start3A_116 : memref<128xi32, #tpu.memory_space<vmem>>) semaphore(%arg11 : memref<!tpu.dma_semaphore, #tpu.memory_space<semaphore_mem>>)
      %dma_start3A_119 = arith.constant 0 : i32
      %dma_start3A_120 = arith.constant 1024 : i32
      %dma_start3A_121 = tpu.memref_slice %arg8[%dma_start3A_120] : memref<4096xf32, #tpu.memory_space<vmem>> -> memref<128xf32, #tpu.memory_space<vmem>>
      %dma_start3A_122 = arith.constant 1024 : i32
      %dma_start3A_123 = tpu.memref_slice %arg6[%dma_start3A_119, %dma_start3A_122] : memref<2x2048xi32, #tpu.memory_space<vmem>> -> memref<1x128xi32, #tpu.memory_space<vmem>>
      %dma_start3A_124 = tpu.memref_squeeze %dma_start3A_123 : memref<1x128xi32, #tpu.memory_space<vmem>> -> memref<128xi32, #tpu.memory_space<vmem>>
      %dma_start3A_125 = arith.constant 0 : i32
      %dma_start3A_126 = tpu.memref_slice %arg2[%dma_start3A_125] : memref<2146689xf32, #tpu.memory_space<hbm>> -> memref<2146689xf32, #tpu.memory_space<hbm>>
      tpu.enqueue_indirect_dma source(%dma_start3A_126 : memref<2146689xf32, #tpu.memory_space<hbm>>) target(%dma_start3A_121 : memref<128xf32, #tpu.memory_space<vmem>>) offsets(%dma_start3A_124 : memref<128xi32, #tpu.memory_space<vmem>>) semaphore(%arg11 : memref<!tpu.dma_semaphore, #tpu.memory_space<semaphore_mem>>)
      %dma_start3A_127 = arith.constant 0 : i32
      %dma_start3A_128 = arith.constant 1152 : i32
      %dma_start3A_129 = tpu.memref_slice %arg8[%dma_start3A_128] : memref<4096xf32, #tpu.memory_space<vmem>> -> memref<128xf32, #tpu.memory_space<vmem>>
      %dma_start3A_130 = arith.constant 1152 : i32
      %dma_start3A_131 = tpu.memref_slice %arg6[%dma_start3A_127, %dma_start3A_130] : memref<2x2048xi32, #tpu.memory_space<vmem>> -> memref<1x128xi32, #tpu.memory_space<vmem>>
      %dma_start3A_132 = tpu.memref_squeeze %dma_start3A_131 : memref<1x128xi32, #tpu.memory_space<vmem>> -> memref<128xi32, #tpu.memory_space<vmem>>
      %dma_start3A_133 = arith.constant 0 : i32
      %dma_start3A_134 = tpu.memref_slice %arg2[%dma_start3A_133] : memref<2146689xf32, #tpu.memory_space<hbm>> -> memref<2146689xf32, #tpu.memory_space<hbm>>
      tpu.enqueue_indirect_dma source(%dma_start3A_134 : memref<2146689xf32, #tpu.memory_space<hbm>>) target(%dma_start3A_129 : memref<128xf32, #tpu.memory_space<vmem>>) offsets(%dma_start3A_132 : memref<128xi32, #tpu.memory_space<vmem>>) semaphore(%arg11 : memref<!tpu.dma_semaphore, #tpu.memory_space<semaphore_mem>>)
      %dma_start3A_135 = arith.constant 0 : i32
      %dma_start3A_136 = arith.constant 1280 : i32
      %dma_start3A_137 = tpu.memref_slice %arg8[%dma_start3A_136] : memref<4096xf32, #tpu.memory_space<vmem>> -> memref<128xf32, #tpu.memory_space<vmem>>
      %dma_start3A_138 = arith.constant 1280 : i32
      %dma_start3A_139 = tpu.memref_slice %arg6[%dma_start3A_135, %dma_start3A_138] : memref<2x2048xi32, #tpu.memory_space<vmem>> -> memref<1x128xi32, #tpu.memory_space<vmem>>
      %dma_start3A_140 = tpu.memref_squeeze %dma_start3A_139 : memref<1x128xi32, #tpu.memory_space<vmem>> -> memref<128xi32, #tpu.memory_space<vmem>>
      %dma_start3A_141 = arith.constant 0 : i32
      %dma_start3A_142 = tpu.memref_slice %arg2[%dma_start3A_141] : memref<2146689xf32, #tpu.memory_space<hbm>> -> memref<2146689xf32, #tpu.memory_space<hbm>>
      tpu.enqueue_indirect_dma source(%dma_start3A_142 : memref<2146689xf32, #tpu.memory_space<hbm>>) target(%dma_start3A_137 : memref<128xf32, #tpu.memory_space<vmem>>) offsets(%dma_start3A_140 : memref<128xi32, #tpu.memory_space<vmem>>) semaphore(%arg11 : memref<!tpu.dma_semaphore, #tpu.memory_space<semaphore_mem>>)
      %dma_start3A_143 = arith.constant 0 : i32
      %dma_start3A_144 = arith.constant 1408 : i32
      %dma_start3A_145 = tpu.memref_slice %arg8[%dma_start3A_144] : memref<4096xf32, #tpu.memory_space<vmem>> -> memref<128xf32, #tpu.memory_space<vmem>>
      %dma_start3A_146 = arith.constant 1408 : i32
      %dma_start3A_147 = tpu.memref_slice %arg6[%dma_start3A_143, %dma_start3A_146] : memref<2x2048xi32, #tpu.memory_space<vmem>> -> memref<1x128xi32, #tpu.memory_space<vmem>>
      %dma_start3A_148 = tpu.memref_squeeze %dma_start3A_147 : memref<1x128xi32, #tpu.memory_space<vmem>> -> memref<128xi32, #tpu.memory_space<vmem>>
      %dma_start3A_149 = arith.constant 0 : i32
      %dma_start3A_150 = tpu.memref_slice %arg2[%dma_start3A_149] : memref<2146689xf32, #tpu.memory_space<hbm>> -> memref<2146689xf32, #tpu.memory_space<hbm>>
      tpu.enqueue_indirect_dma source(%dma_start3A_150 : memref<2146689xf32, #tpu.memory_space<hbm>>) target(%dma_start3A_145 : memref<128xf32, #tpu.memory_space<vmem>>) offsets(%dma_start3A_148 : memref<128xi32, #tpu.memory_space<vmem>>) semaphore(%arg11 : memref<!tpu.dma_semaphore, #tpu.memory_space<semaphore_mem>>)
      %dma_start3A_151 = arith.constant 0 : i32
      %dma_start3A_152 = arith.constant 1536 : i32
      %dma_start3A_153 = tpu.memref_slice %arg8[%dma_start3A_152] : memref<4096xf32, #tpu.memory_space<vmem>> -> memref<128xf32, #tpu.memory_space<vmem>>
      %dma_start3A_154 = arith.constant 1536 : i32
      %dma_start3A_155 = tpu.memref_slice %arg6[%dma_start3A_151, %dma_start3A_154] : memref<2x2048xi32, #tpu.memory_space<vmem>> -> memref<1x128xi32, #tpu.memory_space<vmem>>
      %dma_start3A_156 = tpu.memref_squeeze %dma_start3A_155 : memref<1x128xi32, #tpu.memory_space<vmem>> -> memref<128xi32, #tpu.memory_space<vmem>>
      %dma_start3A_157 = arith.constant 0 : i32
      %dma_start3A_158 = tpu.memref_slice %arg2[%dma_start3A_157] : memref<2146689xf32, #tpu.memory_space<hbm>> -> memref<2146689xf32, #tpu.memory_space<hbm>>
      tpu.enqueue_indirect_dma source(%dma_start3A_158 : memref<2146689xf32, #tpu.memory_space<hbm>>) target(%dma_start3A_153 : memref<128xf32, #tpu.memory_space<vmem>>) offsets(%dma_start3A_156 : memref<128xi32, #tpu.memory_space<vmem>>) semaphore(%arg11 : memref<!tpu.dma_semaphore, #tpu.memory_space<semaphore_mem>>)
      %dma_start3A_159 = arith.constant 0 : i32
      %dma_start3A_160 = arith.constant 1664 : i32
      %dma_start3A_161 = tpu.memref_slice %arg8[%dma_start3A_160] : memref<4096xf32, #tpu.memory_space<vmem>> -> memref<128xf32, #tpu.memory_space<vmem>>
      %dma_start3A_162 = arith.constant 1664 : i32
      %dma_start3A_163 = tpu.memref_slice %arg6[%dma_start3A_159, %dma_start3A_162] : memref<2x2048xi32, #tpu.memory_space<vmem>> -> memref<1x128xi32, #tpu.memory_space<vmem>>
      %dma_start3A_164 = tpu.memref_squeeze %dma_start3A_163 : memref<1x128xi32, #tpu.memory_space<vmem>> -> memref<128xi32, #tpu.memory_space<vmem>>
      %dma_start3A_165 = arith.constant 0 : i32
      %dma_start3A_166 = tpu.memref_slice %arg2[%dma_start3A_165] : memref<2146689xf32, #tpu.memory_space<hbm>> -> memref<2146689xf32, #tpu.memory_space<hbm>>
      tpu.enqueue_indirect_dma source(%dma_start3A_166 : memref<2146689xf32, #tpu.memory_space<hbm>>) target(%dma_start3A_161 : memref<128xf32, #tpu.memory_space<vmem>>) offsets(%dma_start3A_164 : memref<128xi32, #tpu.memory_space<vmem>>) semaphore(%arg11 : memref<!tpu.dma_semaphore, #tpu.memory_space<semaphore_mem>>)
      %dma_start3A_167 = arith.constant 0 : i32
      %dma_start3A_168 = arith.constant 1792 : i32
      %dma_start3A_169 = tpu.memref_slice %arg8[%dma_start3A_168] : memref<4096xf32, #tpu.memory_space<vmem>> -> memref<128xf32, #tpu.memory_space<vmem>>
      %dma_start3A_170 = arith.constant 1792 : i32
      %dma_start3A_171 = tpu.memref_slice %arg6[%dma_start3A_167, %dma_start3A_170] : memref<2x2048xi32, #tpu.memory_space<vmem>> -> memref<1x128xi32, #tpu.memory_space<vmem>>
      %dma_start3A_172 = tpu.memref_squeeze %dma_start3A_171 : memref<1x128xi32, #tpu.memory_space<vmem>> -> memref<128xi32, #tpu.memory_space<vmem>>
      %dma_start3A_173 = arith.constant 0 : i32
      %dma_start3A_174 = tpu.memref_slice %arg2[%dma_start3A_173] : memref<2146689xf32, #tpu.memory_space<hbm>> -> memref<2146689xf32, #tpu.memory_space<hbm>>
      tpu.enqueue_indirect_dma source(%dma_start3A_174 : memref<2146689xf32, #tpu.memory_space<hbm>>) target(%dma_start3A_169 : memref<128xf32, #tpu.memory_space<vmem>>) offsets(%dma_start3A_172 : memref<128xi32, #tpu.memory_space<vmem>>) semaphore(%arg11 : memref<!tpu.dma_semaphore, #tpu.memory_space<semaphore_mem>>)
      %dma_start3A_175 = arith.constant 0 : i32
      %dma_start3A_176 = arith.constant 1920 : i32
      %dma_start3A_177 = tpu.memref_slice %arg8[%dma_start3A_176] : memref<4096xf32, #tpu.memory_space<vmem>> -> memref<128xf32, #tpu.memory_space<vmem>>
      %dma_start3A_178 = arith.constant 1920 : i32
      %dma_start3A_179 = tpu.memref_slice %arg6[%dma_start3A_175, %dma_start3A_178] : memref<2x2048xi32, #tpu.memory_space<vmem>> -> memref<1x128xi32, #tpu.memory_space<vmem>>
      %dma_start3A_180 = tpu.memref_squeeze %dma_start3A_179 : memref<1x128xi32, #tpu.memory_space<vmem>> -> memref<128xi32, #tpu.memory_space<vmem>>
      %dma_start3A_181 = arith.constant 0 : i32
      %dma_start3A_182 = tpu.memref_slice %arg2[%dma_start3A_181] : memref<2146689xf32, #tpu.memory_space<hbm>> -> memref<2146689xf32, #tpu.memory_space<hbm>>
      tpu.enqueue_indirect_dma source(%dma_start3A_182 : memref<2146689xf32, #tpu.memory_space<hbm>>) target(%dma_start3A_177 : memref<128xf32, #tpu.memory_space<vmem>>) offsets(%dma_start3A_180 : memref<128xi32, #tpu.memory_space<vmem>>) semaphore(%arg11 : memref<!tpu.dma_semaphore, #tpu.memory_space<semaphore_mem>>)
      %dma_start3A_183 = arith.constant 1 : i32
      %dma_start3A_184 = arith.constant 2048 : i32
      %dma_start3A_185 = tpu.memref_slice %arg8[%dma_start3A_184] : memref<4096xf32, #tpu.memory_space<vmem>> -> memref<128xf32, #tpu.memory_space<vmem>>
      %dma_start3A_186 = arith.constant 0 : i32
      %dma_start3A_187 = tpu.memref_slice %arg6[%dma_start3A_183, %dma_start3A_186] : memref<2x2048xi32, #tpu.memory_space<vmem>> -> memref<1x128xi32, #tpu.memory_space<vmem>>
      %dma_start3A_188 = tpu.memref_squeeze %dma_start3A_187 : memref<1x128xi32, #tpu.memory_space<vmem>> -> memref<128xi32, #tpu.memory_space<vmem>>
      %dma_start3A_189 = arith.constant 0 : i32
      %dma_start3A_190 = tpu.memref_slice %arg2[%dma_start3A_189] : memref<2146689xf32, #tpu.memory_space<hbm>> -> memref<2146689xf32, #tpu.memory_space<hbm>>
      tpu.enqueue_indirect_dma source(%dma_start3A_190 : memref<2146689xf32, #tpu.memory_space<hbm>>) target(%dma_start3A_185 : memref<128xf32, #tpu.memory_space<vmem>>) offsets(%dma_start3A_188 : memref<128xi32, #tpu.memory_space<vmem>>) semaphore(%arg11 : memref<!tpu.dma_semaphore, #tpu.memory_space<semaphore_mem>>)
      %dma_start3A_191 = arith.constant 1 : i32
      %dma_start3A_192 = arith.constant 2176 : i32
      %dma_start3A_193 = tpu.memref_slice %arg8[%dma_start3A_192] : memref<4096xf32, #tpu.memory_space<vmem>> -> memref<128xf32, #tpu.memory_space<vmem>>
      %dma_start3A_194 = arith.constant 128 : i32
      %dma_start3A_195 = tpu.memref_slice %arg6[%dma_start3A_191, %dma_start3A_194] : memref<2x2048xi32, #tpu.memory_space<vmem>> -> memref<1x128xi32, #tpu.memory_space<vmem>>
      %dma_start3A_196 = tpu.memref_squeeze %dma_start3A_195 : memref<1x128xi32, #tpu.memory_space<vmem>> -> memref<128xi32, #tpu.memory_space<vmem>>
      %dma_start3A_197 = arith.constant 0 : i32
      %dma_start3A_198 = tpu.memref_slice %arg2[%dma_start3A_197] : memref<2146689xf32, #tpu.memory_space<hbm>> -> memref<2146689xf32, #tpu.memory_space<hbm>>
      tpu.enqueue_indirect_dma source(%dma_start3A_198 : memref<2146689xf32, #tpu.memory_space<hbm>>) target(%dma_start3A_193 : memref<128xf32, #tpu.memory_space<vmem>>) offsets(%dma_start3A_196 : memref<128xi32, #tpu.memory_space<vmem>>) semaphore(%arg11 : memref<!tpu.dma_semaphore, #tpu.memory_space<semaphore_mem>>)
      %dma_start3A_199 = arith.constant 1 : i32
      %dma_start3A_200 = arith.constant 2304 : i32
      %dma_start3A_201 = tpu.memref_slice %arg8[%dma_start3A_200] : memref<4096xf32, #tpu.memory_space<vmem>> -> memref<128xf32, #tpu.memory_space<vmem>>
      %dma_start3A_202 = arith.constant 256 : i32
      %dma_start3A_203 = tpu.memref_slice %arg6[%dma_start3A_199, %dma_start3A_202] : memref<2x2048xi32, #tpu.memory_space<vmem>> -> memref<1x128xi32, #tpu.memory_space<vmem>>
      %dma_start3A_204 = tpu.memref_squeeze %dma_start3A_203 : memref<1x128xi32, #tpu.memory_space<vmem>> -> memref<128xi32, #tpu.memory_space<vmem>>
      %dma_start3A_205 = arith.constant 0 : i32
      %dma_start3A_206 = tpu.memref_slice %arg2[%dma_start3A_205] : memref<2146689xf32, #tpu.memory_space<hbm>> -> memref<2146689xf32, #tpu.memory_space<hbm>>
      tpu.enqueue_indirect_dma source(%dma_start3A_206 : memref<2146689xf32, #tpu.memory_space<hbm>>) target(%dma_start3A_201 : memref<128xf32, #tpu.memory_space<vmem>>) offsets(%dma_start3A_204 : memref<128xi32, #tpu.memory_space<vmem>>) semaphore(%arg11 : memref<!tpu.dma_semaphore, #tpu.memory_space<semaphore_mem>>)
      %dma_start3A_207 = arith.constant 1 : i32
      %dma_start3A_208 = arith.constant 2432 : i32
      %dma_start3A_209 = tpu.memref_slice %arg8[%dma_start3A_208] : memref<4096xf32, #tpu.memory_space<vmem>> -> memref<128xf32, #tpu.memory_space<vmem>>
      %dma_start3A_210 = arith.constant 384 : i32
      %dma_start3A_211 = tpu.memref_slice %arg6[%dma_start3A_207, %dma_start3A_210] : memref<2x2048xi32, #tpu.memory_space<vmem>> -> memref<1x128xi32, #tpu.memory_space<vmem>>
      %dma_start3A_212 = tpu.memref_squeeze %dma_start3A_211 : memref<1x128xi32, #tpu.memory_space<vmem>> -> memref<128xi32, #tpu.memory_space<vmem>>
      %dma_start3A_213 = arith.constant 0 : i32
      %dma_start3A_214 = tpu.memref_slice %arg2[%dma_start3A_213] : memref<2146689xf32, #tpu.memory_space<hbm>> -> memref<2146689xf32, #tpu.memory_space<hbm>>
      tpu.enqueue_indirect_dma source(%dma_start3A_214 : memref<2146689xf32, #tpu.memory_space<hbm>>) target(%dma_start3A_209 : memref<128xf32, #tpu.memory_space<vmem>>) offsets(%dma_start3A_212 : memref<128xi32, #tpu.memory_space<vmem>>) semaphore(%arg11 : memref<!tpu.dma_semaphore, #tpu.memory_space<semaphore_mem>>)
      %dma_start3A_215 = arith.constant 1 : i32
      %dma_start3A_216 = arith.constant 2560 : i32
      %dma_start3A_217 = tpu.memref_slice %arg8[%dma_start3A_216] : memref<4096xf32, #tpu.memory_space<vmem>> -> memref<128xf32, #tpu.memory_space<vmem>>
      %dma_start3A_218 = arith.constant 512 : i32
      %dma_start3A_219 = tpu.memref_slice %arg6[%dma_start3A_215, %dma_start3A_218] : memref<2x2048xi32, #tpu.memory_space<vmem>> -> memref<1x128xi32, #tpu.memory_space<vmem>>
      %dma_start3A_220 = tpu.memref_squeeze %dma_start3A_219 : memref<1x128xi32, #tpu.memory_space<vmem>> -> memref<128xi32, #tpu.memory_space<vmem>>
      %dma_start3A_221 = arith.constant 0 : i32
      %dma_start3A_222 = tpu.memref_slice %arg2[%dma_start3A_221] : memref<2146689xf32, #tpu.memory_space<hbm>> -> memref<2146689xf32, #tpu.memory_space<hbm>>
      tpu.enqueue_indirect_dma source(%dma_start3A_222 : memref<2146689xf32, #tpu.memory_space<hbm>>) target(%dma_start3A_217 : memref<128xf32, #tpu.memory_space<vmem>>) offsets(%dma_start3A_220 : memref<128xi32, #tpu.memory_space<vmem>>) semaphore(%arg11 : memref<!tpu.dma_semaphore, #tpu.memory_space<semaphore_mem>>)
      %dma_start3A_223 = arith.constant 1 : i32
      %dma_start3A_224 = arith.constant 2688 : i32
      %dma_start3A_225 = tpu.memref_slice %arg8[%dma_start3A_224] : memref<4096xf32, #tpu.memory_space<vmem>> -> memref<128xf32, #tpu.memory_space<vmem>>
      %dma_start3A_226 = arith.constant 640 : i32
      %dma_start3A_227 = tpu.memref_slice %arg6[%dma_start3A_223, %dma_start3A_226] : memref<2x2048xi32, #tpu.memory_space<vmem>> -> memref<1x128xi32, #tpu.memory_space<vmem>>
      %dma_start3A_228 = tpu.memref_squeeze %dma_start3A_227 : memref<1x128xi32, #tpu.memory_space<vmem>> -> memref<128xi32, #tpu.memory_space<vmem>>
      %dma_start3A_229 = arith.constant 0 : i32
      %dma_start3A_230 = tpu.memref_slice %arg2[%dma_start3A_229] : memref<2146689xf32, #tpu.memory_space<hbm>> -> memref<2146689xf32, #tpu.memory_space<hbm>>
      tpu.enqueue_indirect_dma source(%dma_start3A_230 : memref<2146689xf32, #tpu.memory_space<hbm>>) target(%dma_start3A_225 : memref<128xf32, #tpu.memory_space<vmem>>) offsets(%dma_start3A_228 : memref<128xi32, #tpu.memory_space<vmem>>) semaphore(%arg11 : memref<!tpu.dma_semaphore, #tpu.memory_space<semaphore_mem>>)
      %dma_start3A_231 = arith.constant 1 : i32
      %dma_start3A_232 = arith.constant 2816 : i32
      %dma_start3A_233 = tpu.memref_slice %arg8[%dma_start3A_232] : memref<4096xf32, #tpu.memory_space<vmem>> -> memref<128xf32, #tpu.memory_space<vmem>>
      %dma_start3A_234 = arith.constant 768 : i32
      %dma_start3A_235 = tpu.memref_slice %arg6[%dma_start3A_231, %dma_start3A_234] : memref<2x2048xi32, #tpu.memory_space<vmem>> -> memref<1x128xi32, #tpu.memory_space<vmem>>
      %dma_start3A_236 = tpu.memref_squeeze %dma_start3A_235 : memref<1x128xi32, #tpu.memory_space<vmem>> -> memref<128xi32, #tpu.memory_space<vmem>>
      %dma_start3A_237 = arith.constant 0 : i32
      %dma_start3A_238 = tpu.memref_slice %arg2[%dma_start3A_237] : memref<2146689xf32, #tpu.memory_space<hbm>> -> memref<2146689xf32, #tpu.memory_space<hbm>>
      tpu.enqueue_indirect_dma source(%dma_start3A_238 : memref<2146689xf32, #tpu.memory_space<hbm>>) target(%dma_start3A_233 : memref<128xf32, #tpu.memory_space<vmem>>) offsets(%dma_start3A_236 : memref<128xi32, #tpu.memory_space<vmem>>) semaphore(%arg11 : memref<!tpu.dma_semaphore, #tpu.memory_space<semaphore_mem>>)
      %dma_start3A_239 = arith.constant 1 : i32
      %dma_start3A_240 = arith.constant 2944 : i32
      %dma_start3A_241 = tpu.memref_slice %arg8[%dma_start3A_240] : memref<4096xf32, #tpu.memory_space<vmem>> -> memref<128xf32, #tpu.memory_space<vmem>>
      %dma_start3A_242 = arith.constant 896 : i32
      %dma_start3A_243 = tpu.memref_slice %arg6[%dma_start3A_239, %dma_start3A_242] : memref<2x2048xi32, #tpu.memory_space<vmem>> -> memref<1x128xi32, #tpu.memory_space<vmem>>
      %dma_start3A_244 = tpu.memref_squeeze %dma_start3A_243 : memref<1x128xi32, #tpu.memory_space<vmem>> -> memref<128xi32, #tpu.memory_space<vmem>>
      %dma_start3A_245 = arith.constant 0 : i32
      %dma_start3A_246 = tpu.memref_slice %arg2[%dma_start3A_245] : memref<2146689xf32, #tpu.memory_space<hbm>> -> memref<2146689xf32, #tpu.memory_space<hbm>>
      tpu.enqueue_indirect_dma source(%dma_start3A_246 : memref<2146689xf32, #tpu.memory_space<hbm>>) target(%dma_start3A_241 : memref<128xf32, #tpu.memory_space<vmem>>) offsets(%dma_start3A_244 : memref<128xi32, #tpu.memory_space<vmem>>) semaphore(%arg11 : memref<!tpu.dma_semaphore, #tpu.memory_space<semaphore_mem>>)
      %dma_start3A_247 = arith.constant 1 : i32
      %dma_start3A_248 = arith.constant 3072 : i32
      %dma_start3A_249 = tpu.memref_slice %arg8[%dma_start3A_248] : memref<4096xf32, #tpu.memory_space<vmem>> -> memref<128xf32, #tpu.memory_space<vmem>>
      %dma_start3A_250 = arith.constant 1024 : i32
      %dma_start3A_251 = tpu.memref_slice %arg6[%dma_start3A_247, %dma_start3A_250] : memref<2x2048xi32, #tpu.memory_space<vmem>> -> memref<1x128xi32, #tpu.memory_space<vmem>>
      %dma_start3A_252 = tpu.memref_squeeze %dma_start3A_251 : memref<1x128xi32, #tpu.memory_space<vmem>> -> memref<128xi32, #tpu.memory_space<vmem>>
      %dma_start3A_253 = arith.constant 0 : i32
      %dma_start3A_254 = tpu.memref_slice %arg2[%dma_start3A_253] : memref<2146689xf32, #tpu.memory_space<hbm>> -> memref<2146689xf32, #tpu.memory_space<hbm>>
      tpu.enqueue_indirect_dma source(%dma_start3A_254 : memref<2146689xf32, #tpu.memory_space<hbm>>) target(%dma_start3A_249 : memref<128xf32, #tpu.memory_space<vmem>>) offsets(%dma_start3A_252 : memref<128xi32, #tpu.memory_space<vmem>>) semaphore(%arg11 : memref<!tpu.dma_semaphore, #tpu.memory_space<semaphore_mem>>)
      %dma_start3A_255 = arith.constant 1 : i32
      %dma_start3A_256 = arith.constant 3200 : i32
      %dma_start3A_257 = tpu.memref_slice %arg8[%dma_start3A_256] : memref<4096xf32, #tpu.memory_space<vmem>> -> memref<128xf32, #tpu.memory_space<vmem>>
      %dma_start3A_258 = arith.constant 1152 : i32
      %dma_start3A_259 = tpu.memref_slice %arg6[%dma_start3A_255, %dma_start3A_258] : memref<2x2048xi32, #tpu.memory_space<vmem>> -> memref<1x128xi32, #tpu.memory_space<vmem>>
      %dma_start3A_260 = tpu.memref_squeeze %dma_start3A_259 : memref<1x128xi32, #tpu.memory_space<vmem>> -> memref<128xi32, #tpu.memory_space<vmem>>
      %dma_start3A_261 = arith.constant 0 : i32
      %dma_start3A_262 = tpu.memref_slice %arg2[%dma_start3A_261] : memref<2146689xf32, #tpu.memory_space<hbm>> -> memref<2146689xf32, #tpu.memory_space<hbm>>
      tpu.enqueue_indirect_dma source(%dma_start3A_262 : memref<2146689xf32, #tpu.memory_space<hbm>>) target(%dma_start3A_257 : memref<128xf32, #tpu.memory_space<vmem>>) offsets(%dma_start3A_260 : memref<128xi32, #tpu.memory_space<vmem>>) semaphore(%arg11 : memref<!tpu.dma_semaphore, #tpu.memory_space<semaphore_mem>>)
      %dma_start3A_263 = arith.constant 1 : i32
      %dma_start3A_264 = arith.constant 3328 : i32
      %dma_start3A_265 = tpu.memref_slice %arg8[%dma_start3A_264] : memref<4096xf32, #tpu.memory_space<vmem>> -> memref<128xf32, #tpu.memory_space<vmem>>
      %dma_start3A_266 = arith.constant 1280 : i32
      %dma_start3A_267 = tpu.memref_slice %arg6[%dma_start3A_263, %dma_start3A_266] : memref<2x2048xi32, #tpu.memory_space<vmem>> -> memref<1x128xi32, #tpu.memory_space<vmem>>
      %dma_start3A_268 = tpu.memref_squeeze %dma_start3A_267 : memref<1x128xi32, #tpu.memory_space<vmem>> -> memref<128xi32, #tpu.memory_space<vmem>>
      %dma_start3A_269 = arith.constant 0 : i32
      %dma_start3A_270 = tpu.memref_slice %arg2[%dma_start3A_269] : memref<2146689xf32, #tpu.memory_space<hbm>> -> memref<2146689xf32, #tpu.memory_space<hbm>>
      tpu.enqueue_indirect_dma source(%dma_start3A_270 : memref<2146689xf32, #tpu.memory_space<hbm>>) target(%dma_start3A_265 : memref<128xf32, #tpu.memory_space<vmem>>) offsets(%dma_start3A_268 : memref<128xi32, #tpu.memory_space<vmem>>) semaphore(%arg11 : memref<!tpu.dma_semaphore, #tpu.memory_space<semaphore_mem>>)
      %dma_start3A_271 = arith.constant 1 : i32
      %dma_start3A_272 = arith.constant 3456 : i32
      %dma_start3A_273 = tpu.memref_slice %arg8[%dma_start3A_272] : memref<4096xf32, #tpu.memory_space<vmem>> -> memref<128xf32, #tpu.memory_space<vmem>>
      %dma_start3A_274 = arith.constant 1408 : i32
      %dma_start3A_275 = tpu.memref_slice %arg6[%dma_start3A_271, %dma_start3A_274] : memref<2x2048xi32, #tpu.memory_space<vmem>> -> memref<1x128xi32, #tpu.memory_space<vmem>>
      %dma_start3A_276 = tpu.memref_squeeze %dma_start3A_275 : memref<1x128xi32, #tpu.memory_space<vmem>> -> memref<128xi32, #tpu.memory_space<vmem>>
      %dma_start3A_277 = arith.constant 0 : i32
      %dma_start3A_278 = tpu.memref_slice %arg2[%dma_start3A_277] : memref<2146689xf32, #tpu.memory_space<hbm>> -> memref<2146689xf32, #tpu.memory_space<hbm>>
      tpu.enqueue_indirect_dma source(%dma_start3A_278 : memref<2146689xf32, #tpu.memory_space<hbm>>) target(%dma_start3A_273 : memref<128xf32, #tpu.memory_space<vmem>>) offsets(%dma_start3A_276 : memref<128xi32, #tpu.memory_space<vmem>>) semaphore(%arg11 : memref<!tpu.dma_semaphore, #tpu.memory_space<semaphore_mem>>)
      %dma_start3A_279 = arith.constant 1 : i32
      %dma_start3A_280 = arith.constant 3584 : i32
      %dma_start3A_281 = tpu.memref_slice %arg8[%dma_start3A_280] : memref<4096xf32, #tpu.memory_space<vmem>> -> memref<128xf32, #tpu.memory_space<vmem>>
      %dma_start3A_282 = arith.constant 1536 : i32
      %dma_start3A_283 = tpu.memref_slice %arg6[%dma_start3A_279, %dma_start3A_282] : memref<2x2048xi32, #tpu.memory_space<vmem>> -> memref<1x128xi32, #tpu.memory_space<vmem>>
      %dma_start3A_284 = tpu.memref_squeeze %dma_start3A_283 : memref<1x128xi32, #tpu.memory_space<vmem>> -> memref<128xi32, #tpu.memory_space<vmem>>
      %dma_start3A_285 = arith.constant 0 : i32
      %dma_start3A_286 = tpu.memref_slice %arg2[%dma_start3A_285] : memref<2146689xf32, #tpu.memory_space<hbm>> -> memref<2146689xf32, #tpu.memory_space<hbm>>
      tpu.enqueue_indirect_dma source(%dma_start3A_286 : memref<2146689xf32, #tpu.memory_space<hbm>>) target(%dma_start3A_281 : memref<128xf32, #tpu.memory_space<vmem>>) offsets(%dma_start3A_284 : memref<128xi32, #tpu.memory_space<vmem>>) semaphore(%arg11 : memref<!tpu.dma_semaphore, #tpu.memory_space<semaphore_mem>>)
      %dma_start3A_287 = arith.constant 1 : i32
      %dma_start3A_288 = arith.constant 3712 : i32
      %dma_start3A_289 = tpu.memref_slice %arg8[%dma_start3A_288] : memref<4096xf32, #tpu.memory_space<vmem>> -> memref<128xf32, #tpu.memory_space<vmem>>
      %dma_start3A_290 = arith.constant 1664 : i32
      %dma_start3A_291 = tpu.memref_slice %arg6[%dma_start3A_287, %dma_start3A_290] : memref<2x2048xi32, #tpu.memory_space<vmem>> -> memref<1x128xi32, #tpu.memory_space<vmem>>
      %dma_start3A_292 = tpu.memref_squeeze %dma_start3A_291 : memref<1x128xi32, #tpu.memory_space<vmem>> -> memref<128xi32, #tpu.memory_space<vmem>>
      %dma_start3A_293 = arith.constant 0 : i32
      %dma_start3A_294 = tpu.memref_slice %arg2[%dma_start3A_293] : memref<2146689xf32, #tpu.memory_space<hbm>> -> memref<2146689xf32, #tpu.memory_space<hbm>>
      tpu.enqueue_indirect_dma source(%dma_start3A_294 : memref<2146689xf32, #tpu.memory_space<hbm>>) target(%dma_start3A_289 : memref<128xf32, #tpu.memory_space<vmem>>) offsets(%dma_start3A_292 : memref<128xi32, #tpu.memory_space<vmem>>) semaphore(%arg11 : memref<!tpu.dma_semaphore, #tpu.memory_space<semaphore_mem>>)
      %dma_start3A_295 = arith.constant 1 : i32
      %dma_start3A_296 = arith.constant 3840 : i32
      %dma_start3A_297 = tpu.memref_slice %arg8[%dma_start3A_296] : memref<4096xf32, #tpu.memory_space<vmem>> -> memref<128xf32, #tpu.memory_space<vmem>>
      %dma_start3A_298 = arith.constant 1792 : i32
      %dma_start3A_299 = tpu.memref_slice %arg6[%dma_start3A_295, %dma_start3A_298] : memref<2x2048xi32, #tpu.memory_space<vmem>> -> memref<1x128xi32, #tpu.memory_space<vmem>>
      %dma_start3A_300 = tpu.memref_squeeze %dma_start3A_299 : memref<1x128xi32, #tpu.memory_space<vmem>> -> memref<128xi32, #tpu.memory_space<vmem>>
      %dma_start3A_301 = arith.constant 0 : i32
      %dma_start3A_302 = tpu.memref_slice %arg2[%dma_start3A_301] : memref<2146689xf32, #tpu.memory_space<hbm>> -> memref<2146689xf32, #tpu.memory_space<hbm>>
      tpu.enqueue_indirect_dma source(%dma_start3A_302 : memref<2146689xf32, #tpu.memory_space<hbm>>) target(%dma_start3A_297 : memref<128xf32, #tpu.memory_space<vmem>>) offsets(%dma_start3A_300 : memref<128xi32, #tpu.memory_space<vmem>>) semaphore(%arg11 : memref<!tpu.dma_semaphore, #tpu.memory_space<semaphore_mem>>)
      %dma_start3A_303 = arith.constant 1 : i32
      %dma_start3A_304 = arith.constant 3968 : i32
      %dma_start3A_305 = tpu.memref_slice %arg8[%dma_start3A_304] : memref<4096xf32, #tpu.memory_space<vmem>> -> memref<128xf32, #tpu.memory_space<vmem>>
      %dma_start3A_306 = arith.constant 1920 : i32
      %dma_start3A_307 = tpu.memref_slice %arg6[%dma_start3A_303, %dma_start3A_306] : memref<2x2048xi32, #tpu.memory_space<vmem>> -> memref<1x128xi32, #tpu.memory_space<vmem>>
      %dma_start3A_308 = tpu.memref_squeeze %dma_start3A_307 : memref<1x128xi32, #tpu.memory_space<vmem>> -> memref<128xi32, #tpu.memory_space<vmem>>
      %dma_start3A_309 = arith.constant 0 : i32
      %dma_start3A_310 = tpu.memref_slice %arg2[%dma_start3A_309] : memref<2146689xf32, #tpu.memory_space<hbm>> -> memref<2146689xf32, #tpu.memory_space<hbm>>
      tpu.enqueue_indirect_dma source(%dma_start3A_310 : memref<2146689xf32, #tpu.memory_space<hbm>>) target(%dma_start3A_305 : memref<128xf32, #tpu.memory_space<vmem>>) offsets(%dma_start3A_308 : memref<128xi32, #tpu.memory_space<vmem>>) semaphore(%arg11 : memref<!tpu.dma_semaphore, #tpu.memory_space<semaphore_mem>>)
      %dma_wait3A = arith.constant 0 : i32
      %dma_wait3A_311 = arith.constant 0 : i32
      %dma_wait3A_312 = tpu.memref_slice %arg7[%dma_wait3A_311] : memref<4096xf32, #tpu.memory_space<vmem>> -> memref<128xf32, #tpu.memory_space<vmem>>
      %dma_wait3A_313 = arith.constant 0 : i32
      %dma_wait3A_314 = tpu.memref_slice %arg5[%dma_wait3A, %dma_wait3A_313] : memref<2x2048xi32, #tpu.memory_space<vmem>> -> memref<1x128xi32, #tpu.memory_space<vmem>>
      %dma_wait3A_315 = tpu.memref_squeeze %dma_wait3A_314 : memref<1x128xi32, #tpu.memory_space<vmem>> -> memref<128xi32, #tpu.memory_space<vmem>>
      %dma_wait3A_316 = arith.constant 0 : i32
      %dma_wait3A_317 = tpu.memref_slice %arg2[%dma_wait3A_316] : memref<2146689xf32, #tpu.memory_space<hbm>> -> memref<2146689xf32, #tpu.memory_space<hbm>>
      tpu.wait_indirect_dma semaphore(%arg10 : memref<!tpu.dma_semaphore, #tpu.memory_space<semaphore_mem>>) src(%dma_wait3A_317 : memref<2146689xf32, #tpu.memory_space<hbm>>) dst(%dma_wait3A_312 : memref<128xf32, #tpu.memory_space<vmem>>)
      %dma_wait3A_318 = arith.constant 0 : i32
      %dma_wait3A_319 = arith.constant 128 : i32
      %dma_wait3A_320 = tpu.memref_slice %arg7[%dma_wait3A_319] : memref<4096xf32, #tpu.memory_space<vmem>> -> memref<128xf32, #tpu.memory_space<vmem>>
      %dma_wait3A_321 = arith.constant 128 : i32
      %dma_wait3A_322 = tpu.memref_slice %arg5[%dma_wait3A_318, %dma_wait3A_321] : memref<2x2048xi32, #tpu.memory_space<vmem>> -> memref<1x128xi32, #tpu.memory_space<vmem>>
      %dma_wait3A_323 = tpu.memref_squeeze %dma_wait3A_322 : memref<1x128xi32, #tpu.memory_space<vmem>> -> memref<128xi32, #tpu.memory_space<vmem>>
      %dma_wait3A_324 = arith.constant 0 : i32
      %dma_wait3A_325 = tpu.memref_slice %arg2[%dma_wait3A_324] : memref<2146689xf32, #tpu.memory_space<hbm>> -> memref<2146689xf32, #tpu.memory_space<hbm>>
      tpu.wait_indirect_dma semaphore(%arg10 : memref<!tpu.dma_semaphore, #tpu.memory_space<semaphore_mem>>) src(%dma_wait3A_325 : memref<2146689xf32, #tpu.memory_space<hbm>>) dst(%dma_wait3A_320 : memref<128xf32, #tpu.memory_space<vmem>>)
      %dma_wait3A_326 = arith.constant 0 : i32
      %dma_wait3A_327 = arith.constant 256 : i32
      %dma_wait3A_328 = tpu.memref_slice %arg7[%dma_wait3A_327] : memref<4096xf32, #tpu.memory_space<vmem>> -> memref<128xf32, #tpu.memory_space<vmem>>
      %dma_wait3A_329 = arith.constant 256 : i32
      %dma_wait3A_330 = tpu.memref_slice %arg5[%dma_wait3A_326, %dma_wait3A_329] : memref<2x2048xi32, #tpu.memory_space<vmem>> -> memref<1x128xi32, #tpu.memory_space<vmem>>
      %dma_wait3A_331 = tpu.memref_squeeze %dma_wait3A_330 : memref<1x128xi32, #tpu.memory_space<vmem>> -> memref<128xi32, #tpu.memory_space<vmem>>
      %dma_wait3A_332 = arith.constant 0 : i32
      %dma_wait3A_333 = tpu.memref_slice %arg2[%dma_wait3A_332] : memref<2146689xf32, #tpu.memory_space<hbm>> -> memref<2146689xf32, #tpu.memory_space<hbm>>
      tpu.wait_indirect_dma semaphore(%arg10 : memref<!tpu.dma_semaphore, #tpu.memory_space<semaphore_mem>>) src(%dma_wait3A_333 : memref<2146689xf32, #tpu.memory_space<hbm>>) dst(%dma_wait3A_328 : memref<128xf32, #tpu.memory_space<vmem>>)
      %dma_wait3A_334 = arith.constant 0 : i32
      %dma_wait3A_335 = arith.constant 384 : i32
      %dma_wait3A_336 = tpu.memref_slice %arg7[%dma_wait3A_335] : memref<4096xf32, #tpu.memory_space<vmem>> -> memref<128xf32, #tpu.memory_space<vmem>>
      %dma_wait3A_337 = arith.constant 384 : i32
      %dma_wait3A_338 = tpu.memref_slice %arg5[%dma_wait3A_334, %dma_wait3A_337] : memref<2x2048xi32, #tpu.memory_space<vmem>> -> memref<1x128xi32, #tpu.memory_space<vmem>>
      %dma_wait3A_339 = tpu.memref_squeeze %dma_wait3A_338 : memref<1x128xi32, #tpu.memory_space<vmem>> -> memref<128xi32, #tpu.memory_space<vmem>>
      %dma_wait3A_340 = arith.constant 0 : i32
      %dma_wait3A_341 = tpu.memref_slice %arg2[%dma_wait3A_340] : memref<2146689xf32, #tpu.memory_space<hbm>> -> memref<2146689xf32, #tpu.memory_space<hbm>>
      tpu.wait_indirect_dma semaphore(%arg10 : memref<!tpu.dma_semaphore, #tpu.memory_space<semaphore_mem>>) src(%dma_wait3A_341 : memref<2146689xf32, #tpu.memory_space<hbm>>) dst(%dma_wait3A_336 : memref<128xf32, #tpu.memory_space<vmem>>)
      %dma_wait3A_342 = arith.constant 0 : i32
      %dma_wait3A_343 = arith.constant 512 : i32
      %dma_wait3A_344 = tpu.memref_slice %arg7[%dma_wait3A_343] : memref<4096xf32, #tpu.memory_space<vmem>> -> memref<128xf32, #tpu.memory_space<vmem>>
      %dma_wait3A_345 = arith.constant 512 : i32
      %dma_wait3A_346 = tpu.memref_slice %arg5[%dma_wait3A_342, %dma_wait3A_345] : memref<2x2048xi32, #tpu.memory_space<vmem>> -> memref<1x128xi32, #tpu.memory_space<vmem>>
      %dma_wait3A_347 = tpu.memref_squeeze %dma_wait3A_346 : memref<1x128xi32, #tpu.memory_space<vmem>> -> memref<128xi32, #tpu.memory_space<vmem>>
      %dma_wait3A_348 = arith.constant 0 : i32
      %dma_wait3A_349 = tpu.memref_slice %arg2[%dma_wait3A_348] : memref<2146689xf32, #tpu.memory_space<hbm>> -> memref<2146689xf32, #tpu.memory_space<hbm>>
      tpu.wait_indirect_dma semaphore(%arg10 : memref<!tpu.dma_semaphore, #tpu.memory_space<semaphore_mem>>) src(%dma_wait3A_349 : memref<2146689xf32, #tpu.memory_space<hbm>>) dst(%dma_wait3A_344 : memref<128xf32, #tpu.memory_space<vmem>>)
      %dma_wait3A_350 = arith.constant 0 : i32
      %dma_wait3A_351 = arith.constant 640 : i32
      %dma_wait3A_352 = tpu.memref_slice %arg7[%dma_wait3A_351] : memref<4096xf32, #tpu.memory_space<vmem>> -> memref<128xf32, #tpu.memory_space<vmem>>
      %dma_wait3A_353 = arith.constant 640 : i32
      %dma_wait3A_354 = tpu.memref_slice %arg5[%dma_wait3A_350, %dma_wait3A_353] : memref<2x2048xi32, #tpu.memory_space<vmem>> -> memref<1x128xi32, #tpu.memory_space<vmem>>
      %dma_wait3A_355 = tpu.memref_squeeze %dma_wait3A_354 : memref<1x128xi32, #tpu.memory_space<vmem>> -> memref<128xi32, #tpu.memory_space<vmem>>
      %dma_wait3A_356 = arith.constant 0 : i32
      %dma_wait3A_357 = tpu.memref_slice %arg2[%dma_wait3A_356] : memref<2146689xf32, #tpu.memory_space<hbm>> -> memref<2146689xf32, #tpu.memory_space<hbm>>
      tpu.wait_indirect_dma semaphore(%arg10 : memref<!tpu.dma_semaphore, #tpu.memory_space<semaphore_mem>>) src(%dma_wait3A_357 : memref<2146689xf32, #tpu.memory_space<hbm>>) dst(%dma_wait3A_352 : memref<128xf32, #tpu.memory_space<vmem>>)
      %dma_wait3A_358 = arith.constant 0 : i32
      %dma_wait3A_359 = arith.constant 768 : i32
      %dma_wait3A_360 = tpu.memref_slice %arg7[%dma_wait3A_359] : memref<4096xf32, #tpu.memory_space<vmem>> -> memref<128xf32, #tpu.memory_space<vmem>>
      %dma_wait3A_361 = arith.constant 768 : i32
      %dma_wait3A_362 = tpu.memref_slice %arg5[%dma_wait3A_358, %dma_wait3A_361] : memref<2x2048xi32, #tpu.memory_space<vmem>> -> memref<1x128xi32, #tpu.memory_space<vmem>>
      %dma_wait3A_363 = tpu.memref_squeeze %dma_wait3A_362 : memref<1x128xi32, #tpu.memory_space<vmem>> -> memref<128xi32, #tpu.memory_space<vmem>>
      %dma_wait3A_364 = arith.constant 0 : i32
      %dma_wait3A_365 = tpu.memref_slice %arg2[%dma_wait3A_364] : memref<2146689xf32, #tpu.memory_space<hbm>> -> memref<2146689xf32, #tpu.memory_space<hbm>>
      tpu.wait_indirect_dma semaphore(%arg10 : memref<!tpu.dma_semaphore, #tpu.memory_space<semaphore_mem>>) src(%dma_wait3A_365 : memref<2146689xf32, #tpu.memory_space<hbm>>) dst(%dma_wait3A_360 : memref<128xf32, #tpu.memory_space<vmem>>)
      %dma_wait3A_366 = arith.constant 0 : i32
      %dma_wait3A_367 = arith.constant 896 : i32
      %dma_wait3A_368 = tpu.memref_slice %arg7[%dma_wait3A_367] : memref<4096xf32, #tpu.memory_space<vmem>> -> memref<128xf32, #tpu.memory_space<vmem>>
      %dma_wait3A_369 = arith.constant 896 : i32
      %dma_wait3A_370 = tpu.memref_slice %arg5[%dma_wait3A_366, %dma_wait3A_369] : memref<2x2048xi32, #tpu.memory_space<vmem>> -> memref<1x128xi32, #tpu.memory_space<vmem>>
      %dma_wait3A_371 = tpu.memref_squeeze %dma_wait3A_370 : memref<1x128xi32, #tpu.memory_space<vmem>> -> memref<128xi32, #tpu.memory_space<vmem>>
      %dma_wait3A_372 = arith.constant 0 : i32
      %dma_wait3A_373 = tpu.memref_slice %arg2[%dma_wait3A_372] : memref<2146689xf32, #tpu.memory_space<hbm>> -> memref<2146689xf32, #tpu.memory_space<hbm>>
      tpu.wait_indirect_dma semaphore(%arg10 : memref<!tpu.dma_semaphore, #tpu.memory_space<semaphore_mem>>) src(%dma_wait3A_373 : memref<2146689xf32, #tpu.memory_space<hbm>>) dst(%dma_wait3A_368 : memref<128xf32, #tpu.memory_space<vmem>>)
      %dma_wait3A_374 = arith.constant 0 : i32
      %dma_wait3A_375 = arith.constant 1024 : i32
      %dma_wait3A_376 = tpu.memref_slice %arg7[%dma_wait3A_375] : memref<4096xf32, #tpu.memory_space<vmem>> -> memref<128xf32, #tpu.memory_space<vmem>>
      %dma_wait3A_377 = arith.constant 1024 : i32
      %dma_wait3A_378 = tpu.memref_slice %arg5[%dma_wait3A_374, %dma_wait3A_377] : memref<2x2048xi32, #tpu.memory_space<vmem>> -> memref<1x128xi32, #tpu.memory_space<vmem>>
      %dma_wait3A_379 = tpu.memref_squeeze %dma_wait3A_378 : memref<1x128xi32, #tpu.memory_space<vmem>> -> memref<128xi32, #tpu.memory_space<vmem>>
      %dma_wait3A_380 = arith.constant 0 : i32
      %dma_wait3A_381 = tpu.memref_slice %arg2[%dma_wait3A_380] : memref<2146689xf32, #tpu.memory_space<hbm>> -> memref<2146689xf32, #tpu.memory_space<hbm>>
      tpu.wait_indirect_dma semaphore(%arg10 : memref<!tpu.dma_semaphore, #tpu.memory_space<semaphore_mem>>) src(%dma_wait3A_381 : memref<2146689xf32, #tpu.memory_space<hbm>>) dst(%dma_wait3A_376 : memref<128xf32, #tpu.memory_space<vmem>>)
      %dma_wait3A_382 = arith.constant 0 : i32
      %dma_wait3A_383 = arith.constant 1152 : i32
      %dma_wait3A_384 = tpu.memref_slice %arg7[%dma_wait3A_383] : memref<4096xf32, #tpu.memory_space<vmem>> -> memref<128xf32, #tpu.memory_space<vmem>>
      %dma_wait3A_385 = arith.constant 1152 : i32
      %dma_wait3A_386 = tpu.memref_slice %arg5[%dma_wait3A_382, %dma_wait3A_385] : memref<2x2048xi32, #tpu.memory_space<vmem>> -> memref<1x128xi32, #tpu.memory_space<vmem>>
      %dma_wait3A_387 = tpu.memref_squeeze %dma_wait3A_386 : memref<1x128xi32, #tpu.memory_space<vmem>> -> memref<128xi32, #tpu.memory_space<vmem>>
      %dma_wait3A_388 = arith.constant 0 : i32
      %dma_wait3A_389 = tpu.memref_slice %arg2[%dma_wait3A_388] : memref<2146689xf32, #tpu.memory_space<hbm>> -> memref<2146689xf32, #tpu.memory_space<hbm>>
      tpu.wait_indirect_dma semaphore(%arg10 : memref<!tpu.dma_semaphore, #tpu.memory_space<semaphore_mem>>) src(%dma_wait3A_389 : memref<2146689xf32, #tpu.memory_space<hbm>>) dst(%dma_wait3A_384 : memref<128xf32, #tpu.memory_space<vmem>>)
      %dma_wait3A_390 = arith.constant 0 : i32
      %dma_wait3A_391 = arith.constant 1280 : i32
      %dma_wait3A_392 = tpu.memref_slice %arg7[%dma_wait3A_391] : memref<4096xf32, #tpu.memory_space<vmem>> -> memref<128xf32, #tpu.memory_space<vmem>>
      %dma_wait3A_393 = arith.constant 1280 : i32
      %dma_wait3A_394 = tpu.memref_slice %arg5[%dma_wait3A_390, %dma_wait3A_393] : memref<2x2048xi32, #tpu.memory_space<vmem>> -> memref<1x128xi32, #tpu.memory_space<vmem>>
      %dma_wait3A_395 = tpu.memref_squeeze %dma_wait3A_394 : memref<1x128xi32, #tpu.memory_space<vmem>> -> memref<128xi32, #tpu.memory_space<vmem>>
      %dma_wait3A_396 = arith.constant 0 : i32
      %dma_wait3A_397 = tpu.memref_slice %arg2[%dma_wait3A_396] : memref<2146689xf32, #tpu.memory_space<hbm>> -> memref<2146689xf32, #tpu.memory_space<hbm>>
      tpu.wait_indirect_dma semaphore(%arg10 : memref<!tpu.dma_semaphore, #tpu.memory_space<semaphore_mem>>) src(%dma_wait3A_397 : memref<2146689xf32, #tpu.memory_space<hbm>>) dst(%dma_wait3A_392 : memref<128xf32, #tpu.memory_space<vmem>>)
      %dma_wait3A_398 = arith.constant 0 : i32
      %dma_wait3A_399 = arith.constant 1408 : i32
      %dma_wait3A_400 = tpu.memref_slice %arg7[%dma_wait3A_399] : memref<4096xf32, #tpu.memory_space<vmem>> -> memref<128xf32, #tpu.memory_space<vmem>>
      %dma_wait3A_401 = arith.constant 1408 : i32
      %dma_wait3A_402 = tpu.memref_slice %arg5[%dma_wait3A_398, %dma_wait3A_401] : memref<2x2048xi32, #tpu.memory_space<vmem>> -> memref<1x128xi32, #tpu.memory_space<vmem>>
      %dma_wait3A_403 = tpu.memref_squeeze %dma_wait3A_402 : memref<1x128xi32, #tpu.memory_space<vmem>> -> memref<128xi32, #tpu.memory_space<vmem>>
      %dma_wait3A_404 = arith.constant 0 : i32
      %dma_wait3A_405 = tpu.memref_slice %arg2[%dma_wait3A_404] : memref<2146689xf32, #tpu.memory_space<hbm>> -> memref<2146689xf32, #tpu.memory_space<hbm>>
      tpu.wait_indirect_dma semaphore(%arg10 : memref<!tpu.dma_semaphore, #tpu.memory_space<semaphore_mem>>) src(%dma_wait3A_405 : memref<2146689xf32, #tpu.memory_space<hbm>>) dst(%dma_wait3A_400 : memref<128xf32, #tpu.memory_space<vmem>>)
      %dma_wait3A_406 = arith.constant 0 : i32
      %dma_wait3A_407 = arith.constant 1536 : i32
      %dma_wait3A_408 = tpu.memref_slice %arg7[%dma_wait3A_407] : memref<4096xf32, #tpu.memory_space<vmem>> -> memref<128xf32, #tpu.memory_space<vmem>>
      %dma_wait3A_409 = arith.constant 1536 : i32
      %dma_wait3A_410 = tpu.memref_slice %arg5[%dma_wait3A_406, %dma_wait3A_409] : memref<2x2048xi32, #tpu.memory_space<vmem>> -> memref<1x128xi32, #tpu.memory_space<vmem>>
      %dma_wait3A_411 = tpu.memref_squeeze %dma_wait3A_410 : memref<1x128xi32, #tpu.memory_space<vmem>> -> memref<128xi32, #tpu.memory_space<vmem>>
      %dma_wait3A_412 = arith.constant 0 : i32
      %dma_wait3A_413 = tpu.memref_slice %arg2[%dma_wait3A_412] : memref<2146689xf32, #tpu.memory_space<hbm>> -> memref<2146689xf32, #tpu.memory_space<hbm>>
      tpu.wait_indirect_dma semaphore(%arg10 : memref<!tpu.dma_semaphore, #tpu.memory_space<semaphore_mem>>) src(%dma_wait3A_413 : memref<2146689xf32, #tpu.memory_space<hbm>>) dst(%dma_wait3A_408 : memref<128xf32, #tpu.memory_space<vmem>>)
      %dma_wait3A_414 = arith.constant 0 : i32
      %dma_wait3A_415 = arith.constant 1664 : i32
      %dma_wait3A_416 = tpu.memref_slice %arg7[%dma_wait3A_415] : memref<4096xf32, #tpu.memory_space<vmem>> -> memref<128xf32, #tpu.memory_space<vmem>>
      %dma_wait3A_417 = arith.constant 1664 : i32
      %dma_wait3A_418 = tpu.memref_slice %arg5[%dma_wait3A_414, %dma_wait3A_417] : memref<2x2048xi32, #tpu.memory_space<vmem>> -> memref<1x128xi32, #tpu.memory_space<vmem>>
      %dma_wait3A_419 = tpu.memref_squeeze %dma_wait3A_418 : memref<1x128xi32, #tpu.memory_space<vmem>> -> memref<128xi32, #tpu.memory_space<vmem>>
      %dma_wait3A_420 = arith.constant 0 : i32
      %dma_wait3A_421 = tpu.memref_slice %arg2[%dma_wait3A_420] : memref<2146689xf32, #tpu.memory_space<hbm>> -> memref<2146689xf32, #tpu.memory_space<hbm>>
      tpu.wait_indirect_dma semaphore(%arg10 : memref<!tpu.dma_semaphore, #tpu.memory_space<semaphore_mem>>) src(%dma_wait3A_421 : memref<2146689xf32, #tpu.memory_space<hbm>>) dst(%dma_wait3A_416 : memref<128xf32, #tpu.memory_space<vmem>>)
      %dma_wait3A_422 = arith.constant 0 : i32
      %dma_wait3A_423 = arith.constant 1792 : i32
      %dma_wait3A_424 = tpu.memref_slice %arg7[%dma_wait3A_423] : memref<4096xf32, #tpu.memory_space<vmem>> -> memref<128xf32, #tpu.memory_space<vmem>>
      %dma_wait3A_425 = arith.constant 1792 : i32
      %dma_wait3A_426 = tpu.memref_slice %arg5[%dma_wait3A_422, %dma_wait3A_425] : memref<2x2048xi32, #tpu.memory_space<vmem>> -> memref<1x128xi32, #tpu.memory_space<vmem>>
      %dma_wait3A_427 = tpu.memref_squeeze %dma_wait3A_426 : memref<1x128xi32, #tpu.memory_space<vmem>> -> memref<128xi32, #tpu.memory_space<vmem>>
      %dma_wait3A_428 = arith.constant 0 : i32
      %dma_wait3A_429 = tpu.memref_slice %arg2[%dma_wait3A_428] : memref<2146689xf32, #tpu.memory_space<hbm>> -> memref<2146689xf32, #tpu.memory_space<hbm>>
      tpu.wait_indirect_dma semaphore(%arg10 : memref<!tpu.dma_semaphore, #tpu.memory_space<semaphore_mem>>) src(%dma_wait3A_429 : memref<2146689xf32, #tpu.memory_space<hbm>>) dst(%dma_wait3A_424 : memref<128xf32, #tpu.memory_space<vmem>>)
      %dma_wait3A_430 = arith.constant 0 : i32
      %dma_wait3A_431 = arith.constant 1920 : i32
      %dma_wait3A_432 = tpu.memref_slice %arg7[%dma_wait3A_431] : memref<4096xf32, #tpu.memory_space<vmem>> -> memref<128xf32, #tpu.memory_space<vmem>>
      %dma_wait3A_433 = arith.constant 1920 : i32
      %dma_wait3A_434 = tpu.memref_slice %arg5[%dma_wait3A_430, %dma_wait3A_433] : memref<2x2048xi32, #tpu.memory_space<vmem>> -> memref<1x128xi32, #tpu.memory_space<vmem>>
      %dma_wait3A_435 = tpu.memref_squeeze %dma_wait3A_434 : memref<1x128xi32, #tpu.memory_space<vmem>> -> memref<128xi32, #tpu.memory_space<vmem>>
      %dma_wait3A_436 = arith.constant 0 : i32
      %dma_wait3A_437 = tpu.memref_slice %arg2[%dma_wait3A_436] : memref<2146689xf32, #tpu.memory_space<hbm>> -> memref<2146689xf32, #tpu.memory_space<hbm>>
      tpu.wait_indirect_dma semaphore(%arg10 : memref<!tpu.dma_semaphore, #tpu.memory_space<semaphore_mem>>) src(%dma_wait3A_437 : memref<2146689xf32, #tpu.memory_space<hbm>>) dst(%dma_wait3A_432 : memref<128xf32, #tpu.memory_space<vmem>>)
      %dma_wait3A_438 = arith.constant 1 : i32
      %dma_wait3A_439 = arith.constant 2048 : i32
      %dma_wait3A_440 = tpu.memref_slice %arg7[%dma_wait3A_439] : memref<4096xf32, #tpu.memory_space<vmem>> -> memref<128xf32, #tpu.memory_space<vmem>>
      %dma_wait3A_441 = arith.constant 0 : i32
      %dma_wait3A_442 = tpu.memref_slice %arg5[%dma_wait3A_438, %dma_wait3A_441] : memref<2x2048xi32, #tpu.memory_space<vmem>> -> memref<1x128xi32, #tpu.memory_space<vmem>>
      %dma_wait3A_443 = tpu.memref_squeeze %dma_wait3A_442 : memref<1x128xi32, #tpu.memory_space<vmem>> -> memref<128xi32, #tpu.memory_space<vmem>>
      %dma_wait3A_444 = arith.constant 0 : i32
      %dma_wait3A_445 = tpu.memref_slice %arg2[%dma_wait3A_444] : memref<2146689xf32, #tpu.memory_space<hbm>> -> memref<2146689xf32, #tpu.memory_space<hbm>>
      tpu.wait_indirect_dma semaphore(%arg10 : memref<!tpu.dma_semaphore, #tpu.memory_space<semaphore_mem>>) src(%dma_wait3A_445 : memref<2146689xf32, #tpu.memory_space<hbm>>) dst(%dma_wait3A_440 : memref<128xf32, #tpu.memory_space<vmem>>)
      %dma_wait3A_446 = arith.constant 1 : i32
      %dma_wait3A_447 = arith.constant 2176 : i32
      %dma_wait3A_448 = tpu.memref_slice %arg7[%dma_wait3A_447] : memref<4096xf32, #tpu.memory_space<vmem>> -> memref<128xf32, #tpu.memory_space<vmem>>
      %dma_wait3A_449 = arith.constant 128 : i32
      %dma_wait3A_450 = tpu.memref_slice %arg5[%dma_wait3A_446, %dma_wait3A_449] : memref<2x2048xi32, #tpu.memory_space<vmem>> -> memref<1x128xi32, #tpu.memory_space<vmem>>
      %dma_wait3A_451 = tpu.memref_squeeze %dma_wait3A_450 : memref<1x128xi32, #tpu.memory_space<vmem>> -> memref<128xi32, #tpu.memory_space<vmem>>
      %dma_wait3A_452 = arith.constant 0 : i32
      %dma_wait3A_453 = tpu.memref_slice %arg2[%dma_wait3A_452] : memref<2146689xf32, #tpu.memory_space<hbm>> -> memref<2146689xf32, #tpu.memory_space<hbm>>
      tpu.wait_indirect_dma semaphore(%arg10 : memref<!tpu.dma_semaphore, #tpu.memory_space<semaphore_mem>>) src(%dma_wait3A_453 : memref<2146689xf32, #tpu.memory_space<hbm>>) dst(%dma_wait3A_448 : memref<128xf32, #tpu.memory_space<vmem>>)
      %dma_wait3A_454 = arith.constant 1 : i32
      %dma_wait3A_455 = arith.constant 2304 : i32
      %dma_wait3A_456 = tpu.memref_slice %arg7[%dma_wait3A_455] : memref<4096xf32, #tpu.memory_space<vmem>> -> memref<128xf32, #tpu.memory_space<vmem>>
      %dma_wait3A_457 = arith.constant 256 : i32
      %dma_wait3A_458 = tpu.memref_slice %arg5[%dma_wait3A_454, %dma_wait3A_457] : memref<2x2048xi32, #tpu.memory_space<vmem>> -> memref<1x128xi32, #tpu.memory_space<vmem>>
      %dma_wait3A_459 = tpu.memref_squeeze %dma_wait3A_458 : memref<1x128xi32, #tpu.memory_space<vmem>> -> memref<128xi32, #tpu.memory_space<vmem>>
      %dma_wait3A_460 = arith.constant 0 : i32
      %dma_wait3A_461 = tpu.memref_slice %arg2[%dma_wait3A_460] : memref<2146689xf32, #tpu.memory_space<hbm>> -> memref<2146689xf32, #tpu.memory_space<hbm>>
      tpu.wait_indirect_dma semaphore(%arg10 : memref<!tpu.dma_semaphore, #tpu.memory_space<semaphore_mem>>) src(%dma_wait3A_461 : memref<2146689xf32, #tpu.memory_space<hbm>>) dst(%dma_wait3A_456 : memref<128xf32, #tpu.memory_space<vmem>>)
      %dma_wait3A_462 = arith.constant 1 : i32
      %dma_wait3A_463 = arith.constant 2432 : i32
      %dma_wait3A_464 = tpu.memref_slice %arg7[%dma_wait3A_463] : memref<4096xf32, #tpu.memory_space<vmem>> -> memref<128xf32, #tpu.memory_space<vmem>>
      %dma_wait3A_465 = arith.constant 384 : i32
      %dma_wait3A_466 = tpu.memref_slice %arg5[%dma_wait3A_462, %dma_wait3A_465] : memref<2x2048xi32, #tpu.memory_space<vmem>> -> memref<1x128xi32, #tpu.memory_space<vmem>>
      %dma_wait3A_467 = tpu.memref_squeeze %dma_wait3A_466 : memref<1x128xi32, #tpu.memory_space<vmem>> -> memref<128xi32, #tpu.memory_space<vmem>>
      %dma_wait3A_468 = arith.constant 0 : i32
      %dma_wait3A_469 = tpu.memref_slice %arg2[%dma_wait3A_468] : memref<2146689xf32, #tpu.memory_space<hbm>> -> memref<2146689xf32, #tpu.memory_space<hbm>>
      tpu.wait_indirect_dma semaphore(%arg10 : memref<!tpu.dma_semaphore, #tpu.memory_space<semaphore_mem>>) src(%dma_wait3A_469 : memref<2146689xf32, #tpu.memory_space<hbm>>) dst(%dma_wait3A_464 : memref<128xf32, #tpu.memory_space<vmem>>)
      %dma_wait3A_470 = arith.constant 1 : i32
      %dma_wait3A_471 = arith.constant 2560 : i32
      %dma_wait3A_472 = tpu.memref_slice %arg7[%dma_wait3A_471] : memref<4096xf32, #tpu.memory_space<vmem>> -> memref<128xf32, #tpu.memory_space<vmem>>
      %dma_wait3A_473 = arith.constant 512 : i32
      %dma_wait3A_474 = tpu.memref_slice %arg5[%dma_wait3A_470, %dma_wait3A_473] : memref<2x2048xi32, #tpu.memory_space<vmem>> -> memref<1x128xi32, #tpu.memory_space<vmem>>
      %dma_wait3A_475 = tpu.memref_squeeze %dma_wait3A_474 : memref<1x128xi32, #tpu.memory_space<vmem>> -> memref<128xi32, #tpu.memory_space<vmem>>
      %dma_wait3A_476 = arith.constant 0 : i32
      %dma_wait3A_477 = tpu.memref_slice %arg2[%dma_wait3A_476] : memref<2146689xf32, #tpu.memory_space<hbm>> -> memref<2146689xf32, #tpu.memory_space<hbm>>
      tpu.wait_indirect_dma semaphore(%arg10 : memref<!tpu.dma_semaphore, #tpu.memory_space<semaphore_mem>>) src(%dma_wait3A_477 : memref<2146689xf32, #tpu.memory_space<hbm>>) dst(%dma_wait3A_472 : memref<128xf32, #tpu.memory_space<vmem>>)
      %dma_wait3A_478 = arith.constant 1 : i32
      %dma_wait3A_479 = arith.constant 2688 : i32
      %dma_wait3A_480 = tpu.memref_slice %arg7[%dma_wait3A_479] : memref<4096xf32, #tpu.memory_space<vmem>> -> memref<128xf32, #tpu.memory_space<vmem>>
      %dma_wait3A_481 = arith.constant 640 : i32
      %dma_wait3A_482 = tpu.memref_slice %arg5[%dma_wait3A_478, %dma_wait3A_481] : memref<2x2048xi32, #tpu.memory_space<vmem>> -> memref<1x128xi32, #tpu.memory_space<vmem>>
      %dma_wait3A_483 = tpu.memref_squeeze %dma_wait3A_482 : memref<1x128xi32, #tpu.memory_space<vmem>> -> memref<128xi32, #tpu.memory_space<vmem>>
      %dma_wait3A_484 = arith.constant 0 : i32
      %dma_wait3A_485 = tpu.memref_slice %arg2[%dma_wait3A_484] : memref<2146689xf32, #tpu.memory_space<hbm>> -> memref<2146689xf32, #tpu.memory_space<hbm>>
      tpu.wait_indirect_dma semaphore(%arg10 : memref<!tpu.dma_semaphore, #tpu.memory_space<semaphore_mem>>) src(%dma_wait3A_485 : memref<2146689xf32, #tpu.memory_space<hbm>>) dst(%dma_wait3A_480 : memref<128xf32, #tpu.memory_space<vmem>>)
      %dma_wait3A_486 = arith.constant 1 : i32
      %dma_wait3A_487 = arith.constant 2816 : i32
      %dma_wait3A_488 = tpu.memref_slice %arg7[%dma_wait3A_487] : memref<4096xf32, #tpu.memory_space<vmem>> -> memref<128xf32, #tpu.memory_space<vmem>>
      %dma_wait3A_489 = arith.constant 768 : i32
      %dma_wait3A_490 = tpu.memref_slice %arg5[%dma_wait3A_486, %dma_wait3A_489] : memref<2x2048xi32, #tpu.memory_space<vmem>> -> memref<1x128xi32, #tpu.memory_space<vmem>>
      %dma_wait3A_491 = tpu.memref_squeeze %dma_wait3A_490 : memref<1x128xi32, #tpu.memory_space<vmem>> -> memref<128xi32, #tpu.memory_space<vmem>>
      %dma_wait3A_492 = arith.constant 0 : i32
      %dma_wait3A_493 = tpu.memref_slice %arg2[%dma_wait3A_492] : memref<2146689xf32, #tpu.memory_space<hbm>> -> memref<2146689xf32, #tpu.memory_space<hbm>>
      tpu.wait_indirect_dma semaphore(%arg10 : memref<!tpu.dma_semaphore, #tpu.memory_space<semaphore_mem>>) src(%dma_wait3A_493 : memref<2146689xf32, #tpu.memory_space<hbm>>) dst(%dma_wait3A_488 : memref<128xf32, #tpu.memory_space<vmem>>)
      %dma_wait3A_494 = arith.constant 1 : i32
      %dma_wait3A_495 = arith.constant 2944 : i32
      %dma_wait3A_496 = tpu.memref_slice %arg7[%dma_wait3A_495] : memref<4096xf32, #tpu.memory_space<vmem>> -> memref<128xf32, #tpu.memory_space<vmem>>
      %dma_wait3A_497 = arith.constant 896 : i32
      %dma_wait3A_498 = tpu.memref_slice %arg5[%dma_wait3A_494, %dma_wait3A_497] : memref<2x2048xi32, #tpu.memory_space<vmem>> -> memref<1x128xi32, #tpu.memory_space<vmem>>
      %dma_wait3A_499 = tpu.memref_squeeze %dma_wait3A_498 : memref<1x128xi32, #tpu.memory_space<vmem>> -> memref<128xi32, #tpu.memory_space<vmem>>
      %dma_wait3A_500 = arith.constant 0 : i32
      %dma_wait3A_501 = tpu.memref_slice %arg2[%dma_wait3A_500] : memref<2146689xf32, #tpu.memory_space<hbm>> -> memref<2146689xf32, #tpu.memory_space<hbm>>
      tpu.wait_indirect_dma semaphore(%arg10 : memref<!tpu.dma_semaphore, #tpu.memory_space<semaphore_mem>>) src(%dma_wait3A_501 : memref<2146689xf32, #tpu.memory_space<hbm>>) dst(%dma_wait3A_496 : memref<128xf32, #tpu.memory_space<vmem>>)
      %dma_wait3A_502 = arith.constant 1 : i32
      %dma_wait3A_503 = arith.constant 3072 : i32
      %dma_wait3A_504 = tpu.memref_slice %arg7[%dma_wait3A_503] : memref<4096xf32, #tpu.memory_space<vmem>> -> memref<128xf32, #tpu.memory_space<vmem>>
      %dma_wait3A_505 = arith.constant 1024 : i32
      %dma_wait3A_506 = tpu.memref_slice %arg5[%dma_wait3A_502, %dma_wait3A_505] : memref<2x2048xi32, #tpu.memory_space<vmem>> -> memref<1x128xi32, #tpu.memory_space<vmem>>
      %dma_wait3A_507 = tpu.memref_squeeze %dma_wait3A_506 : memref<1x128xi32, #tpu.memory_space<vmem>> -> memref<128xi32, #tpu.memory_space<vmem>>
      %dma_wait3A_508 = arith.constant 0 : i32
      %dma_wait3A_509 = tpu.memref_slice %arg2[%dma_wait3A_508] : memref<2146689xf32, #tpu.memory_space<hbm>> -> memref<2146689xf32, #tpu.memory_space<hbm>>
      tpu.wait_indirect_dma semaphore(%arg10 : memref<!tpu.dma_semaphore, #tpu.memory_space<semaphore_mem>>) src(%dma_wait3A_509 : memref<2146689xf32, #tpu.memory_space<hbm>>) dst(%dma_wait3A_504 : memref<128xf32, #tpu.memory_space<vmem>>)
      %dma_wait3A_510 = arith.constant 1 : i32
      %dma_wait3A_511 = arith.constant 3200 : i32
      %dma_wait3A_512 = tpu.memref_slice %arg7[%dma_wait3A_511] : memref<4096xf32, #tpu.memory_space<vmem>> -> memref<128xf32, #tpu.memory_space<vmem>>
      %dma_wait3A_513 = arith.constant 1152 : i32
      %dma_wait3A_514 = tpu.memref_slice %arg5[%dma_wait3A_510, %dma_wait3A_513] : memref<2x2048xi32, #tpu.memory_space<vmem>> -> memref<1x128xi32, #tpu.memory_space<vmem>>
      %dma_wait3A_515 = tpu.memref_squeeze %dma_wait3A_514 : memref<1x128xi32, #tpu.memory_space<vmem>> -> memref<128xi32, #tpu.memory_space<vmem>>
      %dma_wait3A_516 = arith.constant 0 : i32
      %dma_wait3A_517 = tpu.memref_slice %arg2[%dma_wait3A_516] : memref<2146689xf32, #tpu.memory_space<hbm>> -> memref<2146689xf32, #tpu.memory_space<hbm>>
      tpu.wait_indirect_dma semaphore(%arg10 : memref<!tpu.dma_semaphore, #tpu.memory_space<semaphore_mem>>) src(%dma_wait3A_517 : memref<2146689xf32, #tpu.memory_space<hbm>>) dst(%dma_wait3A_512 : memref<128xf32, #tpu.memory_space<vmem>>)
      %dma_wait3A_518 = arith.constant 1 : i32
      %dma_wait3A_519 = arith.constant 3328 : i32
      %dma_wait3A_520 = tpu.memref_slice %arg7[%dma_wait3A_519] : memref<4096xf32, #tpu.memory_space<vmem>> -> memref<128xf32, #tpu.memory_space<vmem>>
      %dma_wait3A_521 = arith.constant 1280 : i32
      %dma_wait3A_522 = tpu.memref_slice %arg5[%dma_wait3A_518, %dma_wait3A_521] : memref<2x2048xi32, #tpu.memory_space<vmem>> -> memref<1x128xi32, #tpu.memory_space<vmem>>
      %dma_wait3A_523 = tpu.memref_squeeze %dma_wait3A_522 : memref<1x128xi32, #tpu.memory_space<vmem>> -> memref<128xi32, #tpu.memory_space<vmem>>
      %dma_wait3A_524 = arith.constant 0 : i32
      %dma_wait3A_525 = tpu.memref_slice %arg2[%dma_wait3A_524] : memref<2146689xf32, #tpu.memory_space<hbm>> -> memref<2146689xf32, #tpu.memory_space<hbm>>
      tpu.wait_indirect_dma semaphore(%arg10 : memref<!tpu.dma_semaphore, #tpu.memory_space<semaphore_mem>>) src(%dma_wait3A_525 : memref<2146689xf32, #tpu.memory_space<hbm>>) dst(%dma_wait3A_520 : memref<128xf32, #tpu.memory_space<vmem>>)
      %dma_wait3A_526 = arith.constant 1 : i32
      %dma_wait3A_527 = arith.constant 3456 : i32
      %dma_wait3A_528 = tpu.memref_slice %arg7[%dma_wait3A_527] : memref<4096xf32, #tpu.memory_space<vmem>> -> memref<128xf32, #tpu.memory_space<vmem>>
      %dma_wait3A_529 = arith.constant 1408 : i32
      %dma_wait3A_530 = tpu.memref_slice %arg5[%dma_wait3A_526, %dma_wait3A_529] : memref<2x2048xi32, #tpu.memory_space<vmem>> -> memref<1x128xi32, #tpu.memory_space<vmem>>
      %dma_wait3A_531 = tpu.memref_squeeze %dma_wait3A_530 : memref<1x128xi32, #tpu.memory_space<vmem>> -> memref<128xi32, #tpu.memory_space<vmem>>
      %dma_wait3A_532 = arith.constant 0 : i32
      %dma_wait3A_533 = tpu.memref_slice %arg2[%dma_wait3A_532] : memref<2146689xf32, #tpu.memory_space<hbm>> -> memref<2146689xf32, #tpu.memory_space<hbm>>
      tpu.wait_indirect_dma semaphore(%arg10 : memref<!tpu.dma_semaphore, #tpu.memory_space<semaphore_mem>>) src(%dma_wait3A_533 : memref<2146689xf32, #tpu.memory_space<hbm>>) dst(%dma_wait3A_528 : memref<128xf32, #tpu.memory_space<vmem>>)
      %dma_wait3A_534 = arith.constant 1 : i32
      %dma_wait3A_535 = arith.constant 3584 : i32
      %dma_wait3A_536 = tpu.memref_slice %arg7[%dma_wait3A_535] : memref<4096xf32, #tpu.memory_space<vmem>> -> memref<128xf32, #tpu.memory_space<vmem>>
      %dma_wait3A_537 = arith.constant 1536 : i32
      %dma_wait3A_538 = tpu.memref_slice %arg5[%dma_wait3A_534, %dma_wait3A_537] : memref<2x2048xi32, #tpu.memory_space<vmem>> -> memref<1x128xi32, #tpu.memory_space<vmem>>
      %dma_wait3A_539 = tpu.memref_squeeze %dma_wait3A_538 : memref<1x128xi32, #tpu.memory_space<vmem>> -> memref<128xi32, #tpu.memory_space<vmem>>
      %dma_wait3A_540 = arith.constant 0 : i32
      %dma_wait3A_541 = tpu.memref_slice %arg2[%dma_wait3A_540] : memref<2146689xf32, #tpu.memory_space<hbm>> -> memref<2146689xf32, #tpu.memory_space<hbm>>
      tpu.wait_indirect_dma semaphore(%arg10 : memref<!tpu.dma_semaphore, #tpu.memory_space<semaphore_mem>>) src(%dma_wait3A_541 : memref<2146689xf32, #tpu.memory_space<hbm>>) dst(%dma_wait3A_536 : memref<128xf32, #tpu.memory_space<vmem>>)
      %dma_wait3A_542 = arith.constant 1 : i32
      %dma_wait3A_543 = arith.constant 3712 : i32
      %dma_wait3A_544 = tpu.memref_slice %arg7[%dma_wait3A_543] : memref<4096xf32, #tpu.memory_space<vmem>> -> memref<128xf32, #tpu.memory_space<vmem>>
      %dma_wait3A_545 = arith.constant 1664 : i32
      %dma_wait3A_546 = tpu.memref_slice %arg5[%dma_wait3A_542, %dma_wait3A_545] : memref<2x2048xi32, #tpu.memory_space<vmem>> -> memref<1x128xi32, #tpu.memory_space<vmem>>
      %dma_wait3A_547 = tpu.memref_squeeze %dma_wait3A_546 : memref<1x128xi32, #tpu.memory_space<vmem>> -> memref<128xi32, #tpu.memory_space<vmem>>
      %dma_wait3A_548 = arith.constant 0 : i32
      %dma_wait3A_549 = tpu.memref_slice %arg2[%dma_wait3A_548] : memref<2146689xf32, #tpu.memory_space<hbm>> -> memref<2146689xf32, #tpu.memory_space<hbm>>
      tpu.wait_indirect_dma semaphore(%arg10 : memref<!tpu.dma_semaphore, #tpu.memory_space<semaphore_mem>>) src(%dma_wait3A_549 : memref<2146689xf32, #tpu.memory_space<hbm>>) dst(%dma_wait3A_544 : memref<128xf32, #tpu.memory_space<vmem>>)
      %dma_wait3A_550 = arith.constant 1 : i32
      %dma_wait3A_551 = arith.constant 3840 : i32
      %dma_wait3A_552 = tpu.memref_slice %arg7[%dma_wait3A_551] : memref<4096xf32, #tpu.memory_space<vmem>> -> memref<128xf32, #tpu.memory_space<vmem>>
      %dma_wait3A_553 = arith.constant 1792 : i32
      %dma_wait3A_554 = tpu.memref_slice %arg5[%dma_wait3A_550, %dma_wait3A_553] : memref<2x2048xi32, #tpu.memory_space<vmem>> -> memref<1x128xi32, #tpu.memory_space<vmem>>
      %dma_wait3A_555 = tpu.memref_squeeze %dma_wait3A_554 : memref<1x128xi32, #tpu.memory_space<vmem>> -> memref<128xi32, #tpu.memory_space<vmem>>
      %dma_wait3A_556 = arith.constant 0 : i32
      %dma_wait3A_557 = tpu.memref_slice %arg2[%dma_wait3A_556] : memref<2146689xf32, #tpu.memory_space<hbm>> -> memref<2146689xf32, #tpu.memory_space<hbm>>
      tpu.wait_indirect_dma semaphore(%arg10 : memref<!tpu.dma_semaphore, #tpu.memory_space<semaphore_mem>>) src(%dma_wait3A_557 : memref<2146689xf32, #tpu.memory_space<hbm>>) dst(%dma_wait3A_552 : memref<128xf32, #tpu.memory_space<vmem>>)
      %dma_wait3A_558 = arith.constant 1 : i32
      %dma_wait3A_559 = arith.constant 3968 : i32
      %dma_wait3A_560 = tpu.memref_slice %arg7[%dma_wait3A_559] : memref<4096xf32, #tpu.memory_space<vmem>> -> memref<128xf32, #tpu.memory_space<vmem>>
      %dma_wait3A_561 = arith.constant 1920 : i32
      %dma_wait3A_562 = tpu.memref_slice %arg5[%dma_wait3A_558, %dma_wait3A_561] : memref<2x2048xi32, #tpu.memory_space<vmem>> -> memref<1x128xi32, #tpu.memory_space<vmem>>
      %dma_wait3A_563 = tpu.memref_squeeze %dma_wait3A_562 : memref<1x128xi32, #tpu.memory_space<vmem>> -> memref<128xi32, #tpu.memory_space<vmem>>
      %dma_wait3A_564 = arith.constant 0 : i32
      %dma_wait3A_565 = tpu.memref_slice %arg2[%dma_wait3A_564] : memref<2146689xf32, #tpu.memory_space<hbm>> -> memref<2146689xf32, #tpu.memory_space<hbm>>
      tpu.wait_indirect_dma semaphore(%arg10 : memref<!tpu.dma_semaphore, #tpu.memory_space<semaphore_mem>>) src(%dma_wait3A_565 : memref<2146689xf32, #tpu.memory_space<hbm>>) dst(%dma_wait3A_560 : memref<128xf32, #tpu.memory_space<vmem>>)
      %scan3A = arith.constant 0 : i32
      %scan3A_566 = arith.constant 128 : i32
      %scan3A_567 = arith.addi %scan3A, %scan3A_566 : i32
      %scan3A_568 = arith.constant 1 : i32
      %scan3A_569:2 = scf.for %scan3A_839 = %scan3A to %scan3A_567 step %scan3A_568 iter_args(%scan3A_840 = %while3A_47, %scan3A_841 = %while3A_48) -> (vector<16xf32>, vector<16xf32>)  : i32 {
        %mul3A_842 = arith.constant 16 : i32
        %mul3A_843 = arith.muli %scan3A_839, %mul3A_842 : i32
        %get3A = arith.index_cast %mul3A_843 : i32 to index
        %get3A_844 = tpu.vector_load %arg7[%get3A] {strides = array<i32>} : memref<4096xf32, #tpu.memory_space<vmem>>, vector<16xf32>,
        %add3A_845 = arith.constant 2048 : i32
        %add3A_846 = arith.addi %add3A_845, %mul3A_843 : i32
        %get3A_847 = arith.index_cast %add3A_846 : i32 to index
        %get3A_848 = tpu.vector_load %arg7[%get3A_847] {strides = array<i32>} : memref<4096xf32, #tpu.memory_space<vmem>>, vector<16xf32>,
        %gt3A_849 = arith.constant 0.000000e+00 : f32
        %gt3A_850 = vector.broadcast %gt3A_849 : f32 to vector<16xf32>
        %gt3A_851 = arith.cmpf ogt, %get3A_844, %gt3A_850 : vector<16xf32>
        %gt3A_852 = arith.constant 0.000000e+00 : f32
        %gt3A_853 = vector.broadcast %gt3A_852 : f32 to vector<16xf32>
        %gt3A_854 = arith.cmpf ogt, %get3A_848, %gt3A_853 : vector<16xf32>
        %lt3A_855 = arith.constant 0.000000e+00 : f32
        %lt3A_856 = vector.broadcast %lt3A_855 : f32 to vector<16xf32>
        %lt3A_857 = arith.cmpf olt, %get3A_844, %lt3A_856 : vector<16xf32>
        %lt3A_858 = arith.constant 0.000000e+00 : f32
        %lt3A_859 = vector.broadcast %lt3A_858 : f32 to vector<16xf32>
        %lt3A_860 = arith.cmpf olt, %get3A_848, %lt3A_859 : vector<16xf32>
        %ne3A = arith.xori %gt3A_851, %gt3A_854 : vector<16xi1>
        %ne3A_861 = arith.xori %lt3A_857, %lt3A_860 : vector<16xi1>
        %or3A = arith.ori %ne3A, %ne3A_861 : vector<16xi1>
        %jit3A_862 = arith.constant 1.000000e+00 : f32
        %jit3A_863 = arith.constant 0.000000e+00 : f32
        %broadcast_in_dim3A_864 = vector.broadcast %jit3A_862 : f32 to vector<16xf32>
        %broadcast_in_dim3A_865 = vector.broadcast %jit3A_863 : f32 to vector<16xf32>
        %select_n3A_866 = arith.select %or3A, %broadcast_in_dim3A_864, %broadcast_in_dim3A_865 : vector<16xi1>, vector<16xf32>
        %jit3A_867 = arith.constant 1.000000e+00 : f32
        %jit3A_868 = arith.constant 0.000000e+00 : f32
        %broadcast_in_dim3A_869 = vector.broadcast %jit3A_867 : f32 to vector<16xf32>
        %broadcast_in_dim3A_870 = vector.broadcast %jit3A_868 : f32 to vector<16xf32>
        %select_n3A_871 = arith.select %gt3A_854, %broadcast_in_dim3A_869, %broadcast_in_dim3A_870 : vector<16xi1>, vector<16xf32>
        %jit3A_872 = arith.constant 1.000000e+00 : f32
        %jit3A_873 = arith.constant 0.000000e+00 : f32
        %broadcast_in_dim3A_874 = vector.broadcast %jit3A_872 : f32 to vector<16xf32>
        %broadcast_in_dim3A_875 = vector.broadcast %jit3A_873 : f32 to vector<16xf32>
        %select_n3A_876 = arith.select %gt3A_851, %broadcast_in_dim3A_874, %broadcast_in_dim3A_875 : vector<16xi1>, vector<16xf32>
        %max3A = arith.constant 0.000000e+00 : f32
        %max3A_877 = vector.broadcast %max3A : f32 to vector<16xf32>
        %max3A_878 = arith.maximumf %get3A_844, %max3A_877 : vector<16xf32>
        %mul3A_879 = arith.mulf %get3A_844, %select_n3A_871 : vector<16xf32>
        %sub3A = arith.subf %max3A_878, %mul3A_879 : vector<16xf32>
        %abs3A = math.absf %get3A_844 : vector<16xf32>
        %neg3A = arith.constant 0.000000e+00 : f32
        %neg3A_880 = vector.broadcast %neg3A : f32 to vector<16xf32>
        %neg3A_881 = arith.subf %neg3A_880, %abs3A : vector<16xf32>
        %exp3A = math.exp %neg3A_881 : vector<16xf32>
        %add3A_882 = arith.constant 2.000000e+00 : f32
        %add3A_883 = vector.broadcast %add3A_882 : f32 to vector<16xf32>
        %add3A_884 = arith.addf %exp3A, %add3A_883 : vector<16xf32>
        %div3A = arith.divf %exp3A, %add3A_884 : vector<16xf32>
        %mul3A_885 = arith.mulf %div3A, %div3A : vector<16xf32>
        %mul3A_886 = arith.constant 0.111111112 : f32
        %mul3A_887 = vector.broadcast %mul3A_886 : f32 to vector<16xf32>
        %mul3A_888 = arith.mulf %mul3A_885, %mul3A_887 : vector<16xf32>
        %add3A_889 = arith.constant 0.142857149 : f32
        %add3A_890 = vector.broadcast %add3A_889 : f32 to vector<16xf32>
        %add3A_891 = arith.addf %add3A_890, %mul3A_888 : vector<16xf32>
        %mul3A_892 = arith.mulf %mul3A_885, %add3A_891 : vector<16xf32>
        %add3A_893 = arith.constant 2.000000e-01 : f32
        %add3A_894 = vector.broadcast %add3A_893 : f32 to vector<16xf32>
        %add3A_895 = arith.addf %add3A_894, %mul3A_892 : vector<16xf32>
        %mul3A_896 = arith.mulf %mul3A_885, %add3A_895 : vector<16xf32>
        %add3A_897 = arith.constant 0.333333343 : f32
        %add3A_898 = vector.broadcast %add3A_897 : f32 to vector<16xf32>
        %add3A_899 = arith.addf %add3A_898, %mul3A_896 : vector<16xf32>
        %mul3A_900 = arith.mulf %mul3A_885, %add3A_899 : vector<16xf32>
        %add3A_901 = arith.constant 1.000000e+00 : f32
        %add3A_902 = vector.broadcast %add3A_901 : f32 to vector<16xf32>
        %add3A_903 = arith.addf %add3A_902, %mul3A_900 : vector<16xf32>
        %mul3A_904 = arith.constant 2.000000e+00 : f32
        %mul3A_905 = vector.broadcast %mul3A_904 : f32 to vector<16xf32>
        %mul3A_906 = arith.mulf %mul3A_905, %div3A : vector<16xf32>
        %mul3A_907 = arith.mulf %mul3A_906, %add3A_903 : vector<16xf32>
        %add3A_908 = arith.addf %sub3A, %mul3A_907 : vector<16xf32>
        %max3A_909 = arith.constant 0.000000e+00 : f32
        %max3A_910 = vector.broadcast %max3A_909 : f32 to vector<16xf32>
        %max3A_911 = arith.maximumf %get3A_848, %max3A_910 : vector<16xf32>
        %add3A_912 = arith.addf %add3A_908, %max3A_911 : vector<16xf32>
        %mul3A_913 = arith.mulf %get3A_848, %select_n3A_876 : vector<16xf32>
        %sub3A_914 = arith.subf %add3A_912, %mul3A_913 : vector<16xf32>
        %abs3A_915 = math.absf %get3A_848 : vector<16xf32>
        %neg3A_916 = arith.constant 0.000000e+00 : f32
        %neg3A_917 = vector.broadcast %neg3A_916 : f32 to vector<16xf32>
        %neg3A_918 = arith.subf %neg3A_917, %abs3A_915 : vector<16xf32>
        %exp3A_919 = math.exp %neg3A_918 : vector<16xf32>
        %add3A_920 = arith.constant 2.000000e+00 : f32
        %add3A_921 = vector.broadcast %add3A_920 : f32 to vector<16xf32>
        %add3A_922 = arith.addf %exp3A_919, %add3A_921 : vector<16xf32>
        %div3A_923 = arith.divf %exp3A_919, %add3A_922 : vector<16xf32>
        %mul3A_924 = arith.mulf %div3A_923, %div3A_923 : vector<16xf32>
        %mul3A_925 = arith.constant 0.111111112 : f32
        %mul3A_926 = vector.broadcast %mul3A_925 : f32 to vector<16xf32>
        %mul3A_927 = arith.mulf %mul3A_924, %mul3A_926 : vector<16xf32>
        %add3A_928 = arith.constant 0.142857149 : f32
        %add3A_929 = vector.broadcast %add3A_928 : f32 to vector<16xf32>
        %add3A_930 = arith.addf %add3A_929, %mul3A_927 : vector<16xf32>
        %mul3A_931 = arith.mulf %mul3A_924, %add3A_930 : vector<16xf32>
        %add3A_932 = arith.constant 2.000000e-01 : f32
        %add3A_933 = vector.broadcast %add3A_932 : f32 to vector<16xf32>
        %add3A_934 = arith.addf %add3A_933, %mul3A_931 : vector<16xf32>
        %mul3A_935 = arith.mulf %mul3A_924, %add3A_934 : vector<16xf32>
        %add3A_936 = arith.constant 0.333333343 : f32
        %add3A_937 = vector.broadcast %add3A_936 : f32 to vector<16xf32>
        %add3A_938 = arith.addf %add3A_937, %mul3A_935 : vector<16xf32>
        %mul3A_939 = arith.mulf %mul3A_924, %add3A_938 : vector<16xf32>
        %add3A_940 = arith.constant 1.000000e+00 : f32
        %add3A_941 = vector.broadcast %add3A_940 : f32 to vector<16xf32>
        %add3A_942 = arith.addf %add3A_941, %mul3A_939 : vector<16xf32>
        %mul3A_943 = arith.constant 2.000000e+00 : f32
        %mul3A_944 = vector.broadcast %mul3A_943 : f32 to vector<16xf32>
        %mul3A_945 = arith.mulf %mul3A_944, %div3A_923 : vector<16xf32>
        %mul3A_946 = arith.mulf %mul3A_945, %add3A_942 : vector<16xf32>
        %add3A_947 = arith.addf %sub3A_914, %mul3A_946 : vector<16xf32>
        %mul3A_948 = arith.mulf %add3A_947, %select_n3A_866 : vector<16xf32>
        %add3A_949 = arith.addf %scan3A_840, %mul3A_948 : vector<16xf32>
        %add3A_950 = arith.addf %scan3A_841, %select_n3A_866 : vector<16xf32>
        scf.yield %add3A_949, %add3A_950 : vector<16xf32>, vector<16xf32>
      }
      %scan3A_570 = arith.constant 128 : i32
      %add3A_571 = arith.constant 1 : i32
      %add3A_572 = arith.addi %while3A_46, %add3A_571 : i32
      %lt3A_573 = arith.cmpi slt, %add3A_572, %add3A_4 : i32
      %convert_element_type3A_574 = arith.extui %lt3A_573 : i1 to i32
      %cond3A_575 = arith.constant 0 : i32
      %cond3A_576 = arith.cmpi ne, %convert_element_type3A_574, %cond3A_575 : i32
      scf.if %cond3A_576 {
        %mul3A_839 = arith.constant 2 : i32
        %mul3A_840 = arith.muli %mul3A_839, %while3A_46 : i32
        %add3A_841 = arith.addi %mul3A_10, %mul3A_840 : i32
        %add3A_842 = arith.constant 2 : i32
        %add3A_843 = arith.addi %add3A_841, %add3A_842 : i32
        %mul3A_844 = arith.constant 2048 : i32
        %mul3A_845 = arith.muli %add3A_843, %mul3A_844 : i32
        "tpu.region"() ({
          %run_scoped3A = tpu.sem_alloc : memref<!tpu.dma_semaphore, #tpu.memory_space<semaphore_mem>>
          %dma_start3A_1102 = arith.constant 0 : i32
          %dma_start3A_1103 = arith.constant 0 : i32
          %dma_start3A_1104 = tpu.memref_slice %arg5[%dma_start3A_1102, %dma_start3A_1103] : memref<2x2048xi32, #tpu.memory_space<vmem>> -> memref<2x2048xi32, #tpu.memory_space<vmem>>
          %dma_start3A_1105 = arith.constant 0 : i32
          %dma_start3A_1106 = tpu.memref_slice %arg3[%dma_start3A_1105, %mul3A_845] : memref<2x6390144xi32, #tpu.memory_space<hbm>> -> memref<2x2048xi32, #tpu.memory_space<hbm>>
          %dma_start3A_1107 = arith.constant 0 : i32
          %dma_start3A_1108 = arith.constant 0 : i32
          %dma_start3A_1109 = tpu.memref_slice %arg5[%dma_start3A_1107, %dma_start3A_1108] : memref<2x2048xi32, #tpu.memory_space<vmem>> -> memref<2x2048xi32, #tpu.memory_space<vmem>>
          %dma_start3A_1110 = arith.constant 0 : i32
          %dma_start3A_1111 = tpu.memref_slice %arg3[%dma_start3A_1110, %mul3A_845] : memref<2x6390144xi32, #tpu.memory_space<hbm>> -> memref<2x2048xi32, #tpu.memory_space<hbm>>
          tpu.enqueue_dma source(%dma_start3A_1111 : memref<2x2048xi32, #tpu.memory_space<hbm>>) target(%dma_start3A_1109 : memref<2x2048xi32, #tpu.memory_space<vmem>>) target_semaphore(%run_scoped3A : memref<!tpu.dma_semaphore, #tpu.memory_space<semaphore_mem>>)
          %dma_wait3A_1112 = arith.constant 0 : i32
          %dma_wait3A_1113 = arith.constant 0 : i32
          %dma_wait3A_1114 = tpu.memref_slice %arg5[%dma_wait3A_1112, %dma_wait3A_1113] : memref<2x2048xi32, #tpu.memory_space<vmem>> -> memref<2x2048xi32, #tpu.memory_space<vmem>>
          %dma_wait3A_1115 = arith.constant 0 : i32
          %dma_wait3A_1116 = tpu.memref_slice %arg3[%dma_wait3A_1115, %mul3A_845] : memref<2x6390144xi32, #tpu.memory_space<hbm>> -> memref<2x2048xi32, #tpu.memory_space<hbm>>
          %dma_wait3A_1117 = arith.constant 0 : i32
          %dma_wait3A_1118 = arith.constant 0 : i32
          %dma_wait3A_1119 = tpu.memref_slice %arg5[%dma_wait3A_1117, %dma_wait3A_1118] : memref<2x2048xi32, #tpu.memory_space<vmem>> -> memref<2x2048xi32, #tpu.memory_space<vmem>>
          %dma_wait3A_1120 = arith.constant 0 : i32
          %dma_wait3A_1121 = tpu.memref_slice %arg3[%dma_wait3A_1120, %mul3A_845] : memref<2x6390144xi32, #tpu.memory_space<hbm>> -> memref<2x2048xi32, #tpu.memory_space<hbm>>
          tpu.wait_dma2 semaphore(%run_scoped3A : memref<!tpu.dma_semaphore, #tpu.memory_space<semaphore_mem>>) src(%dma_wait3A_1121 : memref<2x2048xi32, #tpu.memory_space<hbm>>) dst(%dma_wait3A_1119 : memref<2x2048xi32, #tpu.memory_space<vmem>>)
          tpu.yield
        }) : () -> ()
        %dma_start3A_846 = arith.constant 0 : i32
        %dma_start3A_847 = arith.constant 0 : i32
        %dma_start3A_848 = tpu.memref_slice %arg7[%dma_start3A_847] : memref<4096xf32, #tpu.memory_space<vmem>> -> memref<128xf32, #tpu.memory_space<vmem>>
        %dma_start3A_849 = arith.constant 0 : i32
        %dma_start3A_850 = tpu.memref_slice %arg5[%dma_start3A_846, %dma_start3A_849] : memref<2x2048xi32, #tpu.memory_space<vmem>> -> memref<1x128xi32, #tpu.memory_space<vmem>>
        %dma_start3A_851 = tpu.memref_squeeze %dma_start3A_850 : memref<1x128xi32, #tpu.memory_space<vmem>> -> memref<128xi32, #tpu.memory_space<vmem>>
        %dma_start3A_852 = arith.constant 0 : i32
        %dma_start3A_853 = tpu.memref_slice %arg2[%dma_start3A_852] : memref<2146689xf32, #tpu.memory_space<hbm>> -> memref<2146689xf32, #tpu.memory_space<hbm>>
        tpu.enqueue_indirect_dma source(%dma_start3A_853 : memref<2146689xf32, #tpu.memory_space<hbm>>) target(%dma_start3A_848 : memref<128xf32, #tpu.memory_space<vmem>>) offsets(%dma_start3A_851 : memref<128xi32, #tpu.memory_space<vmem>>) semaphore(%arg10 : memref<!tpu.dma_semaphore, #tpu.memory_space<semaphore_mem>>)
        %dma_start3A_854 = arith.constant 0 : i32
        %dma_start3A_855 = arith.constant 128 : i32
        %dma_start3A_856 = tpu.memref_slice %arg7[%dma_start3A_855] : memref<4096xf32, #tpu.memory_space<vmem>> -> memref<128xf32, #tpu.memory_space<vmem>>
        %dma_start3A_857 = arith.constant 128 : i32
        %dma_start3A_858 = tpu.memref_slice %arg5[%dma_start3A_854, %dma_start3A_857] : memref<2x2048xi32, #tpu.memory_space<vmem>> -> memref<1x128xi32, #tpu.memory_space<vmem>>
        %dma_start3A_859 = tpu.memref_squeeze %dma_start3A_858 : memref<1x128xi32, #tpu.memory_space<vmem>> -> memref<128xi32, #tpu.memory_space<vmem>>
        %dma_start3A_860 = arith.constant 0 : i32
        %dma_start3A_861 = tpu.memref_slice %arg2[%dma_start3A_860] : memref<2146689xf32, #tpu.memory_space<hbm>> -> memref<2146689xf32, #tpu.memory_space<hbm>>
        tpu.enqueue_indirect_dma source(%dma_start3A_861 : memref<2146689xf32, #tpu.memory_space<hbm>>) target(%dma_start3A_856 : memref<128xf32, #tpu.memory_space<vmem>>) offsets(%dma_start3A_859 : memref<128xi32, #tpu.memory_space<vmem>>) semaphore(%arg10 : memref<!tpu.dma_semaphore, #tpu.memory_space<semaphore_mem>>)
        %dma_start3A_862 = arith.constant 0 : i32
        %dma_start3A_863 = arith.constant 256 : i32
        %dma_start3A_864 = tpu.memref_slice %arg7[%dma_start3A_863] : memref<4096xf32, #tpu.memory_space<vmem>> -> memref<128xf32, #tpu.memory_space<vmem>>
        %dma_start3A_865 = arith.constant 256 : i32
        %dma_start3A_866 = tpu.memref_slice %arg5[%dma_start3A_862, %dma_start3A_865] : memref<2x2048xi32, #tpu.memory_space<vmem>> -> memref<1x128xi32, #tpu.memory_space<vmem>>
        %dma_start3A_867 = tpu.memref_squeeze %dma_start3A_866 : memref<1x128xi32, #tpu.memory_space<vmem>> -> memref<128xi32, #tpu.memory_space<vmem>>
        %dma_start3A_868 = arith.constant 0 : i32
        %dma_start3A_869 = tpu.memref_slice %arg2[%dma_start3A_868] : memref<2146689xf32, #tpu.memory_space<hbm>> -> memref<2146689xf32, #tpu.memory_space<hbm>>
        tpu.enqueue_indirect_dma source(%dma_start3A_869 : memref<2146689xf32, #tpu.memory_space<hbm>>) target(%dma_start3A_864 : memref<128xf32, #tpu.memory_space<vmem>>) offsets(%dma_start3A_867 : memref<128xi32, #tpu.memory_space<vmem>>) semaphore(%arg10 : memref<!tpu.dma_semaphore, #tpu.memory_space<semaphore_mem>>)
        %dma_start3A_870 = arith.constant 0 : i32
        %dma_start3A_871 = arith.constant 384 : i32
        %dma_start3A_872 = tpu.memref_slice %arg7[%dma_start3A_871] : memref<4096xf32, #tpu.memory_space<vmem>> -> memref<128xf32, #tpu.memory_space<vmem>>
        %dma_start3A_873 = arith.constant 384 : i32
        %dma_start3A_874 = tpu.memref_slice %arg5[%dma_start3A_870, %dma_start3A_873] : memref<2x2048xi32, #tpu.memory_space<vmem>> -> memref<1x128xi32, #tpu.memory_space<vmem>>
        %dma_start3A_875 = tpu.memref_squeeze %dma_start3A_874 : memref<1x128xi32, #tpu.memory_space<vmem>> -> memref<128xi32, #tpu.memory_space<vmem>>
        %dma_start3A_876 = arith.constant 0 : i32
        %dma_start3A_877 = tpu.memref_slice %arg2[%dma_start3A_876] : memref<2146689xf32, #tpu.memory_space<hbm>> -> memref<2146689xf32, #tpu.memory_space<hbm>>
        tpu.enqueue_indirect_dma source(%dma_start3A_877 : memref<2146689xf32, #tpu.memory_space<hbm>>) target(%dma_start3A_872 : memref<128xf32, #tpu.memory_space<vmem>>) offsets(%dma_start3A_875 : memref<128xi32, #tpu.memory_space<vmem>>) semaphore(%arg10 : memref<!tpu.dma_semaphore, #tpu.memory_space<semaphore_mem>>)
        %dma_start3A_878 = arith.constant 0 : i32
        %dma_start3A_879 = arith.constant 512 : i32
        %dma_start3A_880 = tpu.memref_slice %arg7[%dma_start3A_879] : memref<4096xf32, #tpu.memory_space<vmem>> -> memref<128xf32, #tpu.memory_space<vmem>>
        %dma_start3A_881 = arith.constant 512 : i32
        %dma_start3A_882 = tpu.memref_slice %arg5[%dma_start3A_878, %dma_start3A_881] : memref<2x2048xi32, #tpu.memory_space<vmem>> -> memref<1x128xi32, #tpu.memory_space<vmem>>
        %dma_start3A_883 = tpu.memref_squeeze %dma_start3A_882 : memref<1x128xi32, #tpu.memory_space<vmem>> -> memref<128xi32, #tpu.memory_space<vmem>>
        %dma_start3A_884 = arith.constant 0 : i32
        %dma_start3A_885 = tpu.memref_slice %arg2[%dma_start3A_884] : memref<2146689xf32, #tpu.memory_space<hbm>> -> memref<2146689xf32, #tpu.memory_space<hbm>>
        tpu.enqueue_indirect_dma source(%dma_start3A_885 : memref<2146689xf32, #tpu.memory_space<hbm>>) target(%dma_start3A_880 : memref<128xf32, #tpu.memory_space<vmem>>) offsets(%dma_start3A_883 : memref<128xi32, #tpu.memory_space<vmem>>) semaphore(%arg10 : memref<!tpu.dma_semaphore, #tpu.memory_space<semaphore_mem>>)
        %dma_start3A_886 = arith.constant 0 : i32
        %dma_start3A_887 = arith.constant 640 : i32
        %dma_start3A_888 = tpu.memref_slice %arg7[%dma_start3A_887] : memref<4096xf32, #tpu.memory_space<vmem>> -> memref<128xf32, #tpu.memory_space<vmem>>
        %dma_start3A_889 = arith.constant 640 : i32
        %dma_start3A_890 = tpu.memref_slice %arg5[%dma_start3A_886, %dma_start3A_889] : memref<2x2048xi32, #tpu.memory_space<vmem>> -> memref<1x128xi32, #tpu.memory_space<vmem>>
        %dma_start3A_891 = tpu.memref_squeeze %dma_start3A_890 : memref<1x128xi32, #tpu.memory_space<vmem>> -> memref<128xi32, #tpu.memory_space<vmem>>
        %dma_start3A_892 = arith.constant 0 : i32
        %dma_start3A_893 = tpu.memref_slice %arg2[%dma_start3A_892] : memref<2146689xf32, #tpu.memory_space<hbm>> -> memref<2146689xf32, #tpu.memory_space<hbm>>
        tpu.enqueue_indirect_dma source(%dma_start3A_893 : memref<2146689xf32, #tpu.memory_space<hbm>>) target(%dma_start3A_888 : memref<128xf32, #tpu.memory_space<vmem>>) offsets(%dma_start3A_891 : memref<128xi32, #tpu.memory_space<vmem>>) semaphore(%arg10 : memref<!tpu.dma_semaphore, #tpu.memory_space<semaphore_mem>>)
        %dma_start3A_894 = arith.constant 0 : i32
        %dma_start3A_895 = arith.constant 768 : i32
        %dma_start3A_896 = tpu.memref_slice %arg7[%dma_start3A_895] : memref<4096xf32, #tpu.memory_space<vmem>> -> memref<128xf32, #tpu.memory_space<vmem>>
        %dma_start3A_897 = arith.constant 768 : i32
        %dma_start3A_898 = tpu.memref_slice %arg5[%dma_start3A_894, %dma_start3A_897] : memref<2x2048xi32, #tpu.memory_space<vmem>> -> memref<1x128xi32, #tpu.memory_space<vmem>>
        %dma_start3A_899 = tpu.memref_squeeze %dma_start3A_898 : memref<1x128xi32, #tpu.memory_space<vmem>> -> memref<128xi32, #tpu.memory_space<vmem>>
        %dma_start3A_900 = arith.constant 0 : i32
        %dma_start3A_901 = tpu.memref_slice %arg2[%dma_start3A_900] : memref<2146689xf32, #tpu.memory_space<hbm>> -> memref<2146689xf32, #tpu.memory_space<hbm>>
        tpu.enqueue_indirect_dma source(%dma_start3A_901 : memref<2146689xf32, #tpu.memory_space<hbm>>) target(%dma_start3A_896 : memref<128xf32, #tpu.memory_space<vmem>>) offsets(%dma_start3A_899 : memref<128xi32, #tpu.memory_space<vmem>>) semaphore(%arg10 : memref<!tpu.dma_semaphore, #tpu.memory_space<semaphore_mem>>)
        %dma_start3A_902 = arith.constant 0 : i32
        %dma_start3A_903 = arith.constant 896 : i32
        %dma_start3A_904 = tpu.memref_slice %arg7[%dma_start3A_903] : memref<4096xf32, #tpu.memory_space<vmem>> -> memref<128xf32, #tpu.memory_space<vmem>>
        %dma_start3A_905 = arith.constant 896 : i32
        %dma_start3A_906 = tpu.memref_slice %arg5[%dma_start3A_902, %dma_start3A_905] : memref<2x2048xi32, #tpu.memory_space<vmem>> -> memref<1x128xi32, #tpu.memory_space<vmem>>
        %dma_start3A_907 = tpu.memref_squeeze %dma_start3A_906 : memref<1x128xi32, #tpu.memory_space<vmem>> -> memref<128xi32, #tpu.memory_space<vmem>>
        %dma_start3A_908 = arith.constant 0 : i32
        %dma_start3A_909 = tpu.memref_slice %arg2[%dma_start3A_908] : memref<2146689xf32, #tpu.memory_space<hbm>> -> memref<2146689xf32, #tpu.memory_space<hbm>>
        tpu.enqueue_indirect_dma source(%dma_start3A_909 : memref<2146689xf32, #tpu.memory_space<hbm>>) target(%dma_start3A_904 : memref<128xf32, #tpu.memory_space<vmem>>) offsets(%dma_start3A_907 : memref<128xi32, #tpu.memory_space<vmem>>) semaphore(%arg10 : memref<!tpu.dma_semaphore, #tpu.memory_space<semaphore_mem>>)
        %dma_start3A_910 = arith.constant 0 : i32
        %dma_start3A_911 = arith.constant 1024 : i32
        %dma_start3A_912 = tpu.memref_slice %arg7[%dma_start3A_911] : memref<4096xf32, #tpu.memory_space<vmem>> -> memref<128xf32, #tpu.memory_space<vmem>>
        %dma_start3A_913 = arith.constant 1024 : i32
        %dma_start3A_914 = tpu.memref_slice %arg5[%dma_start3A_910, %dma_start3A_913] : memref<2x2048xi32, #tpu.memory_space<vmem>> -> memref<1x128xi32, #tpu.memory_space<vmem>>
        %dma_start3A_915 = tpu.memref_squeeze %dma_start3A_914 : memref<1x128xi32, #tpu.memory_space<vmem>> -> memref<128xi32, #tpu.memory_space<vmem>>
        %dma_start3A_916 = arith.constant 0 : i32
        %dma_start3A_917 = tpu.memref_slice %arg2[%dma_start3A_916] : memref<2146689xf32, #tpu.memory_space<hbm>> -> memref<2146689xf32, #tpu.memory_space<hbm>>
        tpu.enqueue_indirect_dma source(%dma_start3A_917 : memref<2146689xf32, #tpu.memory_space<hbm>>) target(%dma_start3A_912 : memref<128xf32, #tpu.memory_space<vmem>>) offsets(%dma_start3A_915 : memref<128xi32, #tpu.memory_space<vmem>>) semaphore(%arg10 : memref<!tpu.dma_semaphore, #tpu.memory_space<semaphore_mem>>)
        %dma_start3A_918 = arith.constant 0 : i32
        %dma_start3A_919 = arith.constant 1152 : i32
        %dma_start3A_920 = tpu.memref_slice %arg7[%dma_start3A_919] : memref<4096xf32, #tpu.memory_space<vmem>> -> memref<128xf32, #tpu.memory_space<vmem>>
        %dma_start3A_921 = arith.constant 1152 : i32
        %dma_start3A_922 = tpu.memref_slice %arg5[%dma_start3A_918, %dma_start3A_921] : memref<2x2048xi32, #tpu.memory_space<vmem>> -> memref<1x128xi32, #tpu.memory_space<vmem>>
        %dma_start3A_923 = tpu.memref_squeeze %dma_start3A_922 : memref<1x128xi32, #tpu.memory_space<vmem>> -> memref<128xi32, #tpu.memory_space<vmem>>
        %dma_start3A_924 = arith.constant 0 : i32
        %dma_start3A_925 = tpu.memref_slice %arg2[%dma_start3A_924] : memref<2146689xf32, #tpu.memory_space<hbm>> -> memref<2146689xf32, #tpu.memory_space<hbm>>
        tpu.enqueue_indirect_dma source(%dma_start3A_925 : memref<2146689xf32, #tpu.memory_space<hbm>>) target(%dma_start3A_920 : memref<128xf32, #tpu.memory_space<vmem>>) offsets(%dma_start3A_923 : memref<128xi32, #tpu.memory_space<vmem>>) semaphore(%arg10 : memref<!tpu.dma_semaphore, #tpu.memory_space<semaphore_mem>>)
        %dma_start3A_926 = arith.constant 0 : i32
        %dma_start3A_927 = arith.constant 1280 : i32
        %dma_start3A_928 = tpu.memref_slice %arg7[%dma_start3A_927] : memref<4096xf32, #tpu.memory_space<vmem>> -> memref<128xf32, #tpu.memory_space<vmem>>
        %dma_start3A_929 = arith.constant 1280 : i32
        %dma_start3A_930 = tpu.memref_slice %arg5[%dma_start3A_926, %dma_start3A_929] : memref<2x2048xi32, #tpu.memory_space<vmem>> -> memref<1x128xi32, #tpu.memory_space<vmem>>
        %dma_start3A_931 = tpu.memref_squeeze %dma_start3A_930 : memref<1x128xi32, #tpu.memory_space<vmem>> -> memref<128xi32, #tpu.memory_space<vmem>>
        %dma_start3A_932 = arith.constant 0 : i32
        %dma_start3A_933 = tpu.memref_slice %arg2[%dma_start3A_932] : memref<2146689xf32, #tpu.memory_space<hbm>> -> memref<2146689xf32, #tpu.memory_space<hbm>>
        tpu.enqueue_indirect_dma source(%dma_start3A_933 : memref<2146689xf32, #tpu.memory_space<hbm>>) target(%dma_start3A_928 : memref<128xf32, #tpu.memory_space<vmem>>) offsets(%dma_start3A_931 : memref<128xi32, #tpu.memory_space<vmem>>) semaphore(%arg10 : memref<!tpu.dma_semaphore, #tpu.memory_space<semaphore_mem>>)
        %dma_start3A_934 = arith.constant 0 : i32
        %dma_start3A_935 = arith.constant 1408 : i32
        %dma_start3A_936 = tpu.memref_slice %arg7[%dma_start3A_935] : memref<4096xf32, #tpu.memory_space<vmem>> -> memref<128xf32, #tpu.memory_space<vmem>>
        %dma_start3A_937 = arith.constant 1408 : i32
        %dma_start3A_938 = tpu.memref_slice %arg5[%dma_start3A_934, %dma_start3A_937] : memref<2x2048xi32, #tpu.memory_space<vmem>> -> memref<1x128xi32, #tpu.memory_space<vmem>>
        %dma_start3A_939 = tpu.memref_squeeze %dma_start3A_938 : memref<1x128xi32, #tpu.memory_space<vmem>> -> memref<128xi32, #tpu.memory_space<vmem>>
        %dma_start3A_940 = arith.constant 0 : i32
        %dma_start3A_941 = tpu.memref_slice %arg2[%dma_start3A_940] : memref<2146689xf32, #tpu.memory_space<hbm>> -> memref<2146689xf32, #tpu.memory_space<hbm>>
        tpu.enqueue_indirect_dma source(%dma_start3A_941 : memref<2146689xf32, #tpu.memory_space<hbm>>) target(%dma_start3A_936 : memref<128xf32, #tpu.memory_space<vmem>>) offsets(%dma_start3A_939 : memref<128xi32, #tpu.memory_space<vmem>>) semaphore(%arg10 : memref<!tpu.dma_semaphore, #tpu.memory_space<semaphore_mem>>)
        %dma_start3A_942 = arith.constant 0 : i32
        %dma_start3A_943 = arith.constant 1536 : i32
        %dma_start3A_944 = tpu.memref_slice %arg7[%dma_start3A_943] : memref<4096xf32, #tpu.memory_space<vmem>> -> memref<128xf32, #tpu.memory_space<vmem>>
        %dma_start3A_945 = arith.constant 1536 : i32
        %dma_start3A_946 = tpu.memref_slice %arg5[%dma_start3A_942, %dma_start3A_945] : memref<2x2048xi32, #tpu.memory_space<vmem>> -> memref<1x128xi32, #tpu.memory_space<vmem>>
        %dma_start3A_947 = tpu.memref_squeeze %dma_start3A_946 : memref<1x128xi32, #tpu.memory_space<vmem>> -> memref<128xi32, #tpu.memory_space<vmem>>
        %dma_start3A_948 = arith.constant 0 : i32
        %dma_start3A_949 = tpu.memref_slice %arg2[%dma_start3A_948] : memref<2146689xf32, #tpu.memory_space<hbm>> -> memref<2146689xf32, #tpu.memory_space<hbm>>
        tpu.enqueue_indirect_dma source(%dma_start3A_949 : memref<2146689xf32, #tpu.memory_space<hbm>>) target(%dma_start3A_944 : memref<128xf32, #tpu.memory_space<vmem>>) offsets(%dma_start3A_947 : memref<128xi32, #tpu.memory_space<vmem>>) semaphore(%arg10 : memref<!tpu.dma_semaphore, #tpu.memory_space<semaphore_mem>>)
        %dma_start3A_950 = arith.constant 0 : i32
        %dma_start3A_951 = arith.constant 1664 : i32
        %dma_start3A_952 = tpu.memref_slice %arg7[%dma_start3A_951] : memref<4096xf32, #tpu.memory_space<vmem>> -> memref<128xf32, #tpu.memory_space<vmem>>
        %dma_start3A_953 = arith.constant 1664 : i32
        %dma_start3A_954 = tpu.memref_slice %arg5[%dma_start3A_950, %dma_start3A_953] : memref<2x2048xi32, #tpu.memory_space<vmem>> -> memref<1x128xi32, #tpu.memory_space<vmem>>
        %dma_start3A_955 = tpu.memref_squeeze %dma_start3A_954 : memref<1x128xi32, #tpu.memory_space<vmem>> -> memref<128xi32, #tpu.memory_space<vmem>>
        %dma_start3A_956 = arith.constant 0 : i32
        %dma_start3A_957 = tpu.memref_slice %arg2[%dma_start3A_956] : memref<2146689xf32, #tpu.memory_space<hbm>> -> memref<2146689xf32, #tpu.memory_space<hbm>>
        tpu.enqueue_indirect_dma source(%dma_start3A_957 : memref<2146689xf32, #tpu.memory_space<hbm>>) target(%dma_start3A_952 : memref<128xf32, #tpu.memory_space<vmem>>) offsets(%dma_start3A_955 : memref<128xi32, #tpu.memory_space<vmem>>) semaphore(%arg10 : memref<!tpu.dma_semaphore, #tpu.memory_space<semaphore_mem>>)
        %dma_start3A_958 = arith.constant 0 : i32
        %dma_start3A_959 = arith.constant 1792 : i32
        %dma_start3A_960 = tpu.memref_slice %arg7[%dma_start3A_959] : memref<4096xf32, #tpu.memory_space<vmem>> -> memref<128xf32, #tpu.memory_space<vmem>>
        %dma_start3A_961 = arith.constant 1792 : i32
        %dma_start3A_962 = tpu.memref_slice %arg5[%dma_start3A_958, %dma_start3A_961] : memref<2x2048xi32, #tpu.memory_space<vmem>> -> memref<1x128xi32, #tpu.memory_space<vmem>>
        %dma_start3A_963 = tpu.memref_squeeze %dma_start3A_962 : memref<1x128xi32, #tpu.memory_space<vmem>> -> memref<128xi32, #tpu.memory_space<vmem>>
        %dma_start3A_964 = arith.constant 0 : i32
        %dma_start3A_965 = tpu.memref_slice %arg2[%dma_start3A_964] : memref<2146689xf32, #tpu.memory_space<hbm>> -> memref<2146689xf32, #tpu.memory_space<hbm>>
        tpu.enqueue_indirect_dma source(%dma_start3A_965 : memref<2146689xf32, #tpu.memory_space<hbm>>) target(%dma_start3A_960 : memref<128xf32, #tpu.memory_space<vmem>>) offsets(%dma_start3A_963 : memref<128xi32, #tpu.memory_space<vmem>>) semaphore(%arg10 : memref<!tpu.dma_semaphore, #tpu.memory_space<semaphore_mem>>)
        %dma_start3A_966 = arith.constant 0 : i32
        %dma_start3A_967 = arith.constant 1920 : i32
        %dma_start3A_968 = tpu.memref_slice %arg7[%dma_start3A_967] : memref<4096xf32, #tpu.memory_space<vmem>> -> memref<128xf32, #tpu.memory_space<vmem>>
        %dma_start3A_969 = arith.constant 1920 : i32
        %dma_start3A_970 = tpu.memref_slice %arg5[%dma_start3A_966, %dma_start3A_969] : memref<2x2048xi32, #tpu.memory_space<vmem>> -> memref<1x128xi32, #tpu.memory_space<vmem>>
        %dma_start3A_971 = tpu.memref_squeeze %dma_start3A_970 : memref<1x128xi32, #tpu.memory_space<vmem>> -> memref<128xi32, #tpu.memory_space<vmem>>
        %dma_start3A_972 = arith.constant 0 : i32
        %dma_start3A_973 = tpu.memref_slice %arg2[%dma_start3A_972] : memref<2146689xf32, #tpu.memory_space<hbm>> -> memref<2146689xf32, #tpu.memory_space<hbm>>
        tpu.enqueue_indirect_dma source(%dma_start3A_973 : memref<2146689xf32, #tpu.memory_space<hbm>>) target(%dma_start3A_968 : memref<128xf32, #tpu.memory_space<vmem>>) offsets(%dma_start3A_971 : memref<128xi32, #tpu.memory_space<vmem>>) semaphore(%arg10 : memref<!tpu.dma_semaphore, #tpu.memory_space<semaphore_mem>>)
        %dma_start3A_974 = arith.constant 1 : i32
        %dma_start3A_975 = arith.constant 2048 : i32
        %dma_start3A_976 = tpu.memref_slice %arg7[%dma_start3A_975] : memref<4096xf32, #tpu.memory_space<vmem>> -> memref<128xf32, #tpu.memory_space<vmem>>
        %dma_start3A_977 = arith.constant 0 : i32
        %dma_start3A_978 = tpu.memref_slice %arg5[%dma_start3A_974, %dma_start3A_977] : memref<2x2048xi32, #tpu.memory_space<vmem>> -> memref<1x128xi32, #tpu.memory_space<vmem>>
        %dma_start3A_979 = tpu.memref_squeeze %dma_start3A_978 : memref<1x128xi32, #tpu.memory_space<vmem>> -> memref<128xi32, #tpu.memory_space<vmem>>
        %dma_start3A_980 = arith.constant 0 : i32
        %dma_start3A_981 = tpu.memref_slice %arg2[%dma_start3A_980] : memref<2146689xf32, #tpu.memory_space<hbm>> -> memref<2146689xf32, #tpu.memory_space<hbm>>
        tpu.enqueue_indirect_dma source(%dma_start3A_981 : memref<2146689xf32, #tpu.memory_space<hbm>>) target(%dma_start3A_976 : memref<128xf32, #tpu.memory_space<vmem>>) offsets(%dma_start3A_979 : memref<128xi32, #tpu.memory_space<vmem>>) semaphore(%arg10 : memref<!tpu.dma_semaphore, #tpu.memory_space<semaphore_mem>>)
        %dma_start3A_982 = arith.constant 1 : i32
        %dma_start3A_983 = arith.constant 2176 : i32
        %dma_start3A_984 = tpu.memref_slice %arg7[%dma_start3A_983] : memref<4096xf32, #tpu.memory_space<vmem>> -> memref<128xf32, #tpu.memory_space<vmem>>
        %dma_start3A_985 = arith.constant 128 : i32
        %dma_start3A_986 = tpu.memref_slice %arg5[%dma_start3A_982, %dma_start3A_985] : memref<2x2048xi32, #tpu.memory_space<vmem>> -> memref<1x128xi32, #tpu.memory_space<vmem>>
        %dma_start3A_987 = tpu.memref_squeeze %dma_start3A_986 : memref<1x128xi32, #tpu.memory_space<vmem>> -> memref<128xi32, #tpu.memory_space<vmem>>
        %dma_start3A_988 = arith.constant 0 : i32
        %dma_start3A_989 = tpu.memref_slice %arg2[%dma_start3A_988] : memref<2146689xf32, #tpu.memory_space<hbm>> -> memref<2146689xf32, #tpu.memory_space<hbm>>
        tpu.enqueue_indirect_dma source(%dma_start3A_989 : memref<2146689xf32, #tpu.memory_space<hbm>>) target(%dma_start3A_984 : memref<128xf32, #tpu.memory_space<vmem>>) offsets(%dma_start3A_987 : memref<128xi32, #tpu.memory_space<vmem>>) semaphore(%arg10 : memref<!tpu.dma_semaphore, #tpu.memory_space<semaphore_mem>>)
        %dma_start3A_990 = arith.constant 1 : i32
        %dma_start3A_991 = arith.constant 2304 : i32
        %dma_start3A_992 = tpu.memref_slice %arg7[%dma_start3A_991] : memref<4096xf32, #tpu.memory_space<vmem>> -> memref<128xf32, #tpu.memory_space<vmem>>
        %dma_start3A_993 = arith.constant 256 : i32
        %dma_start3A_994 = tpu.memref_slice %arg5[%dma_start3A_990, %dma_start3A_993] : memref<2x2048xi32, #tpu.memory_space<vmem>> -> memref<1x128xi32, #tpu.memory_space<vmem>>
        %dma_start3A_995 = tpu.memref_squeeze %dma_start3A_994 : memref<1x128xi32, #tpu.memory_space<vmem>> -> memref<128xi32, #tpu.memory_space<vmem>>
        %dma_start3A_996 = arith.constant 0 : i32
        %dma_start3A_997 = tpu.memref_slice %arg2[%dma_start3A_996] : memref<2146689xf32, #tpu.memory_space<hbm>> -> memref<2146689xf32, #tpu.memory_space<hbm>>
        tpu.enqueue_indirect_dma source(%dma_start3A_997 : memref<2146689xf32, #tpu.memory_space<hbm>>) target(%dma_start3A_992 : memref<128xf32, #tpu.memory_space<vmem>>) offsets(%dma_start3A_995 : memref<128xi32, #tpu.memory_space<vmem>>) semaphore(%arg10 : memref<!tpu.dma_semaphore, #tpu.memory_space<semaphore_mem>>)
        %dma_start3A_998 = arith.constant 1 : i32
        %dma_start3A_999 = arith.constant 2432 : i32
        %dma_start3A_1000 = tpu.memref_slice %arg7[%dma_start3A_999] : memref<4096xf32, #tpu.memory_space<vmem>> -> memref<128xf32, #tpu.memory_space<vmem>>
        %dma_start3A_1001 = arith.constant 384 : i32
        %dma_start3A_1002 = tpu.memref_slice %arg5[%dma_start3A_998, %dma_start3A_1001] : memref<2x2048xi32, #tpu.memory_space<vmem>> -> memref<1x128xi32, #tpu.memory_space<vmem>>
        %dma_start3A_1003 = tpu.memref_squeeze %dma_start3A_1002 : memref<1x128xi32, #tpu.memory_space<vmem>> -> memref<128xi32, #tpu.memory_space<vmem>>
        %dma_start3A_1004 = arith.constant 0 : i32
        %dma_start3A_1005 = tpu.memref_slice %arg2[%dma_start3A_1004] : memref<2146689xf32, #tpu.memory_space<hbm>> -> memref<2146689xf32, #tpu.memory_space<hbm>>
        tpu.enqueue_indirect_dma source(%dma_start3A_1005 : memref<2146689xf32, #tpu.memory_space<hbm>>) target(%dma_start3A_1000 : memref<128xf32, #tpu.memory_space<vmem>>) offsets(%dma_start3A_1003 : memref<128xi32, #tpu.memory_space<vmem>>) semaphore(%arg10 : memref<!tpu.dma_semaphore, #tpu.memory_space<semaphore_mem>>)
        %dma_start3A_1006 = arith.constant 1 : i32
        %dma_start3A_1007 = arith.constant 2560 : i32
        %dma_start3A_1008 = tpu.memref_slice %arg7[%dma_start3A_1007] : memref<4096xf32, #tpu.memory_space<vmem>> -> memref<128xf32, #tpu.memory_space<vmem>>
        %dma_start3A_1009 = arith.constant 512 : i32
        %dma_start3A_1010 = tpu.memref_slice %arg5[%dma_start3A_1006, %dma_start3A_1009] : memref<2x2048xi32, #tpu.memory_space<vmem>> -> memref<1x128xi32, #tpu.memory_space<vmem>>
        %dma_start3A_1011 = tpu.memref_squeeze %dma_start3A_1010 : memref<1x128xi32, #tpu.memory_space<vmem>> -> memref<128xi32, #tpu.memory_space<vmem>>
        %dma_start3A_1012 = arith.constant 0 : i32
        %dma_start3A_1013 = tpu.memref_slice %arg2[%dma_start3A_1012] : memref<2146689xf32, #tpu.memory_space<hbm>> -> memref<2146689xf32, #tpu.memory_space<hbm>>
        tpu.enqueue_indirect_dma source(%dma_start3A_1013 : memref<2146689xf32, #tpu.memory_space<hbm>>) target(%dma_start3A_1008 : memref<128xf32, #tpu.memory_space<vmem>>) offsets(%dma_start3A_1011 : memref<128xi32, #tpu.memory_space<vmem>>) semaphore(%arg10 : memref<!tpu.dma_semaphore, #tpu.memory_space<semaphore_mem>>)
        %dma_start3A_1014 = arith.constant 1 : i32
        %dma_start3A_1015 = arith.constant 2688 : i32
        %dma_start3A_1016 = tpu.memref_slice %arg7[%dma_start3A_1015] : memref<4096xf32, #tpu.memory_space<vmem>> -> memref<128xf32, #tpu.memory_space<vmem>>
        %dma_start3A_1017 = arith.constant 640 : i32
        %dma_start3A_1018 = tpu.memref_slice %arg5[%dma_start3A_1014, %dma_start3A_1017] : memref<2x2048xi32, #tpu.memory_space<vmem>> -> memref<1x128xi32, #tpu.memory_space<vmem>>
        %dma_start3A_1019 = tpu.memref_squeeze %dma_start3A_1018 : memref<1x128xi32, #tpu.memory_space<vmem>> -> memref<128xi32, #tpu.memory_space<vmem>>
        %dma_start3A_1020 = arith.constant 0 : i32
        %dma_start3A_1021 = tpu.memref_slice %arg2[%dma_start3A_1020] : memref<2146689xf32, #tpu.memory_space<hbm>> -> memref<2146689xf32, #tpu.memory_space<hbm>>
        tpu.enqueue_indirect_dma source(%dma_start3A_1021 : memref<2146689xf32, #tpu.memory_space<hbm>>) target(%dma_start3A_1016 : memref<128xf32, #tpu.memory_space<vmem>>) offsets(%dma_start3A_1019 : memref<128xi32, #tpu.memory_space<vmem>>) semaphore(%arg10 : memref<!tpu.dma_semaphore, #tpu.memory_space<semaphore_mem>>)
        %dma_start3A_1022 = arith.constant 1 : i32
        %dma_start3A_1023 = arith.constant 2816 : i32
        %dma_start3A_1024 = tpu.memref_slice %arg7[%dma_start3A_1023] : memref<4096xf32, #tpu.memory_space<vmem>> -> memref<128xf32, #tpu.memory_space<vmem>>
        %dma_start3A_1025 = arith.constant 768 : i32
        %dma_start3A_1026 = tpu.memref_slice %arg5[%dma_start3A_1022, %dma_start3A_1025] : memref<2x2048xi32, #tpu.memory_space<vmem>> -> memref<1x128xi32, #tpu.memory_space<vmem>>
        %dma_start3A_1027 = tpu.memref_squeeze %dma_start3A_1026 : memref<1x128xi32, #tpu.memory_space<vmem>> -> memref<128xi32, #tpu.memory_space<vmem>>
        %dma_start3A_1028 = arith.constant 0 : i32
        %dma_start3A_1029 = tpu.memref_slice %arg2[%dma_start3A_1028] : memref<2146689xf32, #tpu.memory_space<hbm>> -> memref<2146689xf32, #tpu.memory_space<hbm>>
        tpu.enqueue_indirect_dma source(%dma_start3A_1029 : memref<2146689xf32, #tpu.memory_space<hbm>>) target(%dma_start3A_1024 : memref<128xf32, #tpu.memory_space<vmem>>) offsets(%dma_start3A_1027 : memref<128xi32, #tpu.memory_space<vmem>>) semaphore(%arg10 : memref<!tpu.dma_semaphore, #tpu.memory_space<semaphore_mem>>)
        %dma_start3A_1030 = arith.constant 1 : i32
        %dma_start3A_1031 = arith.constant 2944 : i32
        %dma_start3A_1032 = tpu.memref_slice %arg7[%dma_start3A_1031] : memref<4096xf32, #tpu.memory_space<vmem>> -> memref<128xf32, #tpu.memory_space<vmem>>
        %dma_start3A_1033 = arith.constant 896 : i32
        %dma_start3A_1034 = tpu.memref_slice %arg5[%dma_start3A_1030, %dma_start3A_1033] : memref<2x2048xi32, #tpu.memory_space<vmem>> -> memref<1x128xi32, #tpu.memory_space<vmem>>
        %dma_start3A_1035 = tpu.memref_squeeze %dma_start3A_1034 : memref<1x128xi32, #tpu.memory_space<vmem>> -> memref<128xi32, #tpu.memory_space<vmem>>
        %dma_start3A_1036 = arith.constant 0 : i32
        %dma_start3A_1037 = tpu.memref_slice %arg2[%dma_start3A_1036] : memref<2146689xf32, #tpu.memory_space<hbm>> -> memref<2146689xf32, #tpu.memory_space<hbm>>
        tpu.enqueue_indirect_dma source(%dma_start3A_1037 : memref<2146689xf32, #tpu.memory_space<hbm>>) target(%dma_start3A_1032 : memref<128xf32, #tpu.memory_space<vmem>>) offsets(%dma_start3A_1035 : memref<128xi32, #tpu.memory_space<vmem>>) semaphore(%arg10 : memref<!tpu.dma_semaphore, #tpu.memory_space<semaphore_mem>>)
        %dma_start3A_1038 = arith.constant 1 : i32
        %dma_start3A_1039 = arith.constant 3072 : i32
        %dma_start3A_1040 = tpu.memref_slice %arg7[%dma_start3A_1039] : memref<4096xf32, #tpu.memory_space<vmem>> -> memref<128xf32, #tpu.memory_space<vmem>>
        %dma_start3A_1041 = arith.constant 1024 : i32
        %dma_start3A_1042 = tpu.memref_slice %arg5[%dma_start3A_1038, %dma_start3A_1041] : memref<2x2048xi32, #tpu.memory_space<vmem>> -> memref<1x128xi32, #tpu.memory_space<vmem>>
        %dma_start3A_1043 = tpu.memref_squeeze %dma_start3A_1042 : memref<1x128xi32, #tpu.memory_space<vmem>> -> memref<128xi32, #tpu.memory_space<vmem>>
        %dma_start3A_1044 = arith.constant 0 : i32
        %dma_start3A_1045 = tpu.memref_slice %arg2[%dma_start3A_1044] : memref<2146689xf32, #tpu.memory_space<hbm>> -> memref<2146689xf32, #tpu.memory_space<hbm>>
        tpu.enqueue_indirect_dma source(%dma_start3A_1045 : memref<2146689xf32, #tpu.memory_space<hbm>>) target(%dma_start3A_1040 : memref<128xf32, #tpu.memory_space<vmem>>) offsets(%dma_start3A_1043 : memref<128xi32, #tpu.memory_space<vmem>>) semaphore(%arg10 : memref<!tpu.dma_semaphore, #tpu.memory_space<semaphore_mem>>)
        %dma_start3A_1046 = arith.constant 1 : i32
        %dma_start3A_1047 = arith.constant 3200 : i32
        %dma_start3A_1048 = tpu.memref_slice %arg7[%dma_start3A_1047] : memref<4096xf32, #tpu.memory_space<vmem>> -> memref<128xf32, #tpu.memory_space<vmem>>
        %dma_start3A_1049 = arith.constant 1152 : i32
        %dma_start3A_1050 = tpu.memref_slice %arg5[%dma_start3A_1046, %dma_start3A_1049] : memref<2x2048xi32, #tpu.memory_space<vmem>> -> memref<1x128xi32, #tpu.memory_space<vmem>>
        %dma_start3A_1051 = tpu.memref_squeeze %dma_start3A_1050 : memref<1x128xi32, #tpu.memory_space<vmem>> -> memref<128xi32, #tpu.memory_space<vmem>>
        %dma_start3A_1052 = arith.constant 0 : i32
        %dma_start3A_1053 = tpu.memref_slice %arg2[%dma_start3A_1052] : memref<2146689xf32, #tpu.memory_space<hbm>> -> memref<2146689xf32, #tpu.memory_space<hbm>>
        tpu.enqueue_indirect_dma source(%dma_start3A_1053 : memref<2146689xf32, #tpu.memory_space<hbm>>) target(%dma_start3A_1048 : memref<128xf32, #tpu.memory_space<vmem>>) offsets(%dma_start3A_1051 : memref<128xi32, #tpu.memory_space<vmem>>) semaphore(%arg10 : memref<!tpu.dma_semaphore, #tpu.memory_space<semaphore_mem>>)
        %dma_start3A_1054 = arith.constant 1 : i32
        %dma_start3A_1055 = arith.constant 3328 : i32
        %dma_start3A_1056 = tpu.memref_slice %arg7[%dma_start3A_1055] : memref<4096xf32, #tpu.memory_space<vmem>> -> memref<128xf32, #tpu.memory_space<vmem>>
        %dma_start3A_1057 = arith.constant 1280 : i32
        %dma_start3A_1058 = tpu.memref_slice %arg5[%dma_start3A_1054, %dma_start3A_1057] : memref<2x2048xi32, #tpu.memory_space<vmem>> -> memref<1x128xi32, #tpu.memory_space<vmem>>
        %dma_start3A_1059 = tpu.memref_squeeze %dma_start3A_1058 : memref<1x128xi32, #tpu.memory_space<vmem>> -> memref<128xi32, #tpu.memory_space<vmem>>
        %dma_start3A_1060 = arith.constant 0 : i32
        %dma_start3A_1061 = tpu.memref_slice %arg2[%dma_start3A_1060] : memref<2146689xf32, #tpu.memory_space<hbm>> -> memref<2146689xf32, #tpu.memory_space<hbm>>
        tpu.enqueue_indirect_dma source(%dma_start3A_1061 : memref<2146689xf32, #tpu.memory_space<hbm>>) target(%dma_start3A_1056 : memref<128xf32, #tpu.memory_space<vmem>>) offsets(%dma_start3A_1059 : memref<128xi32, #tpu.memory_space<vmem>>) semaphore(%arg10 : memref<!tpu.dma_semaphore, #tpu.memory_space<semaphore_mem>>)
        %dma_start3A_1062 = arith.constant 1 : i32
        %dma_start3A_1063 = arith.constant 3456 : i32
        %dma_start3A_1064 = tpu.memref_slice %arg7[%dma_start3A_1063] : memref<4096xf32, #tpu.memory_space<vmem>> -> memref<128xf32, #tpu.memory_space<vmem>>
        %dma_start3A_1065 = arith.constant 1408 : i32
        %dma_start3A_1066 = tpu.memref_slice %arg5[%dma_start3A_1062, %dma_start3A_1065] : memref<2x2048xi32, #tpu.memory_space<vmem>> -> memref<1x128xi32, #tpu.memory_space<vmem>>
        %dma_start3A_1067 = tpu.memref_squeeze %dma_start3A_1066 : memref<1x128xi32, #tpu.memory_space<vmem>> -> memref<128xi32, #tpu.memory_space<vmem>>
        %dma_start3A_1068 = arith.constant 0 : i32
        %dma_start3A_1069 = tpu.memref_slice %arg2[%dma_start3A_1068] : memref<2146689xf32, #tpu.memory_space<hbm>> -> memref<2146689xf32, #tpu.memory_space<hbm>>
        tpu.enqueue_indirect_dma source(%dma_start3A_1069 : memref<2146689xf32, #tpu.memory_space<hbm>>) target(%dma_start3A_1064 : memref<128xf32, #tpu.memory_space<vmem>>) offsets(%dma_start3A_1067 : memref<128xi32, #tpu.memory_space<vmem>>) semaphore(%arg10 : memref<!tpu.dma_semaphore, #tpu.memory_space<semaphore_mem>>)
        %dma_start3A_1070 = arith.constant 1 : i32
        %dma_start3A_1071 = arith.constant 3584 : i32
        %dma_start3A_1072 = tpu.memref_slice %arg7[%dma_start3A_1071] : memref<4096xf32, #tpu.memory_space<vmem>> -> memref<128xf32, #tpu.memory_space<vmem>>
        %dma_start3A_1073 = arith.constant 1536 : i32
        %dma_start3A_1074 = tpu.memref_slice %arg5[%dma_start3A_1070, %dma_start3A_1073] : memref<2x2048xi32, #tpu.memory_space<vmem>> -> memref<1x128xi32, #tpu.memory_space<vmem>>
        %dma_start3A_1075 = tpu.memref_squeeze %dma_start3A_1074 : memref<1x128xi32, #tpu.memory_space<vmem>> -> memref<128xi32, #tpu.memory_space<vmem>>
        %dma_start3A_1076 = arith.constant 0 : i32
        %dma_start3A_1077 = tpu.memref_slice %arg2[%dma_start3A_1076] : memref<2146689xf32, #tpu.memory_space<hbm>> -> memref<2146689xf32, #tpu.memory_space<hbm>>
        tpu.enqueue_indirect_dma source(%dma_start3A_1077 : memref<2146689xf32, #tpu.memory_space<hbm>>) target(%dma_start3A_1072 : memref<128xf32, #tpu.memory_space<vmem>>) offsets(%dma_start3A_1075 : memref<128xi32, #tpu.memory_space<vmem>>) semaphore(%arg10 : memref<!tpu.dma_semaphore, #tpu.memory_space<semaphore_mem>>)
        %dma_start3A_1078 = arith.constant 1 : i32
        %dma_start3A_1079 = arith.constant 3712 : i32
        %dma_start3A_1080 = tpu.memref_slice %arg7[%dma_start3A_1079] : memref<4096xf32, #tpu.memory_space<vmem>> -> memref<128xf32, #tpu.memory_space<vmem>>
        %dma_start3A_1081 = arith.constant 1664 : i32
        %dma_start3A_1082 = tpu.memref_slice %arg5[%dma_start3A_1078, %dma_start3A_1081] : memref<2x2048xi32, #tpu.memory_space<vmem>> -> memref<1x128xi32, #tpu.memory_space<vmem>>
        %dma_start3A_1083 = tpu.memref_squeeze %dma_start3A_1082 : memref<1x128xi32, #tpu.memory_space<vmem>> -> memref<128xi32, #tpu.memory_space<vmem>>
        %dma_start3A_1084 = arith.constant 0 : i32
        %dma_start3A_1085 = tpu.memref_slice %arg2[%dma_start3A_1084] : memref<2146689xf32, #tpu.memory_space<hbm>> -> memref<2146689xf32, #tpu.memory_space<hbm>>
        tpu.enqueue_indirect_dma source(%dma_start3A_1085 : memref<2146689xf32, #tpu.memory_space<hbm>>) target(%dma_start3A_1080 : memref<128xf32, #tpu.memory_space<vmem>>) offsets(%dma_start3A_1083 : memref<128xi32, #tpu.memory_space<vmem>>) semaphore(%arg10 : memref<!tpu.dma_semaphore, #tpu.memory_space<semaphore_mem>>)
        %dma_start3A_1086 = arith.constant 1 : i32
        %dma_start3A_1087 = arith.constant 3840 : i32
        %dma_start3A_1088 = tpu.memref_slice %arg7[%dma_start3A_1087] : memref<4096xf32, #tpu.memory_space<vmem>> -> memref<128xf32, #tpu.memory_space<vmem>>
        %dma_start3A_1089 = arith.constant 1792 : i32
        %dma_start3A_1090 = tpu.memref_slice %arg5[%dma_start3A_1086, %dma_start3A_1089] : memref<2x2048xi32, #tpu.memory_space<vmem>> -> memref<1x128xi32, #tpu.memory_space<vmem>>
        %dma_start3A_1091 = tpu.memref_squeeze %dma_start3A_1090 : memref<1x128xi32, #tpu.memory_space<vmem>> -> memref<128xi32, #tpu.memory_space<vmem>>
        %dma_start3A_1092 = arith.constant 0 : i32
        %dma_start3A_1093 = tpu.memref_slice %arg2[%dma_start3A_1092] : memref<2146689xf32, #tpu.memory_space<hbm>> -> memref<2146689xf32, #tpu.memory_space<hbm>>
        tpu.enqueue_indirect_dma source(%dma_start3A_1093 : memref<2146689xf32, #tpu.memory_space<hbm>>) target(%dma_start3A_1088 : memref<128xf32, #tpu.memory_space<vmem>>) offsets(%dma_start3A_1091 : memref<128xi32, #tpu.memory_space<vmem>>) semaphore(%arg10 : memref<!tpu.dma_semaphore, #tpu.memory_space<semaphore_mem>>)
        %dma_start3A_1094 = arith.constant 1 : i32
        %dma_start3A_1095 = arith.constant 3968 : i32
        %dma_start3A_1096 = tpu.memref_slice %arg7[%dma_start3A_1095] : memref<4096xf32, #tpu.memory_space<vmem>> -> memref<128xf32, #tpu.memory_space<vmem>>
        %dma_start3A_1097 = arith.constant 1920 : i32
        %dma_start3A_1098 = tpu.memref_slice %arg5[%dma_start3A_1094, %dma_start3A_1097] : memref<2x2048xi32, #tpu.memory_space<vmem>> -> memref<1x128xi32, #tpu.memory_space<vmem>>
        %dma_start3A_1099 = tpu.memref_squeeze %dma_start3A_1098 : memref<1x128xi32, #tpu.memory_space<vmem>> -> memref<128xi32, #tpu.memory_space<vmem>>
        %dma_start3A_1100 = arith.constant 0 : i32
        %dma_start3A_1101 = tpu.memref_slice %arg2[%dma_start3A_1100] : memref<2146689xf32, #tpu.memory_space<hbm>> -> memref<2146689xf32, #tpu.memory_space<hbm>>
        tpu.enqueue_indirect_dma source(%dma_start3A_1101 : memref<2146689xf32, #tpu.memory_space<hbm>>) target(%dma_start3A_1096 : memref<128xf32, #tpu.memory_space<vmem>>) offsets(%dma_start3A_1099 : memref<128xi32, #tpu.memory_space<vmem>>) semaphore(%arg10 : memref<!tpu.dma_semaphore, #tpu.memory_space<semaphore_mem>>)
      } else {
      }
      %dma_wait3A_577 = arith.constant 0 : i32
      %dma_wait3A_578 = arith.constant 0 : i32
      %dma_wait3A_579 = tpu.memref_slice %arg8[%dma_wait3A_578] : memref<4096xf32, #tpu.memory_space<vmem>> -> memref<128xf32, #tpu.memory_space<vmem>>
      %dma_wait3A_580 = arith.constant 0 : i32
      %dma_wait3A_581 = tpu.memref_slice %arg6[%dma_wait3A_577, %dma_wait3A_580] : memref<2x2048xi32, #tpu.memory_space<vmem>> -> memref<1x128xi32, #tpu.memory_space<vmem>>
      %dma_wait3A_582 = tpu.memref_squeeze %dma_wait3A_581 : memref<1x128xi32, #tpu.memory_space<vmem>> -> memref<128xi32, #tpu.memory_space<vmem>>
      %dma_wait3A_583 = arith.constant 0 : i32
      %dma_wait3A_584 = tpu.memref_slice %arg2[%dma_wait3A_583] : memref<2146689xf32, #tpu.memory_space<hbm>> -> memref<2146689xf32, #tpu.memory_space<hbm>>
      tpu.wait_indirect_dma semaphore(%arg11 : memref<!tpu.dma_semaphore, #tpu.memory_space<semaphore_mem>>) src(%dma_wait3A_584 : memref<2146689xf32, #tpu.memory_space<hbm>>) dst(%dma_wait3A_579 : memref<128xf32, #tpu.memory_space<vmem>>)
      %dma_wait3A_585 = arith.constant 0 : i32
      %dma_wait3A_586 = arith.constant 128 : i32
      %dma_wait3A_587 = tpu.memref_slice %arg8[%dma_wait3A_586] : memref<4096xf32, #tpu.memory_space<vmem>> -> memref<128xf32, #tpu.memory_space<vmem>>
      %dma_wait3A_588 = arith.constant 128 : i32
      %dma_wait3A_589 = tpu.memref_slice %arg6[%dma_wait3A_585, %dma_wait3A_588] : memref<2x2048xi32, #tpu.memory_space<vmem>> -> memref<1x128xi32, #tpu.memory_space<vmem>>
      %dma_wait3A_590 = tpu.memref_squeeze %dma_wait3A_589 : memref<1x128xi32, #tpu.memory_space<vmem>> -> memref<128xi32, #tpu.memory_space<vmem>>
      %dma_wait3A_591 = arith.constant 0 : i32
      %dma_wait3A_592 = tpu.memref_slice %arg2[%dma_wait3A_591] : memref<2146689xf32, #tpu.memory_space<hbm>> -> memref<2146689xf32, #tpu.memory_space<hbm>>
      tpu.wait_indirect_dma semaphore(%arg11 : memref<!tpu.dma_semaphore, #tpu.memory_space<semaphore_mem>>) src(%dma_wait3A_592 : memref<2146689xf32, #tpu.memory_space<hbm>>) dst(%dma_wait3A_587 : memref<128xf32, #tpu.memory_space<vmem>>)
      %dma_wait3A_593 = arith.constant 0 : i32
      %dma_wait3A_594 = arith.constant 256 : i32
      %dma_wait3A_595 = tpu.memref_slice %arg8[%dma_wait3A_594] : memref<4096xf32, #tpu.memory_space<vmem>> -> memref<128xf32, #tpu.memory_space<vmem>>
      %dma_wait3A_596 = arith.constant 256 : i32
      %dma_wait3A_597 = tpu.memref_slice %arg6[%dma_wait3A_593, %dma_wait3A_596] : memref<2x2048xi32, #tpu.memory_space<vmem>> -> memref<1x128xi32, #tpu.memory_space<vmem>>
      %dma_wait3A_598 = tpu.memref_squeeze %dma_wait3A_597 : memref<1x128xi32, #tpu.memory_space<vmem>> -> memref<128xi32, #tpu.memory_space<vmem>>
      %dma_wait3A_599 = arith.constant 0 : i32
      %dma_wait3A_600 = tpu.memref_slice %arg2[%dma_wait3A_599] : memref<2146689xf32, #tpu.memory_space<hbm>> -> memref<2146689xf32, #tpu.memory_space<hbm>>
      tpu.wait_indirect_dma semaphore(%arg11 : memref<!tpu.dma_semaphore, #tpu.memory_space<semaphore_mem>>) src(%dma_wait3A_600 : memref<2146689xf32, #tpu.memory_space<hbm>>) dst(%dma_wait3A_595 : memref<128xf32, #tpu.memory_space<vmem>>)
      %dma_wait3A_601 = arith.constant 0 : i32
      %dma_wait3A_602 = arith.constant 384 : i32
      %dma_wait3A_603 = tpu.memref_slice %arg8[%dma_wait3A_602] : memref<4096xf32, #tpu.memory_space<vmem>> -> memref<128xf32, #tpu.memory_space<vmem>>
      %dma_wait3A_604 = arith.constant 384 : i32
      %dma_wait3A_605 = tpu.memref_slice %arg6[%dma_wait3A_601, %dma_wait3A_604] : memref<2x2048xi32, #tpu.memory_space<vmem>> -> memref<1x128xi32, #tpu.memory_space<vmem>>
      %dma_wait3A_606 = tpu.memref_squeeze %dma_wait3A_605 : memref<1x128xi32, #tpu.memory_space<vmem>> -> memref<128xi32, #tpu.memory_space<vmem>>
      %dma_wait3A_607 = arith.constant 0 : i32
      %dma_wait3A_608 = tpu.memref_slice %arg2[%dma_wait3A_607] : memref<2146689xf32, #tpu.memory_space<hbm>> -> memref<2146689xf32, #tpu.memory_space<hbm>>
      tpu.wait_indirect_dma semaphore(%arg11 : memref<!tpu.dma_semaphore, #tpu.memory_space<semaphore_mem>>) src(%dma_wait3A_608 : memref<2146689xf32, #tpu.memory_space<hbm>>) dst(%dma_wait3A_603 : memref<128xf32, #tpu.memory_space<vmem>>)
      %dma_wait3A_609 = arith.constant 0 : i32
      %dma_wait3A_610 = arith.constant 512 : i32
      %dma_wait3A_611 = tpu.memref_slice %arg8[%dma_wait3A_610] : memref<4096xf32, #tpu.memory_space<vmem>> -> memref<128xf32, #tpu.memory_space<vmem>>
      %dma_wait3A_612 = arith.constant 512 : i32
      %dma_wait3A_613 = tpu.memref_slice %arg6[%dma_wait3A_609, %dma_wait3A_612] : memref<2x2048xi32, #tpu.memory_space<vmem>> -> memref<1x128xi32, #tpu.memory_space<vmem>>
      %dma_wait3A_614 = tpu.memref_squeeze %dma_wait3A_613 : memref<1x128xi32, #tpu.memory_space<vmem>> -> memref<128xi32, #tpu.memory_space<vmem>>
      %dma_wait3A_615 = arith.constant 0 : i32
      %dma_wait3A_616 = tpu.memref_slice %arg2[%dma_wait3A_615] : memref<2146689xf32, #tpu.memory_space<hbm>> -> memref<2146689xf32, #tpu.memory_space<hbm>>
      tpu.wait_indirect_dma semaphore(%arg11 : memref<!tpu.dma_semaphore, #tpu.memory_space<semaphore_mem>>) src(%dma_wait3A_616 : memref<2146689xf32, #tpu.memory_space<hbm>>) dst(%dma_wait3A_611 : memref<128xf32, #tpu.memory_space<vmem>>)
      %dma_wait3A_617 = arith.constant 0 : i32
      %dma_wait3A_618 = arith.constant 640 : i32
      %dma_wait3A_619 = tpu.memref_slice %arg8[%dma_wait3A_618] : memref<4096xf32, #tpu.memory_space<vmem>> -> memref<128xf32, #tpu.memory_space<vmem>>
      %dma_wait3A_620 = arith.constant 640 : i32
      %dma_wait3A_621 = tpu.memref_slice %arg6[%dma_wait3A_617, %dma_wait3A_620] : memref<2x2048xi32, #tpu.memory_space<vmem>> -> memref<1x128xi32, #tpu.memory_space<vmem>>
      %dma_wait3A_622 = tpu.memref_squeeze %dma_wait3A_621 : memref<1x128xi32, #tpu.memory_space<vmem>> -> memref<128xi32, #tpu.memory_space<vmem>>
      %dma_wait3A_623 = arith.constant 0 : i32
      %dma_wait3A_624 = tpu.memref_slice %arg2[%dma_wait3A_623] : memref<2146689xf32, #tpu.memory_space<hbm>> -> memref<2146689xf32, #tpu.memory_space<hbm>>
      tpu.wait_indirect_dma semaphore(%arg11 : memref<!tpu.dma_semaphore, #tpu.memory_space<semaphore_mem>>) src(%dma_wait3A_624 : memref<2146689xf32, #tpu.memory_space<hbm>>) dst(%dma_wait3A_619 : memref<128xf32, #tpu.memory_space<vmem>>)
      %dma_wait3A_625 = arith.constant 0 : i32
      %dma_wait3A_626 = arith.constant 768 : i32
      %dma_wait3A_627 = tpu.memref_slice %arg8[%dma_wait3A_626] : memref<4096xf32, #tpu.memory_space<vmem>> -> memref<128xf32, #tpu.memory_space<vmem>>
      %dma_wait3A_628 = arith.constant 768 : i32
      %dma_wait3A_629 = tpu.memref_slice %arg6[%dma_wait3A_625, %dma_wait3A_628] : memref<2x2048xi32, #tpu.memory_space<vmem>> -> memref<1x128xi32, #tpu.memory_space<vmem>>
      %dma_wait3A_630 = tpu.memref_squeeze %dma_wait3A_629 : memref<1x128xi32, #tpu.memory_space<vmem>> -> memref<128xi32, #tpu.memory_space<vmem>>
      %dma_wait3A_631 = arith.constant 0 : i32
      %dma_wait3A_632 = tpu.memref_slice %arg2[%dma_wait3A_631] : memref<2146689xf32, #tpu.memory_space<hbm>> -> memref<2146689xf32, #tpu.memory_space<hbm>>
      tpu.wait_indirect_dma semaphore(%arg11 : memref<!tpu.dma_semaphore, #tpu.memory_space<semaphore_mem>>) src(%dma_wait3A_632 : memref<2146689xf32, #tpu.memory_space<hbm>>) dst(%dma_wait3A_627 : memref<128xf32, #tpu.memory_space<vmem>>)
      %dma_wait3A_633 = arith.constant 0 : i32
      %dma_wait3A_634 = arith.constant 896 : i32
      %dma_wait3A_635 = tpu.memref_slice %arg8[%dma_wait3A_634] : memref<4096xf32, #tpu.memory_space<vmem>> -> memref<128xf32, #tpu.memory_space<vmem>>
      %dma_wait3A_636 = arith.constant 896 : i32
      %dma_wait3A_637 = tpu.memref_slice %arg6[%dma_wait3A_633, %dma_wait3A_636] : memref<2x2048xi32, #tpu.memory_space<vmem>> -> memref<1x128xi32, #tpu.memory_space<vmem>>
      %dma_wait3A_638 = tpu.memref_squeeze %dma_wait3A_637 : memref<1x128xi32, #tpu.memory_space<vmem>> -> memref<128xi32, #tpu.memory_space<vmem>>
      %dma_wait3A_639 = arith.constant 0 : i32
      %dma_wait3A_640 = tpu.memref_slice %arg2[%dma_wait3A_639] : memref<2146689xf32, #tpu.memory_space<hbm>> -> memref<2146689xf32, #tpu.memory_space<hbm>>
      tpu.wait_indirect_dma semaphore(%arg11 : memref<!tpu.dma_semaphore, #tpu.memory_space<semaphore_mem>>) src(%dma_wait3A_640 : memref<2146689xf32, #tpu.memory_space<hbm>>) dst(%dma_wait3A_635 : memref<128xf32, #tpu.memory_space<vmem>>)
      %dma_wait3A_641 = arith.constant 0 : i32
      %dma_wait3A_642 = arith.constant 1024 : i32
      %dma_wait3A_643 = tpu.memref_slice %arg8[%dma_wait3A_642] : memref<4096xf32, #tpu.memory_space<vmem>> -> memref<128xf32, #tpu.memory_space<vmem>>
      %dma_wait3A_644 = arith.constant 1024 : i32
      %dma_wait3A_645 = tpu.memref_slice %arg6[%dma_wait3A_641, %dma_wait3A_644] : memref<2x2048xi32, #tpu.memory_space<vmem>> -> memref<1x128xi32, #tpu.memory_space<vmem>>
      %dma_wait3A_646 = tpu.memref_squeeze %dma_wait3A_645 : memref<1x128xi32, #tpu.memory_space<vmem>> -> memref<128xi32, #tpu.memory_space<vmem>>
      %dma_wait3A_647 = arith.constant 0 : i32
      %dma_wait3A_648 = tpu.memref_slice %arg2[%dma_wait3A_647] : memref<2146689xf32, #tpu.memory_space<hbm>> -> memref<2146689xf32, #tpu.memory_space<hbm>>
      tpu.wait_indirect_dma semaphore(%arg11 : memref<!tpu.dma_semaphore, #tpu.memory_space<semaphore_mem>>) src(%dma_wait3A_648 : memref<2146689xf32, #tpu.memory_space<hbm>>) dst(%dma_wait3A_643 : memref<128xf32, #tpu.memory_space<vmem>>)
      %dma_wait3A_649 = arith.constant 0 : i32
      %dma_wait3A_650 = arith.constant 1152 : i32
      %dma_wait3A_651 = tpu.memref_slice %arg8[%dma_wait3A_650] : memref<4096xf32, #tpu.memory_space<vmem>> -> memref<128xf32, #tpu.memory_space<vmem>>
      %dma_wait3A_652 = arith.constant 1152 : i32
      %dma_wait3A_653 = tpu.memref_slice %arg6[%dma_wait3A_649, %dma_wait3A_652] : memref<2x2048xi32, #tpu.memory_space<vmem>> -> memref<1x128xi32, #tpu.memory_space<vmem>>
      %dma_wait3A_654 = tpu.memref_squeeze %dma_wait3A_653 : memref<1x128xi32, #tpu.memory_space<vmem>> -> memref<128xi32, #tpu.memory_space<vmem>>
      %dma_wait3A_655 = arith.constant 0 : i32
      %dma_wait3A_656 = tpu.memref_slice %arg2[%dma_wait3A_655] : memref<2146689xf32, #tpu.memory_space<hbm>> -> memref<2146689xf32, #tpu.memory_space<hbm>>
      tpu.wait_indirect_dma semaphore(%arg11 : memref<!tpu.dma_semaphore, #tpu.memory_space<semaphore_mem>>) src(%dma_wait3A_656 : memref<2146689xf32, #tpu.memory_space<hbm>>) dst(%dma_wait3A_651 : memref<128xf32, #tpu.memory_space<vmem>>)
      %dma_wait3A_657 = arith.constant 0 : i32
      %dma_wait3A_658 = arith.constant 1280 : i32
      %dma_wait3A_659 = tpu.memref_slice %arg8[%dma_wait3A_658] : memref<4096xf32, #tpu.memory_space<vmem>> -> memref<128xf32, #tpu.memory_space<vmem>>
      %dma_wait3A_660 = arith.constant 1280 : i32
      %dma_wait3A_661 = tpu.memref_slice %arg6[%dma_wait3A_657, %dma_wait3A_660] : memref<2x2048xi32, #tpu.memory_space<vmem>> -> memref<1x128xi32, #tpu.memory_space<vmem>>
      %dma_wait3A_662 = tpu.memref_squeeze %dma_wait3A_661 : memref<1x128xi32, #tpu.memory_space<vmem>> -> memref<128xi32, #tpu.memory_space<vmem>>
      %dma_wait3A_663 = arith.constant 0 : i32
      %dma_wait3A_664 = tpu.memref_slice %arg2[%dma_wait3A_663] : memref<2146689xf32, #tpu.memory_space<hbm>> -> memref<2146689xf32, #tpu.memory_space<hbm>>
      tpu.wait_indirect_dma semaphore(%arg11 : memref<!tpu.dma_semaphore, #tpu.memory_space<semaphore_mem>>) src(%dma_wait3A_664 : memref<2146689xf32, #tpu.memory_space<hbm>>) dst(%dma_wait3A_659 : memref<128xf32, #tpu.memory_space<vmem>>)
      %dma_wait3A_665 = arith.constant 0 : i32
      %dma_wait3A_666 = arith.constant 1408 : i32
      %dma_wait3A_667 = tpu.memref_slice %arg8[%dma_wait3A_666] : memref<4096xf32, #tpu.memory_space<vmem>> -> memref<128xf32, #tpu.memory_space<vmem>>
      %dma_wait3A_668 = arith.constant 1408 : i32
      %dma_wait3A_669 = tpu.memref_slice %arg6[%dma_wait3A_665, %dma_wait3A_668] : memref<2x2048xi32, #tpu.memory_space<vmem>> -> memref<1x128xi32, #tpu.memory_space<vmem>>
      %dma_wait3A_670 = tpu.memref_squeeze %dma_wait3A_669 : memref<1x128xi32, #tpu.memory_space<vmem>> -> memref<128xi32, #tpu.memory_space<vmem>>
      %dma_wait3A_671 = arith.constant 0 : i32
      %dma_wait3A_672 = tpu.memref_slice %arg2[%dma_wait3A_671] : memref<2146689xf32, #tpu.memory_space<hbm>> -> memref<2146689xf32, #tpu.memory_space<hbm>>
      tpu.wait_indirect_dma semaphore(%arg11 : memref<!tpu.dma_semaphore, #tpu.memory_space<semaphore_mem>>) src(%dma_wait3A_672 : memref<2146689xf32, #tpu.memory_space<hbm>>) dst(%dma_wait3A_667 : memref<128xf32, #tpu.memory_space<vmem>>)
      %dma_wait3A_673 = arith.constant 0 : i32
      %dma_wait3A_674 = arith.constant 1536 : i32
      %dma_wait3A_675 = tpu.memref_slice %arg8[%dma_wait3A_674] : memref<4096xf32, #tpu.memory_space<vmem>> -> memref<128xf32, #tpu.memory_space<vmem>>
      %dma_wait3A_676 = arith.constant 1536 : i32
      %dma_wait3A_677 = tpu.memref_slice %arg6[%dma_wait3A_673, %dma_wait3A_676] : memref<2x2048xi32, #tpu.memory_space<vmem>> -> memref<1x128xi32, #tpu.memory_space<vmem>>
      %dma_wait3A_678 = tpu.memref_squeeze %dma_wait3A_677 : memref<1x128xi32, #tpu.memory_space<vmem>> -> memref<128xi32, #tpu.memory_space<vmem>>
      %dma_wait3A_679 = arith.constant 0 : i32
      %dma_wait3A_680 = tpu.memref_slice %arg2[%dma_wait3A_679] : memref<2146689xf32, #tpu.memory_space<hbm>> -> memref<2146689xf32, #tpu.memory_space<hbm>>
      tpu.wait_indirect_dma semaphore(%arg11 : memref<!tpu.dma_semaphore, #tpu.memory_space<semaphore_mem>>) src(%dma_wait3A_680 : memref<2146689xf32, #tpu.memory_space<hbm>>) dst(%dma_wait3A_675 : memref<128xf32, #tpu.memory_space<vmem>>)
      %dma_wait3A_681 = arith.constant 0 : i32
      %dma_wait3A_682 = arith.constant 1664 : i32
      %dma_wait3A_683 = tpu.memref_slice %arg8[%dma_wait3A_682] : memref<4096xf32, #tpu.memory_space<vmem>> -> memref<128xf32, #tpu.memory_space<vmem>>
      %dma_wait3A_684 = arith.constant 1664 : i32
      %dma_wait3A_685 = tpu.memref_slice %arg6[%dma_wait3A_681, %dma_wait3A_684] : memref<2x2048xi32, #tpu.memory_space<vmem>> -> memref<1x128xi32, #tpu.memory_space<vmem>>
      %dma_wait3A_686 = tpu.memref_squeeze %dma_wait3A_685 : memref<1x128xi32, #tpu.memory_space<vmem>> -> memref<128xi32, #tpu.memory_space<vmem>>
      %dma_wait3A_687 = arith.constant 0 : i32
      %dma_wait3A_688 = tpu.memref_slice %arg2[%dma_wait3A_687] : memref<2146689xf32, #tpu.memory_space<hbm>> -> memref<2146689xf32, #tpu.memory_space<hbm>>
      tpu.wait_indirect_dma semaphore(%arg11 : memref<!tpu.dma_semaphore, #tpu.memory_space<semaphore_mem>>) src(%dma_wait3A_688 : memref<2146689xf32, #tpu.memory_space<hbm>>) dst(%dma_wait3A_683 : memref<128xf32, #tpu.memory_space<vmem>>)
      %dma_wait3A_689 = arith.constant 0 : i32
      %dma_wait3A_690 = arith.constant 1792 : i32
      %dma_wait3A_691 = tpu.memref_slice %arg8[%dma_wait3A_690] : memref<4096xf32, #tpu.memory_space<vmem>> -> memref<128xf32, #tpu.memory_space<vmem>>
      %dma_wait3A_692 = arith.constant 1792 : i32
      %dma_wait3A_693 = tpu.memref_slice %arg6[%dma_wait3A_689, %dma_wait3A_692] : memref<2x2048xi32, #tpu.memory_space<vmem>> -> memref<1x128xi32, #tpu.memory_space<vmem>>
      %dma_wait3A_694 = tpu.memref_squeeze %dma_wait3A_693 : memref<1x128xi32, #tpu.memory_space<vmem>> -> memref<128xi32, #tpu.memory_space<vmem>>
      %dma_wait3A_695 = arith.constant 0 : i32
      %dma_wait3A_696 = tpu.memref_slice %arg2[%dma_wait3A_695] : memref<2146689xf32, #tpu.memory_space<hbm>> -> memref<2146689xf32, #tpu.memory_space<hbm>>
      tpu.wait_indirect_dma semaphore(%arg11 : memref<!tpu.dma_semaphore, #tpu.memory_space<semaphore_mem>>) src(%dma_wait3A_696 : memref<2146689xf32, #tpu.memory_space<hbm>>) dst(%dma_wait3A_691 : memref<128xf32, #tpu.memory_space<vmem>>)
      %dma_wait3A_697 = arith.constant 0 : i32
      %dma_wait3A_698 = arith.constant 1920 : i32
      %dma_wait3A_699 = tpu.memref_slice %arg8[%dma_wait3A_698] : memref<4096xf32, #tpu.memory_space<vmem>> -> memref<128xf32, #tpu.memory_space<vmem>>
      %dma_wait3A_700 = arith.constant 1920 : i32
      %dma_wait3A_701 = tpu.memref_slice %arg6[%dma_wait3A_697, %dma_wait3A_700] : memref<2x2048xi32, #tpu.memory_space<vmem>> -> memref<1x128xi32, #tpu.memory_space<vmem>>
      %dma_wait3A_702 = tpu.memref_squeeze %dma_wait3A_701 : memref<1x128xi32, #tpu.memory_space<vmem>> -> memref<128xi32, #tpu.memory_space<vmem>>
      %dma_wait3A_703 = arith.constant 0 : i32
      %dma_wait3A_704 = tpu.memref_slice %arg2[%dma_wait3A_703] : memref<2146689xf32, #tpu.memory_space<hbm>> -> memref<2146689xf32, #tpu.memory_space<hbm>>
      tpu.wait_indirect_dma semaphore(%arg11 : memref<!tpu.dma_semaphore, #tpu.memory_space<semaphore_mem>>) src(%dma_wait3A_704 : memref<2146689xf32, #tpu.memory_space<hbm>>) dst(%dma_wait3A_699 : memref<128xf32, #tpu.memory_space<vmem>>)
      %dma_wait3A_705 = arith.constant 1 : i32
      %dma_wait3A_706 = arith.constant 2048 : i32
      %dma_wait3A_707 = tpu.memref_slice %arg8[%dma_wait3A_706] : memref<4096xf32, #tpu.memory_space<vmem>> -> memref<128xf32, #tpu.memory_space<vmem>>
      %dma_wait3A_708 = arith.constant 0 : i32
      %dma_wait3A_709 = tpu.memref_slice %arg6[%dma_wait3A_705, %dma_wait3A_708] : memref<2x2048xi32, #tpu.memory_space<vmem>> -> memref<1x128xi32, #tpu.memory_space<vmem>>
      %dma_wait3A_710 = tpu.memref_squeeze %dma_wait3A_709 : memref<1x128xi32, #tpu.memory_space<vmem>> -> memref<128xi32, #tpu.memory_space<vmem>>
      %dma_wait3A_711 = arith.constant 0 : i32
      %dma_wait3A_712 = tpu.memref_slice %arg2[%dma_wait3A_711] : memref<2146689xf32, #tpu.memory_space<hbm>> -> memref<2146689xf32, #tpu.memory_space<hbm>>
      tpu.wait_indirect_dma semaphore(%arg11 : memref<!tpu.dma_semaphore, #tpu.memory_space<semaphore_mem>>) src(%dma_wait3A_712 : memref<2146689xf32, #tpu.memory_space<hbm>>) dst(%dma_wait3A_707 : memref<128xf32, #tpu.memory_space<vmem>>)
      %dma_wait3A_713 = arith.constant 1 : i32
      %dma_wait3A_714 = arith.constant 2176 : i32
      %dma_wait3A_715 = tpu.memref_slice %arg8[%dma_wait3A_714] : memref<4096xf32, #tpu.memory_space<vmem>> -> memref<128xf32, #tpu.memory_space<vmem>>
      %dma_wait3A_716 = arith.constant 128 : i32
      %dma_wait3A_717 = tpu.memref_slice %arg6[%dma_wait3A_713, %dma_wait3A_716] : memref<2x2048xi32, #tpu.memory_space<vmem>> -> memref<1x128xi32, #tpu.memory_space<vmem>>
      %dma_wait3A_718 = tpu.memref_squeeze %dma_wait3A_717 : memref<1x128xi32, #tpu.memory_space<vmem>> -> memref<128xi32, #tpu.memory_space<vmem>>
      %dma_wait3A_719 = arith.constant 0 : i32
      %dma_wait3A_720 = tpu.memref_slice %arg2[%dma_wait3A_719] : memref<2146689xf32, #tpu.memory_space<hbm>> -> memref<2146689xf32, #tpu.memory_space<hbm>>
      tpu.wait_indirect_dma semaphore(%arg11 : memref<!tpu.dma_semaphore, #tpu.memory_space<semaphore_mem>>) src(%dma_wait3A_720 : memref<2146689xf32, #tpu.memory_space<hbm>>) dst(%dma_wait3A_715 : memref<128xf32, #tpu.memory_space<vmem>>)
      %dma_wait3A_721 = arith.constant 1 : i32
      %dma_wait3A_722 = arith.constant 2304 : i32
      %dma_wait3A_723 = tpu.memref_slice %arg8[%dma_wait3A_722] : memref<4096xf32, #tpu.memory_space<vmem>> -> memref<128xf32, #tpu.memory_space<vmem>>
      %dma_wait3A_724 = arith.constant 256 : i32
      %dma_wait3A_725 = tpu.memref_slice %arg6[%dma_wait3A_721, %dma_wait3A_724] : memref<2x2048xi32, #tpu.memory_space<vmem>> -> memref<1x128xi32, #tpu.memory_space<vmem>>
      %dma_wait3A_726 = tpu.memref_squeeze %dma_wait3A_725 : memref<1x128xi32, #tpu.memory_space<vmem>> -> memref<128xi32, #tpu.memory_space<vmem>>
      %dma_wait3A_727 = arith.constant 0 : i32
      %dma_wait3A_728 = tpu.memref_slice %arg2[%dma_wait3A_727] : memref<2146689xf32, #tpu.memory_space<hbm>> -> memref<2146689xf32, #tpu.memory_space<hbm>>
      tpu.wait_indirect_dma semaphore(%arg11 : memref<!tpu.dma_semaphore, #tpu.memory_space<semaphore_mem>>) src(%dma_wait3A_728 : memref<2146689xf32, #tpu.memory_space<hbm>>) dst(%dma_wait3A_723 : memref<128xf32, #tpu.memory_space<vmem>>)
      %dma_wait3A_729 = arith.constant 1 : i32
      %dma_wait3A_730 = arith.constant 2432 : i32
      %dma_wait3A_731 = tpu.memref_slice %arg8[%dma_wait3A_730] : memref<4096xf32, #tpu.memory_space<vmem>> -> memref<128xf32, #tpu.memory_space<vmem>>
      %dma_wait3A_732 = arith.constant 384 : i32
      %dma_wait3A_733 = tpu.memref_slice %arg6[%dma_wait3A_729, %dma_wait3A_732] : memref<2x2048xi32, #tpu.memory_space<vmem>> -> memref<1x128xi32, #tpu.memory_space<vmem>>
      %dma_wait3A_734 = tpu.memref_squeeze %dma_wait3A_733 : memref<1x128xi32, #tpu.memory_space<vmem>> -> memref<128xi32, #tpu.memory_space<vmem>>
      %dma_wait3A_735 = arith.constant 0 : i32
      %dma_wait3A_736 = tpu.memref_slice %arg2[%dma_wait3A_735] : memref<2146689xf32, #tpu.memory_space<hbm>> -> memref<2146689xf32, #tpu.memory_space<hbm>>
      tpu.wait_indirect_dma semaphore(%arg11 : memref<!tpu.dma_semaphore, #tpu.memory_space<semaphore_mem>>) src(%dma_wait3A_736 : memref<2146689xf32, #tpu.memory_space<hbm>>) dst(%dma_wait3A_731 : memref<128xf32, #tpu.memory_space<vmem>>)
      %dma_wait3A_737 = arith.constant 1 : i32
      %dma_wait3A_738 = arith.constant 2560 : i32
      %dma_wait3A_739 = tpu.memref_slice %arg8[%dma_wait3A_738] : memref<4096xf32, #tpu.memory_space<vmem>> -> memref<128xf32, #tpu.memory_space<vmem>>
      %dma_wait3A_740 = arith.constant 512 : i32
      %dma_wait3A_741 = tpu.memref_slice %arg6[%dma_wait3A_737, %dma_wait3A_740] : memref<2x2048xi32, #tpu.memory_space<vmem>> -> memref<1x128xi32, #tpu.memory_space<vmem>>
      %dma_wait3A_742 = tpu.memref_squeeze %dma_wait3A_741 : memref<1x128xi32, #tpu.memory_space<vmem>> -> memref<128xi32, #tpu.memory_space<vmem>>
      %dma_wait3A_743 = arith.constant 0 : i32
      %dma_wait3A_744 = tpu.memref_slice %arg2[%dma_wait3A_743] : memref<2146689xf32, #tpu.memory_space<hbm>> -> memref<2146689xf32, #tpu.memory_space<hbm>>
      tpu.wait_indirect_dma semaphore(%arg11 : memref<!tpu.dma_semaphore, #tpu.memory_space<semaphore_mem>>) src(%dma_wait3A_744 : memref<2146689xf32, #tpu.memory_space<hbm>>) dst(%dma_wait3A_739 : memref<128xf32, #tpu.memory_space<vmem>>)
      %dma_wait3A_745 = arith.constant 1 : i32
      %dma_wait3A_746 = arith.constant 2688 : i32
      %dma_wait3A_747 = tpu.memref_slice %arg8[%dma_wait3A_746] : memref<4096xf32, #tpu.memory_space<vmem>> -> memref<128xf32, #tpu.memory_space<vmem>>
      %dma_wait3A_748 = arith.constant 640 : i32
      %dma_wait3A_749 = tpu.memref_slice %arg6[%dma_wait3A_745, %dma_wait3A_748] : memref<2x2048xi32, #tpu.memory_space<vmem>> -> memref<1x128xi32, #tpu.memory_space<vmem>>
      %dma_wait3A_750 = tpu.memref_squeeze %dma_wait3A_749 : memref<1x128xi32, #tpu.memory_space<vmem>> -> memref<128xi32, #tpu.memory_space<vmem>>
      %dma_wait3A_751 = arith.constant 0 : i32
      %dma_wait3A_752 = tpu.memref_slice %arg2[%dma_wait3A_751] : memref<2146689xf32, #tpu.memory_space<hbm>> -> memref<2146689xf32, #tpu.memory_space<hbm>>
      tpu.wait_indirect_dma semaphore(%arg11 : memref<!tpu.dma_semaphore, #tpu.memory_space<semaphore_mem>>) src(%dma_wait3A_752 : memref<2146689xf32, #tpu.memory_space<hbm>>) dst(%dma_wait3A_747 : memref<128xf32, #tpu.memory_space<vmem>>)
      %dma_wait3A_753 = arith.constant 1 : i32
      %dma_wait3A_754 = arith.constant 2816 : i32
      %dma_wait3A_755 = tpu.memref_slice %arg8[%dma_wait3A_754] : memref<4096xf32, #tpu.memory_space<vmem>> -> memref<128xf32, #tpu.memory_space<vmem>>
      %dma_wait3A_756 = arith.constant 768 : i32
      %dma_wait3A_757 = tpu.memref_slice %arg6[%dma_wait3A_753, %dma_wait3A_756] : memref<2x2048xi32, #tpu.memory_space<vmem>> -> memref<1x128xi32, #tpu.memory_space<vmem>>
      %dma_wait3A_758 = tpu.memref_squeeze %dma_wait3A_757 : memref<1x128xi32, #tpu.memory_space<vmem>> -> memref<128xi32, #tpu.memory_space<vmem>>
      %dma_wait3A_759 = arith.constant 0 : i32
      %dma_wait3A_760 = tpu.memref_slice %arg2[%dma_wait3A_759] : memref<2146689xf32, #tpu.memory_space<hbm>> -> memref<2146689xf32, #tpu.memory_space<hbm>>
      tpu.wait_indirect_dma semaphore(%arg11 : memref<!tpu.dma_semaphore, #tpu.memory_space<semaphore_mem>>) src(%dma_wait3A_760 : memref<2146689xf32, #tpu.memory_space<hbm>>) dst(%dma_wait3A_755 : memref<128xf32, #tpu.memory_space<vmem>>)
      %dma_wait3A_761 = arith.constant 1 : i32
      %dma_wait3A_762 = arith.constant 2944 : i32
      %dma_wait3A_763 = tpu.memref_slice %arg8[%dma_wait3A_762] : memref<4096xf32, #tpu.memory_space<vmem>> -> memref<128xf32, #tpu.memory_space<vmem>>
      %dma_wait3A_764 = arith.constant 896 : i32
      %dma_wait3A_765 = tpu.memref_slice %arg6[%dma_wait3A_761, %dma_wait3A_764] : memref<2x2048xi32, #tpu.memory_space<vmem>> -> memref<1x128xi32, #tpu.memory_space<vmem>>
      %dma_wait3A_766 = tpu.memref_squeeze %dma_wait3A_765 : memref<1x128xi32, #tpu.memory_space<vmem>> -> memref<128xi32, #tpu.memory_space<vmem>>
      %dma_wait3A_767 = arith.constant 0 : i32
      %dma_wait3A_768 = tpu.memref_slice %arg2[%dma_wait3A_767] : memref<2146689xf32, #tpu.memory_space<hbm>> -> memref<2146689xf32, #tpu.memory_space<hbm>>
      tpu.wait_indirect_dma semaphore(%arg11 : memref<!tpu.dma_semaphore, #tpu.memory_space<semaphore_mem>>) src(%dma_wait3A_768 : memref<2146689xf32, #tpu.memory_space<hbm>>) dst(%dma_wait3A_763 : memref<128xf32, #tpu.memory_space<vmem>>)
      %dma_wait3A_769 = arith.constant 1 : i32
      %dma_wait3A_770 = arith.constant 3072 : i32
      %dma_wait3A_771 = tpu.memref_slice %arg8[%dma_wait3A_770] : memref<4096xf32, #tpu.memory_space<vmem>> -> memref<128xf32, #tpu.memory_space<vmem>>
      %dma_wait3A_772 = arith.constant 1024 : i32
      %dma_wait3A_773 = tpu.memref_slice %arg6[%dma_wait3A_769, %dma_wait3A_772] : memref<2x2048xi32, #tpu.memory_space<vmem>> -> memref<1x128xi32, #tpu.memory_space<vmem>>
      %dma_wait3A_774 = tpu.memref_squeeze %dma_wait3A_773 : memref<1x128xi32, #tpu.memory_space<vmem>> -> memref<128xi32, #tpu.memory_space<vmem>>
      %dma_wait3A_775 = arith.constant 0 : i32
      %dma_wait3A_776 = tpu.memref_slice %arg2[%dma_wait3A_775] : memref<2146689xf32, #tpu.memory_space<hbm>> -> memref<2146689xf32, #tpu.memory_space<hbm>>
      tpu.wait_indirect_dma semaphore(%arg11 : memref<!tpu.dma_semaphore, #tpu.memory_space<semaphore_mem>>) src(%dma_wait3A_776 : memref<2146689xf32, #tpu.memory_space<hbm>>) dst(%dma_wait3A_771 : memref<128xf32, #tpu.memory_space<vmem>>)
      %dma_wait3A_777 = arith.constant 1 : i32
      %dma_wait3A_778 = arith.constant 3200 : i32
      %dma_wait3A_779 = tpu.memref_slice %arg8[%dma_wait3A_778] : memref<4096xf32, #tpu.memory_space<vmem>> -> memref<128xf32, #tpu.memory_space<vmem>>
      %dma_wait3A_780 = arith.constant 1152 : i32
      %dma_wait3A_781 = tpu.memref_slice %arg6[%dma_wait3A_777, %dma_wait3A_780] : memref<2x2048xi32, #tpu.memory_space<vmem>> -> memref<1x128xi32, #tpu.memory_space<vmem>>
      %dma_wait3A_782 = tpu.memref_squeeze %dma_wait3A_781 : memref<1x128xi32, #tpu.memory_space<vmem>> -> memref<128xi32, #tpu.memory_space<vmem>>
      %dma_wait3A_783 = arith.constant 0 : i32
      %dma_wait3A_784 = tpu.memref_slice %arg2[%dma_wait3A_783] : memref<2146689xf32, #tpu.memory_space<hbm>> -> memref<2146689xf32, #tpu.memory_space<hbm>>
      tpu.wait_indirect_dma semaphore(%arg11 : memref<!tpu.dma_semaphore, #tpu.memory_space<semaphore_mem>>) src(%dma_wait3A_784 : memref<2146689xf32, #tpu.memory_space<hbm>>) dst(%dma_wait3A_779 : memref<128xf32, #tpu.memory_space<vmem>>)
      %dma_wait3A_785 = arith.constant 1 : i32
      %dma_wait3A_786 = arith.constant 3328 : i32
      %dma_wait3A_787 = tpu.memref_slice %arg8[%dma_wait3A_786] : memref<4096xf32, #tpu.memory_space<vmem>> -> memref<128xf32, #tpu.memory_space<vmem>>
      %dma_wait3A_788 = arith.constant 1280 : i32
      %dma_wait3A_789 = tpu.memref_slice %arg6[%dma_wait3A_785, %dma_wait3A_788] : memref<2x2048xi32, #tpu.memory_space<vmem>> -> memref<1x128xi32, #tpu.memory_space<vmem>>
      %dma_wait3A_790 = tpu.memref_squeeze %dma_wait3A_789 : memref<1x128xi32, #tpu.memory_space<vmem>> -> memref<128xi32, #tpu.memory_space<vmem>>
      %dma_wait3A_791 = arith.constant 0 : i32
      %dma_wait3A_792 = tpu.memref_slice %arg2[%dma_wait3A_791] : memref<2146689xf32, #tpu.memory_space<hbm>> -> memref<2146689xf32, #tpu.memory_space<hbm>>
      tpu.wait_indirect_dma semaphore(%arg11 : memref<!tpu.dma_semaphore, #tpu.memory_space<semaphore_mem>>) src(%dma_wait3A_792 : memref<2146689xf32, #tpu.memory_space<hbm>>) dst(%dma_wait3A_787 : memref<128xf32, #tpu.memory_space<vmem>>)
      %dma_wait3A_793 = arith.constant 1 : i32
      %dma_wait3A_794 = arith.constant 3456 : i32
      %dma_wait3A_795 = tpu.memref_slice %arg8[%dma_wait3A_794] : memref<4096xf32, #tpu.memory_space<vmem>> -> memref<128xf32, #tpu.memory_space<vmem>>
      %dma_wait3A_796 = arith.constant 1408 : i32
      %dma_wait3A_797 = tpu.memref_slice %arg6[%dma_wait3A_793, %dma_wait3A_796] : memref<2x2048xi32, #tpu.memory_space<vmem>> -> memref<1x128xi32, #tpu.memory_space<vmem>>
      %dma_wait3A_798 = tpu.memref_squeeze %dma_wait3A_797 : memref<1x128xi32, #tpu.memory_space<vmem>> -> memref<128xi32, #tpu.memory_space<vmem>>
      %dma_wait3A_799 = arith.constant 0 : i32
      %dma_wait3A_800 = tpu.memref_slice %arg2[%dma_wait3A_799] : memref<2146689xf32, #tpu.memory_space<hbm>> -> memref<2146689xf32, #tpu.memory_space<hbm>>
      tpu.wait_indirect_dma semaphore(%arg11 : memref<!tpu.dma_semaphore, #tpu.memory_space<semaphore_mem>>) src(%dma_wait3A_800 : memref<2146689xf32, #tpu.memory_space<hbm>>) dst(%dma_wait3A_795 : memref<128xf32, #tpu.memory_space<vmem>>)
      %dma_wait3A_801 = arith.constant 1 : i32
      %dma_wait3A_802 = arith.constant 3584 : i32
      %dma_wait3A_803 = tpu.memref_slice %arg8[%dma_wait3A_802] : memref<4096xf32, #tpu.memory_space<vmem>> -> memref<128xf32, #tpu.memory_space<vmem>>
      %dma_wait3A_804 = arith.constant 1536 : i32
      %dma_wait3A_805 = tpu.memref_slice %arg6[%dma_wait3A_801, %dma_wait3A_804] : memref<2x2048xi32, #tpu.memory_space<vmem>> -> memref<1x128xi32, #tpu.memory_space<vmem>>
      %dma_wait3A_806 = tpu.memref_squeeze %dma_wait3A_805 : memref<1x128xi32, #tpu.memory_space<vmem>> -> memref<128xi32, #tpu.memory_space<vmem>>
      %dma_wait3A_807 = arith.constant 0 : i32
      %dma_wait3A_808 = tpu.memref_slice %arg2[%dma_wait3A_807] : memref<2146689xf32, #tpu.memory_space<hbm>> -> memref<2146689xf32, #tpu.memory_space<hbm>>
      tpu.wait_indirect_dma semaphore(%arg11 : memref<!tpu.dma_semaphore, #tpu.memory_space<semaphore_mem>>) src(%dma_wait3A_808 : memref<2146689xf32, #tpu.memory_space<hbm>>) dst(%dma_wait3A_803 : memref<128xf32, #tpu.memory_space<vmem>>)
      %dma_wait3A_809 = arith.constant 1 : i32
      %dma_wait3A_810 = arith.constant 3712 : i32
      %dma_wait3A_811 = tpu.memref_slice %arg8[%dma_wait3A_810] : memref<4096xf32, #tpu.memory_space<vmem>> -> memref<128xf32, #tpu.memory_space<vmem>>
      %dma_wait3A_812 = arith.constant 1664 : i32
      %dma_wait3A_813 = tpu.memref_slice %arg6[%dma_wait3A_809, %dma_wait3A_812] : memref<2x2048xi32, #tpu.memory_space<vmem>> -> memref<1x128xi32, #tpu.memory_space<vmem>>
      %dma_wait3A_814 = tpu.memref_squeeze %dma_wait3A_813 : memref<1x128xi32, #tpu.memory_space<vmem>> -> memref<128xi32, #tpu.memory_space<vmem>>
      %dma_wait3A_815 = arith.constant 0 : i32
      %dma_wait3A_816 = tpu.memref_slice %arg2[%dma_wait3A_815] : memref<2146689xf32, #tpu.memory_space<hbm>> -> memref<2146689xf32, #tpu.memory_space<hbm>>
      tpu.wait_indirect_dma semaphore(%arg11 : memref<!tpu.dma_semaphore, #tpu.memory_space<semaphore_mem>>) src(%dma_wait3A_816 : memref<2146689xf32, #tpu.memory_space<hbm>>) dst(%dma_wait3A_811 : memref<128xf32, #tpu.memory_space<vmem>>)
      %dma_wait3A_817 = arith.constant 1 : i32
      %dma_wait3A_818 = arith.constant 3840 : i32
      %dma_wait3A_819 = tpu.memref_slice %arg8[%dma_wait3A_818] : memref<4096xf32, #tpu.memory_space<vmem>> -> memref<128xf32, #tpu.memory_space<vmem>>
      %dma_wait3A_820 = arith.constant 1792 : i32
      %dma_wait3A_821 = tpu.memref_slice %arg6[%dma_wait3A_817, %dma_wait3A_820] : memref<2x2048xi32, #tpu.memory_space<vmem>> -> memref<1x128xi32, #tpu.memory_space<vmem>>
      %dma_wait3A_822 = tpu.memref_squeeze %dma_wait3A_821 : memref<1x128xi32, #tpu.memory_space<vmem>> -> memref<128xi32, #tpu.memory_space<vmem>>
      %dma_wait3A_823 = arith.constant 0 : i32
      %dma_wait3A_824 = tpu.memref_slice %arg2[%dma_wait3A_823] : memref<2146689xf32, #tpu.memory_space<hbm>> -> memref<2146689xf32, #tpu.memory_space<hbm>>
      tpu.wait_indirect_dma semaphore(%arg11 : memref<!tpu.dma_semaphore, #tpu.memory_space<semaphore_mem>>) src(%dma_wait3A_824 : memref<2146689xf32, #tpu.memory_space<hbm>>) dst(%dma_wait3A_819 : memref<128xf32, #tpu.memory_space<vmem>>)
      %dma_wait3A_825 = arith.constant 1 : i32
      %dma_wait3A_826 = arith.constant 3968 : i32
      %dma_wait3A_827 = tpu.memref_slice %arg8[%dma_wait3A_826] : memref<4096xf32, #tpu.memory_space<vmem>> -> memref<128xf32, #tpu.memory_space<vmem>>
      %dma_wait3A_828 = arith.constant 1920 : i32
      %dma_wait3A_829 = tpu.memref_slice %arg6[%dma_wait3A_825, %dma_wait3A_828] : memref<2x2048xi32, #tpu.memory_space<vmem>> -> memref<1x128xi32, #tpu.memory_space<vmem>>
      %dma_wait3A_830 = tpu.memref_squeeze %dma_wait3A_829 : memref<1x128xi32, #tpu.memory_space<vmem>> -> memref<128xi32, #tpu.memory_space<vmem>>
      %dma_wait3A_831 = arith.constant 0 : i32
      %dma_wait3A_832 = tpu.memref_slice %arg2[%dma_wait3A_831] : memref<2146689xf32, #tpu.memory_space<hbm>> -> memref<2146689xf32, #tpu.memory_space<hbm>>
      tpu.wait_indirect_dma semaphore(%arg11 : memref<!tpu.dma_semaphore, #tpu.memory_space<semaphore_mem>>) src(%dma_wait3A_832 : memref<2146689xf32, #tpu.memory_space<hbm>>) dst(%dma_wait3A_827 : memref<128xf32, #tpu.memory_space<vmem>>)
      %scan3A_833 = arith.constant 0 : i32
      %scan3A_834 = arith.constant 128 : i32
      %scan3A_835 = arith.addi %scan3A_833, %scan3A_834 : i32
      %scan3A_836 = arith.constant 1 : i32
      %scan3A_837:2 = scf.for %scan3A_839 = %scan3A_833 to %scan3A_835 step %scan3A_836 iter_args(%scan3A_840 = %scan3A_569#0, %scan3A_841 = %scan3A_569#1) -> (vector<16xf32>, vector<16xf32>)  : i32 {
        %mul3A_842 = arith.constant 16 : i32
        %mul3A_843 = arith.muli %scan3A_839, %mul3A_842 : i32
        %get3A = arith.index_cast %mul3A_843 : i32 to index
        %get3A_844 = tpu.vector_load %arg8[%get3A] {strides = array<i32>} : memref<4096xf32, #tpu.memory_space<vmem>>, vector<16xf32>,
        %add3A_845 = arith.constant 2048 : i32
        %add3A_846 = arith.addi %add3A_845, %mul3A_843 : i32
        %get3A_847 = arith.index_cast %add3A_846 : i32 to index
        %get3A_848 = tpu.vector_load %arg8[%get3A_847] {strides = array<i32>} : memref<4096xf32, #tpu.memory_space<vmem>>, vector<16xf32>,
        %gt3A_849 = arith.constant 0.000000e+00 : f32
        %gt3A_850 = vector.broadcast %gt3A_849 : f32 to vector<16xf32>
        %gt3A_851 = arith.cmpf ogt, %get3A_844, %gt3A_850 : vector<16xf32>
        %gt3A_852 = arith.constant 0.000000e+00 : f32
        %gt3A_853 = vector.broadcast %gt3A_852 : f32 to vector<16xf32>
        %gt3A_854 = arith.cmpf ogt, %get3A_848, %gt3A_853 : vector<16xf32>
        %lt3A_855 = arith.constant 0.000000e+00 : f32
        %lt3A_856 = vector.broadcast %lt3A_855 : f32 to vector<16xf32>
        %lt3A_857 = arith.cmpf olt, %get3A_844, %lt3A_856 : vector<16xf32>
        %lt3A_858 = arith.constant 0.000000e+00 : f32
        %lt3A_859 = vector.broadcast %lt3A_858 : f32 to vector<16xf32>
        %lt3A_860 = arith.cmpf olt, %get3A_848, %lt3A_859 : vector<16xf32>
        %ne3A = arith.xori %gt3A_851, %gt3A_854 : vector<16xi1>
        %ne3A_861 = arith.xori %lt3A_857, %lt3A_860 : vector<16xi1>
        %or3A = arith.ori %ne3A, %ne3A_861 : vector<16xi1>
        %jit3A_862 = arith.constant 1.000000e+00 : f32
        %jit3A_863 = arith.constant 0.000000e+00 : f32
        %broadcast_in_dim3A_864 = vector.broadcast %jit3A_862 : f32 to vector<16xf32>
        %broadcast_in_dim3A_865 = vector.broadcast %jit3A_863 : f32 to vector<16xf32>
        %select_n3A_866 = arith.select %or3A, %broadcast_in_dim3A_864, %broadcast_in_dim3A_865 : vector<16xi1>, vector<16xf32>
        %jit3A_867 = arith.constant 1.000000e+00 : f32
        %jit3A_868 = arith.constant 0.000000e+00 : f32
        %broadcast_in_dim3A_869 = vector.broadcast %jit3A_867 : f32 to vector<16xf32>
        %broadcast_in_dim3A_870 = vector.broadcast %jit3A_868 : f32 to vector<16xf32>
        %select_n3A_871 = arith.select %gt3A_854, %broadcast_in_dim3A_869, %broadcast_in_dim3A_870 : vector<16xi1>, vector<16xf32>
        %jit3A_872 = arith.constant 1.000000e+00 : f32
        %jit3A_873 = arith.constant 0.000000e+00 : f32
        %broadcast_in_dim3A_874 = vector.broadcast %jit3A_872 : f32 to vector<16xf32>
        %broadcast_in_dim3A_875 = vector.broadcast %jit3A_873 : f32 to vector<16xf32>
        %select_n3A_876 = arith.select %gt3A_851, %broadcast_in_dim3A_874, %broadcast_in_dim3A_875 : vector<16xi1>, vector<16xf32>
        %max3A = arith.constant 0.000000e+00 : f32
        %max3A_877 = vector.broadcast %max3A : f32 to vector<16xf32>
        %max3A_878 = arith.maximumf %get3A_844, %max3A_877 : vector<16xf32>
        %mul3A_879 = arith.mulf %get3A_844, %select_n3A_871 : vector<16xf32>
        %sub3A = arith.subf %max3A_878, %mul3A_879 : vector<16xf32>
        %abs3A = math.absf %get3A_844 : vector<16xf32>
        %neg3A = arith.constant 0.000000e+00 : f32
        %neg3A_880 = vector.broadcast %neg3A : f32 to vector<16xf32>
        %neg3A_881 = arith.subf %neg3A_880, %abs3A : vector<16xf32>
        %exp3A = math.exp %neg3A_881 : vector<16xf32>
        %add3A_882 = arith.constant 2.000000e+00 : f32
        %add3A_883 = vector.broadcast %add3A_882 : f32 to vector<16xf32>
        %add3A_884 = arith.addf %exp3A, %add3A_883 : vector<16xf32>
        %div3A = arith.divf %exp3A, %add3A_884 : vector<16xf32>
        %mul3A_885 = arith.mulf %div3A, %div3A : vector<16xf32>
        %mul3A_886 = arith.constant 0.111111112 : f32
        %mul3A_887 = vector.broadcast %mul3A_886 : f32 to vector<16xf32>
        %mul3A_888 = arith.mulf %mul3A_885, %mul3A_887 : vector<16xf32>
        %add3A_889 = arith.constant 0.142857149 : f32
        %add3A_890 = vector.broadcast %add3A_889 : f32 to vector<16xf32>
        %add3A_891 = arith.addf %add3A_890, %mul3A_888 : vector<16xf32>
        %mul3A_892 = arith.mulf %mul3A_885, %add3A_891 : vector<16xf32>
        %add3A_893 = arith.constant 2.000000e-01 : f32
        %add3A_894 = vector.broadcast %add3A_893 : f32 to vector<16xf32>
        %add3A_895 = arith.addf %add3A_894, %mul3A_892 : vector<16xf32>
        %mul3A_896 = arith.mulf %mul3A_885, %add3A_895 : vector<16xf32>
        %add3A_897 = arith.constant 0.333333343 : f32
        %add3A_898 = vector.broadcast %add3A_897 : f32 to vector<16xf32>
        %add3A_899 = arith.addf %add3A_898, %mul3A_896 : vector<16xf32>
        %mul3A_900 = arith.mulf %mul3A_885, %add3A_899 : vector<16xf32>
        %add3A_901 = arith.constant 1.000000e+00 : f32
        %add3A_902 = vector.broadcast %add3A_901 : f32 to vector<16xf32>
        %add3A_903 = arith.addf %add3A_902, %mul3A_900 : vector<16xf32>
        %mul3A_904 = arith.constant 2.000000e+00 : f32
        %mul3A_905 = vector.broadcast %mul3A_904 : f32 to vector<16xf32>
        %mul3A_906 = arith.mulf %mul3A_905, %div3A : vector<16xf32>
        %mul3A_907 = arith.mulf %mul3A_906, %add3A_903 : vector<16xf32>
        %add3A_908 = arith.addf %sub3A, %mul3A_907 : vector<16xf32>
        %max3A_909 = arith.constant 0.000000e+00 : f32
        %max3A_910 = vector.broadcast %max3A_909 : f32 to vector<16xf32>
        %max3A_911 = arith.maximumf %get3A_848, %max3A_910 : vector<16xf32>
        %add3A_912 = arith.addf %add3A_908, %max3A_911 : vector<16xf32>
        %mul3A_913 = arith.mulf %get3A_848, %select_n3A_876 : vector<16xf32>
        %sub3A_914 = arith.subf %add3A_912, %mul3A_913 : vector<16xf32>
        %abs3A_915 = math.absf %get3A_848 : vector<16xf32>
        %neg3A_916 = arith.constant 0.000000e+00 : f32
        %neg3A_917 = vector.broadcast %neg3A_916 : f32 to vector<16xf32>
        %neg3A_918 = arith.subf %neg3A_917, %abs3A_915 : vector<16xf32>
        %exp3A_919 = math.exp %neg3A_918 : vector<16xf32>
        %add3A_920 = arith.constant 2.000000e+00 : f32
        %add3A_921 = vector.broadcast %add3A_920 : f32 to vector<16xf32>
        %add3A_922 = arith.addf %exp3A_919, %add3A_921 : vector<16xf32>
        %div3A_923 = arith.divf %exp3A_919, %add3A_922 : vector<16xf32>
        %mul3A_924 = arith.mulf %div3A_923, %div3A_923 : vector<16xf32>
        %mul3A_925 = arith.constant 0.111111112 : f32
        %mul3A_926 = vector.broadcast %mul3A_925 : f32 to vector<16xf32>
        %mul3A_927 = arith.mulf %mul3A_924, %mul3A_926 : vector<16xf32>
        %add3A_928 = arith.constant 0.142857149 : f32
        %add3A_929 = vector.broadcast %add3A_928 : f32 to vector<16xf32>
        %add3A_930 = arith.addf %add3A_929, %mul3A_927 : vector<16xf32>
        %mul3A_931 = arith.mulf %mul3A_924, %add3A_930 : vector<16xf32>
        %add3A_932 = arith.constant 2.000000e-01 : f32
        %add3A_933 = vector.broadcast %add3A_932 : f32 to vector<16xf32>
        %add3A_934 = arith.addf %add3A_933, %mul3A_931 : vector<16xf32>
        %mul3A_935 = arith.mulf %mul3A_924, %add3A_934 : vector<16xf32>
        %add3A_936 = arith.constant 0.333333343 : f32
        %add3A_937 = vector.broadcast %add3A_936 : f32 to vector<16xf32>
        %add3A_938 = arith.addf %add3A_937, %mul3A_935 : vector<16xf32>
        %mul3A_939 = arith.mulf %mul3A_924, %add3A_938 : vector<16xf32>
        %add3A_940 = arith.constant 1.000000e+00 : f32
        %add3A_941 = vector.broadcast %add3A_940 : f32 to vector<16xf32>
        %add3A_942 = arith.addf %add3A_941, %mul3A_939 : vector<16xf32>
        %mul3A_943 = arith.constant 2.000000e+00 : f32
        %mul3A_944 = vector.broadcast %mul3A_943 : f32 to vector<16xf32>
        %mul3A_945 = arith.mulf %mul3A_944, %div3A_923 : vector<16xf32>
        %mul3A_946 = arith.mulf %mul3A_945, %add3A_942 : vector<16xf32>
        %add3A_947 = arith.addf %sub3A_914, %mul3A_946 : vector<16xf32>
        %mul3A_948 = arith.mulf %add3A_947, %select_n3A_866 : vector<16xf32>
        %add3A_949 = arith.addf %scan3A_840, %mul3A_948 : vector<16xf32>
        %add3A_950 = arith.addf %scan3A_841, %select_n3A_866 : vector<16xf32>
        scf.yield %add3A_949, %add3A_950 : vector<16xf32>, vector<16xf32>
      }
      %scan3A_838 = arith.constant 128 : i32
      scf.yield %scan3A_837#0, %scan3A_837#1 : vector<16xf32>, vector<16xf32>
    }
    %eq3A = arith.constant 0 : i32
    %eq3A_24 = arith.cmpi eq, %add3A, %eq3A : i32
    %jit3A_25 = arith.constant 1 : i32
    %jit3A_26 = arith.constant 0 : i32
    %select_n3A_27 = arith.select %eq3A_24, %jit3A_25, %jit3A_26 : i32
    %while3A_28 = arith.constant 0 : i32
    %while3A_29 = arith.subi %select_n3A_27, %while3A_28 : i32
    %while3A_30 = arith.addi %while3A_28, %while3A_29 : i32
    %while3A_31 = arith.constant 1 : i32
    %while3A_32 = arith.divsi %while3A_29, %while3A_31 : i32
    %while3A_33 = arith.muli %while3A_32, %while3A_31 : i32
    %while3A_34 = arith.addi %while3A_28, %while3A_33 : i32
    %while3A_35 = arith.constant 1 : i32
    %while3A_36:2 = scf.for %while3A_46 = %while3A_28 to %while3A_34 step %while3A_35 iter_args(%while3A_47 = %while3A_23#0, %while3A_48 = %while3A_23#1) -> (vector<16xf32>, vector<16xf32>)  : i32 {
      "tpu.region"() ({
        %run_scoped3A = tpu.sem_alloc : memref<!tpu.dma_semaphore, #tpu.memory_space<semaphore_mem>>
        %dma_start3A_148 = arith.constant 0 : i32
        %dma_start3A_149 = arith.constant 0 : i32
        %dma_start3A_150 = tpu.memref_slice %arg5[%dma_start3A_148, %dma_start3A_149] : memref<2x2048xi32, #tpu.memory_space<vmem>> -> memref<2x384xi32, #tpu.memory_space<vmem>>
        %dma_start3A_151 = arith.constant 0 : i32
        %dma_start3A_152 = arith.constant 6389760 : i32
        %dma_start3A_153 = tpu.memref_slice %arg3[%dma_start3A_151, %dma_start3A_152] : memref<2x6390144xi32, #tpu.memory_space<hbm>> -> memref<2x384xi32, #tpu.memory_space<hbm>>
        %dma_start3A_154 = arith.constant 0 : i32
        %dma_start3A_155 = arith.constant 0 : i32
        %dma_start3A_156 = tpu.memref_slice %arg5[%dma_start3A_154, %dma_start3A_155] : memref<2x2048xi32, #tpu.memory_space<vmem>> -> memref<2x384xi32, #tpu.memory_space<vmem>>
        %dma_start3A_157 = arith.constant 0 : i32
        %dma_start3A_158 = arith.constant 6389760 : i32
        %dma_start3A_159 = tpu.memref_slice %arg3[%dma_start3A_157, %dma_start3A_158] : memref<2x6390144xi32, #tpu.memory_space<hbm>> -> memref<2x384xi32, #tpu.memory_space<hbm>>
        tpu.enqueue_dma source(%dma_start3A_159 : memref<2x384xi32, #tpu.memory_space<hbm>>) target(%dma_start3A_156 : memref<2x384xi32, #tpu.memory_space<vmem>>) target_semaphore(%run_scoped3A : memref<!tpu.dma_semaphore, #tpu.memory_space<semaphore_mem>>)
        %dma_wait3A_160 = arith.constant 0 : i32
        %dma_wait3A_161 = arith.constant 0 : i32
        %dma_wait3A_162 = tpu.memref_slice %arg5[%dma_wait3A_160, %dma_wait3A_161] : memref<2x2048xi32, #tpu.memory_space<vmem>> -> memref<2x384xi32, #tpu.memory_space<vmem>>
        %dma_wait3A_163 = arith.constant 0 : i32
        %dma_wait3A_164 = arith.constant 6389760 : i32
        %dma_wait3A_165 = tpu.memref_slice %arg3[%dma_wait3A_163, %dma_wait3A_164] : memref<2x6390144xi32, #tpu.memory_space<hbm>> -> memref<2x384xi32, #tpu.memory_space<hbm>>
        %dma_wait3A_166 = arith.constant 0 : i32
        %dma_wait3A_167 = arith.constant 0 : i32
        %dma_wait3A_168 = tpu.memref_slice %arg5[%dma_wait3A_166, %dma_wait3A_167] : memref<2x2048xi32, #tpu.memory_space<vmem>> -> memref<2x384xi32, #tpu.memory_space<vmem>>
        %dma_wait3A_169 = arith.constant 0 : i32
        %dma_wait3A_170 = arith.constant 6389760 : i32
        %dma_wait3A_171 = tpu.memref_slice %arg3[%dma_wait3A_169, %dma_wait3A_170] : memref<2x6390144xi32, #tpu.memory_space<hbm>> -> memref<2x384xi32, #tpu.memory_space<hbm>>
        tpu.wait_dma2 semaphore(%run_scoped3A : memref<!tpu.dma_semaphore, #tpu.memory_space<semaphore_mem>>) src(%dma_wait3A_171 : memref<2x384xi32, #tpu.memory_space<hbm>>) dst(%dma_wait3A_168 : memref<2x384xi32, #tpu.memory_space<vmem>>)
        tpu.yield
      }) : () -> ()
      %dma_start3A = arith.constant 0 : i32
      %dma_start3A_49 = arith.constant 0 : i32
      %dma_start3A_50 = tpu.memref_slice %arg7[%dma_start3A_49] : memref<4096xf32, #tpu.memory_space<vmem>> -> memref<128xf32, #tpu.memory_space<vmem>>
      %dma_start3A_51 = arith.constant 0 : i32
      %dma_start3A_52 = tpu.memref_slice %arg5[%dma_start3A, %dma_start3A_51] : memref<2x2048xi32, #tpu.memory_space<vmem>> -> memref<1x128xi32, #tpu.memory_space<vmem>>
      %dma_start3A_53 = tpu.memref_squeeze %dma_start3A_52 : memref<1x128xi32, #tpu.memory_space<vmem>> -> memref<128xi32, #tpu.memory_space<vmem>>
      %dma_start3A_54 = arith.constant 0 : i32
      %dma_start3A_55 = tpu.memref_slice %arg2[%dma_start3A_54] : memref<2146689xf32, #tpu.memory_space<hbm>> -> memref<2146689xf32, #tpu.memory_space<hbm>>
      tpu.enqueue_indirect_dma source(%dma_start3A_55 : memref<2146689xf32, #tpu.memory_space<hbm>>) target(%dma_start3A_50 : memref<128xf32, #tpu.memory_space<vmem>>) offsets(%dma_start3A_53 : memref<128xi32, #tpu.memory_space<vmem>>) semaphore(%arg10 : memref<!tpu.dma_semaphore, #tpu.memory_space<semaphore_mem>>)
      %dma_start3A_56 = arith.constant 0 : i32
      %dma_start3A_57 = arith.constant 128 : i32
      %dma_start3A_58 = tpu.memref_slice %arg7[%dma_start3A_57] : memref<4096xf32, #tpu.memory_space<vmem>> -> memref<128xf32, #tpu.memory_space<vmem>>
      %dma_start3A_59 = arith.constant 128 : i32
      %dma_start3A_60 = tpu.memref_slice %arg5[%dma_start3A_56, %dma_start3A_59] : memref<2x2048xi32, #tpu.memory_space<vmem>> -> memref<1x128xi32, #tpu.memory_space<vmem>>
      %dma_start3A_61 = tpu.memref_squeeze %dma_start3A_60 : memref<1x128xi32, #tpu.memory_space<vmem>> -> memref<128xi32, #tpu.memory_space<vmem>>
      %dma_start3A_62 = arith.constant 0 : i32
      %dma_start3A_63 = tpu.memref_slice %arg2[%dma_start3A_62] : memref<2146689xf32, #tpu.memory_space<hbm>> -> memref<2146689xf32, #tpu.memory_space<hbm>>
      tpu.enqueue_indirect_dma source(%dma_start3A_63 : memref<2146689xf32, #tpu.memory_space<hbm>>) target(%dma_start3A_58 : memref<128xf32, #tpu.memory_space<vmem>>) offsets(%dma_start3A_61 : memref<128xi32, #tpu.memory_space<vmem>>) semaphore(%arg10 : memref<!tpu.dma_semaphore, #tpu.memory_space<semaphore_mem>>)
      %dma_start3A_64 = arith.constant 0 : i32
      %dma_start3A_65 = arith.constant 256 : i32
      %dma_start3A_66 = tpu.memref_slice %arg7[%dma_start3A_65] : memref<4096xf32, #tpu.memory_space<vmem>> -> memref<128xf32, #tpu.memory_space<vmem>>
      %dma_start3A_67 = arith.constant 256 : i32
      %dma_start3A_68 = tpu.memref_slice %arg5[%dma_start3A_64, %dma_start3A_67] : memref<2x2048xi32, #tpu.memory_space<vmem>> -> memref<1x128xi32, #tpu.memory_space<vmem>>
      %dma_start3A_69 = tpu.memref_squeeze %dma_start3A_68 : memref<1x128xi32, #tpu.memory_space<vmem>> -> memref<128xi32, #tpu.memory_space<vmem>>
      %dma_start3A_70 = arith.constant 0 : i32
      %dma_start3A_71 = tpu.memref_slice %arg2[%dma_start3A_70] : memref<2146689xf32, #tpu.memory_space<hbm>> -> memref<2146689xf32, #tpu.memory_space<hbm>>
      tpu.enqueue_indirect_dma source(%dma_start3A_71 : memref<2146689xf32, #tpu.memory_space<hbm>>) target(%dma_start3A_66 : memref<128xf32, #tpu.memory_space<vmem>>) offsets(%dma_start3A_69 : memref<128xi32, #tpu.memory_space<vmem>>) semaphore(%arg10 : memref<!tpu.dma_semaphore, #tpu.memory_space<semaphore_mem>>)
      %dma_start3A_72 = arith.constant 1 : i32
      %dma_start3A_73 = arith.constant 2048 : i32
      %dma_start3A_74 = tpu.memref_slice %arg7[%dma_start3A_73] : memref<4096xf32, #tpu.memory_space<vmem>> -> memref<128xf32, #tpu.memory_space<vmem>>
      %dma_start3A_75 = arith.constant 0 : i32
      %dma_start3A_76 = tpu.memref_slice %arg5[%dma_start3A_72, %dma_start3A_75] : memref<2x2048xi32, #tpu.memory_space<vmem>> -> memref<1x128xi32, #tpu.memory_space<vmem>>
      %dma_start3A_77 = tpu.memref_squeeze %dma_start3A_76 : memref<1x128xi32, #tpu.memory_space<vmem>> -> memref<128xi32, #tpu.memory_space<vmem>>
      %dma_start3A_78 = arith.constant 0 : i32
      %dma_start3A_79 = tpu.memref_slice %arg2[%dma_start3A_78] : memref<2146689xf32, #tpu.memory_space<hbm>> -> memref<2146689xf32, #tpu.memory_space<hbm>>
      tpu.enqueue_indirect_dma source(%dma_start3A_79 : memref<2146689xf32, #tpu.memory_space<hbm>>) target(%dma_start3A_74 : memref<128xf32, #tpu.memory_space<vmem>>) offsets(%dma_start3A_77 : memref<128xi32, #tpu.memory_space<vmem>>) semaphore(%arg10 : memref<!tpu.dma_semaphore, #tpu.memory_space<semaphore_mem>>)
      %dma_start3A_80 = arith.constant 1 : i32
      %dma_start3A_81 = arith.constant 2176 : i32
      %dma_start3A_82 = tpu.memref_slice %arg7[%dma_start3A_81] : memref<4096xf32, #tpu.memory_space<vmem>> -> memref<128xf32, #tpu.memory_space<vmem>>
      %dma_start3A_83 = arith.constant 128 : i32
      %dma_start3A_84 = tpu.memref_slice %arg5[%dma_start3A_80, %dma_start3A_83] : memref<2x2048xi32, #tpu.memory_space<vmem>> -> memref<1x128xi32, #tpu.memory_space<vmem>>
      %dma_start3A_85 = tpu.memref_squeeze %dma_start3A_84 : memref<1x128xi32, #tpu.memory_space<vmem>> -> memref<128xi32, #tpu.memory_space<vmem>>
      %dma_start3A_86 = arith.constant 0 : i32
      %dma_start3A_87 = tpu.memref_slice %arg2[%dma_start3A_86] : memref<2146689xf32, #tpu.memory_space<hbm>> -> memref<2146689xf32, #tpu.memory_space<hbm>>
      tpu.enqueue_indirect_dma source(%dma_start3A_87 : memref<2146689xf32, #tpu.memory_space<hbm>>) target(%dma_start3A_82 : memref<128xf32, #tpu.memory_space<vmem>>) offsets(%dma_start3A_85 : memref<128xi32, #tpu.memory_space<vmem>>) semaphore(%arg10 : memref<!tpu.dma_semaphore, #tpu.memory_space<semaphore_mem>>)
      %dma_start3A_88 = arith.constant 1 : i32
      %dma_start3A_89 = arith.constant 2304 : i32
      %dma_start3A_90 = tpu.memref_slice %arg7[%dma_start3A_89] : memref<4096xf32, #tpu.memory_space<vmem>> -> memref<128xf32, #tpu.memory_space<vmem>>
      %dma_start3A_91 = arith.constant 256 : i32
      %dma_start3A_92 = tpu.memref_slice %arg5[%dma_start3A_88, %dma_start3A_91] : memref<2x2048xi32, #tpu.memory_space<vmem>> -> memref<1x128xi32, #tpu.memory_space<vmem>>
      %dma_start3A_93 = tpu.memref_squeeze %dma_start3A_92 : memref<1x128xi32, #tpu.memory_space<vmem>> -> memref<128xi32, #tpu.memory_space<vmem>>
      %dma_start3A_94 = arith.constant 0 : i32
      %dma_start3A_95 = tpu.memref_slice %arg2[%dma_start3A_94] : memref<2146689xf32, #tpu.memory_space<hbm>> -> memref<2146689xf32, #tpu.memory_space<hbm>>
      tpu.enqueue_indirect_dma source(%dma_start3A_95 : memref<2146689xf32, #tpu.memory_space<hbm>>) target(%dma_start3A_90 : memref<128xf32, #tpu.memory_space<vmem>>) offsets(%dma_start3A_93 : memref<128xi32, #tpu.memory_space<vmem>>) semaphore(%arg10 : memref<!tpu.dma_semaphore, #tpu.memory_space<semaphore_mem>>)
      %dma_wait3A = arith.constant 0 : i32
      %dma_wait3A_96 = arith.constant 0 : i32
      %dma_wait3A_97 = tpu.memref_slice %arg7[%dma_wait3A_96] : memref<4096xf32, #tpu.memory_space<vmem>> -> memref<128xf32, #tpu.memory_space<vmem>>
      %dma_wait3A_98 = arith.constant 0 : i32
      %dma_wait3A_99 = tpu.memref_slice %arg5[%dma_wait3A, %dma_wait3A_98] : memref<2x2048xi32, #tpu.memory_space<vmem>> -> memref<1x128xi32, #tpu.memory_space<vmem>>
      %dma_wait3A_100 = tpu.memref_squeeze %dma_wait3A_99 : memref<1x128xi32, #tpu.memory_space<vmem>> -> memref<128xi32, #tpu.memory_space<vmem>>
      %dma_wait3A_101 = arith.constant 0 : i32
      %dma_wait3A_102 = tpu.memref_slice %arg2[%dma_wait3A_101] : memref<2146689xf32, #tpu.memory_space<hbm>> -> memref<2146689xf32, #tpu.memory_space<hbm>>
      tpu.wait_indirect_dma semaphore(%arg10 : memref<!tpu.dma_semaphore, #tpu.memory_space<semaphore_mem>>) src(%dma_wait3A_102 : memref<2146689xf32, #tpu.memory_space<hbm>>) dst(%dma_wait3A_97 : memref<128xf32, #tpu.memory_space<vmem>>)
      %dma_wait3A_103 = arith.constant 0 : i32
      %dma_wait3A_104 = arith.constant 128 : i32
      %dma_wait3A_105 = tpu.memref_slice %arg7[%dma_wait3A_104] : memref<4096xf32, #tpu.memory_space<vmem>> -> memref<128xf32, #tpu.memory_space<vmem>>
      %dma_wait3A_106 = arith.constant 128 : i32
      %dma_wait3A_107 = tpu.memref_slice %arg5[%dma_wait3A_103, %dma_wait3A_106] : memref<2x2048xi32, #tpu.memory_space<vmem>> -> memref<1x128xi32, #tpu.memory_space<vmem>>
      %dma_wait3A_108 = tpu.memref_squeeze %dma_wait3A_107 : memref<1x128xi32, #tpu.memory_space<vmem>> -> memref<128xi32, #tpu.memory_space<vmem>>
      %dma_wait3A_109 = arith.constant 0 : i32
      %dma_wait3A_110 = tpu.memref_slice %arg2[%dma_wait3A_109] : memref<2146689xf32, #tpu.memory_space<hbm>> -> memref<2146689xf32, #tpu.memory_space<hbm>>
      tpu.wait_indirect_dma semaphore(%arg10 : memref<!tpu.dma_semaphore, #tpu.memory_space<semaphore_mem>>) src(%dma_wait3A_110 : memref<2146689xf32, #tpu.memory_space<hbm>>) dst(%dma_wait3A_105 : memref<128xf32, #tpu.memory_space<vmem>>)
      %dma_wait3A_111 = arith.constant 0 : i32
      %dma_wait3A_112 = arith.constant 256 : i32
      %dma_wait3A_113 = tpu.memref_slice %arg7[%dma_wait3A_112] : memref<4096xf32, #tpu.memory_space<vmem>> -> memref<128xf32, #tpu.memory_space<vmem>>
      %dma_wait3A_114 = arith.constant 256 : i32
      %dma_wait3A_115 = tpu.memref_slice %arg5[%dma_wait3A_111, %dma_wait3A_114] : memref<2x2048xi32, #tpu.memory_space<vmem>> -> memref<1x128xi32, #tpu.memory_space<vmem>>
      %dma_wait3A_116 = tpu.memref_squeeze %dma_wait3A_115 : memref<1x128xi32, #tpu.memory_space<vmem>> -> memref<128xi32, #tpu.memory_space<vmem>>
      %dma_wait3A_117 = arith.constant 0 : i32
      %dma_wait3A_118 = tpu.memref_slice %arg2[%dma_wait3A_117] : memref<2146689xf32, #tpu.memory_space<hbm>> -> memref<2146689xf32, #tpu.memory_space<hbm>>
      tpu.wait_indirect_dma semaphore(%arg10 : memref<!tpu.dma_semaphore, #tpu.memory_space<semaphore_mem>>) src(%dma_wait3A_118 : memref<2146689xf32, #tpu.memory_space<hbm>>) dst(%dma_wait3A_113 : memref<128xf32, #tpu.memory_space<vmem>>)
      %dma_wait3A_119 = arith.constant 1 : i32
      %dma_wait3A_120 = arith.constant 2048 : i32
      %dma_wait3A_121 = tpu.memref_slice %arg7[%dma_wait3A_120] : memref<4096xf32, #tpu.memory_space<vmem>> -> memref<128xf32, #tpu.memory_space<vmem>>
      %dma_wait3A_122 = arith.constant 0 : i32
      %dma_wait3A_123 = tpu.memref_slice %arg5[%dma_wait3A_119, %dma_wait3A_122] : memref<2x2048xi32, #tpu.memory_space<vmem>> -> memref<1x128xi32, #tpu.memory_space<vmem>>
      %dma_wait3A_124 = tpu.memref_squeeze %dma_wait3A_123 : memref<1x128xi32, #tpu.memory_space<vmem>> -> memref<128xi32, #tpu.memory_space<vmem>>
      %dma_wait3A_125 = arith.constant 0 : i32
      %dma_wait3A_126 = tpu.memref_slice %arg2[%dma_wait3A_125] : memref<2146689xf32, #tpu.memory_space<hbm>> -> memref<2146689xf32, #tpu.memory_space<hbm>>
      tpu.wait_indirect_dma semaphore(%arg10 : memref<!tpu.dma_semaphore, #tpu.memory_space<semaphore_mem>>) src(%dma_wait3A_126 : memref<2146689xf32, #tpu.memory_space<hbm>>) dst(%dma_wait3A_121 : memref<128xf32, #tpu.memory_space<vmem>>)
      %dma_wait3A_127 = arith.constant 1 : i32
      %dma_wait3A_128 = arith.constant 2176 : i32
      %dma_wait3A_129 = tpu.memref_slice %arg7[%dma_wait3A_128] : memref<4096xf32, #tpu.memory_space<vmem>> -> memref<128xf32, #tpu.memory_space<vmem>>
      %dma_wait3A_130 = arith.constant 128 : i32
      %dma_wait3A_131 = tpu.memref_slice %arg5[%dma_wait3A_127, %dma_wait3A_130] : memref<2x2048xi32, #tpu.memory_space<vmem>> -> memref<1x128xi32, #tpu.memory_space<vmem>>
      %dma_wait3A_132 = tpu.memref_squeeze %dma_wait3A_131 : memref<1x128xi32, #tpu.memory_space<vmem>> -> memref<128xi32, #tpu.memory_space<vmem>>
      %dma_wait3A_133 = arith.constant 0 : i32
      %dma_wait3A_134 = tpu.memref_slice %arg2[%dma_wait3A_133] : memref<2146689xf32, #tpu.memory_space<hbm>> -> memref<2146689xf32, #tpu.memory_space<hbm>>
      tpu.wait_indirect_dma semaphore(%arg10 : memref<!tpu.dma_semaphore, #tpu.memory_space<semaphore_mem>>) src(%dma_wait3A_134 : memref<2146689xf32, #tpu.memory_space<hbm>>) dst(%dma_wait3A_129 : memref<128xf32, #tpu.memory_space<vmem>>)
      %dma_wait3A_135 = arith.constant 1 : i32
      %dma_wait3A_136 = arith.constant 2304 : i32
      %dma_wait3A_137 = tpu.memref_slice %arg7[%dma_wait3A_136] : memref<4096xf32, #tpu.memory_space<vmem>> -> memref<128xf32, #tpu.memory_space<vmem>>
      %dma_wait3A_138 = arith.constant 256 : i32
      %dma_wait3A_139 = tpu.memref_slice %arg5[%dma_wait3A_135, %dma_wait3A_138] : memref<2x2048xi32, #tpu.memory_space<vmem>> -> memref<1x128xi32, #tpu.memory_space<vmem>>
      %dma_wait3A_140 = tpu.memref_squeeze %dma_wait3A_139 : memref<1x128xi32, #tpu.memory_space<vmem>> -> memref<128xi32, #tpu.memory_space<vmem>>
      %dma_wait3A_141 = arith.constant 0 : i32
      %dma_wait3A_142 = tpu.memref_slice %arg2[%dma_wait3A_141] : memref<2146689xf32, #tpu.memory_space<hbm>> -> memref<2146689xf32, #tpu.memory_space<hbm>>
      tpu.wait_indirect_dma semaphore(%arg10 : memref<!tpu.dma_semaphore, #tpu.memory_space<semaphore_mem>>) src(%dma_wait3A_142 : memref<2146689xf32, #tpu.memory_space<hbm>>) dst(%dma_wait3A_137 : memref<128xf32, #tpu.memory_space<vmem>>)
      %scan3A = arith.constant 0 : i32
      %scan3A_143 = arith.constant 24 : i32
      %scan3A_144 = arith.addi %scan3A, %scan3A_143 : i32
      %scan3A_145 = arith.constant 1 : i32
      %scan3A_146:2 = scf.for %scan3A_148 = %scan3A to %scan3A_144 step %scan3A_145 iter_args(%scan3A_149 = %while3A_47, %scan3A_150 = %while3A_48) -> (vector<16xf32>, vector<16xf32>)  : i32 {
        %mul3A_151 = arith.constant 16 : i32
        %mul3A_152 = arith.muli %scan3A_148, %mul3A_151 : i32
        %get3A = arith.index_cast %mul3A_152 : i32 to index
        %get3A_153 = tpu.vector_load %arg7[%get3A] {strides = array<i32>} : memref<4096xf32, #tpu.memory_space<vmem>>, vector<16xf32>,
        %add3A_154 = arith.constant 2048 : i32
        %add3A_155 = arith.addi %add3A_154, %mul3A_152 : i32
        %get3A_156 = arith.index_cast %add3A_155 : i32 to index
        %get3A_157 = tpu.vector_load %arg7[%get3A_156] {strides = array<i32>} : memref<4096xf32, #tpu.memory_space<vmem>>, vector<16xf32>,
        %gt3A_158 = arith.constant 0.000000e+00 : f32
        %gt3A_159 = vector.broadcast %gt3A_158 : f32 to vector<16xf32>
        %gt3A_160 = arith.cmpf ogt, %get3A_153, %gt3A_159 : vector<16xf32>
        %gt3A_161 = arith.constant 0.000000e+00 : f32
        %gt3A_162 = vector.broadcast %gt3A_161 : f32 to vector<16xf32>
        %gt3A_163 = arith.cmpf ogt, %get3A_157, %gt3A_162 : vector<16xf32>
        %lt3A_164 = arith.constant 0.000000e+00 : f32
        %lt3A_165 = vector.broadcast %lt3A_164 : f32 to vector<16xf32>
        %lt3A_166 = arith.cmpf olt, %get3A_153, %lt3A_165 : vector<16xf32>
        %lt3A_167 = arith.constant 0.000000e+00 : f32
        %lt3A_168 = vector.broadcast %lt3A_167 : f32 to vector<16xf32>
        %lt3A_169 = arith.cmpf olt, %get3A_157, %lt3A_168 : vector<16xf32>
        %ne3A = arith.xori %gt3A_160, %gt3A_163 : vector<16xi1>
        %ne3A_170 = arith.xori %lt3A_166, %lt3A_169 : vector<16xi1>
        %or3A = arith.ori %ne3A, %ne3A_170 : vector<16xi1>
        %jit3A_171 = arith.constant 1.000000e+00 : f32
        %jit3A_172 = arith.constant 0.000000e+00 : f32
        %broadcast_in_dim3A_173 = vector.broadcast %jit3A_171 : f32 to vector<16xf32>
        %broadcast_in_dim3A_174 = vector.broadcast %jit3A_172 : f32 to vector<16xf32>
        %select_n3A_175 = arith.select %or3A, %broadcast_in_dim3A_173, %broadcast_in_dim3A_174 : vector<16xi1>, vector<16xf32>
        %jit3A_176 = arith.constant 1.000000e+00 : f32
        %jit3A_177 = arith.constant 0.000000e+00 : f32
        %broadcast_in_dim3A_178 = vector.broadcast %jit3A_176 : f32 to vector<16xf32>
        %broadcast_in_dim3A_179 = vector.broadcast %jit3A_177 : f32 to vector<16xf32>
        %select_n3A_180 = arith.select %gt3A_163, %broadcast_in_dim3A_178, %broadcast_in_dim3A_179 : vector<16xi1>, vector<16xf32>
        %jit3A_181 = arith.constant 1.000000e+00 : f32
        %jit3A_182 = arith.constant 0.000000e+00 : f32
        %broadcast_in_dim3A_183 = vector.broadcast %jit3A_181 : f32 to vector<16xf32>
        %broadcast_in_dim3A_184 = vector.broadcast %jit3A_182 : f32 to vector<16xf32>
        %select_n3A_185 = arith.select %gt3A_160, %broadcast_in_dim3A_183, %broadcast_in_dim3A_184 : vector<16xi1>, vector<16xf32>
        %max3A = arith.constant 0.000000e+00 : f32
        %max3A_186 = vector.broadcast %max3A : f32 to vector<16xf32>
        %max3A_187 = arith.maximumf %get3A_153, %max3A_186 : vector<16xf32>
        %mul3A_188 = arith.mulf %get3A_153, %select_n3A_180 : vector<16xf32>
        %sub3A = arith.subf %max3A_187, %mul3A_188 : vector<16xf32>
        %abs3A = math.absf %get3A_153 : vector<16xf32>
        %neg3A = arith.constant 0.000000e+00 : f32
        %neg3A_189 = vector.broadcast %neg3A : f32 to vector<16xf32>
        %neg3A_190 = arith.subf %neg3A_189, %abs3A : vector<16xf32>
        %exp3A = math.exp %neg3A_190 : vector<16xf32>
        %add3A_191 = arith.constant 2.000000e+00 : f32
        %add3A_192 = vector.broadcast %add3A_191 : f32 to vector<16xf32>
        %add3A_193 = arith.addf %exp3A, %add3A_192 : vector<16xf32>
        %div3A = arith.divf %exp3A, %add3A_193 : vector<16xf32>
        %mul3A_194 = arith.mulf %div3A, %div3A : vector<16xf32>
        %mul3A_195 = arith.constant 0.111111112 : f32
        %mul3A_196 = vector.broadcast %mul3A_195 : f32 to vector<16xf32>
        %mul3A_197 = arith.mulf %mul3A_194, %mul3A_196 : vector<16xf32>
        %add3A_198 = arith.constant 0.142857149 : f32
        %add3A_199 = vector.broadcast %add3A_198 : f32 to vector<16xf32>
        %add3A_200 = arith.addf %add3A_199, %mul3A_197 : vector<16xf32>
        %mul3A_201 = arith.mulf %mul3A_194, %add3A_200 : vector<16xf32>
        %add3A_202 = arith.constant 2.000000e-01 : f32
        %add3A_203 = vector.broadcast %add3A_202 : f32 to vector<16xf32>
        %add3A_204 = arith.addf %add3A_203, %mul3A_201 : vector<16xf32>
        %mul3A_205 = arith.mulf %mul3A_194, %add3A_204 : vector<16xf32>
        %add3A_206 = arith.constant 0.333333343 : f32
        %add3A_207 = vector.broadcast %add3A_206 : f32 to vector<16xf32>
        %add3A_208 = arith.addf %add3A_207, %mul3A_205 : vector<16xf32>
        %mul3A_209 = arith.mulf %mul3A_194, %add3A_208 : vector<16xf32>
        %add3A_210 = arith.constant 1.000000e+00 : f32
        %add3A_211 = vector.broadcast %add3A_210 : f32 to vector<16xf32>
        %add3A_212 = arith.addf %add3A_211, %mul3A_209 : vector<16xf32>
        %mul3A_213 = arith.constant 2.000000e+00 : f32
        %mul3A_214 = vector.broadcast %mul3A_213 : f32 to vector<16xf32>
        %mul3A_215 = arith.mulf %mul3A_214, %div3A : vector<16xf32>
        %mul3A_216 = arith.mulf %mul3A_215, %add3A_212 : vector<16xf32>
        %add3A_217 = arith.addf %sub3A, %mul3A_216 : vector<16xf32>
        %max3A_218 = arith.constant 0.000000e+00 : f32
        %max3A_219 = vector.broadcast %max3A_218 : f32 to vector<16xf32>
        %max3A_220 = arith.maximumf %get3A_157, %max3A_219 : vector<16xf32>
        %add3A_221 = arith.addf %add3A_217, %max3A_220 : vector<16xf32>
        %mul3A_222 = arith.mulf %get3A_157, %select_n3A_185 : vector<16xf32>
        %sub3A_223 = arith.subf %add3A_221, %mul3A_222 : vector<16xf32>
        %abs3A_224 = math.absf %get3A_157 : vector<16xf32>
        %neg3A_225 = arith.constant 0.000000e+00 : f32
        %neg3A_226 = vector.broadcast %neg3A_225 : f32 to vector<16xf32>
        %neg3A_227 = arith.subf %neg3A_226, %abs3A_224 : vector<16xf32>
        %exp3A_228 = math.exp %neg3A_227 : vector<16xf32>
        %add3A_229 = arith.constant 2.000000e+00 : f32
        %add3A_230 = vector.broadcast %add3A_229 : f32 to vector<16xf32>
        %add3A_231 = arith.addf %exp3A_228, %add3A_230 : vector<16xf32>
        %div3A_232 = arith.divf %exp3A_228, %add3A_231 : vector<16xf32>
        %mul3A_233 = arith.mulf %div3A_232, %div3A_232 : vector<16xf32>
        %mul3A_234 = arith.constant 0.111111112 : f32
        %mul3A_235 = vector.broadcast %mul3A_234 : f32 to vector<16xf32>
        %mul3A_236 = arith.mulf %mul3A_233, %mul3A_235 : vector<16xf32>
        %add3A_237 = arith.constant 0.142857149 : f32
        %add3A_238 = vector.broadcast %add3A_237 : f32 to vector<16xf32>
        %add3A_239 = arith.addf %add3A_238, %mul3A_236 : vector<16xf32>
        %mul3A_240 = arith.mulf %mul3A_233, %add3A_239 : vector<16xf32>
        %add3A_241 = arith.constant 2.000000e-01 : f32
        %add3A_242 = vector.broadcast %add3A_241 : f32 to vector<16xf32>
        %add3A_243 = arith.addf %add3A_242, %mul3A_240 : vector<16xf32>
        %mul3A_244 = arith.mulf %mul3A_233, %add3A_243 : vector<16xf32>
        %add3A_245 = arith.constant 0.333333343 : f32
        %add3A_246 = vector.broadcast %add3A_245 : f32 to vector<16xf32>
        %add3A_247 = arith.addf %add3A_246, %mul3A_244 : vector<16xf32>
        %mul3A_248 = arith.mulf %mul3A_233, %add3A_247 : vector<16xf32>
        %add3A_249 = arith.constant 1.000000e+00 : f32
        %add3A_250 = vector.broadcast %add3A_249 : f32 to vector<16xf32>
        %add3A_251 = arith.addf %add3A_250, %mul3A_248 : vector<16xf32>
        %mul3A_252 = arith.constant 2.000000e+00 : f32
        %mul3A_253 = vector.broadcast %mul3A_252 : f32 to vector<16xf32>
        %mul3A_254 = arith.mulf %mul3A_253, %div3A_232 : vector<16xf32>
        %mul3A_255 = arith.mulf %mul3A_254, %add3A_251 : vector<16xf32>
        %add3A_256 = arith.addf %sub3A_223, %mul3A_255 : vector<16xf32>
        %mul3A_257 = arith.mulf %add3A_256, %select_n3A_175 : vector<16xf32>
        %add3A_258 = arith.addf %scan3A_149, %mul3A_257 : vector<16xf32>
        %add3A_259 = arith.addf %scan3A_150, %select_n3A_175 : vector<16xf32>
        scf.yield %add3A_258, %add3A_259 : vector<16xf32>, vector<16xf32>
      }
      %scan3A_147 = arith.constant 24 : i32
      scf.yield %scan3A_146#0, %scan3A_146#1 : vector<16xf32>, vector<16xf32>
    }
    %while3A_37 = arith.constant 1 : i32
    %while3A_38:2 = scf.for %while3A_46 = %while3A_34 to %while3A_30 step %while3A_37 iter_args(%while3A_47 = %while3A_36#0, %while3A_48 = %while3A_36#1) -> (vector<16xf32>, vector<16xf32>)  : i32 {
      "tpu.region"() ({
        %run_scoped3A = tpu.sem_alloc : memref<!tpu.dma_semaphore, #tpu.memory_space<semaphore_mem>>
        %dma_start3A_148 = arith.constant 0 : i32
        %dma_start3A_149 = arith.constant 0 : i32
        %dma_start3A_150 = tpu.memref_slice %arg5[%dma_start3A_148, %dma_start3A_149] : memref<2x2048xi32, #tpu.memory_space<vmem>> -> memref<2x384xi32, #tpu.memory_space<vmem>>
        %dma_start3A_151 = arith.constant 0 : i32
        %dma_start3A_152 = arith.constant 6389760 : i32
        %dma_start3A_153 = tpu.memref_slice %arg3[%dma_start3A_151, %dma_start3A_152] : memref<2x6390144xi32, #tpu.memory_space<hbm>> -> memref<2x384xi32, #tpu.memory_space<hbm>>
        %dma_start3A_154 = arith.constant 0 : i32
        %dma_start3A_155 = arith.constant 0 : i32
        %dma_start3A_156 = tpu.memref_slice %arg5[%dma_start3A_154, %dma_start3A_155] : memref<2x2048xi32, #tpu.memory_space<vmem>> -> memref<2x384xi32, #tpu.memory_space<vmem>>
        %dma_start3A_157 = arith.constant 0 : i32
        %dma_start3A_158 = arith.constant 6389760 : i32
        %dma_start3A_159 = tpu.memref_slice %arg3[%dma_start3A_157, %dma_start3A_158] : memref<2x6390144xi32, #tpu.memory_space<hbm>> -> memref<2x384xi32, #tpu.memory_space<hbm>>
        tpu.enqueue_dma source(%dma_start3A_159 : memref<2x384xi32, #tpu.memory_space<hbm>>) target(%dma_start3A_156 : memref<2x384xi32, #tpu.memory_space<vmem>>) target_semaphore(%run_scoped3A : memref<!tpu.dma_semaphore, #tpu.memory_space<semaphore_mem>>)
        %dma_wait3A_160 = arith.constant 0 : i32
        %dma_wait3A_161 = arith.constant 0 : i32
        %dma_wait3A_162 = tpu.memref_slice %arg5[%dma_wait3A_160, %dma_wait3A_161] : memref<2x2048xi32, #tpu.memory_space<vmem>> -> memref<2x384xi32, #tpu.memory_space<vmem>>
        %dma_wait3A_163 = arith.constant 0 : i32
        %dma_wait3A_164 = arith.constant 6389760 : i32
        %dma_wait3A_165 = tpu.memref_slice %arg3[%dma_wait3A_163, %dma_wait3A_164] : memref<2x6390144xi32, #tpu.memory_space<hbm>> -> memref<2x384xi32, #tpu.memory_space<hbm>>
        %dma_wait3A_166 = arith.constant 0 : i32
        %dma_wait3A_167 = arith.constant 0 : i32
        %dma_wait3A_168 = tpu.memref_slice %arg5[%dma_wait3A_166, %dma_wait3A_167] : memref<2x2048xi32, #tpu.memory_space<vmem>> -> memref<2x384xi32, #tpu.memory_space<vmem>>
        %dma_wait3A_169 = arith.constant 0 : i32
        %dma_wait3A_170 = arith.constant 6389760 : i32
        %dma_wait3A_171 = tpu.memref_slice %arg3[%dma_wait3A_169, %dma_wait3A_170] : memref<2x6390144xi32, #tpu.memory_space<hbm>> -> memref<2x384xi32, #tpu.memory_space<hbm>>
        tpu.wait_dma2 semaphore(%run_scoped3A : memref<!tpu.dma_semaphore, #tpu.memory_space<semaphore_mem>>) src(%dma_wait3A_171 : memref<2x384xi32, #tpu.memory_space<hbm>>) dst(%dma_wait3A_168 : memref<2x384xi32, #tpu.memory_space<vmem>>)
        tpu.yield
      }) : () -> ()
      %dma_start3A = arith.constant 0 : i32
      %dma_start3A_49 = arith.constant 0 : i32
      %dma_start3A_50 = tpu.memref_slice %arg7[%dma_start3A_49] : memref<4096xf32, #tpu.memory_space<vmem>> -> memref<128xf32, #tpu.memory_space<vmem>>
      %dma_start3A_51 = arith.constant 0 : i32
      %dma_start3A_52 = tpu.memref_slice %arg5[%dma_start3A, %dma_start3A_51] : memref<2x2048xi32, #tpu.memory_space<vmem>> -> memref<1x128xi32, #tpu.memory_space<vmem>>
      %dma_start3A_53 = tpu.memref_squeeze %dma_start3A_52 : memref<1x128xi32, #tpu.memory_space<vmem>> -> memref<128xi32, #tpu.memory_space<vmem>>
      %dma_start3A_54 = arith.constant 0 : i32
      %dma_start3A_55 = tpu.memref_slice %arg2[%dma_start3A_54] : memref<2146689xf32, #tpu.memory_space<hbm>> -> memref<2146689xf32, #tpu.memory_space<hbm>>
      tpu.enqueue_indirect_dma source(%dma_start3A_55 : memref<2146689xf32, #tpu.memory_space<hbm>>) target(%dma_start3A_50 : memref<128xf32, #tpu.memory_space<vmem>>) offsets(%dma_start3A_53 : memref<128xi32, #tpu.memory_space<vmem>>) semaphore(%arg10 : memref<!tpu.dma_semaphore, #tpu.memory_space<semaphore_mem>>)
      %dma_start3A_56 = arith.constant 0 : i32
      %dma_start3A_57 = arith.constant 128 : i32
      %dma_start3A_58 = tpu.memref_slice %arg7[%dma_start3A_57] : memref<4096xf32, #tpu.memory_space<vmem>> -> memref<128xf32, #tpu.memory_space<vmem>>
      %dma_start3A_59 = arith.constant 128 : i32
      %dma_start3A_60 = tpu.memref_slice %arg5[%dma_start3A_56, %dma_start3A_59] : memref<2x2048xi32, #tpu.memory_space<vmem>> -> memref<1x128xi32, #tpu.memory_space<vmem>>
      %dma_start3A_61 = tpu.memref_squeeze %dma_start3A_60 : memref<1x128xi32, #tpu.memory_space<vmem>> -> memref<128xi32, #tpu.memory_space<vmem>>
      %dma_start3A_62 = arith.constant 0 : i32
      %dma_start3A_63 = tpu.memref_slice %arg2[%dma_start3A_62] : memref<2146689xf32, #tpu.memory_space<hbm>> -> memref<2146689xf32, #tpu.memory_space<hbm>>
      tpu.enqueue_indirect_dma source(%dma_start3A_63 : memref<2146689xf32, #tpu.memory_space<hbm>>) target(%dma_start3A_58 : memref<128xf32, #tpu.memory_space<vmem>>) offsets(%dma_start3A_61 : memref<128xi32, #tpu.memory_space<vmem>>) semaphore(%arg10 : memref<!tpu.dma_semaphore, #tpu.memory_space<semaphore_mem>>)
      %dma_start3A_64 = arith.constant 0 : i32
      %dma_start3A_65 = arith.constant 256 : i32
      %dma_start3A_66 = tpu.memref_slice %arg7[%dma_start3A_65] : memref<4096xf32, #tpu.memory_space<vmem>> -> memref<128xf32, #tpu.memory_space<vmem>>
      %dma_start3A_67 = arith.constant 256 : i32
      %dma_start3A_68 = tpu.memref_slice %arg5[%dma_start3A_64, %dma_start3A_67] : memref<2x2048xi32, #tpu.memory_space<vmem>> -> memref<1x128xi32, #tpu.memory_space<vmem>>
      %dma_start3A_69 = tpu.memref_squeeze %dma_start3A_68 : memref<1x128xi32, #tpu.memory_space<vmem>> -> memref<128xi32, #tpu.memory_space<vmem>>
      %dma_start3A_70 = arith.constant 0 : i32
      %dma_start3A_71 = tpu.memref_slice %arg2[%dma_start3A_70] : memref<2146689xf32, #tpu.memory_space<hbm>> -> memref<2146689xf32, #tpu.memory_space<hbm>>
      tpu.enqueue_indirect_dma source(%dma_start3A_71 : memref<2146689xf32, #tpu.memory_space<hbm>>) target(%dma_start3A_66 : memref<128xf32, #tpu.memory_space<vmem>>) offsets(%dma_start3A_69 : memref<128xi32, #tpu.memory_space<vmem>>) semaphore(%arg10 : memref<!tpu.dma_semaphore, #tpu.memory_space<semaphore_mem>>)
      %dma_start3A_72 = arith.constant 1 : i32
      %dma_start3A_73 = arith.constant 2048 : i32
      %dma_start3A_74 = tpu.memref_slice %arg7[%dma_start3A_73] : memref<4096xf32, #tpu.memory_space<vmem>> -> memref<128xf32, #tpu.memory_space<vmem>>
      %dma_start3A_75 = arith.constant 0 : i32
      %dma_start3A_76 = tpu.memref_slice %arg5[%dma_start3A_72, %dma_start3A_75] : memref<2x2048xi32, #tpu.memory_space<vmem>> -> memref<1x128xi32, #tpu.memory_space<vmem>>
      %dma_start3A_77 = tpu.memref_squeeze %dma_start3A_76 : memref<1x128xi32, #tpu.memory_space<vmem>> -> memref<128xi32, #tpu.memory_space<vmem>>
      %dma_start3A_78 = arith.constant 0 : i32
      %dma_start3A_79 = tpu.memref_slice %arg2[%dma_start3A_78] : memref<2146689xf32, #tpu.memory_space<hbm>> -> memref<2146689xf32, #tpu.memory_space<hbm>>
      tpu.enqueue_indirect_dma source(%dma_start3A_79 : memref<2146689xf32, #tpu.memory_space<hbm>>) target(%dma_start3A_74 : memref<128xf32, #tpu.memory_space<vmem>>) offsets(%dma_start3A_77 : memref<128xi32, #tpu.memory_space<vmem>>) semaphore(%arg10 : memref<!tpu.dma_semaphore, #tpu.memory_space<semaphore_mem>>)
      %dma_start3A_80 = arith.constant 1 : i32
      %dma_start3A_81 = arith.constant 2176 : i32
      %dma_start3A_82 = tpu.memref_slice %arg7[%dma_start3A_81] : memref<4096xf32, #tpu.memory_space<vmem>> -> memref<128xf32, #tpu.memory_space<vmem>>
      %dma_start3A_83 = arith.constant 128 : i32
      %dma_start3A_84 = tpu.memref_slice %arg5[%dma_start3A_80, %dma_start3A_83] : memref<2x2048xi32, #tpu.memory_space<vmem>> -> memref<1x128xi32, #tpu.memory_space<vmem>>
      %dma_start3A_85 = tpu.memref_squeeze %dma_start3A_84 : memref<1x128xi32, #tpu.memory_space<vmem>> -> memref<128xi32, #tpu.memory_space<vmem>>
      %dma_start3A_86 = arith.constant 0 : i32
      %dma_start3A_87 = tpu.memref_slice %arg2[%dma_start3A_86] : memref<2146689xf32, #tpu.memory_space<hbm>> -> memref<2146689xf32, #tpu.memory_space<hbm>>
      tpu.enqueue_indirect_dma source(%dma_start3A_87 : memref<2146689xf32, #tpu.memory_space<hbm>>) target(%dma_start3A_82 : memref<128xf32, #tpu.memory_space<vmem>>) offsets(%dma_start3A_85 : memref<128xi32, #tpu.memory_space<vmem>>) semaphore(%arg10 : memref<!tpu.dma_semaphore, #tpu.memory_space<semaphore_mem>>)
      %dma_start3A_88 = arith.constant 1 : i32
      %dma_start3A_89 = arith.constant 2304 : i32
      %dma_start3A_90 = tpu.memref_slice %arg7[%dma_start3A_89] : memref<4096xf32, #tpu.memory_space<vmem>> -> memref<128xf32, #tpu.memory_space<vmem>>
      %dma_start3A_91 = arith.constant 256 : i32
      %dma_start3A_92 = tpu.memref_slice %arg5[%dma_start3A_88, %dma_start3A_91] : memref<2x2048xi32, #tpu.memory_space<vmem>> -> memref<1x128xi32, #tpu.memory_space<vmem>>
      %dma_start3A_93 = tpu.memref_squeeze %dma_start3A_92 : memref<1x128xi32, #tpu.memory_space<vmem>> -> memref<128xi32, #tpu.memory_space<vmem>>
      %dma_start3A_94 = arith.constant 0 : i32
      %dma_start3A_95 = tpu.memref_slice %arg2[%dma_start3A_94] : memref<2146689xf32, #tpu.memory_space<hbm>> -> memref<2146689xf32, #tpu.memory_space<hbm>>
      tpu.enqueue_indirect_dma source(%dma_start3A_95 : memref<2146689xf32, #tpu.memory_space<hbm>>) target(%dma_start3A_90 : memref<128xf32, #tpu.memory_space<vmem>>) offsets(%dma_start3A_93 : memref<128xi32, #tpu.memory_space<vmem>>) semaphore(%arg10 : memref<!tpu.dma_semaphore, #tpu.memory_space<semaphore_mem>>)
      %dma_wait3A = arith.constant 0 : i32
      %dma_wait3A_96 = arith.constant 0 : i32
      %dma_wait3A_97 = tpu.memref_slice %arg7[%dma_wait3A_96] : memref<4096xf32, #tpu.memory_space<vmem>> -> memref<128xf32, #tpu.memory_space<vmem>>
      %dma_wait3A_98 = arith.constant 0 : i32
      %dma_wait3A_99 = tpu.memref_slice %arg5[%dma_wait3A, %dma_wait3A_98] : memref<2x2048xi32, #tpu.memory_space<vmem>> -> memref<1x128xi32, #tpu.memory_space<vmem>>
      %dma_wait3A_100 = tpu.memref_squeeze %dma_wait3A_99 : memref<1x128xi32, #tpu.memory_space<vmem>> -> memref<128xi32, #tpu.memory_space<vmem>>
      %dma_wait3A_101 = arith.constant 0 : i32
      %dma_wait3A_102 = tpu.memref_slice %arg2[%dma_wait3A_101] : memref<2146689xf32, #tpu.memory_space<hbm>> -> memref<2146689xf32, #tpu.memory_space<hbm>>
      tpu.wait_indirect_dma semaphore(%arg10 : memref<!tpu.dma_semaphore, #tpu.memory_space<semaphore_mem>>) src(%dma_wait3A_102 : memref<2146689xf32, #tpu.memory_space<hbm>>) dst(%dma_wait3A_97 : memref<128xf32, #tpu.memory_space<vmem>>)
      %dma_wait3A_103 = arith.constant 0 : i32
      %dma_wait3A_104 = arith.constant 128 : i32
      %dma_wait3A_105 = tpu.memref_slice %arg7[%dma_wait3A_104] : memref<4096xf32, #tpu.memory_space<vmem>> -> memref<128xf32, #tpu.memory_space<vmem>>
      %dma_wait3A_106 = arith.constant 128 : i32
      %dma_wait3A_107 = tpu.memref_slice %arg5[%dma_wait3A_103, %dma_wait3A_106] : memref<2x2048xi32, #tpu.memory_space<vmem>> -> memref<1x128xi32, #tpu.memory_space<vmem>>
      %dma_wait3A_108 = tpu.memref_squeeze %dma_wait3A_107 : memref<1x128xi32, #tpu.memory_space<vmem>> -> memref<128xi32, #tpu.memory_space<vmem>>
      %dma_wait3A_109 = arith.constant 0 : i32
      %dma_wait3A_110 = tpu.memref_slice %arg2[%dma_wait3A_109] : memref<2146689xf32, #tpu.memory_space<hbm>> -> memref<2146689xf32, #tpu.memory_space<hbm>>
      tpu.wait_indirect_dma semaphore(%arg10 : memref<!tpu.dma_semaphore, #tpu.memory_space<semaphore_mem>>) src(%dma_wait3A_110 : memref<2146689xf32, #tpu.memory_space<hbm>>) dst(%dma_wait3A_105 : memref<128xf32, #tpu.memory_space<vmem>>)
      %dma_wait3A_111 = arith.constant 0 : i32
      %dma_wait3A_112 = arith.constant 256 : i32
      %dma_wait3A_113 = tpu.memref_slice %arg7[%dma_wait3A_112] : memref<4096xf32, #tpu.memory_space<vmem>> -> memref<128xf32, #tpu.memory_space<vmem>>
      %dma_wait3A_114 = arith.constant 256 : i32
      %dma_wait3A_115 = tpu.memref_slice %arg5[%dma_wait3A_111, %dma_wait3A_114] : memref<2x2048xi32, #tpu.memory_space<vmem>> -> memref<1x128xi32, #tpu.memory_space<vmem>>
      %dma_wait3A_116 = tpu.memref_squeeze %dma_wait3A_115 : memref<1x128xi32, #tpu.memory_space<vmem>> -> memref<128xi32, #tpu.memory_space<vmem>>
      %dma_wait3A_117 = arith.constant 0 : i32
      %dma_wait3A_118 = tpu.memref_slice %arg2[%dma_wait3A_117] : memref<2146689xf32, #tpu.memory_space<hbm>> -> memref<2146689xf32, #tpu.memory_space<hbm>>
      tpu.wait_indirect_dma semaphore(%arg10 : memref<!tpu.dma_semaphore, #tpu.memory_space<semaphore_mem>>) src(%dma_wait3A_118 : memref<2146689xf32, #tpu.memory_space<hbm>>) dst(%dma_wait3A_113 : memref<128xf32, #tpu.memory_space<vmem>>)
      %dma_wait3A_119 = arith.constant 1 : i32
      %dma_wait3A_120 = arith.constant 2048 : i32
      %dma_wait3A_121 = tpu.memref_slice %arg7[%dma_wait3A_120] : memref<4096xf32, #tpu.memory_space<vmem>> -> memref<128xf32, #tpu.memory_space<vmem>>
      %dma_wait3A_122 = arith.constant 0 : i32
      %dma_wait3A_123 = tpu.memref_slice %arg5[%dma_wait3A_119, %dma_wait3A_122] : memref<2x2048xi32, #tpu.memory_space<vmem>> -> memref<1x128xi32, #tpu.memory_space<vmem>>
      %dma_wait3A_124 = tpu.memref_squeeze %dma_wait3A_123 : memref<1x128xi32, #tpu.memory_space<vmem>> -> memref<128xi32, #tpu.memory_space<vmem>>
      %dma_wait3A_125 = arith.constant 0 : i32
      %dma_wait3A_126 = tpu.memref_slice %arg2[%dma_wait3A_125] : memref<2146689xf32, #tpu.memory_space<hbm>> -> memref<2146689xf32, #tpu.memory_space<hbm>>
      tpu.wait_indirect_dma semaphore(%arg10 : memref<!tpu.dma_semaphore, #tpu.memory_space<semaphore_mem>>) src(%dma_wait3A_126 : memref<2146689xf32, #tpu.memory_space<hbm>>) dst(%dma_wait3A_121 : memref<128xf32, #tpu.memory_space<vmem>>)
      %dma_wait3A_127 = arith.constant 1 : i32
      %dma_wait3A_128 = arith.constant 2176 : i32
      %dma_wait3A_129 = tpu.memref_slice %arg7[%dma_wait3A_128] : memref<4096xf32, #tpu.memory_space<vmem>> -> memref<128xf32, #tpu.memory_space<vmem>>
      %dma_wait3A_130 = arith.constant 128 : i32
      %dma_wait3A_131 = tpu.memref_slice %arg5[%dma_wait3A_127, %dma_wait3A_130] : memref<2x2048xi32, #tpu.memory_space<vmem>> -> memref<1x128xi32, #tpu.memory_space<vmem>>
      %dma_wait3A_132 = tpu.memref_squeeze %dma_wait3A_131 : memref<1x128xi32, #tpu.memory_space<vmem>> -> memref<128xi32, #tpu.memory_space<vmem>>
      %dma_wait3A_133 = arith.constant 0 : i32
      %dma_wait3A_134 = tpu.memref_slice %arg2[%dma_wait3A_133] : memref<2146689xf32, #tpu.memory_space<hbm>> -> memref<2146689xf32, #tpu.memory_space<hbm>>
      tpu.wait_indirect_dma semaphore(%arg10 : memref<!tpu.dma_semaphore, #tpu.memory_space<semaphore_mem>>) src(%dma_wait3A_134 : memref<2146689xf32, #tpu.memory_space<hbm>>) dst(%dma_wait3A_129 : memref<128xf32, #tpu.memory_space<vmem>>)
      %dma_wait3A_135 = arith.constant 1 : i32
      %dma_wait3A_136 = arith.constant 2304 : i32
      %dma_wait3A_137 = tpu.memref_slice %arg7[%dma_wait3A_136] : memref<4096xf32, #tpu.memory_space<vmem>> -> memref<128xf32, #tpu.memory_space<vmem>>
      %dma_wait3A_138 = arith.constant 256 : i32
      %dma_wait3A_139 = tpu.memref_slice %arg5[%dma_wait3A_135, %dma_wait3A_138] : memref<2x2048xi32, #tpu.memory_space<vmem>> -> memref<1x128xi32, #tpu.memory_space<vmem>>
      %dma_wait3A_140 = tpu.memref_squeeze %dma_wait3A_139 : memref<1x128xi32, #tpu.memory_space<vmem>> -> memref<128xi32, #tpu.memory_space<vmem>>
      %dma_wait3A_141 = arith.constant 0 : i32
      %dma_wait3A_142 = tpu.memref_slice %arg2[%dma_wait3A_141] : memref<2146689xf32, #tpu.memory_space<hbm>> -> memref<2146689xf32, #tpu.memory_space<hbm>>
      tpu.wait_indirect_dma semaphore(%arg10 : memref<!tpu.dma_semaphore, #tpu.memory_space<semaphore_mem>>) src(%dma_wait3A_142 : memref<2146689xf32, #tpu.memory_space<hbm>>) dst(%dma_wait3A_137 : memref<128xf32, #tpu.memory_space<vmem>>)
      %scan3A = arith.constant 0 : i32
      %scan3A_143 = arith.constant 24 : i32
      %scan3A_144 = arith.addi %scan3A, %scan3A_143 : i32
      %scan3A_145 = arith.constant 1 : i32
      %scan3A_146:2 = scf.for %scan3A_148 = %scan3A to %scan3A_144 step %scan3A_145 iter_args(%scan3A_149 = %while3A_47, %scan3A_150 = %while3A_48) -> (vector<16xf32>, vector<16xf32>)  : i32 {
        %mul3A_151 = arith.constant 16 : i32
        %mul3A_152 = arith.muli %scan3A_148, %mul3A_151 : i32
        %get3A = arith.index_cast %mul3A_152 : i32 to index
        %get3A_153 = tpu.vector_load %arg7[%get3A] {strides = array<i32>} : memref<4096xf32, #tpu.memory_space<vmem>>, vector<16xf32>,
        %add3A_154 = arith.constant 2048 : i32
        %add3A_155 = arith.addi %add3A_154, %mul3A_152 : i32
        %get3A_156 = arith.index_cast %add3A_155 : i32 to index
        %get3A_157 = tpu.vector_load %arg7[%get3A_156] {strides = array<i32>} : memref<4096xf32, #tpu.memory_space<vmem>>, vector<16xf32>,
        %gt3A_158 = arith.constant 0.000000e+00 : f32
        %gt3A_159 = vector.broadcast %gt3A_158 : f32 to vector<16xf32>
        %gt3A_160 = arith.cmpf ogt, %get3A_153, %gt3A_159 : vector<16xf32>
        %gt3A_161 = arith.constant 0.000000e+00 : f32
        %gt3A_162 = vector.broadcast %gt3A_161 : f32 to vector<16xf32>
        %gt3A_163 = arith.cmpf ogt, %get3A_157, %gt3A_162 : vector<16xf32>
        %lt3A_164 = arith.constant 0.000000e+00 : f32
        %lt3A_165 = vector.broadcast %lt3A_164 : f32 to vector<16xf32>
        %lt3A_166 = arith.cmpf olt, %get3A_153, %lt3A_165 : vector<16xf32>
        %lt3A_167 = arith.constant 0.000000e+00 : f32
        %lt3A_168 = vector.broadcast %lt3A_167 : f32 to vector<16xf32>
        %lt3A_169 = arith.cmpf olt, %get3A_157, %lt3A_168 : vector<16xf32>
        %ne3A = arith.xori %gt3A_160, %gt3A_163 : vector<16xi1>
        %ne3A_170 = arith.xori %lt3A_166, %lt3A_169 : vector<16xi1>
        %or3A = arith.ori %ne3A, %ne3A_170 : vector<16xi1>
        %jit3A_171 = arith.constant 1.000000e+00 : f32
        %jit3A_172 = arith.constant 0.000000e+00 : f32
        %broadcast_in_dim3A_173 = vector.broadcast %jit3A_171 : f32 to vector<16xf32>
        %broadcast_in_dim3A_174 = vector.broadcast %jit3A_172 : f32 to vector<16xf32>
        %select_n3A_175 = arith.select %or3A, %broadcast_in_dim3A_173, %broadcast_in_dim3A_174 : vector<16xi1>, vector<16xf32>
        %jit3A_176 = arith.constant 1.000000e+00 : f32
        %jit3A_177 = arith.constant 0.000000e+00 : f32
        %broadcast_in_dim3A_178 = vector.broadcast %jit3A_176 : f32 to vector<16xf32>
        %broadcast_in_dim3A_179 = vector.broadcast %jit3A_177 : f32 to vector<16xf32>
        %select_n3A_180 = arith.select %gt3A_163, %broadcast_in_dim3A_178, %broadcast_in_dim3A_179 : vector<16xi1>, vector<16xf32>
        %jit3A_181 = arith.constant 1.000000e+00 : f32
        %jit3A_182 = arith.constant 0.000000e+00 : f32
        %broadcast_in_dim3A_183 = vector.broadcast %jit3A_181 : f32 to vector<16xf32>
        %broadcast_in_dim3A_184 = vector.broadcast %jit3A_182 : f32 to vector<16xf32>
        %select_n3A_185 = arith.select %gt3A_160, %broadcast_in_dim3A_183, %broadcast_in_dim3A_184 : vector<16xi1>, vector<16xf32>
        %max3A = arith.constant 0.000000e+00 : f32
        %max3A_186 = vector.broadcast %max3A : f32 to vector<16xf32>
        %max3A_187 = arith.maximumf %get3A_153, %max3A_186 : vector<16xf32>
        %mul3A_188 = arith.mulf %get3A_153, %select_n3A_180 : vector<16xf32>
        %sub3A = arith.subf %max3A_187, %mul3A_188 : vector<16xf32>
        %abs3A = math.absf %get3A_153 : vector<16xf32>
        %neg3A = arith.constant 0.000000e+00 : f32
        %neg3A_189 = vector.broadcast %neg3A : f32 to vector<16xf32>
        %neg3A_190 = arith.subf %neg3A_189, %abs3A : vector<16xf32>
        %exp3A = math.exp %neg3A_190 : vector<16xf32>
        %add3A_191 = arith.constant 2.000000e+00 : f32
        %add3A_192 = vector.broadcast %add3A_191 : f32 to vector<16xf32>
        %add3A_193 = arith.addf %exp3A, %add3A_192 : vector<16xf32>
        %div3A = arith.divf %exp3A, %add3A_193 : vector<16xf32>
        %mul3A_194 = arith.mulf %div3A, %div3A : vector<16xf32>
        %mul3A_195 = arith.constant 0.111111112 : f32
        %mul3A_196 = vector.broadcast %mul3A_195 : f32 to vector<16xf32>
        %mul3A_197 = arith.mulf %mul3A_194, %mul3A_196 : vector<16xf32>
        %add3A_198 = arith.constant 0.142857149 : f32
        %add3A_199 = vector.broadcast %add3A_198 : f32 to vector<16xf32>
        %add3A_200 = arith.addf %add3A_199, %mul3A_197 : vector<16xf32>
        %mul3A_201 = arith.mulf %mul3A_194, %add3A_200 : vector<16xf32>
        %add3A_202 = arith.constant 2.000000e-01 : f32
        %add3A_203 = vector.broadcast %add3A_202 : f32 to vector<16xf32>
        %add3A_204 = arith.addf %add3A_203, %mul3A_201 : vector<16xf32>
        %mul3A_205 = arith.mulf %mul3A_194, %add3A_204 : vector<16xf32>
        %add3A_206 = arith.constant 0.333333343 : f32
        %add3A_207 = vector.broadcast %add3A_206 : f32 to vector<16xf32>
        %add3A_208 = arith.addf %add3A_207, %mul3A_205 : vector<16xf32>
        %mul3A_209 = arith.mulf %mul3A_194, %add3A_208 : vector<16xf32>
        %add3A_210 = arith.constant 1.000000e+00 : f32
        %add3A_211 = vector.broadcast %add3A_210 : f32 to vector<16xf32>
        %add3A_212 = arith.addf %add3A_211, %mul3A_209 : vector<16xf32>
        %mul3A_213 = arith.constant 2.000000e+00 : f32
        %mul3A_214 = vector.broadcast %mul3A_213 : f32 to vector<16xf32>
        %mul3A_215 = arith.mulf %mul3A_214, %div3A : vector<16xf32>
        %mul3A_216 = arith.mulf %mul3A_215, %add3A_212 : vector<16xf32>
        %add3A_217 = arith.addf %sub3A, %mul3A_216 : vector<16xf32>
        %max3A_218 = arith.constant 0.000000e+00 : f32
        %max3A_219 = vector.broadcast %max3A_218 : f32 to vector<16xf32>
        %max3A_220 = arith.maximumf %get3A_157, %max3A_219 : vector<16xf32>
        %add3A_221 = arith.addf %add3A_217, %max3A_220 : vector<16xf32>
        %mul3A_222 = arith.mulf %get3A_157, %select_n3A_185 : vector<16xf32>
        %sub3A_223 = arith.subf %add3A_221, %mul3A_222 : vector<16xf32>
        %abs3A_224 = math.absf %get3A_157 : vector<16xf32>
        %neg3A_225 = arith.constant 0.000000e+00 : f32
        %neg3A_226 = vector.broadcast %neg3A_225 : f32 to vector<16xf32>
        %neg3A_227 = arith.subf %neg3A_226, %abs3A_224 : vector<16xf32>
        %exp3A_228 = math.exp %neg3A_227 : vector<16xf32>
        %add3A_229 = arith.constant 2.000000e+00 : f32
        %add3A_230 = vector.broadcast %add3A_229 : f32 to vector<16xf32>
        %add3A_231 = arith.addf %exp3A_228, %add3A_230 : vector<16xf32>
        %div3A_232 = arith.divf %exp3A_228, %add3A_231 : vector<16xf32>
        %mul3A_233 = arith.mulf %div3A_232, %div3A_232 : vector<16xf32>
        %mul3A_234 = arith.constant 0.111111112 : f32
        %mul3A_235 = vector.broadcast %mul3A_234 : f32 to vector<16xf32>
        %mul3A_236 = arith.mulf %mul3A_233, %mul3A_235 : vector<16xf32>
        %add3A_237 = arith.constant 0.142857149 : f32
        %add3A_238 = vector.broadcast %add3A_237 : f32 to vector<16xf32>
        %add3A_239 = arith.addf %add3A_238, %mul3A_236 : vector<16xf32>
        %mul3A_240 = arith.mulf %mul3A_233, %add3A_239 : vector<16xf32>
        %add3A_241 = arith.constant 2.000000e-01 : f32
        %add3A_242 = vector.broadcast %add3A_241 : f32 to vector<16xf32>
        %add3A_243 = arith.addf %add3A_242, %mul3A_240 : vector<16xf32>
        %mul3A_244 = arith.mulf %mul3A_233, %add3A_243 : vector<16xf32>
        %add3A_245 = arith.constant 0.333333343 : f32
        %add3A_246 = vector.broadcast %add3A_245 : f32 to vector<16xf32>
        %add3A_247 = arith.addf %add3A_246, %mul3A_244 : vector<16xf32>
        %mul3A_248 = arith.mulf %mul3A_233, %add3A_247 : vector<16xf32>
        %add3A_249 = arith.constant 1.000000e+00 : f32
        %add3A_250 = vector.broadcast %add3A_249 : f32 to vector<16xf32>
        %add3A_251 = arith.addf %add3A_250, %mul3A_248 : vector<16xf32>
        %mul3A_252 = arith.constant 2.000000e+00 : f32
        %mul3A_253 = vector.broadcast %mul3A_252 : f32 to vector<16xf32>
        %mul3A_254 = arith.mulf %mul3A_253, %div3A_232 : vector<16xf32>
        %mul3A_255 = arith.mulf %mul3A_254, %add3A_251 : vector<16xf32>
        %add3A_256 = arith.addf %sub3A_223, %mul3A_255 : vector<16xf32>
        %mul3A_257 = arith.mulf %add3A_256, %select_n3A_175 : vector<16xf32>
        %add3A_258 = arith.addf %scan3A_149, %mul3A_257 : vector<16xf32>
        %add3A_259 = arith.addf %scan3A_150, %select_n3A_175 : vector<16xf32>
        scf.yield %add3A_258, %add3A_259 : vector<16xf32>, vector<16xf32>
      }
      %scan3A_147 = arith.constant 24 : i32
      scf.yield %scan3A_146#0, %scan3A_146#1 : vector<16xf32>, vector<16xf32>
    }
    %swap3A = arith.constant 0 : i32
    %swap3A_39 = arith.index_cast %swap3A : i32 to index
    %swap3A_40 = arith.constant 0 : index
    %swap3A_41 = tpu.vector_load %arg9[%swap3A_39, %swap3A_40] {strides = array<i32>} : memref<2x16xf32, #tpu.memory_space<vmem>>, vector<16xf32>,
    tpu.vector_store %arg9[%swap3A_39, %swap3A_40], %while3A_38#0 {strides = array<i32>} : memref<2x16xf32, #tpu.memory_space<vmem>>, vector<16xf32>,
    %swap3A_42 = arith.constant 1 : i32
    %swap3A_43 = arith.index_cast %swap3A_42 : i32 to index
    %swap3A_44 = arith.constant 0 : index
    %swap3A_45 = tpu.vector_load %arg9[%swap3A_43, %swap3A_44] {strides = array<i32>} : memref<2x16xf32, #tpu.memory_space<vmem>>, vector<16xf32>,
    tpu.vector_store %arg9[%swap3A_43, %swap3A_44], %while3A_38#1 {strides = array<i32>} : memref<2x16xf32, #tpu.memory_space<vmem>>, vector<16xf32>,
    "tpu.region"() ({
      %run_scoped3A = tpu.sem_alloc : memref<!tpu.dma_semaphore, #tpu.memory_space<semaphore_mem>>
      %dma_start3A = arith.constant 0 : i32
      %dma_start3A_46 = arith.constant 0 : i32
      %dma_start3A_47 = tpu.memref_slice %arg4[%add3A, %dma_start3A, %dma_start3A_46] : memref<32x2x16xf32, #tpu.memory_space<hbm>> -> memref<1x2x16xf32, #tpu.memory_space<hbm>>
      %dma_start3A_48 = tpu.memref_squeeze %dma_start3A_47 : memref<1x2x16xf32, #tpu.memory_space<hbm>> -> memref<2x16xf32, #tpu.memory_space<hbm>>
      %dma_start3A_49 = arith.constant 0 : i32
      %dma_start3A_50 = arith.constant 0 : i32
      %dma_start3A_51 = tpu.memref_slice %arg4[%add3A, %dma_start3A_49, %dma_start3A_50] : memref<32x2x16xf32, #tpu.memory_space<hbm>> -> memref<1x2x16xf32, #tpu.memory_space<hbm>>
      %dma_start3A_52 = tpu.memref_squeeze %dma_start3A_51 : memref<1x2x16xf32, #tpu.memory_space<hbm>> -> memref<2x16xf32, #tpu.memory_space<hbm>>
      tpu.enqueue_dma source(%arg9 : memref<2x16xf32, #tpu.memory_space<vmem>>) target(%dma_start3A_52 : memref<2x16xf32, #tpu.memory_space<hbm>>) target_semaphore(%run_scoped3A : memref<!tpu.dma_semaphore, #tpu.memory_space<semaphore_mem>>)
      %dma_wait3A = arith.constant 0 : i32
      %dma_wait3A_53 = arith.constant 0 : i32
      %dma_wait3A_54 = tpu.memref_slice %arg4[%add3A, %dma_wait3A, %dma_wait3A_53] : memref<32x2x16xf32, #tpu.memory_space<hbm>> -> memref<1x2x16xf32, #tpu.memory_space<hbm>>
      %dma_wait3A_55 = tpu.memref_squeeze %dma_wait3A_54 : memref<1x2x16xf32, #tpu.memory_space<hbm>> -> memref<2x16xf32, #tpu.memory_space<hbm>>
      %dma_wait3A_56 = arith.constant 0 : i32
      %dma_wait3A_57 = arith.constant 0 : i32
      %dma_wait3A_58 = tpu.memref_slice %arg4[%add3A, %dma_wait3A_56, %dma_wait3A_57] : memref<32x2x16xf32, #tpu.memory_space<hbm>> -> memref<1x2x16xf32, #tpu.memory_space<hbm>>
      %dma_wait3A_59 = tpu.memref_squeeze %dma_wait3A_58 : memref<1x2x16xf32, #tpu.memory_space<hbm>> -> memref<2x16xf32, #tpu.memory_space<hbm>>
      tpu.wait_dma2 semaphore(%run_scoped3A : memref<!tpu.dma_semaphore, #tpu.memory_space<semaphore_mem>>) src(%arg9 : memref<2x16xf32, #tpu.memory_space<vmem>>) dst(%dma_wait3A_59 : memref<2x16xf32, #tpu.memory_space<hbm>>)
      tpu.yield
    }) : () -> ()
    return
  }
}

</mosaic_0001>

<sc_bundles>
// kernel: kernel.3.cloned.1.call-start
scs
__scs_entry_jumppad:
0x0: {  	(pc) =	sbr.rel $0x88, $3  }
0x1: {  	(tag) =	ssettag $0x0;
	lr =	simm.s32 $0x1  }
0x2: {  	[smem:$0x3F9F] =	sst lr;
	_ =	strace $0xD0000000  }
0x3: {  	_ = 	snop  }
0x4: {  	_ = 	snop  }
0x5: {  	_ = 	snop  }
0x6: {  	_ = 	snop  }
0x7: {  	_ = 	snop  }
__scs_overlays_trampoline_lowered:
0x8: {  	[smem:$0x3FAE] =	sst s0  }
0x9: {  	[smem:$0x3FAF] =	sst s1  }
0xa: {  	[smem:$0x3FB0] =	sst s2  }
0xb: {  	[smem:$0x3FB1] =	sst s3  }
0xc: {  	[smem:$0x3FB2] =	sst s4  }
0xd: {  	[smem:$0x3FB3] =	sst s5  }
0xe: {  	[smem:$0x3FB4] =	sst s6  }
0xf: {  	[smem:$0x3FB5] =	sst s7  }
0x10: {  	[smem:$0x3FB6] =	sst s8  }
0x11: {  	[smem:$0x3FB7] =	sst s9;
	s0 =	simm.s32 @!p0 $0x0  }
0x12: {  	s1 =	sld [smem:$0x3F9D];
	s0 =	simm.s32 @p0 $0x1  }
0x13: {  	[smem:$0x3FB8] =	sst s0;
	s0 =	simm.s32 @!p1 $0x0  }
0x14: {  	s2 =	sld [smem:$0x3F9C];
	s0 =	simm.s32 @p1 $0x1  }
0x15: {  	[smem:$0x3FB9] =	sst s0;
	s0 =	simm.s32 @!p2 $0x0  }
0x16: {  	s3 =	sld [smem:$0x3FDB];
	s0 =	simm.s32 @p2 $0x1  }
0x17: {  	s4 =	simm.s32 $0x1BF5;
	[smem:$0x3FBB] =	sst s0  }
0x18: {  	s0 =	sld [smem:$0x3F9E];
	_ =	swait.ge [sflag:s4], $0x0  }
0x19: {  	s7 =	sld [smem:$0x3F9F]  }
0x1a: {  	s8 =	sadd.s32 $0xFFFFE003, lr  }
0x1b: {  	s9 =	sadd.s32 $0xFFFFFEF7, lr;
	s5 =	simm.s32 $0xFFFFFFFF;
	p2 =	slt.u32 s8, $0xFFFFF086  }
0x1c: {  	p1 =	slt.u32 s9, $0xF7A;
	s5 =	simm.s32 @!p2 $0x0  }
0x1d: {  	s5 =	simm.s32 @p1 $0x1;
	p0 =	seq.s32 s7, s2  }
0x1e: {  	s7 =	smul.u32 @!p0 $0xF7A, s2;
	p2 =	seq.s32 @!p0 s5, $0x0  }
0x1f: {  	s9 =	smul.u32 $0xF7A, s1;
	s8 =	simm.s32 @!p0 $0x1BF5;
	p2 =	por !p2, p0  }
0x20: {  	[sflag:s8] =	ssyncset.s32 @!p0 $0xFFFFF086;
	s6 =	sadd.s32 @!p0 s3, s7;
	s7 =	simm.s32 @!p0 $0x108  }
0x21: {  	s3 =	sadd.s32 s3, s9;
	s6 =	sadd.s32 @!p0 $0x88, s6;
	s7 =	simm.s32 @p2 $0x1082  }
0x22: {  	[simem:s7], [sflag:s8] =	dma.local @!p0 [hbm:s6], $0xF7A  }
0x23: {  	s9 =	sor.u32 $0xD0000000, s2;
	s6 =	simm.s32 $0x108;
	_ =	swait.ge @!p0 [sflag:s8], $0x0  }
0x24: {  	s3 =	sadd.s32 $0x88, s3;
	s6 =	simm.s32 @!p1 $0x1082;
	[sflag:s4] =	ssyncset.s32 $0xFFFFF086  }
0x25: {  	[simem:s6], [sflag:s4] =	dma.local [hbm:s3], $0xF7A  }
0x26: {  	[smem:$0x3F9F] =	sst s1;
	(tag) =	ssettag s2;
	_ =	strace s9  }
0x27: {  	s1 =	sld [smem:$0x3FAF]  }
0x28: {  	s2 =	sld [smem:$0x3FB0]  }
0x29: {  	s4 =	sld [smem:$0x3FB2]  }
0x2a: {  	p0 =	seq.s32 s5, $0x0;
	s5 =	sld [smem:$0x3FB3]  }
0x2b: {  	s6 =	sld [smem:$0x3FB4]  }
0x2c: {  	s7 =	sld [smem:$0x3FB5]  }
0x2d: {  	s3 =	simm.s32 $0x108;
	s8 =	sld [smem:$0x3FB6]  }
0x2e: {  	s3 =	simm.s32 @!p0 $0x1082;
	s9 =	sld [smem:$0x3FB7]  }
0x2f: {  	lr =	sadd.s32 s0, s3;
	s0 =	sld [smem:$0x3FAE]  }
0x30: {  	s3 =	sld [smem:$0x3FB1]  }
0x31: {  	[smem:$0x3FBA] =	sst s10  }
0x32: {  	s10 =	sld [smem:$0x3FB8];
	_ =	sdelay $0x3  }
0x33: {  	p0 =	seq.s32 s10, $0x1;
	s10 =	sld [smem:$0x3FBA];
	_ =	sdelay $0x3  }
0x34: {  	[smem:$0x3FBA] =	sst s10  }
0x35: {  	s10 =	sld [smem:$0x3FB9];
	_ =	sdelay $0x3  }
0x36: {  	p1 =	seq.s32 s10, $0x1;
	s10 =	sld [smem:$0x3FBA];
	_ =	sdelay $0x3  }
0x37: {  	[smem:$0x3FBA] =	sst s10  }
0x38: {  	s10 =	sld [smem:$0x3FBB]  }
0x39: {  	_ = 	snop;
	(pc) =	sbr.ind lr, $3  }
0x3a: {  	_ = 	snop  }
0x3b: {  	_ = 	snop  }
0x3c: {  	p2 =	seq.s32 s10, $0x1;
	s10 =	sld [smem:$0x3FBA]  }
0x3d: {  	_ =	shalt  }
0x3e: {  	_ =	shalt  }
0x3f: {  	_ =	shalt  }
0x40: {  	_ =	shalt  }
0x41: {  	_ =	shalt  }
0x42: {  	_ =	shalt  }
0x43: {  	_ =	shalt  }
0x44: {  	_ =	shalt  }
0x45: {  	_ =	shalt  }
0x46: {  	_ =	shalt  }
0x47: {  	_ =	shalt  }
0x48: {  	_ =	shalt  }
0x49: {  	_ =	shalt  }
0x4a: {  	_ =	shalt  }
0x4b: {  	_ =	shalt  }
0x4c: {  	_ =	shalt  }
0x4d: {  	_ =	shalt  }
0x4e: {  	_ =	shalt  }
0x4f: {  	_ =	shalt  }
0x50: {  	_ =	shalt  }
0x51: {  	_ =	shalt  }
0x52: {  	_ =	shalt  }
0x53: {  	_ =	shalt  }
0x54: {  	_ =	shalt  }
0x55: {  	_ =	shalt  }
0x56: {  	_ =	shalt  }
0x57: {  	_ =	shalt  }
0x58: {  	_ =	shalt  }
0x59: {  	_ =	shalt  }
0x5a: {  	_ =	shalt  }
0x5b: {  	_ =	shalt  }
0x5c: {  	_ =	shalt  }
0x5d: {  	_ =	shalt  }
0x5e: {  	_ =	shalt  }
0x5f: {  	_ =	shalt  }
0x60: {  	_ =	shalt  }
0x61: {  	_ =	shalt  }
0x62: {  	_ =	shalt  }
0x63: {  	_ =	shalt  }
0x64: {  	_ =	shalt  }
0x65: {  	_ =	shalt  }
0x66: {  	_ =	shalt  }
0x67: {  	_ =	shalt  }
0x68: {  	_ =	shalt  }
0x69: {  	_ =	shalt  }
0x6a: {  	_ =	shalt  }
0x6b: {  	_ =	shalt  }
0x6c: {  	_ =	shalt  }
0x6d: {  	_ =	shalt  }
0x6e: {  	_ =	shalt  }
0x6f: {  	_ =	shalt  }
0x70: {  	_ =	shalt  }
0x71: {  	_ =	shalt  }
0x72: {  	_ =	shalt  }
0x73: {  	_ =	shalt  }
0x74: {  	_ =	shalt  }
0x75: {  	_ =	shalt  }
0x76: {  	_ =	shalt  }
0x77: {  	_ =	shalt  }
0x78: {  	_ =	shalt  }
0x79: {  	_ =	shalt  }
0x7a: {  	_ =	shalt  }
0x7b: {  	_ =	shalt  }
0x7c: {  	_ =	shalt  }
0x7d: {  	_ =	shalt  }
0x7e: {  	_ =	shalt  }
0x7f: {  	_ =	shalt  }
0x80: {  	_ =	shalt  }
0x81: {  	_ =	shalt  }
0x82: {  	_ =	shalt  }
0x83: {  	_ =	shalt  }
0x84: {  	_ =	shalt  }
0x85: {  	_ =	shalt  }
0x86: {  	_ =	shalt  }
0x87: {  	_ =	shalt  }
.Lfunc_end0:
.L_simem_size_0:
called_computation_lowered:
.L_overlay_start_0:
0x88: {  	s2 =	sld [smem:$0x3FD9]  }
0x89: {  	s3 =	sld [smem:$0x3FFE];
	_ =	sdelay $0x1  }
0x8a: {  	s1 =	srdreg.scid  }
0x8b: {  	s0 =	sand.u32 $0x1, s1  }
0x8c: {  	s17 =	sshll.u32 s0, $0xA;
	s2 =	sadd.s32 s3, s2  }
0x8d: {  	s2 =	sadd.s32 s2, s17  }
0x8e: {  	[smem:$0x3FC6] =	sst s2  }
0x8f: {  	_ = 	snop  }
0x90: {  	s2 =	sld [smem:$0x3FC9]  }
0x91: {  	s18 =	sld [smem:$0x3FC8];
	(tm) =	ssettm $0x1  }
0x92: {  	s4 =	sld [smem:$0x3FFB];
	_ =	sdelay $0x3  }
0x93: {  	_ =	strace s4  }
0x94: {  	s4 =	sld [smem:$0x3FFC];
	_ =	sdelay $0x3  }
0x95: {  	_ =	strace s4  }
0x96: {  	s4 =	sld [smem:$0x3FFD];
	_ =	sdelay $0x3  }
0x97: {  	_ =	strace s4  }
0x98: {  	_ =	strace $0x8FFFFFFF  }
0x99: {  	s19 =	sld [smem:$0x3FDB];
	_ =	sdelay $0x1  }
0x9a: {  	s5 =	simm.s32 $_scs_section_size  }
0x9b: {  	s6 =	simm.s32 $_size__tile_overlayer_lowered;
	s7 =	simm.s32 $_tile_overlayer_lowered  }
0x9c: {  	s22 =	simm.s32 $0x1BFF;
	s21 =	sshll.u32 s7, $0x1;
	s4 =	sadd.s32 s5, s19  }
0x9d: {  	s8 =	simm.s32 $0x0;
	s20 =	sshll.u32 s6, $0x1;
	s6 =	sadd.s32 s21, s4  }
0x9e: {  	[timem:s8], [sflag:s22] =	dma.local [hbm:s6], s20  }
0x9f: {  	_ =	swait.ge [sflag:s22], s20  }
0xa0: {  	s5 =	ssub.s32 $0x0, s20;
	[sflag:s22] =	ssyncset.done $0x0  }
0xa1: {  	[sflag:s22] =	ssyncadd.s32 s5;
	_ =	sdelay $0x1  }
0xa2: {  	s23 =	simm.s32 $0x1B8B  }
0xa3: {  	_ =	swait.ge [sflag:s23], $0x1  }
0xa4: {  	[sflag:s23] =	ssyncset.done $0x0  }
0xa5: {  	s25 =	simm.s32 $0x1B8E;
	s24 =	sld [smem:$0x3FFE];
	[sflag:s23] =	ssyncadd.s32 $0xFFFFFFFF  }
0xa6: {  	s26 =	simm.s32 $execute0_lowered;
	[smem:$0x3FD2] =	sst s25  }
0xa7: {  	s6 =	sshll.u32 s26, $0x1;
	_ =	strace $0x80000046;
	[dreg:$0x1] =	wrdreg $0xFFFFFFFF  }
0xa8: {  	s28 =	simm.s32 $_size_execute0_lowered;
	s4 =	sadd.s32 s4, s6;
	[dreg:$0x0] =	wrdreg $0x0  }
0xa9: {  	s6 =	sshll.u32 s28, $0x1;
	[dreg:$0x2] =	wrdreg s4  }
0xaa: {  	[dreg:$0x3] =	wrdreg s6  }
0xab: {  	[dreg:$0x4] =	wrdreg $0xC0  }
0xac: {  	_ =	task [dreg:s8], $0x5FFFF  }
0xad: {  	[dreg:$0x1] =	wrdreg $0xFFFFFFFF  }
0xae: {  	[dreg:$0x0] =	wrdreg $0x60  }
0xaf: {  	[dreg:$0x2] =	wrdreg s2  }
0xb0: {  	[dreg:$0x3] =	wrdreg s18  }
0xb1: {  	[dreg:$0x4] =	wrdreg s24  }
0xb2: {  	[dreg:$0x5] =	wrdreg $0x9  }
0xb3: {  	_ =	task.clear_ibuf [dreg:s8], $0x6FFFF;
	_ =	strace $0x90000046  }
0xb4: {  	s29 =	simm.s32 $0x9;
	_ =	strace $0x80000048  }
0xb5: {  	_ =	swait.ge [sflag:s29], $0x1  }
0xb6: {  	[sflag:s29] =	ssyncadd.s32 $0xFFFFFFFF  }
0xb7: {  	_ =	strace $0x90000048  }
0xb8: {  	_ =	sfence  }
0xb9: {  	s30 =	sld [smem:$0x0];
	_ =	sdelay $0x2  }
0xba: {  	s31 =	sshll.u32 s1, $0xD;
	s1 =	sshrl.u32 s1, $0x2  }
0xbb: {  	s3 =	sand.u32 $0x4000, s31;
	s1 =	sadd.s32 s1, s30  }
0xbc: {  	s0 =	sor.u32 s3, s0;
	s1 =	sshll.u32 s1, $0x11  }
0xbd: {  	s0 =	sor.u32 s1, s0  }
0xbe: {  	s0 =	sadd.s32 $0x8F2B, s0  }
0xbf: {  	[sflag:s0] =	ssyncadd.remote.s32 $0x1  }
0xc0: {  	_ =	sfence.sel $0xFFFF  }
0xc1: {  	[dreg:$0x0] =	wrdreg $0xFFFFFFFF;
	(pc) =	sbr.abs _section_cstart, $3  }
0xc2: {  	[dreg:$0x1] =	wrdreg $0xFFFFFFFF  }
0xc3: {  	_ =	task.clear_ibuf [dreg:s8], $0x2FFFF;
	_ =	strace $0x9FFFFFFF  }
0xc4: {  	(tm) =	ssettm $0x7FFFFFFF  }
0xc5: {  	_ =	shalt  }
tec
execute0_lowered:
.L_overlay_start_1:
0x0: {  	(tag) =	ssettag $0x1  }
0x1: {  	s1 =	rddreg [dreg:$0x0]  }
0x2: {  	s0 =	srdreg.scid;
	s9 =	rddreg [dreg:$0x1]  }
0x3: {  	s8 =	stileid.u32;
	s3 =	rddreg [dreg:$0x2];
	s4 =	simm.s32 $0x0  }
0x4: {  	s12 =	simm.s32 $0x3;
	s13 =	simm.s32 $0x80;
	s20 =	simm.s32 $0x3C00  }
0x5: {  	s21 =	simm.s32 $0x1980;
	s22 =	simm.s32 $0x3C80;
	s23 =	simm.s32 $0x1A80  }
0x6: {  	s24 =	simm.s32 $0x3D00;
	s15 =	simm.s32 $0x1B80;
	s16 =	simm.s32 $0x3D80  }
0x7: {  	s31 =	simm.s32 $0x1C80;
	s17 =	simm.s32 $0x3E00;
	s18 =	simm.s32 $0x3E80  }
0x8: {  	s10 =	simm.s32 $0x3F80;
	s11 =	simm.s32 $0x1;
	s25 =	simm.s32 $0x2  }
0x9: {  	s0 =	sand.u32 $0x1, s0;
	s2 =	sshll.u32 s8, $0x1;
	[smem:$0x7FF] =	sst s4  }
0xa: {  	p0 =	slt.u32 s8, $0xC;
	s8 =	sadd.s32 $0x200, s9;
	s29 =	sadd.s32 $0x186000, s9  }
0xb: {  	s2 =	sor.u32 s0, s2;
	s0 =	ssub.s32 $0x2, s0;
	_ =	strace $0x80000047  }
0xc: {  	[dreg:$0x5] =	wrdreg s29;
	s5 =	smul.u32 $0x30, s2;
	s7 =	sshrl.u32 s0, $0x1  }
0xd: {  	s6 =	smin.u32 s2, $0x18;
	s30 =	sshll.u32 s2, $0x5;
	s0 =	ssub.s32 s0, s7  }
0xe: {  	s3 =	sadd.s32 s3, s30;
	s7 =	simm.s32 $0x1F80;
	s5 =	sadd.s32 s6, s5  }
.Ltmp0:
0xf: {  	s6 =	simm.s32 $0x31;
	[dreg:$0x6] =	wrdreg s3;
	(pc) =	sbr.rel .LBB2_1-.Ltmp0, $4  }
0x10: {  	s0 =	smax.u32 s0, $0x1;
	s3 =	simm.s32 $0x1000;
	s26 =	sshll.u32 s5, $0xA  }
0x11: {  	s6 =	simm.s32 @!p0 $0x30;
	[dreg:$0x7] =	wrdreg s0;
	p0 =	sne.s32 s2, $0x0  }
0x12: {  	s2 =	simm.s32 $0x1D80;
	s0 =	simm.s32 $0x1E80;
	s28 =	sadd.s32 s9, s26  }
0x13: {  	v0 =	vimm.f32 $0.0e+00;
	s9 =	simm.s32 $0x3F00;
	s26 =	simm.s32 $0x0;
	[dreg:$0x4] =	wrdreg s28  }
.LBB2_11:
0x14: {  	s26 =	rddreg [dreg:$0x8]  }
.LBB2_15:
0x15: {  	[tilespmem:$0x4000] =	vst v1  }
0x16: {  	[tilespmem:$0x4080] =	vst v2;
	s14 =	rddreg [dreg:$0x6];
	s19 =	simm.s32 $0x4000  }
0x17: {  	[hbm4b:s14+s4] =	stream.linear.scatter [tilespmem:s19], [sflag:$0x3], $0x100, $0x38;
	[tilespmem:$0x4100] =	vst v63  }
0x18: {  	_ =	swait.ge [sflag:s12], $0x100  }
0x19: {  	s26 =	sadd.s32 $0x1, s26;
	s30 =	rddreg [dreg:$0x7]  }
0x1a: {  	p1 =	sne.s32 s26, s30  }
.Ltmp1:
0x1b: {  	_ = 	snop;
	(pc) =	sbr.rel @!p1 .LBB2_16-.Ltmp1, $3  }
0x1c: {  	_ =	sdelay $0x1  }
0x1d: {  	[sflag:s12] =	ssyncset.done $0x0  }
0x1e: {  	[sflag:s12] =	ssyncadd.s32 $0xFFFFFF00  }
.LBB2_1:
0x1f: {  	[dreg:$0x8] =	wrdreg s26  }
0x20: {  	s14 =	rddreg [dreg:$0x4]  }
0x21: {  	[tilespmem:s4], [sflag:$0x3] =	stream.linear.gather [hbm4b:s14+s4], $0x1000, $0x38;
	[tilespmem:$0x4100] =	vst v63  }
0x22: {  	_ =	swait.ge [sflag:s12], $0x1000  }
0x23: {  	[sflag:s12] =	ssyncset.done $0x0  }
0x24: {  	s26 =	simm.s32 $0x2000;
	[sflag:s12] =	ssyncadd.s32 $0xFFFFF000  }
0x25: {  	[tilespmem:s26], [sflag:$0x1] =	stream.indirect.gather [hbm4b:s1+s13], $0x1, s4, s13, $0xb8;
	[tilespmem:$0x4100] =	vst v63  }
0x26: {  	s28 =	simm.s32 $0x100;
	s19 =	simm.s32 $0x2080  }
0x27: {  	[tilespmem:s19], [sflag:$0x1] =	stream.indirect.gather [hbm4b:s1+s13], $0x1, s28, s13, $0xb8;
	[tilespmem:$0x4100] =	vst v63  }
0x28: {  	s29 =	simm.s32 $0x200;
	s30 =	simm.s32 $0x2100  }
0x29: {  	[tilespmem:s30], [sflag:$0x1] =	stream.indirect.gather [hbm4b:s1+s13], $0x1, s29, s13, $0xb8;
	[tilespmem:$0x4100] =	vst v63  }
0x2a: {  	s26 =	simm.s32 $0x300;
	s28 =	simm.s32 $0x2180  }
0x2b: {  	[tilespmem:s28], [sflag:$0x1] =	stream.indirect.gather [hbm4b:s1+s13], $0x1, s26, s13, $0xb8;
	[tilespmem:$0x4100] =	vst v63  }
0x2c: {  	s29 =	simm.s32 $0x400;
	s30 =	simm.s32 $0x2200  }
0x2d: {  	[tilespmem:s30], [sflag:$0x1] =	stream.indirect.gather [hbm4b:s1+s13], $0x1, s29, s13, $0xb8;
	[tilespmem:$0x4100] =	vst v63  }
0x2e: {  	s26 =	simm.s32 $0x500;
	s28 =	simm.s32 $0x2280  }
0x2f: {  	[tilespmem:s28], [sflag:$0x1] =	stream.indirect.gather [hbm4b:s1+s13], $0x1, s26, s13, $0xb8;
	[tilespmem:$0x4100] =	vst v63  }
0x30: {  	s29 =	simm.s32 $0x600;
	s30 =	simm.s32 $0x2300  }
0x31: {  	[tilespmem:s30], [sflag:$0x1] =	stream.indirect.gather [hbm4b:s1+s13], $0x1, s29, s13, $0xb8;
	[tilespmem:$0x4100] =	vst v63  }
0x32: {  	s26 =	simm.s32 $0x700;
	s28 =	simm.s32 $0x2380  }
0x33: {  	[tilespmem:s28], [sflag:$0x1] =	stream.indirect.gather [hbm4b:s1+s13], $0x1, s26, s13, $0xb8;
	[tilespmem:$0x4100] =	vst v63  }
0x34: {  	s29 =	simm.s32 $0x800;
	s30 =	simm.s32 $0x2400  }
0x35: {  	[tilespmem:s30], [sflag:$0x1] =	stream.indirect.gather [hbm4b:s1+s13], $0x1, s29, s13, $0xb8;
	[tilespmem:$0x4100] =	vst v63  }
0x36: {  	s26 =	simm.s32 $0x900;
	s28 =	simm.s32 $0x2480  }
0x37: {  	[tilespmem:s28], [sflag:$0x1] =	stream.indirect.gather [hbm4b:s1+s13], $0x1, s26, s13, $0xb8;
	[tilespmem:$0x4100] =	vst v63  }
0x38: {  	s29 =	simm.s32 $0xA00;
	s30 =	simm.s32 $0x2500  }
0x39: {  	[tilespmem:s30], [sflag:$0x1] =	stream.indirect.gather [hbm4b:s1+s13], $0x1, s29, s13, $0xb8;
	[tilespmem:$0x4100] =	vst v63  }
0x3a: {  	s26 =	simm.s32 $0xB00;
	s28 =	simm.s32 $0x2580  }
0x3b: {  	[tilespmem:s28], [sflag:$0x1] =	stream.indirect.gather [hbm4b:s1+s13], $0x1, s26, s13, $0xb8;
	[tilespmem:$0x4100] =	vst v63  }
0x3c: {  	s29 =	simm.s32 $0xC00;
	s30 =	simm.s32 $0x2600  }
0x3d: {  	[tilespmem:s30], [sflag:$0x1] =	stream.indirect.gather [hbm4b:s1+s13], $0x1, s29, s13, $0xb8;
	[tilespmem:$0x4100] =	vst v63  }
0x3e: {  	s26 =	simm.s32 $0xD00;
	s28 =	simm.s32 $0x2680  }
0x3f: {  	[tilespmem:s28], [sflag:$0x1] =	stream.indirect.gather [hbm4b:s1+s13], $0x1, s26, s13, $0xb8;
	[tilespmem:$0x4100] =	vst v63  }
0x40: {  	s29 =	simm.s32 $0xE00;
	s30 =	simm.s32 $0x2700  }
0x41: {  	[tilespmem:s30], [sflag:$0x1] =	stream.indirect.gather [hbm4b:s1+s13], $0x1, s29, s13, $0xb8;
	[tilespmem:$0x4100] =	vst v63  }
0x42: {  	s19 =	simm.s32 $0xF00;
	s26 =	simm.s32 $0x2780  }
0x43: {  	[tilespmem:s26], [sflag:$0x1] =	stream.indirect.gather [hbm4b:s1+s13], $0x1, s19, s13, $0xb8;
	[tilespmem:$0x4100] =	vst v63  }
0x44: {  	s28 =	simm.s32 $0x2800  }
0x45: {  	[tilespmem:s28], [sflag:$0x1] =	stream.indirect.gather [hbm4b:s1+s13], $0x1, s13, s13, $0xb8;
	[tilespmem:$0x4100] =	vst v63  }
0x46: {  	s29 =	simm.s32 $0x180;
	s30 =	simm.s32 $0x2880  }
0x47: {  	[tilespmem:s30], [sflag:$0x1] =	stream.indirect.gather [hbm4b:s1+s13], $0x1, s29, s13, $0xb8;
	[tilespmem:$0x4100] =	vst v63  }
0x48: {  	s26 =	simm.s32 $0x280;
	s28 =	simm.s32 $0x2900  }
0x49: {  	[tilespmem:s28], [sflag:$0x1] =	stream.indirect.gather [hbm4b:s1+s13], $0x1, s26, s13, $0xb8;
	[tilespmem:$0x4100] =	vst v63  }
0x4a: {  	s29 =	simm.s32 $0x380;
	s30 =	simm.s32 $0x2980  }
0x4b: {  	[tilespmem:s30], [sflag:$0x1] =	stream.indirect.gather [hbm4b:s1+s13], $0x1, s29, s13, $0xb8;
	[tilespmem:$0x4100] =	vst v63  }
0x4c: {  	s26 =	simm.s32 $0x480;
	s28 =	simm.s32 $0x2A00  }
0x4d: {  	[tilespmem:s28], [sflag:$0x1] =	stream.indirect.gather [hbm4b:s1+s13], $0x1, s26, s13, $0xb8;
	[tilespmem:$0x4100] =	vst v63  }
0x4e: {  	s29 =	simm.s32 $0x580;
	s30 =	simm.s32 $0x2A80  }
0x4f: {  	[tilespmem:s30], [sflag:$0x1] =	stream.indirect.gather [hbm4b:s1+s13], $0x1, s29, s13, $0xb8;
	[tilespmem:$0x4100] =	vst v63  }
0x50: {  	s26 =	simm.s32 $0x680;
	s28 =	simm.s32 $0x2B00  }
0x51: {  	[tilespmem:s28], [sflag:$0x1] =	stream.indirect.gather [hbm4b:s1+s13], $0x1, s26, s13, $0xb8;
	[tilespmem:$0x4100] =	vst v63  }
0x52: {  	s29 =	simm.s32 $0x780;
	s30 =	simm.s32 $0x2B80  }
0x53: {  	[tilespmem:s30], [sflag:$0x1] =	stream.indirect.gather [hbm4b:s1+s13], $0x1, s29, s13, $0xb8;
	[tilespmem:$0x4100] =	vst v63  }
0x54: {  	s26 =	simm.s32 $0x880;
	s28 =	simm.s32 $0x2C00  }
0x55: {  	[tilespmem:s28], [sflag:$0x1] =	stream.indirect.gather [hbm4b:s1+s13], $0x1, s26, s13, $0xb8;
	[tilespmem:$0x4100] =	vst v63  }
0x56: {  	s29 =	simm.s32 $0x980;
	s30 =	simm.s32 $0x2C80  }
0x57: {  	[tilespmem:s30], [sflag:$0x1] =	stream.indirect.gather [hbm4b:s1+s13], $0x1, s29, s13, $0xb8;
	[tilespmem:$0x4100] =	vst v63  }
0x58: {  	s26 =	simm.s32 $0xA80;
	s28 =	simm.s32 $0x2D00  }
0x59: {  	[tilespmem:s28], [sflag:$0x1] =	stream.indirect.gather [hbm4b:s1+s13], $0x1, s26, s13, $0xb8;
	[tilespmem:$0x4100] =	vst v63  }
0x5a: {  	s29 =	simm.s32 $0xB80;
	s30 =	simm.s32 $0x2D80  }
0x5b: {  	[tilespmem:s30], [sflag:$0x1] =	stream.indirect.gather [hbm4b:s1+s13], $0x1, s29, s13, $0xb8;
	[tilespmem:$0x4100] =	vst v63  }
0x5c: {  	s26 =	simm.s32 $0xC80;
	s28 =	simm.s32 $0x2E00  }
0x5d: {  	[tilespmem:s28], [sflag:$0x1] =	stream.indirect.gather [hbm4b:s1+s13], $0x1, s26, s13, $0xb8;
	[tilespmem:$0x4100] =	vst v63  }
0x5e: {  	s29 =	simm.s32 $0xD80;
	s30 =	simm.s32 $0x2E80  }
0x5f: {  	[tilespmem:s30], [sflag:$0x1] =	stream.indirect.gather [hbm4b:s1+s13], $0x1, s29, s13, $0xb8;
	[tilespmem:$0x4100] =	vst v63  }
0x60: {  	s26 =	simm.s32 $0xE80;
	s28 =	simm.s32 $0x2F00  }
0x61: {  	[tilespmem:s28], [sflag:$0x1] =	stream.indirect.gather [hbm4b:s1+s13], $0x1, s26, s13, $0xb8;
	[tilespmem:$0x4100] =	vst v63  }
0x62: {  	s29 =	simm.s32 $0xF80;
	s30 =	simm.s32 $0x2F80;
	s26 =	simm.s32 $0x0  }
0x63: {  	v2 =	vimm.f32 $0.0e+00;
	v1 =	vimm.f32 $0.0e+00;
	[tilespmem:s30], [sflag:$0x1] =	stream.indirect.gather [hbm4b:s1+s13], $0x1, s29, s13, $0xb8;
	[tilespmem:$0x4100] =	vst v63  }
.LBB2_3:
0x64: {  	s14 =	sadd.s32 s5, s26  }
0x65: {  	s14 =	sshll.u32 s14, $0xA  }
0x66: {  	s28 =	sand.u32 $0x1FFFFC00, s14  }
0x67: {  	s29 =	simm.s32 $0x0;
	s14 =	sadd.s32 s28, s8  }
0x68: {  	[tilespmem:s3], [sflag:$0x3] =	stream.linear.gather [hbm4b:s14+s29], $0x1000, $0x38;
	[tilespmem:$0x4100] =	vst v63  }
0x69: {  	_ =	swait.ge [sflag:s12], $0x1000  }
0x6a: {  	[sflag:s12] =	ssyncset.done $0x0  }
0x6b: {  	s19 =	simm.s32 $0x3000;
	[sflag:s12] =	ssyncadd.s32 $0xFFFFF000  }
0x6c: {  	[tilespmem:s19], [sflag:$0x2] =	stream.indirect.gather [hbm4b:s1+s13], $0x1, s3, s13, $0xb8;
	[tilespmem:$0x4100] =	vst v63  }
0x6d: {  	s14 =	simm.s32 $0x1100;
	s19 =	simm.s32 $0x3080  }
0x6e: {  	[tilespmem:s19], [sflag:$0x2] =	stream.indirect.gather [hbm4b:s1+s13], $0x1, s14, s13, $0xb8;
	[tilespmem:$0x4100] =	vst v63  }
0x6f: {  	s14 =	simm.s32 $0x1200;
	s19 =	simm.s32 $0x3100  }
0x70: {  	[tilespmem:s19], [sflag:$0x2] =	stream.indirect.gather [hbm4b:s1+s13], $0x1, s14, s13, $0xb8;
	[tilespmem:$0x4100] =	vst v63  }
0x71: {  	s14 =	simm.s32 $0x1300;
	s19 =	simm.s32 $0x3180  }
0x72: {  	[tilespmem:s19], [sflag:$0x2] =	stream.indirect.gather [hbm4b:s1+s13], $0x1, s14, s13, $0xb8;
	[tilespmem:$0x4100] =	vst v63  }
0x73: {  	s14 =	simm.s32 $0x1400;
	s19 =	simm.s32 $0x3200  }
0x74: {  	[tilespmem:s19], [sflag:$0x2] =	stream.indirect.gather [hbm4b:s1+s13], $0x1, s14, s13, $0xb8;
	[tilespmem:$0x4100] =	vst v63  }
0x75: {  	s14 =	simm.s32 $0x1500;
	s19 =	simm.s32 $0x3280  }
0x76: {  	[tilespmem:s19], [sflag:$0x2] =	stream.indirect.gather [hbm4b:s1+s13], $0x1, s14, s13, $0xb8;
	[tilespmem:$0x4100] =	vst v63  }
0x77: {  	s14 =	simm.s32 $0x1600;
	s19 =	simm.s32 $0x3300  }
0x78: {  	[tilespmem:s19], [sflag:$0x2] =	stream.indirect.gather [hbm4b:s1+s13], $0x1, s14, s13, $0xb8;
	[tilespmem:$0x4100] =	vst v63  }
0x79: {  	s14 =	simm.s32 $0x1700;
	s19 =	simm.s32 $0x3380  }
0x7a: {  	[tilespmem:s19], [sflag:$0x2] =	stream.indirect.gather [hbm4b:s1+s13], $0x1, s14, s13, $0xb8;
	[tilespmem:$0x4100] =	vst v63  }
0x7b: {  	s14 =	simm.s32 $0x1800;
	s19 =	simm.s32 $0x3400  }
0x7c: {  	[tilespmem:s19], [sflag:$0x2] =	stream.indirect.gather [hbm4b:s1+s13], $0x1, s14, s13, $0xb8;
	[tilespmem:$0x4100] =	vst v63  }
0x7d: {  	s14 =	simm.s32 $0x1900;
	s19 =	simm.s32 $0x3480  }
0x7e: {  	[tilespmem:s19], [sflag:$0x2] =	stream.indirect.gather [hbm4b:s1+s13], $0x1, s14, s13, $0xb8;
	[tilespmem:$0x4100] =	vst v63  }
0x7f: {  	s14 =	simm.s32 $0x1A00;
	s19 =	simm.s32 $0x3500  }
0x80: {  	[tilespmem:s19], [sflag:$0x2] =	stream.indirect.gather [hbm4b:s1+s13], $0x1, s14, s13, $0xb8;
	[tilespmem:$0x4100] =	vst v63  }
0x81: {  	s14 =	simm.s32 $0x1B00;
	s19 =	simm.s32 $0x3580  }
0x82: {  	[tilespmem:s19], [sflag:$0x2] =	stream.indirect.gather [hbm4b:s1+s13], $0x1, s14, s13, $0xb8;
	[tilespmem:$0x4100] =	vst v63  }
0x83: {  	s14 =	simm.s32 $0x1C00;
	s19 =	simm.s32 $0x3600  }
0x84: {  	[tilespmem:s19], [sflag:$0x2] =	stream.indirect.gather [hbm4b:s1+s13], $0x1, s14, s13, $0xb8;
	[tilespmem:$0x4100] =	vst v63  }
0x85: {  	s14 =	simm.s32 $0x1D00;
	s19 =	simm.s32 $0x3680  }
0x86: {  	[tilespmem:s19], [sflag:$0x2] =	stream.indirect.gather [hbm4b:s1+s13], $0x1, s14, s13, $0xb8;
	[tilespmem:$0x4100] =	vst v63  }
0x87: {  	s14 =	simm.s32 $0x1E00;
	s19 =	simm.s32 $0x3700  }
0x88: {  	[tilespmem:s19], [sflag:$0x2] =	stream.indirect.gather [hbm4b:s1+s13], $0x1, s14, s13, $0xb8;
	[tilespmem:$0x4100] =	vst v63  }
0x89: {  	s14 =	simm.s32 $0x1F00;
	s19 =	simm.s32 $0x3780  }
0x8a: {  	[tilespmem:s19], [sflag:$0x2] =	stream.indirect.gather [hbm4b:s1+s13], $0x1, s14, s13, $0xb8;
	[tilespmem:$0x4100] =	vst v63  }
0x8b: {  	s14 =	simm.s32 $0x1080;
	s19 =	simm.s32 $0x3800  }
0x8c: {  	[tilespmem:s19], [sflag:$0x2] =	stream.indirect.gather [hbm4b:s1+s13], $0x1, s14, s13, $0xb8;
	[tilespmem:$0x4100] =	vst v63  }
0x8d: {  	s14 =	simm.s32 $0x1180;
	s19 =	simm.s32 $0x3880  }
0x8e: {  	[tilespmem:s19], [sflag:$0x2] =	stream.indirect.gather [hbm4b:s1+s13], $0x1, s14, s13, $0xb8;
	[tilespmem:$0x4100] =	vst v63  }
0x8f: {  	s14 =	simm.s32 $0x1280;
	s19 =	simm.s32 $0x3900  }
0x90: {  	[tilespmem:s19], [sflag:$0x2] =	stream.indirect.gather [hbm4b:s1+s13], $0x1, s14, s13, $0xb8;
	[tilespmem:$0x4100] =	vst v63  }
0x91: {  	s14 =	simm.s32 $0x1380;
	s19 =	simm.s32 $0x3980  }
0x92: {  	[tilespmem:s19], [sflag:$0x2] =	stream.indirect.gather [hbm4b:s1+s13], $0x1, s14, s13, $0xb8;
	[tilespmem:$0x4100] =	vst v63  }
0x93: {  	s14 =	simm.s32 $0x1480;
	s19 =	simm.s32 $0x3A00  }
0x94: {  	[tilespmem:s19], [sflag:$0x2] =	stream.indirect.gather [hbm4b:s1+s13], $0x1, s14, s13, $0xb8;
	[tilespmem:$0x4100] =	vst v63  }
0x95: {  	s14 =	simm.s32 $0x1580;
	s19 =	simm.s32 $0x3A80  }
0x96: {  	[tilespmem:s19], [sflag:$0x2] =	stream.indirect.gather [hbm4b:s1+s13], $0x1, s14, s13, $0xb8;
	[tilespmem:$0x4100] =	vst v63  }
0x97: {  	s14 =	simm.s32 $0x1680;
	s19 =	simm.s32 $0x3B00  }
0x98: {  	[tilespmem:s19], [sflag:$0x2] =	stream.indirect.gather [hbm4b:s1+s13], $0x1, s14, s13, $0xb8;
	[tilespmem:$0x4100] =	vst v63  }
0x99: {  	s14 =	simm.s32 $0x1780;
	s19 =	simm.s32 $0x3B80  }
0x9a: {  	[tilespmem:s19], [sflag:$0x2] =	stream.indirect.gather [hbm4b:s1+s13], $0x1, s14, s13, $0xb8;
	[tilespmem:$0x4100] =	vst v63  }
0x9b: {  	s19 =	simm.s32 $0x1880  }
0x9c: {  	[tilespmem:s20], [sflag:$0x2] =	stream.indirect.gather [hbm4b:s1+s13], $0x1, s19, s13, $0xb8;
	[tilespmem:$0x4100] =	vst v63  }
0x9d: {  	_ = 	snop  }
0x9e: {  	[tilespmem:s22], [sflag:$0x2] =	stream.indirect.gather [hbm4b:s1+s13], $0x1, s21, s13, $0xb8;
	[tilespmem:$0x4100] =	vst v63  }
0x9f: {  	_ = 	snop  }
0xa0: {  	[tilespmem:s24], [sflag:$0x2] =	stream.indirect.gather [hbm4b:s1+s13], $0x1, s23, s13, $0xb8;
	[tilespmem:$0x4100] =	vst v63  }
0xa1: {  	_ = 	snop  }
0xa2: {  	[tilespmem:s16], [sflag:$0x2] =	stream.indirect.gather [hbm4b:s1+s13], $0x1, s15, s13, $0xb8;
	[tilespmem:$0x4100] =	vst v63  }
0xa3: {  	_ = 	snop  }
0xa4: {  	[tilespmem:s17], [sflag:$0x2] =	stream.indirect.gather [hbm4b:s1+s13], $0x1, s31, s13, $0xb8;
	[tilespmem:$0x4100] =	vst v63  }
0xa5: {  	_ = 	snop  }
0xa6: {  	[tilespmem:s18], [sflag:$0x2] =	stream.indirect.gather [hbm4b:s1+s13], $0x1, s2, s13, $0xb8;
	[tilespmem:$0x4100] =	vst v63  }
0xa7: {  	_ = 	snop  }
0xa8: {  	[tilespmem:s9], [sflag:$0x2] =	stream.indirect.gather [hbm4b:s1+s13], $0x1, s0, s13, $0xb8;
	[tilespmem:$0x4100] =	vst v63  }
0xa9: {  	_ = 	snop  }
0xaa: {  	[tilespmem:s10], [sflag:$0x2] =	stream.indirect.gather [hbm4b:s1+s13], $0x1, s7, s13, $0xb8;
	[tilespmem:$0x4100] =	vst v63  }
0xab: {  	_ =	swait.ge [sflag:s11], $0x80  }
0xac: {  	[sflag:s11] =	ssyncset.done $0x0  }
0xad: {  	[sflag:s11] =	ssyncadd.s32 $0xFFFFFF80  }
0xae: {  	_ =	swait.ge [sflag:s11], $0x80  }
0xaf: {  	[sflag:s11] =	ssyncset.done $0x0  }
0xb0: {  	[sflag:s11] =	ssyncadd.s32 $0xFFFFFF80  }
0xb1: {  	_ =	swait.ge [sflag:s11], $0x80  }
0xb2: {  	[sflag:s11] =	ssyncset.done $0x0  }
0xb3: {  	[sflag:s11] =	ssyncadd.s32 $0xFFFFFF80  }
0xb4: {  	_ =	swait.ge [sflag:s11], $0x80  }
0xb5: {  	[sflag:s11] =	ssyncset.done $0x0  }
0xb6: {  	[sflag:s11] =	ssyncadd.s32 $0xFFFFFF80  }
0xb7: {  	_ =	swait.ge [sflag:s11], $0x80  }
0xb8: {  	[sflag:s11] =	ssyncset.done $0x0  }
0xb9: {  	[sflag:s11] =	ssyncadd.s32 $0xFFFFFF80  }
0xba: {  	_ =	swait.ge [sflag:s11], $0x80  }
0xbb: {  	[sflag:s11] =	ssyncset.done $0x0  }
0xbc: {  	[sflag:s11] =	ssyncadd.s32 $0xFFFFFF80  }
0xbd: {  	_ =	swait.ge [sflag:s11], $0x80  }
0xbe: {  	[sflag:s11] =	ssyncset.done $0x0  }
0xbf: {  	[sflag:s11] =	ssyncadd.s32 $0xFFFFFF80  }
0xc0: {  	_ =	swait.ge [sflag:s11], $0x80  }
0xc1: {  	[sflag:s11] =	ssyncset.done $0x0  }
0xc2: {  	[sflag:s11] =	ssyncadd.s32 $0xFFFFFF80  }
0xc3: {  	_ =	swait.ge [sflag:s11], $0x80  }
0xc4: {  	[sflag:s11] =	ssyncset.done $0x0  }
0xc5: {  	[sflag:s11] =	ssyncadd.s32 $0xFFFFFF80  }
0xc6: {  	_ =	swait.ge [sflag:s11], $0x80  }
0xc7: {  	[sflag:s11] =	ssyncset.done $0x0  }
0xc8: {  	[sflag:s11] =	ssyncadd.s32 $0xFFFFFF80  }
0xc9: {  	_ =	swait.ge [sflag:s11], $0x80  }
0xca: {  	[sflag:s11] =	ssyncset.done $0x0  }
0xcb: {  	[sflag:s11] =	ssyncadd.s32 $0xFFFFFF80  }
0xcc: {  	_ =	swait.ge [sflag:s11], $0x80  }
0xcd: {  	[sflag:s11] =	ssyncset.done $0x0  }
0xce: {  	[sflag:s11] =	ssyncadd.s32 $0xFFFFFF80  }
0xcf: {  	_ =	swait.ge [sflag:s11], $0x80  }
0xd0: {  	[sflag:s11] =	ssyncset.done $0x0  }
0xd1: {  	[sflag:s11] =	ssyncadd.s32 $0xFFFFFF80  }
0xd2: {  	_ =	swait.ge [sflag:s11], $0x80  }
0xd3: {  	[sflag:s11] =	ssyncset.done $0x0  }
0xd4: {  	[sflag:s11] =	ssyncadd.s32 $0xFFFFFF80  }
0xd5: {  	_ =	swait.ge [sflag:s11], $0x80  }
0xd6: {  	[sflag:s11] =	ssyncset.done $0x0  }
0xd7: {  	[sflag:s11] =	ssyncadd.s32 $0xFFFFFF80  }
0xd8: {  	_ =	swait.ge [sflag:s11], $0x80  }
0xd9: {  	[sflag:s11] =	ssyncset.done $0x0  }
0xda: {  	[sflag:s11] =	ssyncadd.s32 $0xFFFFFF80  }
0xdb: {  	_ =	swait.ge [sflag:s11], $0x80  }
0xdc: {  	[sflag:s11] =	ssyncset.done $0x0  }
0xdd: {  	[sflag:s11] =	ssyncadd.s32 $0xFFFFFF80  }
0xde: {  	_ =	swait.ge [sflag:s11], $0x80  }
0xdf: {  	[sflag:s11] =	ssyncset.done $0x0  }
0xe0: {  	[sflag:s11] =	ssyncadd.s32 $0xFFFFFF80  }
0xe1: {  	_ =	swait.ge [sflag:s11], $0x80  }
0xe2: {  	[sflag:s11] =	ssyncset.done $0x0  }
0xe3: {  	[sflag:s11] =	ssyncadd.s32 $0xFFFFFF80  }
0xe4: {  	_ =	swait.ge [sflag:s11], $0x80  }
0xe5: {  	[sflag:s11] =	ssyncset.done $0x0  }
0xe6: {  	[sflag:s11] =	ssyncadd.s32 $0xFFFFFF80  }
0xe7: {  	_ =	swait.ge [sflag:s11], $0x80  }
0xe8: {  	[sflag:s11] =	ssyncset.done $0x0  }
0xe9: {  	[sflag:s11] =	ssyncadd.s32 $0xFFFFFF80  }
0xea: {  	_ =	swait.ge [sflag:s11], $0x80  }
0xeb: {  	[sflag:s11] =	ssyncset.done $0x0  }
0xec: {  	[sflag:s11] =	ssyncadd.s32 $0xFFFFFF80  }
0xed: {  	_ =	swait.ge [sflag:s11], $0x80  }
0xee: {  	[sflag:s11] =	ssyncset.done $0x0  }
0xef: {  	[sflag:s11] =	ssyncadd.s32 $0xFFFFFF80  }
0xf0: {  	_ =	swait.ge [sflag:s11], $0x80  }
0xf1: {  	[sflag:s11] =	ssyncset.done $0x0  }
0xf2: {  	[sflag:s11] =	ssyncadd.s32 $0xFFFFFF80  }
0xf3: {  	_ =	swait.ge [sflag:s11], $0x80  }
0xf4: {  	[sflag:s11] =	ssyncset.done $0x0  }
0xf5: {  	[sflag:s11] =	ssyncadd.s32 $0xFFFFFF80  }
0xf6: {  	_ =	swait.ge [sflag:s11], $0x80  }
0xf7: {  	[sflag:s11] =	ssyncset.done $0x0  }
0xf8: {  	[sflag:s11] =	ssyncadd.s32 $0xFFFFFF80  }
0xf9: {  	_ =	swait.ge [sflag:s11], $0x80  }
0xfa: {  	[sflag:s11] =	ssyncset.done $0x0  }
0xfb: {  	[sflag:s11] =	ssyncadd.s32 $0xFFFFFF80  }
0xfc: {  	_ =	swait.ge [sflag:s11], $0x80  }
0xfd: {  	[sflag:s11] =	ssyncset.done $0x0  }
0xfe: {  	[sflag:s11] =	ssyncadd.s32 $0xFFFFFF80  }
0xff: {  	_ =	swait.ge [sflag:s11], $0x80  }
0x100: {  	[sflag:s11] =	ssyncset.done $0x0  }
0x101: {  	[sflag:s11] =	ssyncadd.s32 $0xFFFFFF80  }
0x102: {  	_ =	swait.ge [sflag:s11], $0x80  }
0x103: {  	[sflag:s11] =	ssyncset.done $0x0  }
0x104: {  	[sflag:s11] =	ssyncadd.s32 $0xFFFFFF80  }
0x105: {  	_ =	swait.ge [sflag:s11], $0x80  }
0x106: {  	[sflag:s11] =	ssyncset.done $0x0  }
0x107: {  	[sflag:s11] =	ssyncadd.s32 $0xFFFFFF80  }
0x108: {  	_ =	swait.ge [sflag:s11], $0x80  }
0x109: {  	[sflag:s11] =	ssyncset.done $0x0  }
0x10a: {  	s19 =	simm.s32 $0x2000;
	[sflag:s11] =	ssyncadd.s32 $0xFFFFFF80  }
0x10b: {  	v7 =	vld [tilespmem:s19+$0x0];
	_ =	sdelay $0x4  }
0x10c: {  	s19 =	sand.u32 $0x7F0, s29;
	v3 =	vand.u32 $0x7FFFFFFF, v7  }
0x10d: {  	v8 =	vld [tilespmem:s19+$0x2800];
	v3 =	vsub.f32 $0.0e+00, v3;
	_ =	sdelay $0x1  }
0x10e: {  	v3 =	vmul.f32 $1.442695020e+00, v3;
	_ =	sdelay $0x1  }
0x10f: {  	(erf) = vpow2.f32 v3  }
0x110: {  	v3 =	vand.u32 $0x7FFFFFFF, v8  }
0x111: {  	v3 =	vsub.f32 $0.0e+00, v3;
	_ =	sdelay $0x1  }
0x112: {  	v3 =	vmul.f32 $1.442695020e+00, v3;
	_ =	sdelay $0x1  }
0x113: {  	(erf) = vpow2.f32 v3;
	_ =	sdelay $0x1  }
0x114: {  	s19 =	simm.s32 $0x2010  }
0x115: {  	v6 =	vld [tilespmem:s19+$0x0];
	v3 =	vpop (erf)  }
0x116: {  	v4 =	vadd.f32 $2.000000000e+00, v3;
	_ =	sdelay $0x1  }
0x117: {  	s19 =	simm.s32 $0x10;
	(erf) = vrcp.f32 v4  }
0x118: {  	s14 =	sand.u32 $0x7F0, s19  }
0x119: {  	v5 =	vld [tilespmem:s14+$0x2800];
	v4 =	vand.u32 $0x7FFFFFFF, v6  }
0x11a: {  	v4 =	vsub.f32 $0.0e+00, v4;
	v9 =	vpop (erf)  }
0x11b: {  	v10 =	vadd.f32 $2.000000000e+00, v9  }
0x11c: {  	v4 =	vmul.f32 $1.442695020e+00, v4  }
0x11d: {  	(erf) = vrcp.f32 v10  }
0x11e: {  	v10 =	vand.u32 $0x7FFFFFFF, v5;
	(erf) = vpow2.f32 v4  }
0x11f: {  	v10 =	vsub.f32 $0.0e+00, v10  }
0x120: {  	v4 =	vpop (erf)  }
0x121: {  	v11 =	vmul.f32 v4, v3;
	v3 =	vmul.f32 $1.442695020e+00, v10;
	_ =	sdelay $0x1  }
0x122: {  	v10 =	vmul.f32 v11, v11;
	(erf) = vpow2.f32 v3;
	_ =	sdelay $0x1  }
0x123: {  	v3 =	vmul.f32 $1.111111120e-01, v10  }
0x124: {  	s19 =	simm.s32 $0x2020;
	v4 =	vpop (erf)  }
0x125: {  	v12 =	vmul.f32 v4, v9;
	v9 =	vpop (erf);
	v4 =	vadd.f32 $1.428571490e-01, v3;
	v3 =	vld [tilespmem:s19+$0x0]  }
0x126: {  	v13 =	vadd.f32 $2.000000000e+00, v9  }
0x127: {  	v14 =	vmul.f32 v12, v12;
	v4 =	vmul.f32 v4, v10  }
0x128: {  	(erf) = vrcp.f32 v13  }
0x129: {  	s19 =	simm.s32 $0x20;
	v15 =	vmul.f32 $1.111111120e-01, v14;
	v13 =	vadd.f32 $2.000000030e-01, v4  }
0x12a: {  	s14 =	sand.u32 $0x7F0, s19;
	v16 =	vand.u32 $0x7FFFFFFF, v3;
	v17 =	vpop (erf)  }
0x12b: {  	v4 =	vld [tilespmem:s14+$0x2800];
	v15 =	vadd.f32 $1.428571490e-01, v15;
	v13 =	vmul.f32 v13, v10;
	v18 =	vadd.f32 $2.000000000e+00, v17  }
0x12c: {  	vm0 =	vlt.f32 v7, $0.0e+00;
	vm1 =	vgt.f32 v8, $0.0e+00;
	v16 =	vsub.f32 $0.0e+00, v16  }
0x12d: {  	v15 =	vmul.f32 v15, v14;
	v13 =	vadd.f32 $3.333333430e-01, v13;
	(erf) = vrcp.f32 v18  }
0x12e: {  	v19 =	vmax.f32 v7, $0.0e+00;
	v16 =	vmul.f32 $1.442695020e+00, v16;
	v18 =	vsel vm1, $0x3F800000, v0  }
0x12f: {  	vm2 =	vgt.f32 v7, $0.0e+00;
	v10 =	vmul.f32 v13, v10;
	v13 =	vadd.f32 $2.000000030e-01, v15  }
0x130: {  	v11 =	vadd.f32 v11, v11;
	v15 =	vand.u32 $0x7FFFFFFF, v4;
	(erf) = vpow2.f32 v16  }
0x131: {  	v16 =	vmul.f32 v18, v7;
	v18 =	vpop (erf);
	v10 =	vadd.f32 $1.000000000e+00, v10;
	v13 =	vmul.f32 v13, v14  }
0x132: {  	vm3 =	vlt.f32 v8, $0.0e+00;
	v15 =	vsub.f32 $0.0e+00, v15;
	v9 =	vmul.f32 v18, v9  }
0x133: {  	v7 =	vsub.f32 v19, v16;
	v10 =	vmul.f32 v10, v11;
	v13 =	vadd.f32 $3.333333430e-01, v13  }
0x134: {  	v16 =	vsel vm2, $0x3F800000, v0;
	v15 =	vmul.f32 $1.442695020e+00, v15;
	v11 =	vmul.f32 v9, v9  }
0x135: {  	v7 =	vadd.f32 v10, v7;
	v10 =	vmul.f32 v13, v14;
	v13 =	vmax.f32 v8, $0.0e+00  }
0x136: {  	v14 =	vmul.f32 v16, v8;
	v16 =	vadd.f32 v12, v12;
	v8 =	vpop (erf);
	(erf) = vpow2.f32 v15  }
0x137: {  	v18 =	vmul.f32 $1.111111120e-01, v11;
	v7 =	vadd.f32 v7, v13;
	v10 =	vadd.f32 $1.000000000e+00, v10  }
0x138: {  	s29 =	simm.s32 $0x2030;
	vm0 =	vmxor vm0, vm3;
	vm1 =	vmxor vm2, vm1;
	v8 =	vmul.f32 v8, v17  }
0x139: {  	v13 =	vadd.f32 $1.428571490e-01, v18;
	v12 =	vpop (erf);
	v14 =	vsub.f32 v7, v14;
	v10 =	vmul.f32 v10, v16;
	v7 =	vld [tilespmem:s29+$0x0]  }
0x13a: {  	vm0 =	vmor vm1, vm0;
	v15 =	vadd.f32 $2.000000000e+00, v12  }
0x13b: {  	s30 =	simm.s32 $0x40;
	s14 =	simm.s32 $0x30;
	v16 =	vmul.f32 v13, v11;
	v13 =	vmul.f32 v8, v8;
	v14 =	vadd.f32 v14, v10  }
.LBB2_4:
0x13c: {  	p1 =	sne.s32 s30, $0x7F0;
	(erf) = vrcp.f32 v15;
	v10 =	vsel vm0, $0x3F800000, v0  }
0x13d: {  	v15 =	vadd.f32 $2.000000030e-01, v16;
	v16 =	vmul.f32 $1.111111120e-01, v13;
	v14 =	vmul.f32 v14, v10  }
0x13e: {  	s19 =	sand.u32 $0x7F0, s14;
	vm0 =	vlt.f32 v6, $0.0e+00;
	s14 =	smov.u32 s30;
	v2 =	vadd.f32 v10, v2;
	v17 =	vand.u32 $0x7FFFFFFF, v7  }
0x13f: {  	v10 =	vld [tilespmem:s19+$0x2800];
	v18 =	vpop (erf);
	v15 =	vmul.f32 v15, v11;
	v16 =	vadd.f32 $1.428571490e-01, v16;
	v1 =	vadd.f32 v14, v1  }
0x140: {  	vm1 =	vlt.f32 v5, $0.0e+00;
	v14 =	vsub.f32 $0.0e+00, v17;
	v17 =	vadd.f32 $2.000000000e+00, v18  }
0x141: {  	v19 =	vmax.f32 v6, $0.0e+00;
	v15 =	vadd.f32 $3.333333430e-01, v15;
	v16 =	vmul.f32 v16, v13  }
0x142: {  	vm2 =	vgt.f32 v5, $0.0e+00;
	v14 =	vmul.f32 $1.442695020e+00, v14;
	(erf) = vrcp.f32 v17  }
0x143: {  	v20 =	vsel vm2, $0x3F800000, v0;
	v11 =	vmul.f32 v15, v11;
	v15 =	vadd.f32 $2.000000030e-01, v16  }
0x144: {  	v16 =	vand.u32 $0x7FFFFFFF, v10;
	(erf) = vpow2.f32 v14;
	v14 =	vmul.f32 v20, v6  }
0x145: {  	v20 =	vadd.f32 v9, v9;
	v17 =	vpop (erf);
	v11 =	vadd.f32 $1.000000000e+00, v11;
	v15 =	vmul.f32 v15, v13  }
0x146: {  	vm3 =	vgt.f32 v6, $0.0e+00;
	v6 =	vmovc v3;
	v3 =	vmovc v7;
	v16 =	vsub.f32 $0.0e+00, v16;
	v14 =	vsub.f32 v19, v14  }
0x147: {  	v9 =	vmul.f32 v17, v12;
	v7 =	vmul.f32 v11, v20;
	v12 =	vadd.f32 $3.333333430e-01, v15  }
0x148: {  	v17 =	vmax.f32 v5, $0.0e+00;
	v15 =	vmul.f32 $1.442695020e+00, v16;
	v16 =	vsel vm3, $0x3F800000, v0  }
0x149: {  	v11 =	vmul.f32 v9, v9;
	v7 =	vadd.f32 v7, v14;
	v12 =	vmul.f32 v12, v13  }
0x14a: {  	v13 =	vmul.f32 v16, v5;
	v14 =	vadd.f32 v8, v8;
	v5 =	vmovc v4;
	v4 =	vmovc v10;
	(erf) = vpow2.f32 v15  }
.Ltmp2:
0x14b: {  	v10 =	vmul.f32 $1.111111120e-01, v11;
	v8 =	vpop (erf);
	v15 =	vadd.f32 v7, v17;
	v16 =	vadd.f32 $1.000000000e+00, v12;
	(pc) =	sbr.rel @p1 .LBB2_4-.Ltmp2, $4  }
0x14c: {  	s29 =	sadd.s32 $0x10, s29;
	vm2 =	vmxor vm3, vm2;
	vm0 =	vmxor vm0, vm1;
	v8 =	vmul.f32 v8, v18  }
0x14d: {  	v10 =	vadd.f32 $1.428571490e-01, v10;
	v7 =	vld [tilespmem:s29+$0x0];
	v12 =	vpop (erf);
	v17 =	vsub.f32 v15, v13;
	v14 =	vmul.f32 v16, v14  }
0x14e: {  	vm0 =	vmor vm2, vm0;
	v15 =	vadd.f32 $2.000000000e+00, v12  }
0x14f: {  	s30 =	sadd.s32 $0x10, s30;
	v16 =	vmul.f32 v10, v11;
	v13 =	vmul.f32 v8, v8;
	v14 =	vadd.f32 v17, v14  }
0x150: {  	_ =	sdelay $0x1  }
0x151: {  	s14 =	sand.u32 $0x7F0, s14;
	v17 =	vand.u32 $0x7FFFFFFF, v7  }
0x152: {  	v10 =	vld [tilespmem:s14+$0x2800];
	v18 =	vpop (erf);
	v17 =	vsub.f32 $0.0e+00, v17  }
0x153: {  	v19 =	vadd.f32 $2.000000000e+00, v18  }
0x154: {  	(erf) = vrcp.f32 v15;
	v55 =	vmul.f32 $1.442695020e+00, v17  }
0x155: {  	(erf) = vrcp.f32 v19  }
0x156: {  	(erf) = vpow2.f32 v55  }
0x157: {  	v56 =	vand.u32 $0x7FFFFFFF, v10  }
0x158: {  	v58 =	vsub.f32 $0.0e+00, v56;
	_ =	sdelay $0x1  }
0x159: {  	v57 =	vadd.f32 $2.000000030e-01, v16;
	v16 =	vmul.f32 $1.442695020e+00, v58;
	_ =	sdelay $0x1  }
0x15a: {  	vm1 =	vgt.f32 v5, $0.0e+00;
	(erf) = vpow2.f32 v16  }
0x15b: {  	v9 =	vadd.f32 v9, v9;
	v22 =	vmax.f32 v6, $0.0e+00;
	v24 =	vsel vm0, $0x3F800000, v0;
	v60 =	vpop (erf)  }
0x15c: {  	vm7 =	vlt.f32 v6, $0.0e+00;
	vm2 =	vgt.f32 v6, $0.0e+00;
	v31 =	vmax.f32 v5, $0.0e+00;
	v62 =	vpop (erf)  }
0x15d: {  	v8 =	vadd.f32 v8, v8;
	v59 =	vmul.f32 $1.111111120e-01, v13;
	v15 =	vmul.f32 v57, v11;
	v20 =	vpop (erf)  }
0x15e: {  	vm3 =	vlt.f32 v5, $0.0e+00;
	vm8 =	vlt.f32 v3, $0.0e+00;
	v21 =	vadd.f32 $2.000000000e+00, v20  }
0x15f: {  	vm9 =	vgt.f32 v4, $0.0e+00;
	v17 =	vadd.f32 $1.428571490e-01, v59;
	v15 =	vadd.f32 $3.333333430e-01, v15  }
0x160: {  	v44 =	vmax.f32 v3, $0.0e+00;
	vm10 =	vlt.f32 v4, $0.0e+00;
	(erf) = vrcp.f32 v21  }
0x161: {  	vm11 =	vgt.f32 v3, $0.0e+00;
	v17 =	vmul.f32 v17, v13;
	v61 =	vmul.f32 v15, v11  }
0x162: {  	v51 =	vmax.f32 v4, $0.0e+00;
	v63 =	vsel vm1, $0x3F800000, v0;
	v14 =	vmul.f32 v14, v24  }
0x163: {  	v33 =	vsel vm2, $0x3F800000, v0;
	v17 =	vadd.f32 $2.000000030e-01, v17;
	v11 =	vadd.f32 $1.000000000e+00, v61;
	v27 =	vpop (erf)  }
0x164: {  	v19 =	vmul.f32 v63, v6;
	v23 =	vmul.f32 v60, v12;
	v30 =	vadd.f32 $2.000000000e+00, v27  }
0x165: {  	vm1 =	vmxor vm2, vm1;
	v17 =	vmul.f32 v17, v13;
	v9 =	vmul.f32 v11, v9  }
0x166: {  	v19 =	vsub.f32 v22, v19;
	v28 =	vmul.f32 v23, v23;
	(erf) = vrcp.f32 v30  }
0x167: {  	vm0 =	vmxor vm7, vm3;
	v2 =	vadd.f32 v24, v2;
	v25 =	vadd.f32 $3.333333430e-01, v17  }
0x168: {  	v16 =	vmul.f32 v33, v5;
	v26 =	vadd.f32 v9, v19;
	v32 =	vmul.f32 $1.111111120e-01, v28  }
0x169: {  	v42 =	vsel vm9, $0x3F800000, v0;
	v29 =	vmul.f32 v25, v13;
	v15 =	vmul.f32 v62, v18;
	v36 =	vpop (erf)  }
0x16a: {  	v6 =	vadd.f32 v26, v31;
	v34 =	vadd.f32 $1.428571490e-01, v32;
	v37 =	vmul.f32 v36, v20  }
0x16b: {  	v50 =	vsel vm11, $0x3F800000, v0;
	v13 =	vadd.f32 $1.000000000e+00, v29;
	v35 =	vmul.f32 v15, v15  }
0x16c: {  	v6 =	vsub.f32 v6, v16;
	v5 =	vmul.f32 v34, v28;
	v16 =	vmul.f32 v37, v37  }
0x16d: {  	vm3 =	vmxor vm11, vm9;
	v8 =	vmul.f32 v13, v8;
	v38 =	vmul.f32 $1.111111120e-01, v35  }
0x16e: {  	v1 =	vadd.f32 v14, v1;
	v5 =	vadd.f32 $2.000000030e-01, v5;
	v40 =	vmul.f32 $1.111111120e-01, v16  }
0x16f: {  	v43 =	vmul.f32 v42, v3;
	v6 =	vadd.f32 v6, v8;
	v8 =	vadd.f32 $1.428571490e-01, v38;
	v41 =	vpop (erf)  }
0x170: {  	v5 =	vmul.f32 v5, v28;
	v9 =	vmul.f32 v41, v27;
	v14 =	vadd.f32 $1.428571490e-01, v40  }
0x171: {  	vm0 =	vmor vm1, vm0;
	v52 =	vmul.f32 v50, v4;
	v8 =	vmul.f32 v8, v35  }
0x172: {  	v5 =	vadd.f32 $3.333333430e-01, v5;
	v45 =	vmul.f32 v9, v9;
	v14 =	vmul.f32 v14, v16  }
0x173: {  	vm13 =	vgt.f32 v7, $0.0e+00;
	v39 =	vsel vm0, $0x3F800000, v0;
	v8 =	vadd.f32 $2.000000030e-01, v8  }
0x174: {  	v5 =	vmul.f32 v5, v28;
	v46 =	vmul.f32 $1.111111120e-01, v45;
	v14 =	vadd.f32 $2.000000030e-01, v14  }
0x175: {  	vm0 =	vmxor vm8, vm10;
	v11 =	vadd.f32 v23, v23;
	v8 =	vmul.f32 v8, v35  }
0x176: {  	v5 =	vadd.f32 $1.000000000e+00, v5;
	v49 =	vadd.f32 $1.428571490e-01, v46;
	v48 =	vmul.f32 v14, v16  }
0x177: {  	vm14 =	vlt.f32 v7, $0.0e+00;
	vm0 =	vmor vm3, vm0;
	v47 =	vadd.f32 $3.333333430e-01, v8  }
0x178: {  	v3 =	vmul.f32 v5, v11;
	v11 =	vmul.f32 v49, v45;
	v8 =	vadd.f32 $3.333333430e-01, v48  }
0x179: {  	v59 =	vsel vm13, $0x3F800000, v0;
	vm12 =	vgt.f32 v10, $0.0e+00;
	vm15 =	vlt.f32 v10, $0.0e+00  }
0x17a: {  	v53 =	vsel vm12, $0x3F800000, v0;
	v11 =	vadd.f32 $2.000000030e-01, v11;
	v8 =	vmul.f32 v8, v16  }
0x17b: {  	v55 =	vmax.f32 v7, $0.0e+00;
	v17 =	vsub.f32 v44, v43;
	v13 =	vmul.f32 v53, v7  }
0x17c: {  	v12 =	vadd.f32 v37, v37;
	v11 =	vmul.f32 v11, v45;
	v8 =	vadd.f32 $1.000000000e+00, v8  }
0x17d: {  	v54 =	vadd.f32 v15, v15;
	v5 =	vmul.f32 v47, v35;
	v3 =	vadd.f32 v3, v17  }
0x17e: {  	v13 =	vsub.f32 v55, v13;
	v11 =	vadd.f32 $3.333333430e-01, v11;
	v8 =	vmul.f32 v8, v12  }
0x17f: {  	vm1 =	vmxor vm13, vm12;
	v5 =	vadd.f32 $1.000000000e+00, v5;
	v3 =	vadd.f32 v3, v51  }
0x180: {  	v60 =	vmax.f32 v10, $0.0e+00;
	v58 =	vmul.f32 v11, v45;
	v57 =	vadd.f32 v8, v13  }
0x181: {  	v9 =	vadd.f32 v9, v9;
	v56 =	vmul.f32 v5, v54;
	v3 =	vsub.f32 v3, v52  }
0x182: {  	v11 =	vmul.f32 v59, v10;
	v8 =	vadd.f32 $1.000000000e+00, v58;
	v5 =	vadd.f32 v57, v60  }
0x183: {  	v61 =	vsel vm0, $0x3F800000, v0;
	vm0 =	vmxor vm14, vm15;
	v6 =	vmul.f32 v6, v39  }
0x184: {  	s26 =	sadd.s32 $0x1, s26;
	v3 =	vadd.f32 v3, v56;
	v62 =	vmul.f32 v8, v9;
	v5 =	vsub.f32 v5, v11  }
0x185: {  	p1 =	sge.u32 s26, s6;
	v2 =	vadd.f32 v39, v2;
	vm0 =	vmor vm1, vm0  }
.Ltmp3:
0x186: {  	v1 =	vadd.f32 v6, v1;
	v3 =	vmul.f32 v3, v61;
	v5 =	vadd.f32 v5, v62;
	(pc) =	sbr.rel @p1 .LBB2_7-.Ltmp3, $3  }
0x187: {  	v63 =	vsel vm0, $0x3F800000, v0  }
0x188: {  	v2 =	vadd.f32 v61, v2;
	v1 =	vadd.f32 v3, v1;
	v3 =	vmul.f32 v5, v63;
	_ =	sdelay $0x1  }
0x189: {  	v2 =	vadd.f32 v63, v2;
	v1 =	vadd.f32 v3, v1  }
0x18a: {  	s14 =	rddreg [dreg:$0x1]  }
0x18b: {  	s14 =	sadd.s32 s14, s28  }
0x18c: {  	s14 =	sadd.s32 $0x400, s14  }
0x18d: {  	[tilespmem:s4], [sflag:$0x3] =	stream.linear.gather [hbm4b:s14+s4], $0x1000, $0x38;
	[tilespmem:$0x4100] =	vst v63  }
0x18e: {  	_ =	swait.ge [sflag:s12], $0x1000  }
0x18f: {  	[sflag:s12] =	ssyncset.done $0x0  }
0x190: {  	s29 =	simm.s32 $0x2000;
	[sflag:s12] =	ssyncadd.s32 $0xFFFFF000  }
0x191: {  	[tilespmem:s29], [sflag:$0x1] =	stream.indirect.gather [hbm4b:s1+s13], $0x1, s4, s13, $0xb8;
	[tilespmem:$0x4100] =	vst v63  }
0x192: {  	s30 =	simm.s32 $0x100;
	s19 =	simm.s32 $0x2080  }
0x193: {  	[tilespmem:s19], [sflag:$0x1] =	stream.indirect.gather [hbm4b:s1+s13], $0x1, s30, s13, $0xb8;
	[tilespmem:$0x4100] =	vst v63  }
0x194: {  	s28 =	simm.s32 $0x2100;
	s19 =	simm.s32 $0x200  }
0x195: {  	[tilespmem:s28], [sflag:$0x1] =	stream.indirect.gather [hbm4b:s1+s13], $0x1, s19, s13, $0xb8;
	[tilespmem:$0x4100] =	vst v63  }
0x196: {  	s29 =	simm.s32 $0x300;
	s30 =	simm.s32 $0x2180  }
0x197: {  	[tilespmem:s30], [sflag:$0x1] =	stream.indirect.gather [hbm4b:s1+s13], $0x1, s29, s13, $0xb8;
	[tilespmem:$0x4100] =	vst v63  }
0x198: {  	s19 =	simm.s32 $0x400;
	s28 =	simm.s32 $0x2200  }
0x199: {  	[tilespmem:s28], [sflag:$0x1] =	stream.indirect.gather [hbm4b:s1+s13], $0x1, s19, s13, $0xb8;
	[tilespmem:$0x4100] =	vst v63  }
0x19a: {  	s29 =	simm.s32 $0x500;
	s30 =	simm.s32 $0x2280  }
0x19b: {  	[tilespmem:s30], [sflag:$0x1] =	stream.indirect.gather [hbm4b:s1+s13], $0x1, s29, s13, $0xb8;
	[tilespmem:$0x4100] =	vst v63  }
0x19c: {  	s19 =	simm.s32 $0x600;
	s28 =	simm.s32 $0x2300  }
0x19d: {  	[tilespmem:s28], [sflag:$0x1] =	stream.indirect.gather [hbm4b:s1+s13], $0x1, s19, s13, $0xb8;
	[tilespmem:$0x4100] =	vst v63  }
0x19e: {  	s29 =	simm.s32 $0x700;
	s30 =	simm.s32 $0x2380  }
0x19f: {  	[tilespmem:s30], [sflag:$0x1] =	stream.indirect.gather [hbm4b:s1+s13], $0x1, s29, s13, $0xb8;
	[tilespmem:$0x4100] =	vst v63  }
0x1a0: {  	s19 =	simm.s32 $0x800;
	s28 =	simm.s32 $0x2400  }
0x1a1: {  	[tilespmem:s28], [sflag:$0x1] =	stream.indirect.gather [hbm4b:s1+s13], $0x1, s19, s13, $0xb8;
	[tilespmem:$0x4100] =	vst v63  }
0x1a2: {  	s29 =	simm.s32 $0x900;
	s30 =	simm.s32 $0x2480  }
0x1a3: {  	[tilespmem:s30], [sflag:$0x1] =	stream.indirect.gather [hbm4b:s1+s13], $0x1, s29, s13, $0xb8;
	[tilespmem:$0x4100] =	vst v63  }
0x1a4: {  	s19 =	simm.s32 $0xA00;
	s28 =	simm.s32 $0x2500  }
0x1a5: {  	[tilespmem:s28], [sflag:$0x1] =	stream.indirect.gather [hbm4b:s1+s13], $0x1, s19, s13, $0xb8;
	[tilespmem:$0x4100] =	vst v63  }
0x1a6: {  	s29 =	simm.s32 $0xB00;
	s30 =	simm.s32 $0x2580  }
0x1a7: {  	[tilespmem:s30], [sflag:$0x1] =	stream.indirect.gather [hbm4b:s1+s13], $0x1, s29, s13, $0xb8;
	[tilespmem:$0x4100] =	vst v63  }
0x1a8: {  	s19 =	simm.s32 $0xC00;
	s28 =	simm.s32 $0x2600  }
0x1a9: {  	[tilespmem:s28], [sflag:$0x1] =	stream.indirect.gather [hbm4b:s1+s13], $0x1, s19, s13, $0xb8;
	[tilespmem:$0x4100] =	vst v63  }
0x1aa: {  	s29 =	simm.s32 $0xD00;
	s30 =	simm.s32 $0x2680  }
0x1ab: {  	[tilespmem:s30], [sflag:$0x1] =	stream.indirect.gather [hbm4b:s1+s13], $0x1, s29, s13, $0xb8;
	[tilespmem:$0x4100] =	vst v63  }
0x1ac: {  	s19 =	simm.s32 $0xE00;
	s28 =	simm.s32 $0x2700  }
0x1ad: {  	[tilespmem:s28], [sflag:$0x1] =	stream.indirect.gather [hbm4b:s1+s13], $0x1, s19, s13, $0xb8;
	[tilespmem:$0x4100] =	vst v63  }
0x1ae: {  	s29 =	simm.s32 $0xF00;
	s30 =	simm.s32 $0x2780  }
0x1af: {  	[tilespmem:s30], [sflag:$0x1] =	stream.indirect.gather [hbm4b:s1+s13], $0x1, s29, s13, $0xb8;
	[tilespmem:$0x4100] =	vst v63  }
0x1b0: {  	s28 =	simm.s32 $0x2800  }
0x1b1: {  	[tilespmem:s28], [sflag:$0x1] =	stream.indirect.gather [hbm4b:s1+s13], $0x1, s13, s13, $0xb8;
	[tilespmem:$0x4100] =	vst v63  }
0x1b2: {  	s29 =	simm.s32 $0x180;
	s30 =	simm.s32 $0x2880  }
0x1b3: {  	[tilespmem:s30], [sflag:$0x1] =	stream.indirect.gather [hbm4b:s1+s13], $0x1, s29, s13, $0xb8;
	[tilespmem:$0x4100] =	vst v63  }
0x1b4: {  	s19 =	simm.s32 $0x280;
	s28 =	simm.s32 $0x2900  }
0x1b5: {  	[tilespmem:s28], [sflag:$0x1] =	stream.indirect.gather [hbm4b:s1+s13], $0x1, s19, s13, $0xb8;
	[tilespmem:$0x4100] =	vst v63  }
0x1b6: {  	s29 =	simm.s32 $0x380;
	s30 =	simm.s32 $0x2980  }
0x1b7: {  	[tilespmem:s30], [sflag:$0x1] =	stream.indirect.gather [hbm4b:s1+s13], $0x1, s29, s13, $0xb8;
	[tilespmem:$0x4100] =	vst v63  }
0x1b8: {  	s19 =	simm.s32 $0x480;
	s28 =	simm.s32 $0x2A00  }
0x1b9: {  	[tilespmem:s28], [sflag:$0x1] =	stream.indirect.gather [hbm4b:s1+s13], $0x1, s19, s13, $0xb8;
	[tilespmem:$0x4100] =	vst v63  }
0x1ba: {  	s29 =	simm.s32 $0x580;
	s30 =	simm.s32 $0x2A80  }
0x1bb: {  	[tilespmem:s30], [sflag:$0x1] =	stream.indirect.gather [hbm4b:s1+s13], $0x1, s29, s13, $0xb8;
	[tilespmem:$0x4100] =	vst v63  }
0x1bc: {  	s19 =	simm.s32 $0x680;
	s28 =	simm.s32 $0x2B00  }
0x1bd: {  	[tilespmem:s28], [sflag:$0x1] =	stream.indirect.gather [hbm4b:s1+s13], $0x1, s19, s13, $0xb8;
	[tilespmem:$0x4100] =	vst v63  }
0x1be: {  	s29 =	simm.s32 $0x780;
	s30 =	simm.s32 $0x2B80  }
0x1bf: {  	[tilespmem:s30], [sflag:$0x1] =	stream.indirect.gather [hbm4b:s1+s13], $0x1, s29, s13, $0xb8;
	[tilespmem:$0x4100] =	vst v63  }
0x1c0: {  	s19 =	simm.s32 $0x880;
	s28 =	simm.s32 $0x2C00  }
0x1c1: {  	[tilespmem:s28], [sflag:$0x1] =	stream.indirect.gather [hbm4b:s1+s13], $0x1, s19, s13, $0xb8;
	[tilespmem:$0x4100] =	vst v63  }
0x1c2: {  	s29 =	simm.s32 $0x980;
	s30 =	simm.s32 $0x2C80  }
0x1c3: {  	[tilespmem:s30], [sflag:$0x1] =	stream.indirect.gather [hbm4b:s1+s13], $0x1, s29, s13, $0xb8;
	[tilespmem:$0x4100] =	vst v63  }
0x1c4: {  	s19 =	simm.s32 $0xA80;
	s28 =	simm.s32 $0x2D00  }
0x1c5: {  	[tilespmem:s28], [sflag:$0x1] =	stream.indirect.gather [hbm4b:s1+s13], $0x1, s19, s13, $0xb8;
	[tilespmem:$0x4100] =	vst v63  }
0x1c6: {  	s29 =	simm.s32 $0xB80;
	s30 =	simm.s32 $0x2D80  }
0x1c7: {  	[tilespmem:s30], [sflag:$0x1] =	stream.indirect.gather [hbm4b:s1+s13], $0x1, s29, s13, $0xb8;
	[tilespmem:$0x4100] =	vst v63  }
0x1c8: {  	s19 =	simm.s32 $0xC80;
	s28 =	simm.s32 $0x2E00  }
0x1c9: {  	[tilespmem:s28], [sflag:$0x1] =	stream.indirect.gather [hbm4b:s1+s13], $0x1, s19, s13, $0xb8;
	[tilespmem:$0x4100] =	vst v63  }
0x1ca: {  	s29 =	simm.s32 $0xD80;
	s30 =	simm.s32 $0x2E80  }
0x1cb: {  	[tilespmem:s30], [sflag:$0x1] =	stream.indirect.gather [hbm4b:s1+s13], $0x1, s29, s13, $0xb8;
	[tilespmem:$0x4100] =	vst v63  }
0x1cc: {  	s19 =	simm.s32 $0xE80;
	s28 =	simm.s32 $0x2F00  }
0x1cd: {  	[tilespmem:s28], [sflag:$0x1] =	stream.indirect.gather [hbm4b:s1+s13], $0x1, s19, s13, $0xb8;
	[tilespmem:$0x4100] =	vst v63  }
0x1ce: {  	s29 =	simm.s32 $0xF80;
	s30 =	simm.s32 $0x2F80  }
0x1cf: {  	[tilespmem:s30], [sflag:$0x1] =	stream.indirect.gather [hbm4b:s1+s13], $0x1, s29, s13, $0xb8;
	[tilespmem:$0x4100] =	vst v63  }
.LBB2_7:
0x1d0: {  	_ =	swait.ge [sflag:s25], $0x80  }
0x1d1: {  	[sflag:s25] =	ssyncset.done $0x0  }
0x1d2: {  	[sflag:s25] =	ssyncadd.s32 $0xFFFFFF80  }
0x1d3: {  	_ =	swait.ge [sflag:s25], $0x80  }
0x1d4: {  	[sflag:s25] =	ssyncset.done $0x0  }
0x1d5: {  	[sflag:s25] =	ssyncadd.s32 $0xFFFFFF80  }
0x1d6: {  	_ =	swait.ge [sflag:s25], $0x80  }
0x1d7: {  	[sflag:s25] =	ssyncset.done $0x0  }
0x1d8: {  	[sflag:s25] =	ssyncadd.s32 $0xFFFFFF80  }
0x1d9: {  	_ =	swait.ge [sflag:s25], $0x80  }
0x1da: {  	[sflag:s25] =	ssyncset.done $0x0  }
0x1db: {  	[sflag:s25] =	ssyncadd.s32 $0xFFFFFF80  }
0x1dc: {  	_ =	swait.ge [sflag:s25], $0x80  }
0x1dd: {  	[sflag:s25] =	ssyncset.done $0x0  }
0x1de: {  	[sflag:s25] =	ssyncadd.s32 $0xFFFFFF80  }
0x1df: {  	_ =	swait.ge [sflag:s25], $0x80  }
0x1e0: {  	[sflag:s25] =	ssyncset.done $0x0  }
0x1e1: {  	[sflag:s25] =	ssyncadd.s32 $0xFFFFFF80  }
0x1e2: {  	_ =	swait.ge [sflag:s25], $0x80  }
0x1e3: {  	[sflag:s25] =	ssyncset.done $0x0  }
0x1e4: {  	[sflag:s25] =	ssyncadd.s32 $0xFFFFFF80  }
0x1e5: {  	_ =	swait.ge [sflag:s25], $0x80  }
0x1e6: {  	[sflag:s25] =	ssyncset.done $0x0  }
0x1e7: {  	[sflag:s25] =	ssyncadd.s32 $0xFFFFFF80  }
0x1e8: {  	_ =	swait.ge [sflag:s25], $0x80  }
0x1e9: {  	[sflag:s25] =	ssyncset.done $0x0  }
0x1ea: {  	[sflag:s25] =	ssyncadd.s32 $0xFFFFFF80  }
0x1eb: {  	_ =	swait.ge [sflag:s25], $0x80  }
0x1ec: {  	[sflag:s25] =	ssyncset.done $0x0  }
0x1ed: {  	[sflag:s25] =	ssyncadd.s32 $0xFFFFFF80  }
0x1ee: {  	_ =	swait.ge [sflag:s25], $0x80  }
0x1ef: {  	[sflag:s25] =	ssyncset.done $0x0  }
0x1f0: {  	[sflag:s25] =	ssyncadd.s32 $0xFFFFFF80  }
0x1f1: {  	_ =	swait.ge [sflag:s25], $0x80  }
0x1f2: {  	[sflag:s25] =	ssyncset.done $0x0  }
0x1f3: {  	[sflag:s25] =	ssyncadd.s32 $0xFFFFFF80  }
0x1f4: {  	_ =	swait.ge [sflag:s25], $0x80  }
0x1f5: {  	[sflag:s25] =	ssyncset.done $0x0  }
0x1f6: {  	[sflag:s25] =	ssyncadd.s32 $0xFFFFFF80  }
0x1f7: {  	_ =	swait.ge [sflag:s25], $0x80  }
0x1f8: {  	[sflag:s25] =	ssyncset.done $0x0  }
0x1f9: {  	[sflag:s25] =	ssyncadd.s32 $0xFFFFFF80  }
0x1fa: {  	_ =	swait.ge [sflag:s25], $0x80  }
0x1fb: {  	[sflag:s25] =	ssyncset.done $0x0  }
0x1fc: {  	[sflag:s25] =	ssyncadd.s32 $0xFFFFFF80  }
0x1fd: {  	_ =	swait.ge [sflag:s25], $0x80  }
0x1fe: {  	[sflag:s25] =	ssyncset.done $0x0  }
0x1ff: {  	[sflag:s25] =	ssyncadd.s32 $0xFFFFFF80  }
0x200: {  	_ =	swait.ge [sflag:s25], $0x80  }
0x201: {  	[sflag:s25] =	ssyncset.done $0x0  }
0x202: {  	[sflag:s25] =	ssyncadd.s32 $0xFFFFFF80  }
0x203: {  	_ =	swait.ge [sflag:s25], $0x80  }
0x204: {  	[sflag:s25] =	ssyncset.done $0x0  }
0x205: {  	[sflag:s25] =	ssyncadd.s32 $0xFFFFFF80  }
0x206: {  	_ =	swait.ge [sflag:s25], $0x80  }
0x207: {  	[sflag:s25] =	ssyncset.done $0x0  }
0x208: {  	[sflag:s25] =	ssyncadd.s32 $0xFFFFFF80  }
0x209: {  	_ =	swait.ge [sflag:s25], $0x80  }
0x20a: {  	[sflag:s25] =	ssyncset.done $0x0  }
0x20b: {  	[sflag:s25] =	ssyncadd.s32 $0xFFFFFF80  }
0x20c: {  	_ =	swait.ge [sflag:s25], $0x80  }
0x20d: {  	[sflag:s25] =	ssyncset.done $0x0  }
0x20e: {  	[sflag:s25] =	ssyncadd.s32 $0xFFFFFF80  }
0x20f: {  	_ =	swait.ge [sflag:s25], $0x80  }
0x210: {  	[sflag:s25] =	ssyncset.done $0x0  }
0x211: {  	[sflag:s25] =	ssyncadd.s32 $0xFFFFFF80  }
0x212: {  	_ =	swait.ge [sflag:s25], $0x80  }
0x213: {  	[sflag:s25] =	ssyncset.done $0x0  }
0x214: {  	[sflag:s25] =	ssyncadd.s32 $0xFFFFFF80  }
0x215: {  	_ =	swait.ge [sflag:s25], $0x80  }
0x216: {  	[sflag:s25] =	ssyncset.done $0x0  }
0x217: {  	[sflag:s25] =	ssyncadd.s32 $0xFFFFFF80  }
0x218: {  	_ =	swait.ge [sflag:s25], $0x80  }
0x219: {  	[sflag:s25] =	ssyncset.done $0x0  }
0x21a: {  	[sflag:s25] =	ssyncadd.s32 $0xFFFFFF80  }
0x21b: {  	_ =	swait.ge [sflag:s25], $0x80  }
0x21c: {  	[sflag:s25] =	ssyncset.done $0x0  }
0x21d: {  	[sflag:s25] =	ssyncadd.s32 $0xFFFFFF80  }
0x21e: {  	_ =	swait.ge [sflag:s25], $0x80  }
0x21f: {  	[sflag:s25] =	ssyncset.done $0x0  }
0x220: {  	[sflag:s25] =	ssyncadd.s32 $0xFFFFFF80  }
0x221: {  	_ =	swait.ge [sflag:s25], $0x80  }
0x222: {  	[sflag:s25] =	ssyncset.done $0x0  }
0x223: {  	[sflag:s25] =	ssyncadd.s32 $0xFFFFFF80  }
0x224: {  	_ =	swait.ge [sflag:s25], $0x80  }
0x225: {  	[sflag:s25] =	ssyncset.done $0x0  }
0x226: {  	[sflag:s25] =	ssyncadd.s32 $0xFFFFFF80  }
0x227: {  	_ =	swait.ge [sflag:s25], $0x80  }
0x228: {  	[sflag:s25] =	ssyncset.done $0x0  }
0x229: {  	[sflag:s25] =	ssyncadd.s32 $0xFFFFFF80  }
0x22a: {  	_ =	swait.ge [sflag:s25], $0x80  }
0x22b: {  	[sflag:s25] =	ssyncset.done $0x0  }
0x22c: {  	[sflag:s25] =	ssyncadd.s32 $0xFFFFFF80  }
0x22d: {  	_ =	swait.ge [sflag:s25], $0x80  }
0x22e: {  	[sflag:s25] =	ssyncset.done $0x0  }
0x22f: {  	s14 =	simm.s32 $0x3000;
	[sflag:s25] =	ssyncadd.s32 $0xFFFFFF80  }
0x230: {  	v7 =	vld [tilespmem:s14+$0x0];
	_ =	sdelay $0x3  }
0x231: {  	s30 =	simm.s32 $0x0  }
0x232: {  	s14 =	sand.u32 $0x7F0, s30;
	v3 =	vand.u32 $0x7FFFFFFF, v7  }
0x233: {  	v8 =	vld [tilespmem:s14+$0x3800];
	v3 =	vsub.f32 $0.0e+00, v3;
	_ =	sdelay $0x1  }
0x234: {  	v3 =	vmul.f32 $1.442695020e+00, v3;
	_ =	sdelay $0x1  }
0x235: {  	(erf) = vpow2.f32 v3  }
0x236: {  	v3 =	vand.u32 $0x7FFFFFFF, v8  }
0x237: {  	v3 =	vsub.f32 $0.0e+00, v3;
	_ =	sdelay $0x1  }
0x238: {  	v3 =	vmul.f32 $1.442695020e+00, v3;
	_ =	sdelay $0x1  }
0x239: {  	(erf) = vpow2.f32 v3;
	_ =	sdelay $0x1  }
0x23a: {  	s19 =	simm.s32 $0x3010  }
0x23b: {  	v6 =	vld [tilespmem:s19+$0x0];
	v3 =	vpop (erf)  }
0x23c: {  	v4 =	vadd.f32 $2.000000000e+00, v3;
	_ =	sdelay $0x1  }
0x23d: {  	s30 =	simm.s32 $0x10;
	(erf) = vrcp.f32 v4  }
0x23e: {  	s14 =	sand.u32 $0x7F0, s30  }
0x23f: {  	v5 =	vld [tilespmem:s14+$0x3800];
	v4 =	vand.u32 $0x7FFFFFFF, v6  }
0x240: {  	v4 =	vsub.f32 $0.0e+00, v4;
	v9 =	vpop (erf)  }
0x241: {  	v10 =	vadd.f32 $2.000000000e+00, v9  }
0x242: {  	v4 =	vmul.f32 $1.442695020e+00, v4  }
0x243: {  	(erf) = vrcp.f32 v10  }
0x244: {  	v10 =	vand.u32 $0x7FFFFFFF, v5;
	(erf) = vpow2.f32 v4  }
0x245: {  	v10 =	vsub.f32 $0.0e+00, v10  }
0x246: {  	v4 =	vpop (erf)  }
0x247: {  	v11 =	vmul.f32 v4, v3;
	v3 =	vmul.f32 $1.442695020e+00, v10;
	_ =	sdelay $0x1  }
0x248: {  	v10 =	vmul.f32 v11, v11;
	(erf) = vpow2.f32 v3;
	_ =	sdelay $0x1  }
0x249: {  	v3 =	vmul.f32 $1.111111120e-01, v10  }
0x24a: {  	s19 =	simm.s32 $0x3020;
	v4 =	vpop (erf)  }
0x24b: {  	v12 =	vmul.f32 v4, v9;
	v9 =	vpop (erf);
	v4 =	vadd.f32 $1.428571490e-01, v3;
	v3 =	vld [tilespmem:s19+$0x0]  }
0x24c: {  	v13 =	vadd.f32 $2.000000000e+00, v9  }
0x24d: {  	v14 =	vmul.f32 v12, v12;
	v4 =	vmul.f32 v4, v10  }
0x24e: {  	(erf) = vrcp.f32 v13  }
0x24f: {  	s30 =	simm.s32 $0x20;
	v15 =	vmul.f32 $1.111111120e-01, v14;
	v13 =	vadd.f32 $2.000000030e-01, v4  }
0x250: {  	s14 =	sand.u32 $0x7F0, s30;
	v16 =	vand.u32 $0x7FFFFFFF, v3;
	v17 =	vpop (erf)  }
0x251: {  	v4 =	vld [tilespmem:s14+$0x3800];
	v15 =	vadd.f32 $1.428571490e-01, v15;
	v13 =	vmul.f32 v13, v10;
	v18 =	vadd.f32 $2.000000000e+00, v17  }
0x252: {  	vm0 =	vlt.f32 v7, $0.0e+00;
	vm1 =	vgt.f32 v8, $0.0e+00;
	v16 =	vsub.f32 $0.0e+00, v16  }
0x253: {  	v15 =	vmul.f32 v15, v14;
	v13 =	vadd.f32 $3.333333430e-01, v13;
	(erf) = vrcp.f32 v18  }
0x254: {  	v19 =	vmax.f32 v7, $0.0e+00;
	v16 =	vmul.f32 $1.442695020e+00, v16;
	v18 =	vsel vm1, $0x3F800000, v0  }
0x255: {  	vm2 =	vgt.f32 v7, $0.0e+00;
	v10 =	vmul.f32 v13, v10;
	v13 =	vadd.f32 $2.000000030e-01, v15  }
0x256: {  	v11 =	vadd.f32 v11, v11;
	v15 =	vand.u32 $0x7FFFFFFF, v4;
	(erf) = vpow2.f32 v16  }
0x257: {  	v16 =	vmul.f32 v18, v7;
	v18 =	vpop (erf);
	v10 =	vadd.f32 $1.000000000e+00, v10;
	v13 =	vmul.f32 v13, v14  }
0x258: {  	vm3 =	vlt.f32 v8, $0.0e+00;
	v15 =	vsub.f32 $0.0e+00, v15;
	v9 =	vmul.f32 v18, v9  }
0x259: {  	v7 =	vsub.f32 v19, v16;
	v10 =	vmul.f32 v10, v11;
	v13 =	vadd.f32 $3.333333430e-01, v13  }
0x25a: {  	v16 =	vsel vm2, $0x3F800000, v0;
	v15 =	vmul.f32 $1.442695020e+00, v15;
	v11 =	vmul.f32 v9, v9  }
0x25b: {  	v7 =	vadd.f32 v10, v7;
	v10 =	vmul.f32 v13, v14;
	v13 =	vmax.f32 v8, $0.0e+00  }
0x25c: {  	v14 =	vmul.f32 v16, v8;
	v16 =	vadd.f32 v12, v12;
	v8 =	vpop (erf);
	(erf) = vpow2.f32 v15  }
0x25d: {  	v18 =	vmul.f32 $1.111111120e-01, v11;
	v7 =	vadd.f32 v7, v13;
	v10 =	vadd.f32 $1.000000000e+00, v10  }
0x25e: {  	s28 =	simm.s32 $0x3030;
	vm0 =	vmxor vm0, vm3;
	vm1 =	vmxor vm2, vm1;
	v8 =	vmul.f32 v8, v17  }
0x25f: {  	v13 =	vadd.f32 $1.428571490e-01, v18;
	v12 =	vpop (erf);
	v14 =	vsub.f32 v7, v14;
	v10 =	vmul.f32 v10, v16;
	v7 =	vld [tilespmem:s28+$0x0]  }
0x260: {  	vm0 =	vmor vm1, vm0;
	v15 =	vadd.f32 $2.000000000e+00, v12  }
0x261: {  	s29 =	simm.s32 $0x40;
	s14 =	simm.s32 $0x30;
	v16 =	vmul.f32 v13, v11;
	v13 =	vmul.f32 v8, v8;
	v14 =	vadd.f32 v14, v10  }
.LBB2_8:
0x262: {  	p1 =	seq.s32 s29, $0x7F0;
	(erf) = vrcp.f32 v15;
	v10 =	vsel vm0, $0x3F800000, v0  }
0x263: {  	v15 =	vadd.f32 $2.000000030e-01, v16;
	v16 =	vmul.f32 $1.111111120e-01, v13;
	v14 =	vmul.f32 v14, v10  }
0x264: {  	s19 =	sand.u32 $0x7F0, s14;
	vm0 =	vlt.f32 v6, $0.0e+00;
	s14 =	smov.u32 s29;
	v2 =	vadd.f32 v10, v2;
	v17 =	vand.u32 $0x7FFFFFFF, v7  }
0x265: {  	v10 =	vld [tilespmem:s19+$0x3800];
	v18 =	vpop (erf);
	v15 =	vmul.f32 v15, v11;
	v16 =	vadd.f32 $1.428571490e-01, v16;
	v1 =	vadd.f32 v14, v1  }
0x266: {  	vm1 =	vlt.f32 v5, $0.0e+00;
	v14 =	vsub.f32 $0.0e+00, v17;
	v17 =	vadd.f32 $2.000000000e+00, v18  }
0x267: {  	v19 =	vmax.f32 v6, $0.0e+00;
	v15 =	vadd.f32 $3.333333430e-01, v15;
	v16 =	vmul.f32 v16, v13  }
0x268: {  	vm2 =	vgt.f32 v5, $0.0e+00;
	v14 =	vmul.f32 $1.442695020e+00, v14;
	(erf) = vrcp.f32 v17  }
0x269: {  	v20 =	vsel vm2, $0x3F800000, v0;
	v11 =	vmul.f32 v15, v11;
	v15 =	vadd.f32 $2.000000030e-01, v16  }
0x26a: {  	v16 =	vand.u32 $0x7FFFFFFF, v10;
	(erf) = vpow2.f32 v14;
	v14 =	vmul.f32 v20, v6  }
0x26b: {  	v20 =	vadd.f32 v9, v9;
	v17 =	vpop (erf);
	v11 =	vadd.f32 $1.000000000e+00, v11;
	v15 =	vmul.f32 v15, v13  }
0x26c: {  	vm3 =	vgt.f32 v6, $0.0e+00;
	v6 =	vmovc v3;
	v3 =	vmovc v7;
	v16 =	vsub.f32 $0.0e+00, v16;
	v14 =	vsub.f32 v19, v14  }
0x26d: {  	v9 =	vmul.f32 v17, v12;
	v7 =	vmul.f32 v11, v20;
	v12 =	vadd.f32 $3.333333430e-01, v15  }
0x26e: {  	v17 =	vmax.f32 v5, $0.0e+00;
	v15 =	vmul.f32 $1.442695020e+00, v16;
	v16 =	vsel vm3, $0x3F800000, v0  }
0x26f: {  	v11 =	vmul.f32 v9, v9;
	v7 =	vadd.f32 v7, v14;
	v12 =	vmul.f32 v12, v13  }
0x270: {  	v13 =	vmul.f32 v16, v5;
	v14 =	vadd.f32 v8, v8;
	v5 =	vmovc v4;
	v4 =	vmovc v10;
	(erf) = vpow2.f32 v15  }
.Ltmp4:
0x271: {  	v10 =	vmul.f32 $1.111111120e-01, v11;
	v8 =	vpop (erf);
	v15 =	vadd.f32 v7, v17;
	v16 =	vadd.f32 $1.000000000e+00, v12;
	(pc) =	sbr.rel @!p1 .LBB2_8-.Ltmp4, $4  }
0x272: {  	s28 =	sadd.s32 $0x10, s28;
	vm2 =	vmxor vm3, vm2;
	vm0 =	vmxor vm0, vm1;
	v8 =	vmul.f32 v8, v18  }
0x273: {  	v10 =	vadd.f32 $1.428571490e-01, v10;
	v7 =	vld [tilespmem:s28+$0x0];
	v12 =	vpop (erf);
	v17 =	vsub.f32 v15, v13;
	v14 =	vmul.f32 v16, v14  }
0x274: {  	vm0 =	vmor vm2, vm0;
	v15 =	vadd.f32 $2.000000000e+00, v12  }
0x275: {  	s29 =	sadd.s32 $0x10, s29;
	v16 =	vmul.f32 v10, v11;
	v13 =	vmul.f32 v8, v8;
	v14 =	vadd.f32 v17, v14  }
0x276: {  	_ =	sdelay $0x1  }
0x277: {  	s14 =	sand.u32 $0x7F0, s14;
	v17 =	vand.u32 $0x7FFFFFFF, v7  }
0x278: {  	v10 =	vld [tilespmem:s14+$0x3800];
	v18 =	vpop (erf);
	v17 =	vsub.f32 $0.0e+00, v17  }
0x279: {  	v19 =	vadd.f32 $2.000000000e+00, v18  }
0x27a: {  	(erf) = vrcp.f32 v15;
	v55 =	vmul.f32 $1.442695020e+00, v17  }
0x27b: {  	(erf) = vrcp.f32 v19  }
0x27c: {  	(erf) = vpow2.f32 v55  }
0x27d: {  	v56 =	vand.u32 $0x7FFFFFFF, v10  }
0x27e: {  	v58 =	vsub.f32 $0.0e+00, v56;
	_ =	sdelay $0x1  }
0x27f: {  	v57 =	vadd.f32 $2.000000030e-01, v16;
	v16 =	vmul.f32 $1.442695020e+00, v58;
	_ =	sdelay $0x1  }
0x280: {  	(erf) = vpow2.f32 v16  }
0x281: {  	vm1 =	vgt.f32 v5, $0.0e+00;
	v9 =	vadd.f32 v9, v9;
	v22 =	vmax.f32 v6, $0.0e+00;
	v60 =	vpop (erf)  }
0x282: {  	v24 =	vsel vm0, $0x3F800000, v0;
	vm7 =	vlt.f32 v6, $0.0e+00;
	vm2 =	vgt.f32 v6, $0.0e+00;
	v62 =	vpop (erf)  }
0x283: {  	v31 =	vmax.f32 v5, $0.0e+00;
	v59 =	vmul.f32 $1.111111120e-01, v13;
	v15 =	vmul.f32 v57, v11;
	v20 =	vpop (erf)  }
0x284: {  	v8 =	vadd.f32 v8, v8;
	vm3 =	vlt.f32 v5, $0.0e+00;
	v21 =	vadd.f32 $2.000000000e+00, v20  }
0x285: {  	vm8 =	vlt.f32 v3, $0.0e+00;
	v17 =	vadd.f32 $1.428571490e-01, v59;
	v15 =	vadd.f32 $3.333333430e-01, v15  }
0x286: {  	vm9 =	vgt.f32 v4, $0.0e+00;
	v44 =	vmax.f32 v3, $0.0e+00;
	(erf) = vrcp.f32 v21  }
0x287: {  	vm10 =	vlt.f32 v4, $0.0e+00;
	v17 =	vmul.f32 v17, v13;
	v61 =	vmul.f32 v15, v11  }
0x288: {  	vm11 =	vgt.f32 v3, $0.0e+00;
	v51 =	vmax.f32 v4, $0.0e+00;
	v63 =	vsel vm1, $0x3F800000, v0  }
0x289: {  	v14 =	vmul.f32 v14, v24;
	v17 =	vadd.f32 $2.000000030e-01, v17;
	v11 =	vadd.f32 $1.000000000e+00, v61;
	v27 =	vpop (erf)  }
0x28a: {  	v19 =	vmul.f32 v63, v6;
	v23 =	vmul.f32 v60, v12;
	v30 =	vadd.f32 $2.000000000e+00, v27  }
0x28b: {  	v33 =	vsel vm2, $0x3F800000, v0;
	v17 =	vmul.f32 v17, v13;
	v9 =	vmul.f32 v11, v9  }
0x28c: {  	v19 =	vsub.f32 v22, v19;
	v28 =	vmul.f32 v23, v23;
	(erf) = vrcp.f32 v30  }
0x28d: {  	vm1 =	vmxor vm2, vm1;
	vm0 =	vmxor vm7, vm3;
	v25 =	vadd.f32 $3.333333430e-01, v17  }
0x28e: {  	v16 =	vmul.f32 v33, v5;
	v26 =	vadd.f32 v9, v19;
	v32 =	vmul.f32 $1.111111120e-01, v28  }
0x28f: {  	v42 =	vsel vm9, $0x3F800000, v0;
	v29 =	vmul.f32 v25, v13;
	v15 =	vmul.f32 v62, v18;
	v36 =	vpop (erf)  }
0x290: {  	v6 =	vadd.f32 v26, v31;
	v34 =	vadd.f32 $1.428571490e-01, v32;
	v37 =	vmul.f32 v36, v20  }
0x291: {  	v50 =	vsel vm11, $0x3F800000, v0;
	v13 =	vadd.f32 $1.000000000e+00, v29;
	v35 =	vmul.f32 v15, v15  }
0x292: {  	v6 =	vsub.f32 v6, v16;
	v5 =	vmul.f32 v34, v28;
	v16 =	vmul.f32 v37, v37  }
0x293: {  	vm3 =	vmxor vm11, vm9;
	v8 =	vmul.f32 v13, v8;
	v38 =	vmul.f32 $1.111111120e-01, v35  }
0x294: {  	v1 =	vadd.f32 v14, v1;
	v5 =	vadd.f32 $2.000000030e-01, v5;
	v40 =	vmul.f32 $1.111111120e-01, v16  }
0x295: {  	v43 =	vmul.f32 v42, v3;
	v6 =	vadd.f32 v6, v8;
	v8 =	vadd.f32 $1.428571490e-01, v38;
	v41 =	vpop (erf)  }
0x296: {  	v5 =	vmul.f32 v5, v28;
	v9 =	vmul.f32 v41, v27;
	v14 =	vadd.f32 $1.428571490e-01, v40  }
0x297: {  	vm0 =	vmor vm1, vm0;
	v52 =	vmul.f32 v50, v4;
	v8 =	vmul.f32 v8, v35  }
0x298: {  	v5 =	vadd.f32 $3.333333430e-01, v5;
	v45 =	vmul.f32 v9, v9;
	v14 =	vmul.f32 v14, v16  }
0x299: {  	vm13 =	vgt.f32 v7, $0.0e+00;
	v39 =	vsel vm0, $0x3F800000, v0;
	v8 =	vadd.f32 $2.000000030e-01, v8  }
0x29a: {  	v5 =	vmul.f32 v5, v28;
	v46 =	vmul.f32 $1.111111120e-01, v45;
	v14 =	vadd.f32 $2.000000030e-01, v14  }
0x29b: {  	vm0 =	vmxor vm8, vm10;
	v11 =	vadd.f32 v23, v23;
	v8 =	vmul.f32 v8, v35  }
0x29c: {  	v5 =	vadd.f32 $1.000000000e+00, v5;
	v49 =	vadd.f32 $1.428571490e-01, v46;
	v48 =	vmul.f32 v14, v16  }
0x29d: {  	vm14 =	vlt.f32 v7, $0.0e+00;
	vm0 =	vmor vm3, vm0;
	v47 =	vadd.f32 $3.333333430e-01, v8  }
0x29e: {  	v3 =	vmul.f32 v5, v11;
	v11 =	vmul.f32 v49, v45;
	v8 =	vadd.f32 $3.333333430e-01, v48  }
0x29f: {  	v59 =	vsel vm13, $0x3F800000, v0;
	vm12 =	vgt.f32 v10, $0.0e+00;
	vm15 =	vlt.f32 v10, $0.0e+00  }
0x2a0: {  	v53 =	vsel vm12, $0x3F800000, v0;
	v11 =	vadd.f32 $2.000000030e-01, v11;
	v8 =	vmul.f32 v8, v16  }
0x2a1: {  	v55 =	vmax.f32 v7, $0.0e+00;
	v17 =	vsub.f32 v44, v43;
	v13 =	vmul.f32 v53, v7  }
0x2a2: {  	v12 =	vadd.f32 v37, v37;
	v11 =	vmul.f32 v11, v45;
	v8 =	vadd.f32 $1.000000000e+00, v8  }
0x2a3: {  	v54 =	vadd.f32 v15, v15;
	v5 =	vmul.f32 v47, v35;
	v3 =	vadd.f32 v3, v17  }
0x2a4: {  	v13 =	vsub.f32 v55, v13;
	v11 =	vadd.f32 $3.333333430e-01, v11;
	v8 =	vmul.f32 v8, v12  }
0x2a5: {  	vm1 =	vmxor vm13, vm12;
	v5 =	vadd.f32 $1.000000000e+00, v5;
	v3 =	vadd.f32 v3, v51  }
0x2a6: {  	v60 =	vmax.f32 v10, $0.0e+00;
	v58 =	vmul.f32 v11, v45;
	v57 =	vadd.f32 v8, v13  }
0x2a7: {  	v9 =	vadd.f32 v9, v9;
	v56 =	vmul.f32 v5, v54;
	v3 =	vsub.f32 v3, v52  }
0x2a8: {  	v11 =	vmul.f32 v59, v10;
	v8 =	vadd.f32 $1.000000000e+00, v58;
	v5 =	vadd.f32 v57, v60  }
0x2a9: {  	v61 =	vsel vm0, $0x3F800000, v0;
	vm0 =	vmxor vm14, vm15;
	v6 =	vmul.f32 v6, v39  }
0x2aa: {  	v3 =	vadd.f32 v3, v56;
	v62 =	vmul.f32 v8, v9;
	v5 =	vsub.f32 v5, v11  }
0x2ab: {  	v2 =	vadd.f32 v24, v2;
	vm0 =	vmor vm1, vm0  }
0x2ac: {  	v1 =	vadd.f32 v6, v1;
	v3 =	vmul.f32 v3, v61;
	v5 =	vadd.f32 v5, v62  }
0x2ad: {  	v2 =	vadd.f32 v39, v2;
	v63 =	vsel vm0, $0x3F800000, v0  }
0x2ae: {  	v1 =	vadd.f32 v3, v1;
	v3 =	vmul.f32 v5, v63  }
0x2af: {  	v2 =	vadd.f32 v61, v2  }
0x2b0: {  	v1 =	vadd.f32 v3, v1  }
0x2b1: {  	v2 =	vadd.f32 v63, v2  }
0x2b2: {  	p1 =	seq.s32 s26, s6  }
.Ltmp5:
0x2b3: {  	_ = 	snop;
	(pc) =	sbr.rel @!p1 .LBB2_3-.Ltmp5, $1  }
0x2b4: {  	_ =	sdelay $0x3  }
.Ltmp6:
0x2b5: {  	(pc) =	sbr.rel @p0 .LBB2_11-.Ltmp6, $1  }
0x2b6: {  	_ =	sdelay $0x3  }
0x2b7: {  	s14 =	simm.s32 $0x0;
	s19 =	rddreg [dreg:$0x5]  }
0x2b8: {  	[tilespmem:s14], [sflag:$0x3] =	stream.linear.gather [hbm4b:s19+s14], $0x300, $0x38;
	[tilespmem:$0x4100] =	vst v63  }
0x2b9: {  	_ =	swait.ge [sflag:s12], $0x300  }
0x2ba: {  	[sflag:s12] =	ssyncset.done $0x0  }
0x2bb: {  	s19 =	simm.s32 $0x2000;
	[sflag:s12] =	ssyncadd.s32 $0xFFFFFD00  }
0x2bc: {  	[tilespmem:s19], [sflag:$0x1] =	stream.indirect.gather [hbm4b:s1+s13], $0x1, s14, s13, $0xb8;
	[tilespmem:$0x4100] =	vst v63  }
0x2bd: {  	s26 =	simm.s32 $0x100;
	s28 =	simm.s32 $0x2080  }
0x2be: {  	[tilespmem:s28], [sflag:$0x1] =	stream.indirect.gather [hbm4b:s1+s13], $0x1, s26, s13, $0xb8;
	[tilespmem:$0x4100] =	vst v63  }
0x2bf: {  	s29 =	simm.s32 $0x200;
	s28 =	simm.s32 $0x2100  }
0x2c0: {  	[tilespmem:s28], [sflag:$0x1] =	stream.indirect.gather [hbm4b:s1+s13], $0x1, s29, s13, $0xb8;
	[tilespmem:$0x4100] =	vst v63  }
0x2c1: {  	s30 =	simm.s32 $0x2800  }
0x2c2: {  	[tilespmem:s30], [sflag:$0x1] =	stream.indirect.gather [hbm4b:s1+s13], $0x1, s13, s13, $0xb8;
	[tilespmem:$0x4100] =	vst v63  }
0x2c3: {  	s29 =	simm.s32 $0x180;
	s28 =	simm.s32 $0x2880  }
0x2c4: {  	[tilespmem:s28], [sflag:$0x1] =	stream.indirect.gather [hbm4b:s1+s13], $0x1, s29, s13, $0xb8;
	[tilespmem:$0x4100] =	vst v63  }
0x2c5: {  	s30 =	simm.s32 $0x280;
	s28 =	simm.s32 $0x2900  }
0x2c6: {  	[tilespmem:s28], [sflag:$0x1] =	stream.indirect.gather [hbm4b:s1+s13], $0x1, s30, s13, $0xb8;
	[tilespmem:$0x4100] =	vst v63  }
0x2c7: {  	_ =	swait.ge [sflag:s11], $0x80  }
0x2c8: {  	[sflag:s11] =	ssyncset.done $0x0  }
0x2c9: {  	[sflag:s11] =	ssyncadd.s32 $0xFFFFFF80  }
0x2ca: {  	_ =	swait.ge [sflag:s11], $0x80  }
0x2cb: {  	[sflag:s11] =	ssyncset.done $0x0  }
0x2cc: {  	[sflag:s11] =	ssyncadd.s32 $0xFFFFFF80  }
0x2cd: {  	_ =	swait.ge [sflag:s11], $0x80  }
0x2ce: {  	[sflag:s11] =	ssyncset.done $0x0  }
0x2cf: {  	[sflag:s11] =	ssyncadd.s32 $0xFFFFFF80  }
0x2d0: {  	_ =	swait.ge [sflag:s11], $0x80  }
0x2d1: {  	[sflag:s11] =	ssyncset.done $0x0  }
0x2d2: {  	[sflag:s11] =	ssyncadd.s32 $0xFFFFFF80  }
0x2d3: {  	_ =	swait.ge [sflag:s11], $0x80  }
0x2d4: {  	[sflag:s11] =	ssyncset.done $0x0  }
0x2d5: {  	[sflag:s11] =	ssyncadd.s32 $0xFFFFFF80  }
0x2d6: {  	_ =	swait.ge [sflag:s11], $0x80  }
0x2d7: {  	[sflag:s11] =	ssyncset.done $0x0  }
0x2d8: {  	[sflag:s11] =	ssyncadd.s32 $0xFFFFFF80  }
0x2d9: {  	v7 =	vld [tilespmem:s19+$0x0];
	_ =	sdelay $0x4  }
0x2da: {  	s14 =	sand.u32 $0x1F0, s14;
	v3 =	vand.u32 $0x7FFFFFFF, v7  }
0x2db: {  	v8 =	vld [tilespmem:s14+$0x2800];
	v3 =	vsub.f32 $0.0e+00, v3;
	_ =	sdelay $0x1  }
0x2dc: {  	v3 =	vmul.f32 $1.442695020e+00, v3;
	_ =	sdelay $0x1  }
0x2dd: {  	(erf) = vpow2.f32 v3  }
0x2de: {  	v3 =	vand.u32 $0x7FFFFFFF, v8  }
0x2df: {  	v3 =	vsub.f32 $0.0e+00, v3;
	_ =	sdelay $0x1  }
0x2e0: {  	v3 =	vmul.f32 $1.442695020e+00, v3;
	_ =	sdelay $0x1  }
0x2e1: {  	(erf) = vpow2.f32 v3;
	_ =	sdelay $0x1  }
0x2e2: {  	s19 =	simm.s32 $0x2010  }
0x2e3: {  	v6 =	vld [tilespmem:s19+$0x0];
	v3 =	vpop (erf)  }
0x2e4: {  	v4 =	vadd.f32 $2.000000000e+00, v3;
	_ =	sdelay $0x1  }
0x2e5: {  	s26 =	simm.s32 $0x10;
	(erf) = vrcp.f32 v4  }
0x2e6: {  	s14 =	sand.u32 $0x1F0, s26  }
0x2e7: {  	v5 =	vld [tilespmem:s14+$0x2800];
	v4 =	vand.u32 $0x7FFFFFFF, v6  }
0x2e8: {  	v4 =	vsub.f32 $0.0e+00, v4;
	v9 =	vpop (erf)  }
0x2e9: {  	v10 =	vadd.f32 $2.000000000e+00, v9  }
0x2ea: {  	v4 =	vmul.f32 $1.442695020e+00, v4  }
0x2eb: {  	(erf) = vrcp.f32 v10  }
0x2ec: {  	v10 =	vand.u32 $0x7FFFFFFF, v5;
	(erf) = vpow2.f32 v4  }
0x2ed: {  	v10 =	vsub.f32 $0.0e+00, v10  }
0x2ee: {  	v4 =	vpop (erf)  }
0x2ef: {  	v11 =	vmul.f32 v4, v3;
	v3 =	vmul.f32 $1.442695020e+00, v10;
	_ =	sdelay $0x1  }
0x2f0: {  	v10 =	vmul.f32 v11, v11;
	(erf) = vpow2.f32 v3;
	_ =	sdelay $0x1  }
0x2f1: {  	v3 =	vmul.f32 $1.111111120e-01, v10  }
0x2f2: {  	s29 =	simm.s32 $0x2020;
	v4 =	vpop (erf)  }
0x2f3: {  	v12 =	vmul.f32 v4, v9;
	v9 =	vpop (erf);
	v4 =	vadd.f32 $1.428571490e-01, v3;
	v3 =	vld [tilespmem:s29+$0x0]  }
0x2f4: {  	v13 =	vadd.f32 $2.000000000e+00, v9  }
0x2f5: {  	v14 =	vmul.f32 v12, v12;
	v4 =	vmul.f32 v4, v10  }
0x2f6: {  	(erf) = vrcp.f32 v13  }
0x2f7: {  	s30 =	simm.s32 $0x20;
	v15 =	vmul.f32 $1.111111120e-01, v14;
	v13 =	vadd.f32 $2.000000030e-01, v4  }
0x2f8: {  	s14 =	sand.u32 $0x1F0, s30;
	v16 =	vand.u32 $0x7FFFFFFF, v3;
	v17 =	vpop (erf)  }
0x2f9: {  	v4 =	vld [tilespmem:s14+$0x2800];
	v15 =	vadd.f32 $1.428571490e-01, v15;
	v13 =	vmul.f32 v13, v10;
	v18 =	vadd.f32 $2.000000000e+00, v17  }
0x2fa: {  	vm0 =	vlt.f32 v7, $0.0e+00;
	vm1 =	vgt.f32 v8, $0.0e+00;
	v16 =	vsub.f32 $0.0e+00, v16  }
0x2fb: {  	v15 =	vmul.f32 v15, v14;
	v13 =	vadd.f32 $3.333333430e-01, v13;
	(erf) = vrcp.f32 v18  }
0x2fc: {  	v19 =	vmax.f32 v7, $0.0e+00;
	v16 =	vmul.f32 $1.442695020e+00, v16;
	v18 =	vsel vm1, $0x3F800000, v0  }
0x2fd: {  	vm2 =	vgt.f32 v7, $0.0e+00;
	v10 =	vmul.f32 v13, v10;
	v13 =	vadd.f32 $2.000000030e-01, v15  }
0x2fe: {  	v11 =	vadd.f32 v11, v11;
	v15 =	vand.u32 $0x7FFFFFFF, v4;
	(erf) = vpow2.f32 v16  }
0x2ff: {  	v16 =	vmul.f32 v18, v7;
	v18 =	vpop (erf);
	v10 =	vadd.f32 $1.000000000e+00, v10;
	v13 =	vmul.f32 v13, v14  }
0x300: {  	vm3 =	vlt.f32 v8, $0.0e+00;
	v15 =	vsub.f32 $0.0e+00, v15;
	v9 =	vmul.f32 v18, v9  }
0x301: {  	v7 =	vsub.f32 v19, v16;
	v10 =	vmul.f32 v10, v11;
	v13 =	vadd.f32 $3.333333430e-01, v13  }
0x302: {  	v16 =	vsel vm2, $0x3F800000, v0;
	v15 =	vmul.f32 $1.442695020e+00, v15;
	v11 =	vmul.f32 v9, v9  }
0x303: {  	v7 =	vadd.f32 v10, v7;
	v10 =	vmul.f32 v13, v14;
	v13 =	vmax.f32 v8, $0.0e+00  }
0x304: {  	v14 =	vmul.f32 v16, v8;
	v16 =	vadd.f32 v12, v12;
	v8 =	vpop (erf);
	(erf) = vpow2.f32 v15  }
0x305: {  	v18 =	vmul.f32 $1.111111120e-01, v11;
	v7 =	vadd.f32 v7, v13;
	v10 =	vadd.f32 $1.000000000e+00, v10  }
0x306: {  	s26 =	simm.s32 $0x2030;
	vm0 =	vmxor vm0, vm3;
	vm1 =	vmxor vm2, vm1;
	v8 =	vmul.f32 v8, v17  }
0x307: {  	v13 =	vadd.f32 $1.428571490e-01, v18;
	v12 =	vpop (erf);
	v14 =	vsub.f32 v7, v14;
	v10 =	vmul.f32 v10, v16;
	v7 =	vld [tilespmem:s26+$0x0]  }
0x308: {  	vm0 =	vmor vm1, vm0;
	v15 =	vadd.f32 $2.000000000e+00, v12  }
0x309: {  	s28 =	simm.s32 $0x40;
	s14 =	simm.s32 $0x30;
	v16 =	vmul.f32 v13, v11;
	v13 =	vmul.f32 v8, v8;
	v14 =	vadd.f32 v14, v10  }
.LBB2_13:
0x30a: {  	p1 =	sne.s32 s28, $0x170;
	(erf) = vrcp.f32 v15;
	v10 =	vsel vm0, $0x3F800000, v0  }
0x30b: {  	v15 =	vadd.f32 $2.000000030e-01, v16;
	v16 =	vmul.f32 $1.111111120e-01, v13;
	v14 =	vmul.f32 v14, v10  }
0x30c: {  	s19 =	sand.u32 $0x1F0, s14;
	vm0 =	vlt.f32 v6, $0.0e+00;
	s14 =	smov.u32 s28;
	v2 =	vadd.f32 v10, v2;
	v17 =	vand.u32 $0x7FFFFFFF, v7  }
0x30d: {  	v10 =	vld [tilespmem:s19+$0x2800];
	v18 =	vpop (erf);
	v15 =	vmul.f32 v15, v11;
	v16 =	vadd.f32 $1.428571490e-01, v16;
	v1 =	vadd.f32 v14, v1  }
0x30e: {  	vm1 =	vlt.f32 v5, $0.0e+00;
	v14 =	vsub.f32 $0.0e+00, v17;
	v17 =	vadd.f32 $2.000000000e+00, v18  }
0x30f: {  	v19 =	vmax.f32 v6, $0.0e+00;
	v15 =	vadd.f32 $3.333333430e-01, v15;
	v16 =	vmul.f32 v16, v13  }
0x310: {  	vm2 =	vgt.f32 v5, $0.0e+00;
	v14 =	vmul.f32 $1.442695020e+00, v14;
	(erf) = vrcp.f32 v17  }
0x311: {  	v20 =	vsel vm2, $0x3F800000, v0;
	v11 =	vmul.f32 v15, v11;
	v15 =	vadd.f32 $2.000000030e-01, v16  }
0x312: {  	v16 =	vand.u32 $0x7FFFFFFF, v10;
	(erf) = vpow2.f32 v14;
	v14 =	vmul.f32 v20, v6  }
0x313: {  	v20 =	vadd.f32 v9, v9;
	v17 =	vpop (erf);
	v11 =	vadd.f32 $1.000000000e+00, v11;
	v15 =	vmul.f32 v15, v13  }
0x314: {  	vm3 =	vgt.f32 v6, $0.0e+00;
	v6 =	vmovc v3;
	v3 =	vmovc v7;
	v16 =	vsub.f32 $0.0e+00, v16;
	v14 =	vsub.f32 v19, v14  }
0x315: {  	v9 =	vmul.f32 v17, v12;
	v7 =	vmul.f32 v11, v20;
	v12 =	vadd.f32 $3.333333430e-01, v15  }
0x316: {  	v17 =	vmax.f32 v5, $0.0e+00;
	v15 =	vmul.f32 $1.442695020e+00, v16;
	v16 =	vsel vm3, $0x3F800000, v0  }
0x317: {  	v11 =	vmul.f32 v9, v9;
	v7 =	vadd.f32 v7, v14;
	v12 =	vmul.f32 v12, v13  }
0x318: {  	v13 =	vmul.f32 v16, v5;
	v14 =	vadd.f32 v8, v8;
	v5 =	vmovc v4;
	v4 =	vmovc v10;
	(erf) = vpow2.f32 v15  }
.Ltmp7:
0x319: {  	v10 =	vmul.f32 $1.111111120e-01, v11;
	v8 =	vpop (erf);
	v15 =	vadd.f32 v7, v17;
	v16 =	vadd.f32 $1.000000000e+00, v12;
	(pc) =	sbr.rel @p1 .LBB2_13-.Ltmp7, $4  }
0x31a: {  	s26 =	sadd.s32 $0x10, s26;
	vm2 =	vmxor vm3, vm2;
	vm0 =	vmxor vm0, vm1;
	v8 =	vmul.f32 v8, v18  }
0x31b: {  	v10 =	vadd.f32 $1.428571490e-01, v10;
	v7 =	vld [tilespmem:s26+$0x0];
	v12 =	vpop (erf);
	v17 =	vsub.f32 v15, v13;
	v14 =	vmul.f32 v16, v14  }
0x31c: {  	vm0 =	vmor vm2, vm0;
	v15 =	vadd.f32 $2.000000000e+00, v12  }
0x31d: {  	s28 =	sadd.s32 $0x10, s28;
	v16 =	vmul.f32 v10, v11;
	v13 =	vmul.f32 v8, v8;
	v14 =	vadd.f32 v17, v14  }
0x31e: {  	_ =	sdelay $0x1  }
0x31f: {  	s14 =	sand.u32 $0x1F0, s14;
	v17 =	vand.u32 $0x7FFFFFFF, v7  }
0x320: {  	v10 =	vld [tilespmem:s14+$0x2800];
	v18 =	vpop (erf);
	v17 =	vsub.f32 $0.0e+00, v17  }
0x321: {  	v19 =	vadd.f32 $2.000000000e+00, v18  }
0x322: {  	(erf) = vrcp.f32 v15;
	v55 =	vmul.f32 $1.442695020e+00, v17  }
0x323: {  	(erf) = vrcp.f32 v19  }
0x324: {  	(erf) = vpow2.f32 v55  }
0x325: {  	v56 =	vand.u32 $0x7FFFFFFF, v10  }
0x326: {  	v58 =	vsub.f32 $0.0e+00, v56;
	_ =	sdelay $0x1  }
0x327: {  	v57 =	vadd.f32 $2.000000030e-01, v16;
	v16 =	vmul.f32 $1.442695020e+00, v58;
	_ =	sdelay $0x1  }
0x328: {  	(erf) = vpow2.f32 v16  }
0x329: {  	vm1 =	vgt.f32 v5, $0.0e+00;
	v9 =	vadd.f32 v9, v9;
	v22 =	vmax.f32 v6, $0.0e+00;
	v60 =	vpop (erf)  }
0x32a: {  	v24 =	vsel vm0, $0x3F800000, v0;
	vm7 =	vlt.f32 v6, $0.0e+00;
	vm2 =	vgt.f32 v6, $0.0e+00;
	v62 =	vpop (erf)  }
0x32b: {  	v31 =	vmax.f32 v5, $0.0e+00;
	v59 =	vmul.f32 $1.111111120e-01, v13;
	v15 =	vmul.f32 v57, v11;
	v20 =	vpop (erf)  }
0x32c: {  	v8 =	vadd.f32 v8, v8;
	vm3 =	vlt.f32 v5, $0.0e+00;
	v21 =	vadd.f32 $2.000000000e+00, v20  }
0x32d: {  	vm8 =	vlt.f32 v3, $0.0e+00;
	v17 =	vadd.f32 $1.428571490e-01, v59;
	v15 =	vadd.f32 $3.333333430e-01, v15  }
0x32e: {  	vm9 =	vgt.f32 v4, $0.0e+00;
	v44 =	vmax.f32 v3, $0.0e+00;
	(erf) = vrcp.f32 v21  }
0x32f: {  	vm10 =	vlt.f32 v4, $0.0e+00;
	v17 =	vmul.f32 v17, v13;
	v61 =	vmul.f32 v15, v11  }
0x330: {  	vm11 =	vgt.f32 v3, $0.0e+00;
	v51 =	vmax.f32 v4, $0.0e+00;
	v63 =	vsel vm1, $0x3F800000, v0  }
0x331: {  	v14 =	vmul.f32 v14, v24;
	v17 =	vadd.f32 $2.000000030e-01, v17;
	v11 =	vadd.f32 $1.000000000e+00, v61;
	v27 =	vpop (erf)  }
0x332: {  	v19 =	vmul.f32 v63, v6;
	v23 =	vmul.f32 v60, v12;
	v30 =	vadd.f32 $2.000000000e+00, v27  }
0x333: {  	v33 =	vsel vm2, $0x3F800000, v0;
	v17 =	vmul.f32 v17, v13;
	v9 =	vmul.f32 v11, v9  }
0x334: {  	v19 =	vsub.f32 v22, v19;
	v28 =	vmul.f32 v23, v23;
	(erf) = vrcp.f32 v30  }
0x335: {  	vm1 =	vmxor vm2, vm1;
	vm0 =	vmxor vm7, vm3;
	v25 =	vadd.f32 $3.333333430e-01, v17  }
0x336: {  	v16 =	vmul.f32 v33, v5;
	v26 =	vadd.f32 v9, v19;
	v32 =	vmul.f32 $1.111111120e-01, v28  }
0x337: {  	v42 =	vsel vm9, $0x3F800000, v0;
	v29 =	vmul.f32 v25, v13;
	v15 =	vmul.f32 v62, v18;
	v36 =	vpop (erf)  }
0x338: {  	v6 =	vadd.f32 v26, v31;
	v34 =	vadd.f32 $1.428571490e-01, v32;
	v37 =	vmul.f32 v36, v20  }
0x339: {  	v50 =	vsel vm11, $0x3F800000, v0;
	v13 =	vadd.f32 $1.000000000e+00, v29;
	v35 =	vmul.f32 v15, v15  }
0x33a: {  	v6 =	vsub.f32 v6, v16;
	v5 =	vmul.f32 v34, v28;
	v16 =	vmul.f32 v37, v37  }
0x33b: {  	vm3 =	vmxor vm11, vm9;
	v8 =	vmul.f32 v13, v8;
	v38 =	vmul.f32 $1.111111120e-01, v35  }
0x33c: {  	v1 =	vadd.f32 v14, v1;
	v5 =	vadd.f32 $2.000000030e-01, v5;
	v40 =	vmul.f32 $1.111111120e-01, v16  }
0x33d: {  	v43 =	vmul.f32 v42, v3;
	v6 =	vadd.f32 v6, v8;
	v8 =	vadd.f32 $1.428571490e-01, v38;
	v41 =	vpop (erf)  }
0x33e: {  	v5 =	vmul.f32 v5, v28;
	v9 =	vmul.f32 v41, v27;
	v14 =	vadd.f32 $1.428571490e-01, v40  }
0x33f: {  	vm0 =	vmor vm1, vm0;
	v52 =	vmul.f32 v50, v4;
	v8 =	vmul.f32 v8, v35  }
0x340: {  	v5 =	vadd.f32 $3.333333430e-01, v5;
	v45 =	vmul.f32 v9, v9;
	v14 =	vmul.f32 v14, v16  }
0x341: {  	vm13 =	vgt.f32 v7, $0.0e+00;
	v39 =	vsel vm0, $0x3F800000, v0;
	v8 =	vadd.f32 $2.000000030e-01, v8  }
0x342: {  	v5 =	vmul.f32 v5, v28;
	v46 =	vmul.f32 $1.111111120e-01, v45;
	v14 =	vadd.f32 $2.000000030e-01, v14  }
0x343: {  	vm0 =	vmxor vm8, vm10;
	v11 =	vadd.f32 v23, v23;
	v8 =	vmul.f32 v8, v35  }
0x344: {  	v5 =	vadd.f32 $1.000000000e+00, v5;
	v49 =	vadd.f32 $1.428571490e-01, v46;
	v48 =	vmul.f32 v14, v16  }
0x345: {  	vm14 =	vlt.f32 v7, $0.0e+00;
	vm0 =	vmor vm3, vm0;
	v47 =	vadd.f32 $3.333333430e-01, v8  }
0x346: {  	v3 =	vmul.f32 v5, v11;
	v11 =	vmul.f32 v49, v45;
	v8 =	vadd.f32 $3.333333430e-01, v48  }
0x347: {  	v59 =	vsel vm13, $0x3F800000, v0;
	vm12 =	vgt.f32 v10, $0.0e+00;
	vm15 =	vlt.f32 v10, $0.0e+00  }
0x348: {  	v53 =	vsel vm12, $0x3F800000, v0;
	v11 =	vadd.f32 $2.000000030e-01, v11;
	v8 =	vmul.f32 v8, v16  }
0x349: {  	v55 =	vmax.f32 v7, $0.0e+00;
	v17 =	vsub.f32 v44, v43;
	v13 =	vmul.f32 v53, v7  }
0x34a: {  	v12 =	vadd.f32 v37, v37;
	v11 =	vmul.f32 v11, v45;
	v8 =	vadd.f32 $1.000000000e+00, v8  }
0x34b: {  	v54 =	vadd.f32 v15, v15;
	v5 =	vmul.f32 v47, v35;
	v3 =	vadd.f32 v3, v17  }
0x34c: {  	v13 =	vsub.f32 v55, v13;
	v11 =	vadd.f32 $3.333333430e-01, v11;
	v8 =	vmul.f32 v8, v12  }
0x34d: {  	vm1 =	vmxor vm13, vm12;
	v5 =	vadd.f32 $1.000000000e+00, v5;
	v3 =	vadd.f32 v3, v51  }
0x34e: {  	v60 =	vmax.f32 v10, $0.0e+00;
	v58 =	vmul.f32 v11, v45;
	v57 =	vadd.f32 v8, v13  }
0x34f: {  	v9 =	vadd.f32 v9, v9;
	v56 =	vmul.f32 v5, v54;
	v3 =	vsub.f32 v3, v52  }
0x350: {  	v11 =	vmul.f32 v59, v10;
	v8 =	vadd.f32 $1.000000000e+00, v58;
	v5 =	vadd.f32 v57, v60  }
0x351: {  	v61 =	vsel vm0, $0x3F800000, v0;
	vm0 =	vmxor vm14, vm15;
	v6 =	vmul.f32 v6, v39  }
0x352: {  	v3 =	vadd.f32 v3, v56;
	v62 =	vmul.f32 v8, v9;
	v5 =	vsub.f32 v5, v11  }
0x353: {  	v2 =	vadd.f32 v24, v2;
	vm0 =	vmor vm1, vm0  }
0x354: {  	v1 =	vadd.f32 v6, v1;
	v3 =	vmul.f32 v3, v61;
	v5 =	vadd.f32 v5, v62  }
.Ltmp8:
0x355: {  	v2 =	vadd.f32 v39, v2;
	v63 =	vsel vm0, $0x3F800000, v0;
	(pc) =	sbr.rel .LBB2_15-.Ltmp8, $4  }
0x356: {  	v1 =	vadd.f32 v3, v1;
	v3 =	vmul.f32 v5, v63  }
0x357: {  	v2 =	vadd.f32 v61, v2  }
0x358: {  	v1 =	vadd.f32 v3, v1  }
0x359: {  	s26 =	rddreg [dreg:$0x8];
	v2 =	vadd.f32 v63, v2  }
.LBB2_16:
0x35a: {  	_ =	sfence.sel $0x180000  }
0x35b: {  	[bflag:$0x0] =	sbarrier.arrive $0xFFFF  }
0x35c: {  	_ =	strace $0x90000047  }
0x35d: {  	s0 =	stileid.u32;
	[bflag:$0x2] =	sbarrier.arrive $0xFFFF  }
0x35e: {  	p0 =	sne.s32 s0, $0x0;
	s0 =	rddreg [dreg:$0x3]  }
0x35f: {  	s0 =	sadd.s32 @!p0 $0x100000, s0  }
0x360: {  	[sflag:s0] =	ssyncadd.tile.s32 @!p0 $0x1;
	_ =	shalt  }
.Lfunc_end2:
_tile_overlayer_lowered:
.L_overlay_start_2:
0x361: {  	(tag) =	ssettag $0x2  }
0x362: {  	s0 =	rddreg [dreg:$0x0];
	s2 =	stileid.u32  }
0x363: {  	s1 =	rddreg [dreg:$0x1];
	p0 =	sne.s32 s2, $0x0  }
0x364: {  	s3 =	rddreg [dreg:$0x2];
	[bflag:$0x3] =	sbarrier.arrive $0xFFFF;
	s2 =	simm.s32 @!p0 $0x1C03  }
0x365: {  	[timem:s3], [sflag:s2] =	dma.local @!p0 [hbm:s0], s1  }
0x366: {  	s0 =	simm.s32 @!p0 $0x3  }
0x367: {  	_ =	swait.ge @!p0 [sflag:s0], s1  }
0x368: {  	s1 =	ssub.s32 @!p0 $0x0, s1;
	[sflag:s0] =	ssyncset.done @!p0 $0x0  }
0x369: {  	[sflag:s0] =	ssyncadd.s32 @!p0 s1  }
0x36a: {  	[bflag:$0x3] =	sbarrier.arrive $0xFFFF  }
0x36b: {  	_ =	shalt  }

</sc_bundles>
